<compile_context>
chip_gen: v7x
topology: tpu7x:2x2x1
jax: 0.10.2.dev20260603
libtpu: 0.0.44.dev20260713+nightly
codegen_flags: <defaults>
</compile_context>

<pallas_src>
import functools

import jax
import jax.numpy as jnp
from jax import lax
from jax.experimental import pallas as pl
from jax.experimental.pallas import tpu as pltpu
from jax.experimental.pallas import tpu_sc as plsc

E = 8
K = 2
D = 1024
F = 512
T = 4096
A = T * K
BLK = 512
PAD = A + E * BLK
NBLK = PAD // BLK
CHK = 512
NCH = T // CHK

NC, NS = 2, 16
NW = NC * NS
RPW = PAD // NW
TPW = T // NW
GCH = 32
CCH = 16


@functools.lru_cache(maxsize=None)
def _sc_mesh():
    return plsc.VectorSubcoreMesh(
        core_axis_name="c", subcore_axis_name="s",
        num_cores=NC, num_subcores=NS)


def _worker_id():
    return lax.axis_index("s") * NC + lax.axis_index("c")



def _router_body(x_ref, gw_ref, pos_ref, tw_ref, be_ref, x16_ref):
    x = x_ref[...]
    gw = gw_ref[...]
    logits = lax.dot_general(x, gw, (((1,), (1,)), ((), ())),
                             preferred_element_type=jnp.float32)
    scores = jax.nn.sigmoid(logits)
    ie = lax.broadcasted_iota(jnp.int32, (T, E), 1)
    m1 = jnp.max(scores, axis=1, keepdims=True)
    e0 = jnp.min(jnp.where(scores >= m1, ie, E), axis=1, keepdims=True)
    oh0 = ie == e0
    s2 = jnp.where(oh0, -1.0, scores)
    m2 = jnp.max(s2, axis=1, keepdims=True)
    e1 = jnp.min(jnp.where(s2 >= m2, ie, E), axis=1, keepdims=True)
    oh1 = ie == e1
    den = m1 + m2 + 1e-20
    tw0 = m1 / den
    tw1 = m2 / den
    RPC = CHK // 128
    for c in range(NCH):
        tw_ref[pl.ds(c * RPC, RPC), :] = (
            lax.slice_in_dim(tw0, c * CHK, (c + 1) * CHK, axis=0)
            .reshape(RPC, 128))
        tw_ref[pl.ds(T // 128 + c * RPC, RPC), :] = (
            lax.slice_in_dim(tw1, c * CHK, (c + 1) * CHK, axis=0)
            .reshape(RPC, 128))
    u = lax.bitcast_convert_type(x, jnp.uint32)
    ulo = lax.slice_in_dim(u, 0, D // 2, axis=1)
    uhi = lax.slice_in_dim(u, D // 2, D, axis=1)

    def rnd16(v):
        return (v + jnp.uint32(0x7FFF) + ((v >> 16) & jnp.uint32(1))) >> 16

    packed = rnd16(ulo) | (rnd16(uhi) << 16)
    x16_ref[...] = lax.bitcast_convert_type(packed, jnp.float32)

    ind0 = oh0.astype(jnp.float32)
    ind1 = oh1.astype(jnp.float32)
    ri = lax.broadcasted_iota(jnp.int32, (CHK, CHK), 0)
    ci = lax.broadcasted_iota(jnp.int32, (CHK, CHK), 1)
    tstrict = (ci < ri).astype(jnp.float32)

    def chunk_ranks(ind):
        pref = jnp.zeros((1, E), jnp.float32)
        sls, rks = [], []
        for c in range(NCH):
            sl = lax.slice_in_dim(ind, c * CHK, (c + 1) * CHK, axis=0)
            loc = lax.dot_general(tstrict, sl, (((1,), (0,)), ((), ())),
                                  preferred_element_type=jnp.float32)
            rks.append(jnp.sum(sl * (loc + pref), axis=1, keepdims=True))
            sls.append(sl)
            pref = pref + jnp.sum(sl, axis=0, keepdims=True)
        return sls, rks, pref

    sl0, rk0, cnt0 = chunk_ranks(ind0)
    sl1, rk1, cnt1 = chunk_ranks(ind1)
    counts = cnt0 + cnt1
    seg = jnp.floor((counts + (BLK - 1)) / BLK) * BLK
    ea = lax.broadcasted_iota(jnp.int32, (E, E), 0)
    eb = lax.broadcasted_iota(jnp.int32, (E, E), 1)
    upper = (ea < eb).astype(jnp.float32)
    offs = lax.dot_general(seg, upper, (((1,), (0,)), ((), ())))
    base1 = offs + cnt0
    for c in range(NCH):
        o0 = jnp.sum(sl0[c] * offs, axis=1, keepdims=True)
        pos_ref[pl.ds(c * RPC, RPC), :] = (
            (o0 + rk0[c]).astype(jnp.int32).reshape(RPC, 128))
        o1 = jnp.sum(sl1[c] * base1, axis=1, keepdims=True)
        pos_ref[pl.ds(T // 128 + c * RPC, RPC), :] = (
            (o1 + rk1[c]).astype(jnp.int32).reshape(RPC, 128))
    ends = offs + seg
    bi = (lax.broadcasted_iota(jnp.int32, (NBLK, 1), 0) * BLK
          ).astype(jnp.float32)
    be = jnp.sum((bi >= ends).astype(jnp.float32), axis=1, keepdims=True)
    be_ref[...] = jnp.minimum(be, E - 1.0).astype(jnp.int32)


def _router(x, gate_w):
    return pl.pallas_call(
        _router_body,
        out_shape=[
            jax.ShapeDtypeStruct((A // 128, 128), jnp.int32),
            jax.ShapeDtypeStruct((A // 128, 128), jnp.float32),
            jax.ShapeDtypeStruct((NBLK, 1), jnp.int32),
            jax.ShapeDtypeStruct((T, D // 2), jnp.float32),
        ],
    )(x, gate_w)



DCH = 64
NCHD = (A // NW) // DCH


def _sc_dispatch_body(pos3_ref, tw3_ref, x_ref, xd_ref, ss_ref,
                      pvw2, tww2, pvw, tww, buf0, buf1, buf2,
                      gs0, gs1, gs2, ws0, ws1, ws2, ssem):
    wid = _worker_id()
    row0 = wid * 2
    pltpu.sync_copy(pos3_ref.at[pl.ds(row0, 2)], pvw2)
    pltpu.sync_copy(tw3_ref.at[pl.ds(row0, 2)], tww2)
    for j2 in range(2):
        for i in range(8):
            r4, c4 = j2 * 2 + i // 4, (i % 4) * 16
            pvw[r4, pl.ds(c4, 16)] = pvw2[j2, pl.ds(i * 16, 16)]
            tww[r4, pl.ds(c4, 16)] = tww2[j2, pl.ds(i * 16, 16)]
    sdescs = []
    for j in range(NCHD):
        sdescs.append(
            pltpu.async_copy(tww.at[j], ss_ref.at[pvw.at[j]], ssem))
    t0 = (wid * (A // NW)) & (T - 1)

    bufs, gsems, wsems = (buf0, buf1, buf2), (gs0, gs1, gs2), (ws0, ws1, ws2)
    gd = [None, None, None]
    wd = [None, None, None]

    def start(c):
        b = c % 3
        gd[b] = pltpu.async_copy(
            x_ref.at[pl.ds(pl.multiple_of(t0 + c * DCH, 8), DCH)],
            bufs[b], gsems[b])

    start(0)
    start(1)
    for c in range(NCHD):
        b = c % 3
        gd[b].wait()
        if c + 2 < NCHD:
            nb = (c + 2) % 3
            if wd[nb] is not None:
                wd[nb].wait()
            start(c + 2)
        wd[b] = pltpu.async_copy(bufs[b], xd_ref.at[pvw.at[c]], wsems[b])
    for b in range(3):
        if wd[b] is not None:
            wd[b].wait()
    for sd in sdescs:
        sd.wait()


@functools.lru_cache(maxsize=None)
def _sc_dispatch():
    return pl.kernel(
        _sc_dispatch_body,
        out_type=[
            jax.ShapeDtypeStruct((PAD, D // 2), jnp.float32),
            jax.ShapeDtypeStruct((PAD,), jnp.float32),
        ],
        mesh=_sc_mesh(),
        scratch_types=[
            pltpu.VMEM((2, 128), jnp.int32),
            pltpu.VMEM((2, 128), jnp.float32),
            pltpu.VMEM((NCHD, DCH), jnp.int32),
            pltpu.VMEM((NCHD, DCH), jnp.float32),
            pltpu.VMEM((DCH, D // 2), jnp.float32),
            pltpu.VMEM((DCH, D // 2), jnp.float32),
            pltpu.VMEM((DCH, D // 2), jnp.float32),
            pltpu.SemaphoreType.DMA,
            pltpu.SemaphoreType.DMA,
            pltpu.SemaphoreType.DMA,
            pltpu.SemaphoreType.DMA,
            pltpu.SemaphoreType.DMA,
            pltpu.SemaphoreType.DMA,
            pltpu.SemaphoreType.DMA,
        ],
    )



def _ffn_body(be_ref, xd_ref, wg_ref, wu_ref, wd_ref, ss_ref, y_ref):
    p = lax.bitcast_convert_type(xd_ref[...], jnp.uint32)
    xlo = lax.bitcast_convert_type(p << 16, jnp.float32)
    xhi = lax.bitcast_convert_type(p & jnp.uint32(0xFFFF0000), jnp.float32)
    xb = lax.concatenate(
        [xlo.astype(jnp.bfloat16), xhi.astype(jnp.bfloat16)], 1)
    g = lax.dot_general(xb, wg_ref[0], (((1,), (1,)), ((), ())),
                        preferred_element_type=jnp.float32)
    u = lax.dot_general(xb, wu_ref[0], (((1,), (1,)), ((), ())),
                        preferred_element_type=jnp.float32)
    h = (g * jax.nn.sigmoid(g) * u).astype(jnp.bfloat16)
    y = lax.dot_general(h, wd_ref[0], (((1,), (1,)), ((), ())),
                        preferred_element_type=jnp.float32)
    y_ref[...] = y * ss_ref[...].reshape(BLK, 1)


def _ffn(be, xd, w_gate, w_up, w_down, ss):
    grid_spec = pltpu.PrefetchScalarGridSpec(
        num_scalar_prefetch=1,
        grid=(NBLK,),
        in_specs=[
            pl.BlockSpec((BLK, D // 2), lambda i, be: (i, 0)),
            pl.BlockSpec((1, F, D), lambda i, be: (be[i], 0, 0)),
            pl.BlockSpec((1, F, D), lambda i, be: (be[i], 0, 0)),
            pl.BlockSpec((1, D, F), lambda i, be: (be[i], 0, 0)),
            pl.BlockSpec((BLK,), lambda i, be: (i,)),
        ],
        out_specs=pl.BlockSpec((BLK, D), lambda i, be: (i, 0)),
    )
    return pl.pallas_call(
        _ffn_body,
        grid_spec=grid_spec,
        out_shape=jax.ShapeDtypeStruct((PAD, D), jnp.float32),
        compiler_params=pltpu.CompilerParams(
            dimension_semantics=("arbitrary",),
        ),
    )(be, xd, w_gate, w_up, w_down, ss)



def _sc_combine_body(pos3_ref, y_ref, out_ref, p0w, p1w,
                     ya0, yb0, ya1, yb1, ga0, gb0, ga1, gb1, ws0, ws1):
    wid = _worker_id()
    tok0 = pl.multiple_of(wid * TPW, 8)
    pltpu.sync_copy(pos3_ref.at[wid], p0w)
    pltpu.sync_copy(pos3_ref.at[NW + wid], p1w)
    yas, ybs = (ya0, ya1), (yb0, yb1)
    gas, gbs, wss = (ga0, ga1), (gb0, gb1), (ws0, ws1)
    gda = [None, None]
    gdb = [None, None]
    wd = [None, None]
    NCC = TPW // CCH

    def start(c):
        b = c & 1
        ia = p0w.at[pl.ds(c * CCH, CCH)]
        ib = p1w.at[pl.ds(c * CCH, CCH)]
        gda[b] = pltpu.async_copy(y_ref.at[ia], yas[b], gas[b])
        gdb[b] = pltpu.async_copy(y_ref.at[ib], ybs[b], gbs[b])

    start(0)
    for c in range(NCC):
        b = c & 1
        gda[b].wait()
        gdb[b].wait()
        if c + 1 < NCC:
            if wd[1 - b] is not None:
                wd[1 - b].wait()
            start(c + 1)
        ya, yb = yas[b], ybs[b]

        def add(j, carry):
            off = pl.multiple_of(j * 16, 16)
            for r in range(CCH):
                ya[r, pl.ds(off, 16)] = (ya[r, pl.ds(off, 16)]
                                         + yb[r, pl.ds(off, 16)])
            return carry

        lax.fori_loop(0, D // 16, add, 0)
        wd[b] = pltpu.async_copy(
            ya, out_ref.at[pl.ds(tok0 + c * CCH, CCH)], wss[b])
    wd[0].wait()
    wd[1].wait()


@functools.lru_cache(maxsize=None)
def _sc_combine():
    return pl.kernel(
        _sc_combine_body,
        out_type=jax.ShapeDtypeStruct((T, D), jnp.float32),
        mesh=_sc_mesh(),
        scratch_types=[
            pltpu.VMEM((TPW,), jnp.int32),
            pltpu.VMEM((TPW,), jnp.int32),
            pltpu.VMEM((CCH, D), jnp.float32),
            pltpu.VMEM((CCH, D), jnp.float32),
            pltpu.VMEM((CCH, D), jnp.float32),
            pltpu.VMEM((CCH, D), jnp.float32),
            pltpu.SemaphoreType.DMA,
            pltpu.SemaphoreType.DMA,
            pltpu.SemaphoreType.DMA,
            pltpu.SemaphoreType.DMA,
            pltpu.SemaphoreType.DMA,
            pltpu.SemaphoreType.DMA,
        ],
    )



def kernel(hidden_states, gate_w, w_gate, w_up, w_down):
    B, S, d = hidden_states.shape
    x = hidden_states.reshape(-1, d)
    posr, twr, be, x16 = _router(x, gate_w)
    xd, ss = _sc_dispatch()(posr, twr, x16)
    y = _ffn(be.reshape(NBLK), xd,
             w_gate.astype(jnp.bfloat16), w_up.astype(jnp.bfloat16),
             w_down.astype(jnp.bfloat16), ss)
    out = _sc_combine()(posr, y)
    return out.reshape(B, S, d)

# --- scband reference (transcript-rebuilt; emitter-appended) ---
"""Pipeline reference for scband-mi-mo-v2-flash-mo-e-7679401525654 (READ-ONLY COPY).

The authoritative reference and input builder live on the scoring server;
editing this copy changes nothing except your own understanding.
"""

import jax, jax.numpy as jnp
import numpy as np

E = 8
TOPK = 2
D_MODEL = 1024
D_FF = 512


def setup_inputs(seed: int = 0) -> dict:
    key = jax.random.key(seed)
    ks = jax.random.split(key, 5)
    hidden_states = jax.random.normal(ks[0], (2, 2048, D_MODEL), dtype=jnp.float32)
    gate_w = jax.random.normal(ks[1], (E, D_MODEL), dtype=jnp.float32) * 0.02
    w_gate = jax.random.normal(ks[2], (E, D_FF, D_MODEL), dtype=jnp.float32) * 0.02
    w_up = jax.random.normal(ks[3], (E, D_FF, D_MODEL), dtype=jnp.float32) * 0.02
    w_down = jax.random.normal(ks[4], (E, D_MODEL, D_FF), dtype=jnp.float32) * 0.02
    return {"hidden_states": hidden_states, "gate_w": gate_w, "w_gate": w_gate, "w_up": w_up, "w_down": w_down}


def reference(hidden_states, gate_w, w_gate, w_up, w_down):
    B, S, d = hidden_states.shape
    x = hidden_states.reshape(-1, d)
    # Router: sigmoid -> top-k -> normalize
    logits = x @ gate_w.T
    scores = jax.nn.sigmoid(logits)
    topk_w, topk_i = jax.lax.top_k(scores, TOPK)
    denom = jnp.sum(topk_w, axis=-1, keepdims=True) + 1e-20
    topk_w = topk_w / denom
    out = jnp.zeros_like(x)
    for e in range(E):
        # per-token weight for expert e (zero if not routed there)
        w_e = jnp.sum(topk_w * (topk_i == e).astype(topk_w.dtype), axis=-1)
        g = jax.nn.silu(x @ w_gate[e].T)
        u = x @ w_up[e].T
        y = (g * u) @ w_down[e].T
        out = out + y * w_e[:, None]
    return out.reshape(B, S, d)

if __name__ == "__main__":
    import jax
    _d = setup_inputs()
    print(jax.jit(kernel)(*tuple(_d.values())))

</pallas_src>

<mosaic_0001>
#map = affine_map<(d0, d1) -> (0, 0)>
#map1 = affine_map<(d0, d1) -> (0)>
module attributes {stable_mosaic.version = 14 : i64} {
  func.func @_sc_dispatch_body(%arg0: i32, %arg1: i32, %arg2: memref<64x128xi32, #tpu.memory_space<hbm>>, %arg3: memref<64x128xf32, #tpu.memory_space<hbm>>, %arg4: memref<4096x512xf32, #tpu.memory_space<hbm>>, %arg5: memref<12288x512xf32, #tpu.memory_space<hbm>>, %arg6: memref<12288xf32, #tpu.memory_space<hbm>>, %arg7: memref<2x128xi32, #tpu.memory_space<vmem>>, %arg8: memref<2x128xf32, #tpu.memory_space<vmem>>, %arg9: memref<4x64xi32, #tpu.memory_space<vmem>>, %arg10: memref<4x64xf32, #tpu.memory_space<vmem>>, %arg11: memref<64x512xf32, #tpu.memory_space<vmem>>, %arg12: memref<64x512xf32, #tpu.memory_space<vmem>>, %arg13: memref<64x512xf32, #tpu.memory_space<vmem>>, %arg14: memref<!tpu.dma_semaphore, #tpu.memory_space<semaphore_mem>>, %arg15: memref<!tpu.dma_semaphore, #tpu.memory_space<semaphore_mem>>, %arg16: memref<!tpu.dma_semaphore, #tpu.memory_space<semaphore_mem>>, %arg17: memref<!tpu.dma_semaphore, #tpu.memory_space<semaphore_mem>>, %arg18: memref<!tpu.dma_semaphore, #tpu.memory_space<semaphore_mem>>, %arg19: memref<!tpu.dma_semaphore, #tpu.memory_space<semaphore_mem>>, %arg20: memref<!tpu.dma_semaphore, #tpu.memory_space<semaphore_mem>>) attributes {dimension_semantics = [#tpu.dimension_semantics<core_parallel>, #tpu.dimension_semantics<subcore_parallel>], iteration_bounds = array<i64: 2, 16>, scalar_prefetch = 0 : i64, scratch_operands = 14 : i64, tpu.core_type = #tpu.core_type<sc_vector_subcore>, window_params = [{transform_indices = #map}, {transform_indices = #map}, {transform_indices = #map}, {transform_indices = #map}, {transform_indices = #map1}]} {
    %mul3A = arith.constant 2 : i32
    %mul3A_0 = arith.muli %arg1, %mul3A : i32
    %add3A = arith.addi %mul3A_0, %arg0 : i32
    %mul3A_1 = arith.constant 2 : i32
    %mul3A_2 = arith.muli %add3A, %mul3A_1 : i32
    "tpu.region"() ({
      %run_scoped3A = tpu.sem_alloc : memref<!tpu.dma_semaphore, #tpu.memory_space<semaphore_mem>>
      %dma_start3A_533 = arith.constant 0 : i32
      %dma_start3A_534 = tpu.memref_slice %arg2[%mul3A_2, %dma_start3A_533] : memref<64x128xi32, #tpu.memory_space<hbm>> -> memref<2x128xi32, #tpu.memory_space<hbm>>
      %dma_start3A_535 = arith.constant 0 : i32
      %dma_start3A_536 = tpu.memref_slice %arg2[%mul3A_2, %dma_start3A_535] : memref<64x128xi32, #tpu.memory_space<hbm>> -> memref<2x128xi32, #tpu.memory_space<hbm>>
      tpu.enqueue_dma source(%dma_start3A_536 : memref<2x128xi32, #tpu.memory_space<hbm>>) target(%arg7 : memref<2x128xi32, #tpu.memory_space<vmem>>) target_semaphore(%run_scoped3A : memref<!tpu.dma_semaphore, #tpu.memory_space<semaphore_mem>>)
      %dma_wait3A_537 = arith.constant 0 : i32
      %dma_wait3A_538 = tpu.memref_slice %arg2[%mul3A_2, %dma_wait3A_537] : memref<64x128xi32, #tpu.memory_space<hbm>> -> memref<2x128xi32, #tpu.memory_space<hbm>>
      %dma_wait3A_539 = arith.constant 0 : i32
      %dma_wait3A_540 = tpu.memref_slice %arg2[%mul3A_2, %dma_wait3A_539] : memref<64x128xi32, #tpu.memory_space<hbm>> -> memref<2x128xi32, #tpu.memory_space<hbm>>
      tpu.wait_dma2 semaphore(%run_scoped3A : memref<!tpu.dma_semaphore, #tpu.memory_space<semaphore_mem>>) src(%dma_wait3A_540 : memref<2x128xi32, #tpu.memory_space<hbm>>) dst(%arg7 : memref<2x128xi32, #tpu.memory_space<vmem>>)
      tpu.yield
    }) : () -> ()
    "tpu.region"() ({
      %run_scoped3A = tpu.sem_alloc : memref<!tpu.dma_semaphore, #tpu.memory_space<semaphore_mem>>
      %dma_start3A_533 = arith.constant 0 : i32
      %dma_start3A_534 = tpu.memref_slice %arg3[%mul3A_2, %dma_start3A_533] : memref<64x128xf32, #tpu.memory_space<hbm>> -> memref<2x128xf32, #tpu.memory_space<hbm>>
      %dma_start3A_535 = arith.constant 0 : i32
      %dma_start3A_536 = tpu.memref_slice %arg3[%mul3A_2, %dma_start3A_535] : memref<64x128xf32, #tpu.memory_space<hbm>> -> memref<2x128xf32, #tpu.memory_space<hbm>>
      tpu.enqueue_dma source(%dma_start3A_536 : memref<2x128xf32, #tpu.memory_space<hbm>>) target(%arg8 : memref<2x128xf32, #tpu.memory_space<vmem>>) target_semaphore(%run_scoped3A : memref<!tpu.dma_semaphore, #tpu.memory_space<semaphore_mem>>)
      %dma_wait3A_537 = arith.constant 0 : i32
      %dma_wait3A_538 = tpu.memref_slice %arg3[%mul3A_2, %dma_wait3A_537] : memref<64x128xf32, #tpu.memory_space<hbm>> -> memref<2x128xf32, #tpu.memory_space<hbm>>
      %dma_wait3A_539 = arith.constant 0 : i32
      %dma_wait3A_540 = tpu.memref_slice %arg3[%mul3A_2, %dma_wait3A_539] : memref<64x128xf32, #tpu.memory_space<hbm>> -> memref<2x128xf32, #tpu.memory_space<hbm>>
      tpu.wait_dma2 semaphore(%run_scoped3A : memref<!tpu.dma_semaphore, #tpu.memory_space<semaphore_mem>>) src(%dma_wait3A_540 : memref<2x128xf32, #tpu.memory_space<hbm>>) dst(%arg8 : memref<2x128xf32, #tpu.memory_space<vmem>>)
      tpu.yield
    }) : () -> ()
    %get3A = arith.constant 0 : i32
    %get3A_3 = arith.index_cast %get3A : i32 to index
    %get3A_4 = arith.constant 0 : index
    %get3A_5 = tpu.vector_load %arg7[%get3A_3, %get3A_4] {strides = array<i32>} : memref<2x128xi32, #tpu.memory_space<vmem>>, vector<1x16xi32>,
    %get3A_6 = vector.shape_cast %get3A_5 : vector<1x16xi32> to vector<16xi32>
    %swap3A = arith.constant 0 : i32
    %swap3A_7 = arith.index_cast %swap3A : i32 to index
    %swap3A_8 = arith.constant 0 : index
    %swap3A_9 = tpu.vector_load %arg9[%swap3A_7, %swap3A_8] {strides = array<i32>} : memref<4x64xi32, #tpu.memory_space<vmem>>, vector<1x16xi32>,
    %swap3A_10 = vector.shape_cast %swap3A_9 : vector<1x16xi32> to vector<16xi32>
    %swap3A_11 = vector.shape_cast %get3A_6 : vector<16xi32> to vector<1x16xi32>
    tpu.vector_store %arg9[%swap3A_7, %swap3A_8], %swap3A_11 {strides = array<i32>} : memref<4x64xi32, #tpu.memory_space<vmem>>, vector<1x16xi32>,
    %get3A_12 = arith.constant 0 : i32
    %get3A_13 = arith.index_cast %get3A_12 : i32 to index
    %get3A_14 = arith.constant 0 : index
    %get3A_15 = tpu.vector_load %arg8[%get3A_13, %get3A_14] {strides = array<i32>} : memref<2x128xf32, #tpu.memory_space<vmem>>, vector<1x16xf32>,
    %get3A_16 = vector.shape_cast %get3A_15 : vector<1x16xf32> to vector<16xf32>
    %swap3A_17 = arith.constant 0 : i32
    %swap3A_18 = arith.index_cast %swap3A_17 : i32 to index
    %swap3A_19 = arith.constant 0 : index
    %swap3A_20 = tpu.vector_load %arg10[%swap3A_18, %swap3A_19] {strides = array<i32>} : memref<4x64xf32, #tpu.memory_space<vmem>>, vector<1x16xf32>,
    %swap3A_21 = vector.shape_cast %swap3A_20 : vector<1x16xf32> to vector<16xf32>
    %swap3A_22 = vector.shape_cast %get3A_16 : vector<16xf32> to vector<1x16xf32>
    tpu.vector_store %arg10[%swap3A_18, %swap3A_19], %swap3A_22 {strides = array<i32>} : memref<4x64xf32, #tpu.memory_space<vmem>>, vector<1x16xf32>,
    %get3A_23 = arith.constant 0 : i32
    %get3A_24 = arith.index_cast %get3A_23 : i32 to index
    %get3A_25 = arith.constant 16 : index
    %get3A_26 = tpu.vector_load %arg7[%get3A_24, %get3A_25] {strides = array<i32>} : memref<2x128xi32, #tpu.memory_space<vmem>>, vector<1x16xi32>,
    %get3A_27 = vector.shape_cast %get3A_26 : vector<1x16xi32> to vector<16xi32>
    %swap3A_28 = arith.constant 0 : i32
    %swap3A_29 = arith.index_cast %swap3A_28 : i32 to index
    %swap3A_30 = arith.constant 16 : index
    %swap3A_31 = tpu.vector_load %arg9[%swap3A_29, %swap3A_30] {strides = array<i32>} : memref<4x64xi32, #tpu.memory_space<vmem>>, vector<1x16xi32>,
    %swap3A_32 = vector.shape_cast %swap3A_31 : vector<1x16xi32> to vector<16xi32>
    %swap3A_33 = vector.shape_cast %get3A_27 : vector<16xi32> to vector<1x16xi32>
    tpu.vector_store %arg9[%swap3A_29, %swap3A_30], %swap3A_33 {strides = array<i32>} : memref<4x64xi32, #tpu.memory_space<vmem>>, vector<1x16xi32>,
    %get3A_34 = arith.constant 0 : i32
    %get3A_35 = arith.index_cast %get3A_34 : i32 to index
    %get3A_36 = arith.constant 16 : index
    %get3A_37 = tpu.vector_load %arg8[%get3A_35, %get3A_36] {strides = array<i32>} : memref<2x128xf32, #tpu.memory_space<vmem>>, vector<1x16xf32>,
    %get3A_38 = vector.shape_cast %get3A_37 : vector<1x16xf32> to vector<16xf32>
    %swap3A_39 = arith.constant 0 : i32
    %swap3A_40 = arith.index_cast %swap3A_39 : i32 to index
    %swap3A_41 = arith.constant 16 : index
    %swap3A_42 = tpu.vector_load %arg10[%swap3A_40, %swap3A_41] {strides = array<i32>} : memref<4x64xf32, #tpu.memory_space<vmem>>, vector<1x16xf32>,
    %swap3A_43 = vector.shape_cast %swap3A_42 : vector<1x16xf32> to vector<16xf32>
    %swap3A_44 = vector.shape_cast %get3A_38 : vector<16xf32> to vector<1x16xf32>
    tpu.vector_store %arg10[%swap3A_40, %swap3A_41], %swap3A_44 {strides = array<i32>} : memref<4x64xf32, #tpu.memory_space<vmem>>, vector<1x16xf32>,
    %get3A_45 = arith.constant 0 : i32
    %get3A_46 = arith.index_cast %get3A_45 : i32 to index
    %get3A_47 = arith.constant 32 : index
    %get3A_48 = tpu.vector_load %arg7[%get3A_46, %get3A_47] {strides = array<i32>} : memref<2x128xi32, #tpu.memory_space<vmem>>, vector<1x16xi32>,
    %get3A_49 = vector.shape_cast %get3A_48 : vector<1x16xi32> to vector<16xi32>
    %swap3A_50 = arith.constant 0 : i32
    %swap3A_51 = arith.index_cast %swap3A_50 : i32 to index
    %swap3A_52 = arith.constant 32 : index
    %swap3A_53 = tpu.vector_load %arg9[%swap3A_51, %swap3A_52] {strides = array<i32>} : memref<4x64xi32, #tpu.memory_space<vmem>>, vector<1x16xi32>,
    %swap3A_54 = vector.shape_cast %swap3A_53 : vector<1x16xi32> to vector<16xi32>
    %swap3A_55 = vector.shape_cast %get3A_49 : vector<16xi32> to vector<1x16xi32>
    tpu.vector_store %arg9[%swap3A_51, %swap3A_52], %swap3A_55 {strides = array<i32>} : memref<4x64xi32, #tpu.memory_space<vmem>>, vector<1x16xi32>,
    %get3A_56 = arith.constant 0 : i32
    %get3A_57 = arith.index_cast %get3A_56 : i32 to index
    %get3A_58 = arith.constant 32 : index
    %get3A_59 = tpu.vector_load %arg8[%get3A_57, %get3A_58] {strides = array<i32>} : memref<2x128xf32, #tpu.memory_space<vmem>>, vector<1x16xf32>,
    %get3A_60 = vector.shape_cast %get3A_59 : vector<1x16xf32> to vector<16xf32>
    %swap3A_61 = arith.constant 0 : i32
    %swap3A_62 = arith.index_cast %swap3A_61 : i32 to index
    %swap3A_63 = arith.constant 32 : index
    %swap3A_64 = tpu.vector_load %arg10[%swap3A_62, %swap3A_63] {strides = array<i32>} : memref<4x64xf32, #tpu.memory_space<vmem>>, vector<1x16xf32>,
    %swap3A_65 = vector.shape_cast %swap3A_64 : vector<1x16xf32> to vector<16xf32>
    %swap3A_66 = vector.shape_cast %get3A_60 : vector<16xf32> to vector<1x16xf32>
    tpu.vector_store %arg10[%swap3A_62, %swap3A_63], %swap3A_66 {strides = array<i32>} : memref<4x64xf32, #tpu.memory_space<vmem>>, vector<1x16xf32>,
    %get3A_67 = arith.constant 0 : i32
    %get3A_68 = arith.index_cast %get3A_67 : i32 to index
    %get3A_69 = arith.constant 48 : index
    %get3A_70 = tpu.vector_load %arg7[%get3A_68, %get3A_69] {strides = array<i32>} : memref<2x128xi32, #tpu.memory_space<vmem>>, vector<1x16xi32>,
    %get3A_71 = vector.shape_cast %get3A_70 : vector<1x16xi32> to vector<16xi32>
    %swap3A_72 = arith.constant 0 : i32
    %swap3A_73 = arith.index_cast %swap3A_72 : i32 to index
    %swap3A_74 = arith.constant 48 : index
    %swap3A_75 = tpu.vector_load %arg9[%swap3A_73, %swap3A_74] {strides = array<i32>} : memref<4x64xi32, #tpu.memory_space<vmem>>, vector<1x16xi32>,
    %swap3A_76 = vector.shape_cast %swap3A_75 : vector<1x16xi32> to vector<16xi32>
    %swap3A_77 = vector.shape_cast %get3A_71 : vector<16xi32> to vector<1x16xi32>
    tpu.vector_store %arg9[%swap3A_73, %swap3A_74], %swap3A_77 {strides = array<i32>} : memref<4x64xi32, #tpu.memory_space<vmem>>, vector<1x16xi32>,
    %get3A_78 = arith.constant 0 : i32
    %get3A_79 = arith.index_cast %get3A_78 : i32 to index
    %get3A_80 = arith.constant 48 : index
    %get3A_81 = tpu.vector_load %arg8[%get3A_79, %get3A_80] {strides = array<i32>} : memref<2x128xf32, #tpu.memory_space<vmem>>, vector<1x16xf32>,
    %get3A_82 = vector.shape_cast %get3A_81 : vector<1x16xf32> to vector<16xf32>
    %swap3A_83 = arith.constant 0 : i32
    %swap3A_84 = arith.index_cast %swap3A_83 : i32 to index
    %swap3A_85 = arith.constant 48 : index
    %swap3A_86 = tpu.vector_load %arg10[%swap3A_84, %swap3A_85] {strides = array<i32>} : memref<4x64xf32, #tpu.memory_space<vmem>>, vector<1x16xf32>,
    %swap3A_87 = vector.shape_cast %swap3A_86 : vector<1x16xf32> to vector<16xf32>
    %swap3A_88 = vector.shape_cast %get3A_82 : vector<16xf32> to vector<1x16xf32>
    tpu.vector_store %arg10[%swap3A_84, %swap3A_85], %swap3A_88 {strides = array<i32>} : memref<4x64xf32, #tpu.memory_space<vmem>>, vector<1x16xf32>,
    %get3A_89 = arith.constant 0 : i32
    %get3A_90 = arith.index_cast %get3A_89 : i32 to index
    %get3A_91 = arith.constant 64 : index
    %get3A_92 = tpu.vector_load %arg7[%get3A_90, %get3A_91] {strides = array<i32>} : memref<2x128xi32, #tpu.memory_space<vmem>>, vector<1x16xi32>,
    %get3A_93 = vector.shape_cast %get3A_92 : vector<1x16xi32> to vector<16xi32>
    %swap3A_94 = arith.constant 1 : i32
    %swap3A_95 = arith.index_cast %swap3A_94 : i32 to index
    %swap3A_96 = arith.constant 0 : index
    %swap3A_97 = tpu.vector_load %arg9[%swap3A_95, %swap3A_96] {strides = array<i32>} : memref<4x64xi32, #tpu.memory_space<vmem>>, vector<1x16xi32>,
    %swap3A_98 = vector.shape_cast %swap3A_97 : vector<1x16xi32> to vector<16xi32>
    %swap3A_99 = vector.shape_cast %get3A_93 : vector<16xi32> to vector<1x16xi32>
    tpu.vector_store %arg9[%swap3A_95, %swap3A_96], %swap3A_99 {strides = array<i32>} : memref<4x64xi32, #tpu.memory_space<vmem>>, vector<1x16xi32>,
    %get3A_100 = arith.constant 0 : i32
    %get3A_101 = arith.index_cast %get3A_100 : i32 to index
    %get3A_102 = arith.constant 64 : index
    %get3A_103 = tpu.vector_load %arg8[%get3A_101, %get3A_102] {strides = array<i32>} : memref<2x128xf32, #tpu.memory_space<vmem>>, vector<1x16xf32>,
    %get3A_104 = vector.shape_cast %get3A_103 : vector<1x16xf32> to vector<16xf32>
    %swap3A_105 = arith.constant 1 : i32
    %swap3A_106 = arith.index_cast %swap3A_105 : i32 to index
    %swap3A_107 = arith.constant 0 : index
    %swap3A_108 = tpu.vector_load %arg10[%swap3A_106, %swap3A_107] {strides = array<i32>} : memref<4x64xf32, #tpu.memory_space<vmem>>, vector<1x16xf32>,
    %swap3A_109 = vector.shape_cast %swap3A_108 : vector<1x16xf32> to vector<16xf32>
    %swap3A_110 = vector.shape_cast %get3A_104 : vector<16xf32> to vector<1x16xf32>
    tpu.vector_store %arg10[%swap3A_106, %swap3A_107], %swap3A_110 {strides = array<i32>} : memref<4x64xf32, #tpu.memory_space<vmem>>, vector<1x16xf32>,
    %get3A_111 = arith.constant 0 : i32
    %get3A_112 = arith.index_cast %get3A_111 : i32 to index
    %get3A_113 = arith.constant 80 : index
    %get3A_114 = tpu.vector_load %arg7[%get3A_112, %get3A_113] {strides = array<i32>} : memref<2x128xi32, #tpu.memory_space<vmem>>, vector<1x16xi32>,
    %get3A_115 = vector.shape_cast %get3A_114 : vector<1x16xi32> to vector<16xi32>
    %swap3A_116 = arith.constant 1 : i32
    %swap3A_117 = arith.index_cast %swap3A_116 : i32 to index
    %swap3A_118 = arith.constant 16 : index
    %swap3A_119 = tpu.vector_load %arg9[%swap3A_117, %swap3A_118] {strides = array<i32>} : memref<4x64xi32, #tpu.memory_space<vmem>>, vector<1x16xi32>,
    %swap3A_120 = vector.shape_cast %swap3A_119 : vector<1x16xi32> to vector<16xi32>
    %swap3A_121 = vector.shape_cast %get3A_115 : vector<16xi32> to vector<1x16xi32>
    tpu.vector_store %arg9[%swap3A_117, %swap3A_118], %swap3A_121 {strides = array<i32>} : memref<4x64xi32, #tpu.memory_space<vmem>>, vector<1x16xi32>,
    %get3A_122 = arith.constant 0 : i32
    %get3A_123 = arith.index_cast %get3A_122 : i32 to index
    %get3A_124 = arith.constant 80 : index
    %get3A_125 = tpu.vector_load %arg8[%get3A_123, %get3A_124] {strides = array<i32>} : memref<2x128xf32, #tpu.memory_space<vmem>>, vector<1x16xf32>,
    %get3A_126 = vector.shape_cast %get3A_125 : vector<1x16xf32> to vector<16xf32>
    %swap3A_127 = arith.constant 1 : i32
    %swap3A_128 = arith.index_cast %swap3A_127 : i32 to index
    %swap3A_129 = arith.constant 16 : index
    %swap3A_130 = tpu.vector_load %arg10[%swap3A_128, %swap3A_129] {strides = array<i32>} : memref<4x64xf32, #tpu.memory_space<vmem>>, vector<1x16xf32>,
    %swap3A_131 = vector.shape_cast %swap3A_130 : vector<1x16xf32> to vector<16xf32>
    %swap3A_132 = vector.shape_cast %get3A_126 : vector<16xf32> to vector<1x16xf32>
    tpu.vector_store %arg10[%swap3A_128, %swap3A_129], %swap3A_132 {strides = array<i32>} : memref<4x64xf32, #tpu.memory_space<vmem>>, vector<1x16xf32>,
    %get3A_133 = arith.constant 0 : i32
    %get3A_134 = arith.index_cast %get3A_133 : i32 to index
    %get3A_135 = arith.constant 96 : index
    %get3A_136 = tpu.vector_load %arg7[%get3A_134, %get3A_135] {strides = array<i32>} : memref<2x128xi32, #tpu.memory_space<vmem>>, vector<1x16xi32>,
    %get3A_137 = vector.shape_cast %get3A_136 : vector<1x16xi32> to vector<16xi32>
    %swap3A_138 = arith.constant 1 : i32
    %swap3A_139 = arith.index_cast %swap3A_138 : i32 to index
    %swap3A_140 = arith.constant 32 : index
    %swap3A_141 = tpu.vector_load %arg9[%swap3A_139, %swap3A_140] {strides = array<i32>} : memref<4x64xi32, #tpu.memory_space<vmem>>, vector<1x16xi32>,
    %swap3A_142 = vector.shape_cast %swap3A_141 : vector<1x16xi32> to vector<16xi32>
    %swap3A_143 = vector.shape_cast %get3A_137 : vector<16xi32> to vector<1x16xi32>
    tpu.vector_store %arg9[%swap3A_139, %swap3A_140], %swap3A_143 {strides = array<i32>} : memref<4x64xi32, #tpu.memory_space<vmem>>, vector<1x16xi32>,
    %get3A_144 = arith.constant 0 : i32
    %get3A_145 = arith.index_cast %get3A_144 : i32 to index
    %get3A_146 = arith.constant 96 : index
    %get3A_147 = tpu.vector_load %arg8[%get3A_145, %get3A_146] {strides = array<i32>} : memref<2x128xf32, #tpu.memory_space<vmem>>, vector<1x16xf32>,
    %get3A_148 = vector.shape_cast %get3A_147 : vector<1x16xf32> to vector<16xf32>
    %swap3A_149 = arith.constant 1 : i32
    %swap3A_150 = arith.index_cast %swap3A_149 : i32 to index
    %swap3A_151 = arith.constant 32 : index
    %swap3A_152 = tpu.vector_load %arg10[%swap3A_150, %swap3A_151] {strides = array<i32>} : memref<4x64xf32, #tpu.memory_space<vmem>>, vector<1x16xf32>,
    %swap3A_153 = vector.shape_cast %swap3A_152 : vector<1x16xf32> to vector<16xf32>
    %swap3A_154 = vector.shape_cast %get3A_148 : vector<16xf32> to vector<1x16xf32>
    tpu.vector_store %arg10[%swap3A_150, %swap3A_151], %swap3A_154 {strides = array<i32>} : memref<4x64xf32, #tpu.memory_space<vmem>>, vector<1x16xf32>,
    %get3A_155 = arith.constant 0 : i32
    %get3A_156 = arith.index_cast %get3A_155 : i32 to index
    %get3A_157 = arith.constant 112 : index
    %get3A_158 = tpu.vector_load %arg7[%get3A_156, %get3A_157] {strides = array<i32>} : memref<2x128xi32, #tpu.memory_space<vmem>>, vector<1x16xi32>,
    %get3A_159 = vector.shape_cast %get3A_158 : vector<1x16xi32> to vector<16xi32>
    %swap3A_160 = arith.constant 1 : i32
    %swap3A_161 = arith.index_cast %swap3A_160 : i32 to index
    %swap3A_162 = arith.constant 48 : index
    %swap3A_163 = tpu.vector_load %arg9[%swap3A_161, %swap3A_162] {strides = array<i32>} : memref<4x64xi32, #tpu.memory_space<vmem>>, vector<1x16xi32>,
    %swap3A_164 = vector.shape_cast %swap3A_163 : vector<1x16xi32> to vector<16xi32>
    %swap3A_165 = vector.shape_cast %get3A_159 : vector<16xi32> to vector<1x16xi32>
    tpu.vector_store %arg9[%swap3A_161, %swap3A_162], %swap3A_165 {strides = array<i32>} : memref<4x64xi32, #tpu.memory_space<vmem>>, vector<1x16xi32>,
    %get3A_166 = arith.constant 0 : i32
    %get3A_167 = arith.index_cast %get3A_166 : i32 to index
    %get3A_168 = arith.constant 112 : index
    %get3A_169 = tpu.vector_load %arg8[%get3A_167, %get3A_168] {strides = array<i32>} : memref<2x128xf32, #tpu.memory_space<vmem>>, vector<1x16xf32>,
    %get3A_170 = vector.shape_cast %get3A_169 : vector<1x16xf32> to vector<16xf32>
    %swap3A_171 = arith.constant 1 : i32
    %swap3A_172 = arith.index_cast %swap3A_171 : i32 to index
    %swap3A_173 = arith.constant 48 : index
    %swap3A_174 = tpu.vector_load %arg10[%swap3A_172, %swap3A_173] {strides = array<i32>} : memref<4x64xf32, #tpu.memory_space<vmem>>, vector<1x16xf32>,
    %swap3A_175 = vector.shape_cast %swap3A_174 : vector<1x16xf32> to vector<16xf32>
    %swap3A_176 = vector.shape_cast %get3A_170 : vector<16xf32> to vector<1x16xf32>
    tpu.vector_store %arg10[%swap3A_172, %swap3A_173], %swap3A_176 {strides = array<i32>} : memref<4x64xf32, #tpu.memory_space<vmem>>, vector<1x16xf32>,
    %get3A_177 = arith.constant 1 : i32
    %get3A_178 = arith.index_cast %get3A_177 : i32 to index
    %get3A_179 = arith.constant 0 : index
    %get3A_180 = tpu.vector_load %arg7[%get3A_178, %get3A_179] {strides = array<i32>} : memref<2x128xi32, #tpu.memory_space<vmem>>, vector<1x16xi32>,
    %get3A_181 = vector.shape_cast %get3A_180 : vector<1x16xi32> to vector<16xi32>
    %swap3A_182 = arith.constant 2 : i32
    %swap3A_183 = arith.index_cast %swap3A_182 : i32 to index
    %swap3A_184 = arith.constant 0 : index
    %swap3A_185 = tpu.vector_load %arg9[%swap3A_183, %swap3A_184] {strides = array<i32>} : memref<4x64xi32, #tpu.memory_space<vmem>>, vector<1x16xi32>,
    %swap3A_186 = vector.shape_cast %swap3A_185 : vector<1x16xi32> to vector<16xi32>
    %swap3A_187 = vector.shape_cast %get3A_181 : vector<16xi32> to vector<1x16xi32>
    tpu.vector_store %arg9[%swap3A_183, %swap3A_184], %swap3A_187 {strides = array<i32>} : memref<4x64xi32, #tpu.memory_space<vmem>>, vector<1x16xi32>,
    %get3A_188 = arith.constant 1 : i32
    %get3A_189 = arith.index_cast %get3A_188 : i32 to index
    %get3A_190 = arith.constant 0 : index
    %get3A_191 = tpu.vector_load %arg8[%get3A_189, %get3A_190] {strides = array<i32>} : memref<2x128xf32, #tpu.memory_space<vmem>>, vector<1x16xf32>,
    %get3A_192 = vector.shape_cast %get3A_191 : vector<1x16xf32> to vector<16xf32>
    %swap3A_193 = arith.constant 2 : i32
    %swap3A_194 = arith.index_cast %swap3A_193 : i32 to index
    %swap3A_195 = arith.constant 0 : index
    %swap3A_196 = tpu.vector_load %arg10[%swap3A_194, %swap3A_195] {strides = array<i32>} : memref<4x64xf32, #tpu.memory_space<vmem>>, vector<1x16xf32>,
    %swap3A_197 = vector.shape_cast %swap3A_196 : vector<1x16xf32> to vector<16xf32>
    %swap3A_198 = vector.shape_cast %get3A_192 : vector<16xf32> to vector<1x16xf32>
    tpu.vector_store %arg10[%swap3A_194, %swap3A_195], %swap3A_198 {strides = array<i32>} : memref<4x64xf32, #tpu.memory_space<vmem>>, vector<1x16xf32>,
    %get3A_199 = arith.constant 1 : i32
    %get3A_200 = arith.index_cast %get3A_199 : i32 to index
    %get3A_201 = arith.constant 16 : index
    %get3A_202 = tpu.vector_load %arg7[%get3A_200, %get3A_201] {strides = array<i32>} : memref<2x128xi32, #tpu.memory_space<vmem>>, vector<1x16xi32>,
    %get3A_203 = vector.shape_cast %get3A_202 : vector<1x16xi32> to vector<16xi32>
    %swap3A_204 = arith.constant 2 : i32
    %swap3A_205 = arith.index_cast %swap3A_204 : i32 to index
    %swap3A_206 = arith.constant 16 : index
    %swap3A_207 = tpu.vector_load %arg9[%swap3A_205, %swap3A_206] {strides = array<i32>} : memref<4x64xi32, #tpu.memory_space<vmem>>, vector<1x16xi32>,
    %swap3A_208 = vector.shape_cast %swap3A_207 : vector<1x16xi32> to vector<16xi32>
    %swap3A_209 = vector.shape_cast %get3A_203 : vector<16xi32> to vector<1x16xi32>
    tpu.vector_store %arg9[%swap3A_205, %swap3A_206], %swap3A_209 {strides = array<i32>} : memref<4x64xi32, #tpu.memory_space<vmem>>, vector<1x16xi32>,
    %get3A_210 = arith.constant 1 : i32
    %get3A_211 = arith.index_cast %get3A_210 : i32 to index
    %get3A_212 = arith.constant 16 : index
    %get3A_213 = tpu.vector_load %arg8[%get3A_211, %get3A_212] {strides = array<i32>} : memref<2x128xf32, #tpu.memory_space<vmem>>, vector<1x16xf32>,
    %get3A_214 = vector.shape_cast %get3A_213 : vector<1x16xf32> to vector<16xf32>
    %swap3A_215 = arith.constant 2 : i32
    %swap3A_216 = arith.index_cast %swap3A_215 : i32 to index
    %swap3A_217 = arith.constant 16 : index
    %swap3A_218 = tpu.vector_load %arg10[%swap3A_216, %swap3A_217] {strides = array<i32>} : memref<4x64xf32, #tpu.memory_space<vmem>>, vector<1x16xf32>,
    %swap3A_219 = vector.shape_cast %swap3A_218 : vector<1x16xf32> to vector<16xf32>
    %swap3A_220 = vector.shape_cast %get3A_214 : vector<16xf32> to vector<1x16xf32>
    tpu.vector_store %arg10[%swap3A_216, %swap3A_217], %swap3A_220 {strides = array<i32>} : memref<4x64xf32, #tpu.memory_space<vmem>>, vector<1x16xf32>,
    %get3A_221 = arith.constant 1 : i32
    %get3A_222 = arith.index_cast %get3A_221 : i32 to index
    %get3A_223 = arith.constant 32 : index
    %get3A_224 = tpu.vector_load %arg7[%get3A_222, %get3A_223] {strides = array<i32>} : memref<2x128xi32, #tpu.memory_space<vmem>>, vector<1x16xi32>,
    %get3A_225 = vector.shape_cast %get3A_224 : vector<1x16xi32> to vector<16xi32>
    %swap3A_226 = arith.constant 2 : i32
    %swap3A_227 = arith.index_cast %swap3A_226 : i32 to index
    %swap3A_228 = arith.constant 32 : index
    %swap3A_229 = tpu.vector_load %arg9[%swap3A_227, %swap3A_228] {strides = array<i32>} : memref<4x64xi32, #tpu.memory_space<vmem>>, vector<1x16xi32>,
    %swap3A_230 = vector.shape_cast %swap3A_229 : vector<1x16xi32> to vector<16xi32>
    %swap3A_231 = vector.shape_cast %get3A_225 : vector<16xi32> to vector<1x16xi32>
    tpu.vector_store %arg9[%swap3A_227, %swap3A_228], %swap3A_231 {strides = array<i32>} : memref<4x64xi32, #tpu.memory_space<vmem>>, vector<1x16xi32>,
    %get3A_232 = arith.constant 1 : i32
    %get3A_233 = arith.index_cast %get3A_232 : i32 to index
    %get3A_234 = arith.constant 32 : index
    %get3A_235 = tpu.vector_load %arg8[%get3A_233, %get3A_234] {strides = array<i32>} : memref<2x128xf32, #tpu.memory_space<vmem>>, vector<1x16xf32>,
    %get3A_236 = vector.shape_cast %get3A_235 : vector<1x16xf32> to vector<16xf32>
    %swap3A_237 = arith.constant 2 : i32
    %swap3A_238 = arith.index_cast %swap3A_237 : i32 to index
    %swap3A_239 = arith.constant 32 : index
    %swap3A_240 = tpu.vector_load %arg10[%swap3A_238, %swap3A_239] {strides = array<i32>} : memref<4x64xf32, #tpu.memory_space<vmem>>, vector<1x16xf32>,
    %swap3A_241 = vector.shape_cast %swap3A_240 : vector<1x16xf32> to vector<16xf32>
    %swap3A_242 = vector.shape_cast %get3A_236 : vector<16xf32> to vector<1x16xf32>
    tpu.vector_store %arg10[%swap3A_238, %swap3A_239], %swap3A_242 {strides = array<i32>} : memref<4x64xf32, #tpu.memory_space<vmem>>, vector<1x16xf32>,
    %get3A_243 = arith.constant 1 : i32
    %get3A_244 = arith.index_cast %get3A_243 : i32 to index
    %get3A_245 = arith.constant 48 : index
    %get3A_246 = tpu.vector_load %arg7[%get3A_244, %get3A_245] {strides = array<i32>} : memref<2x128xi32, #tpu.memory_space<vmem>>, vector<1x16xi32>,
    %get3A_247 = vector.shape_cast %get3A_246 : vector<1x16xi32> to vector<16xi32>
    %swap3A_248 = arith.constant 2 : i32
    %swap3A_249 = arith.index_cast %swap3A_248 : i32 to index
    %swap3A_250 = arith.constant 48 : index
    %swap3A_251 = tpu.vector_load %arg9[%swap3A_249, %swap3A_250] {strides = array<i32>} : memref<4x64xi32, #tpu.memory_space<vmem>>, vector<1x16xi32>,
    %swap3A_252 = vector.shape_cast %swap3A_251 : vector<1x16xi32> to vector<16xi32>
    %swap3A_253 = vector.shape_cast %get3A_247 : vector<16xi32> to vector<1x16xi32>
    tpu.vector_store %arg9[%swap3A_249, %swap3A_250], %swap3A_253 {strides = array<i32>} : memref<4x64xi32, #tpu.memory_space<vmem>>, vector<1x16xi32>,
    %get3A_254 = arith.constant 1 : i32
    %get3A_255 = arith.index_cast %get3A_254 : i32 to index
    %get3A_256 = arith.constant 48 : index
    %get3A_257 = tpu.vector_load %arg8[%get3A_255, %get3A_256] {strides = array<i32>} : memref<2x128xf32, #tpu.memory_space<vmem>>, vector<1x16xf32>,
    %get3A_258 = vector.shape_cast %get3A_257 : vector<1x16xf32> to vector<16xf32>
    %swap3A_259 = arith.constant 2 : i32
    %swap3A_260 = arith.index_cast %swap3A_259 : i32 to index
    %swap3A_261 = arith.constant 48 : index
    %swap3A_262 = tpu.vector_load %arg10[%swap3A_260, %swap3A_261] {strides = array<i32>} : memref<4x64xf32, #tpu.memory_space<vmem>>, vector<1x16xf32>,
    %swap3A_263 = vector.shape_cast %swap3A_262 : vector<1x16xf32> to vector<16xf32>
    %swap3A_264 = vector.shape_cast %get3A_258 : vector<16xf32> to vector<1x16xf32>
    tpu.vector_store %arg10[%swap3A_260, %swap3A_261], %swap3A_264 {strides = array<i32>} : memref<4x64xf32, #tpu.memory_space<vmem>>, vector<1x16xf32>,
    %get3A_265 = arith.constant 1 : i32
    %get3A_266 = arith.index_cast %get3A_265 : i32 to index
    %get3A_267 = arith.constant 64 : index
    %get3A_268 = tpu.vector_load %arg7[%get3A_266, %get3A_267] {strides = array<i32>} : memref<2x128xi32, #tpu.memory_space<vmem>>, vector<1x16xi32>,
    %get3A_269 = vector.shape_cast %get3A_268 : vector<1x16xi32> to vector<16xi32>
    %swap3A_270 = arith.constant 3 : i32
    %swap3A_271 = arith.index_cast %swap3A_270 : i32 to index
    %swap3A_272 = arith.constant 0 : index
    %swap3A_273 = tpu.vector_load %arg9[%swap3A_271, %swap3A_272] {strides = array<i32>} : memref<4x64xi32, #tpu.memory_space<vmem>>, vector<1x16xi32>,
    %swap3A_274 = vector.shape_cast %swap3A_273 : vector<1x16xi32> to vector<16xi32>
    %swap3A_275 = vector.shape_cast %get3A_269 : vector<16xi32> to vector<1x16xi32>
    tpu.vector_store %arg9[%swap3A_271, %swap3A_272], %swap3A_275 {strides = array<i32>} : memref<4x64xi32, #tpu.memory_space<vmem>>, vector<1x16xi32>,
    %get3A_276 = arith.constant 1 : i32
    %get3A_277 = arith.index_cast %get3A_276 : i32 to index
    %get3A_278 = arith.constant 64 : index
    %get3A_279 = tpu.vector_load %arg8[%get3A_277, %get3A_278] {strides = array<i32>} : memref<2x128xf32, #tpu.memory_space<vmem>>, vector<1x16xf32>,
    %get3A_280 = vector.shape_cast %get3A_279 : vector<1x16xf32> to vector<16xf32>
    %swap3A_281 = arith.constant 3 : i32
    %swap3A_282 = arith.index_cast %swap3A_281 : i32 to index
    %swap3A_283 = arith.constant 0 : index
    %swap3A_284 = tpu.vector_load %arg10[%swap3A_282, %swap3A_283] {strides = array<i32>} : memref<4x64xf32, #tpu.memory_space<vmem>>, vector<1x16xf32>,
    %swap3A_285 = vector.shape_cast %swap3A_284 : vector<1x16xf32> to vector<16xf32>
    %swap3A_286 = vector.shape_cast %get3A_280 : vector<16xf32> to vector<1x16xf32>
    tpu.vector_store %arg10[%swap3A_282, %swap3A_283], %swap3A_286 {strides = array<i32>} : memref<4x64xf32, #tpu.memory_space<vmem>>, vector<1x16xf32>,
    %get3A_287 = arith.constant 1 : i32
    %get3A_288 = arith.index_cast %get3A_287 : i32 to index
    %get3A_289 = arith.constant 80 : index
    %get3A_290 = tpu.vector_load %arg7[%get3A_288, %get3A_289] {strides = array<i32>} : memref<2x128xi32, #tpu.memory_space<vmem>>, vector<1x16xi32>,
    %get3A_291 = vector.shape_cast %get3A_290 : vector<1x16xi32> to vector<16xi32>
    %swap3A_292 = arith.constant 3 : i32
    %swap3A_293 = arith.index_cast %swap3A_292 : i32 to index
    %swap3A_294 = arith.constant 16 : index
    %swap3A_295 = tpu.vector_load %arg9[%swap3A_293, %swap3A_294] {strides = array<i32>} : memref<4x64xi32, #tpu.memory_space<vmem>>, vector<1x16xi32>,
    %swap3A_296 = vector.shape_cast %swap3A_295 : vector<1x16xi32> to vector<16xi32>
    %swap3A_297 = vector.shape_cast %get3A_291 : vector<16xi32> to vector<1x16xi32>
    tpu.vector_store %arg9[%swap3A_293, %swap3A_294], %swap3A_297 {strides = array<i32>} : memref<4x64xi32, #tpu.memory_space<vmem>>, vector<1x16xi32>,
    %get3A_298 = arith.constant 1 : i32
    %get3A_299 = arith.index_cast %get3A_298 : i32 to index
    %get3A_300 = arith.constant 80 : index
    %get3A_301 = tpu.vector_load %arg8[%get3A_299, %get3A_300] {strides = array<i32>} : memref<2x128xf32, #tpu.memory_space<vmem>>, vector<1x16xf32>,
    %get3A_302 = vector.shape_cast %get3A_301 : vector<1x16xf32> to vector<16xf32>
    %swap3A_303 = arith.constant 3 : i32
    %swap3A_304 = arith.index_cast %swap3A_303 : i32 to index
    %swap3A_305 = arith.constant 16 : index
    %swap3A_306 = tpu.vector_load %arg10[%swap3A_304, %swap3A_305] {strides = array<i32>} : memref<4x64xf32, #tpu.memory_space<vmem>>, vector<1x16xf32>,
    %swap3A_307 = vector.shape_cast %swap3A_306 : vector<1x16xf32> to vector<16xf32>
    %swap3A_308 = vector.shape_cast %get3A_302 : vector<16xf32> to vector<1x16xf32>
    tpu.vector_store %arg10[%swap3A_304, %swap3A_305], %swap3A_308 {strides = array<i32>} : memref<4x64xf32, #tpu.memory_space<vmem>>, vector<1x16xf32>,
    %get3A_309 = arith.constant 1 : i32
    %get3A_310 = arith.index_cast %get3A_309 : i32 to index
    %get3A_311 = arith.constant 96 : index
    %get3A_312 = tpu.vector_load %arg7[%get3A_310, %get3A_311] {strides = array<i32>} : memref<2x128xi32, #tpu.memory_space<vmem>>, vector<1x16xi32>,
    %get3A_313 = vector.shape_cast %get3A_312 : vector<1x16xi32> to vector<16xi32>
    %swap3A_314 = arith.constant 3 : i32
    %swap3A_315 = arith.index_cast %swap3A_314 : i32 to index
    %swap3A_316 = arith.constant 32 : index
    %swap3A_317 = tpu.vector_load %arg9[%swap3A_315, %swap3A_316] {strides = array<i32>} : memref<4x64xi32, #tpu.memory_space<vmem>>, vector<1x16xi32>,
    %swap3A_318 = vector.shape_cast %swap3A_317 : vector<1x16xi32> to vector<16xi32>
    %swap3A_319 = vector.shape_cast %get3A_313 : vector<16xi32> to vector<1x16xi32>
    tpu.vector_store %arg9[%swap3A_315, %swap3A_316], %swap3A_319 {strides = array<i32>} : memref<4x64xi32, #tpu.memory_space<vmem>>, vector<1x16xi32>,
    %get3A_320 = arith.constant 1 : i32
    %get3A_321 = arith.index_cast %get3A_320 : i32 to index
    %get3A_322 = arith.constant 96 : index
    %get3A_323 = tpu.vector_load %arg8[%get3A_321, %get3A_322] {strides = array<i32>} : memref<2x128xf32, #tpu.memory_space<vmem>>, vector<1x16xf32>,
    %get3A_324 = vector.shape_cast %get3A_323 : vector<1x16xf32> to vector<16xf32>
    %swap3A_325 = arith.constant 3 : i32
    %swap3A_326 = arith.index_cast %swap3A_325 : i32 to index
    %swap3A_327 = arith.constant 32 : index
    %swap3A_328 = tpu.vector_load %arg10[%swap3A_326, %swap3A_327] {strides = array<i32>} : memref<4x64xf32, #tpu.memory_space<vmem>>, vector<1x16xf32>,
    %swap3A_329 = vector.shape_cast %swap3A_328 : vector<1x16xf32> to vector<16xf32>
    %swap3A_330 = vector.shape_cast %get3A_324 : vector<16xf32> to vector<1x16xf32>
    tpu.vector_store %arg10[%swap3A_326, %swap3A_327], %swap3A_330 {strides = array<i32>} : memref<4x64xf32, #tpu.memory_space<vmem>>, vector<1x16xf32>,
    %get3A_331 = arith.constant 1 : i32
    %get3A_332 = arith.index_cast %get3A_331 : i32 to index
    %get3A_333 = arith.constant 112 : index
    %get3A_334 = tpu.vector_load %arg7[%get3A_332, %get3A_333] {strides = array<i32>} : memref<2x128xi32, #tpu.memory_space<vmem>>, vector<1x16xi32>,
    %get3A_335 = vector.shape_cast %get3A_334 : vector<1x16xi32> to vector<16xi32>
    %swap3A_336 = arith.constant 3 : i32
    %swap3A_337 = arith.index_cast %swap3A_336 : i32 to index
    %swap3A_338 = arith.constant 48 : index
    %swap3A_339 = tpu.vector_load %arg9[%swap3A_337, %swap3A_338] {strides = array<i32>} : memref<4x64xi32, #tpu.memory_space<vmem>>, vector<1x16xi32>,
    %swap3A_340 = vector.shape_cast %swap3A_339 : vector<1x16xi32> to vector<16xi32>
    %swap3A_341 = vector.shape_cast %get3A_335 : vector<16xi32> to vector<1x16xi32>
    tpu.vector_store %arg9[%swap3A_337, %swap3A_338], %swap3A_341 {strides = array<i32>} : memref<4x64xi32, #tpu.memory_space<vmem>>, vector<1x16xi32>,
    %get3A_342 = arith.constant 1 : i32
    %get3A_343 = arith.index_cast %get3A_342 : i32 to index
    %get3A_344 = arith.constant 112 : index
    %get3A_345 = tpu.vector_load %arg8[%get3A_343, %get3A_344] {strides = array<i32>} : memref<2x128xf32, #tpu.memory_space<vmem>>, vector<1x16xf32>,
    %get3A_346 = vector.shape_cast %get3A_345 : vector<1x16xf32> to vector<16xf32>
    %swap3A_347 = arith.constant 3 : i32
    %swap3A_348 = arith.index_cast %swap3A_347 : i32 to index
    %swap3A_349 = arith.constant 48 : index
    %swap3A_350 = tpu.vector_load %arg10[%swap3A_348, %swap3A_349] {strides = array<i32>} : memref<4x64xf32, #tpu.memory_space<vmem>>, vector<1x16xf32>,
    %swap3A_351 = vector.shape_cast %swap3A_350 : vector<1x16xf32> to vector<16xf32>
    %swap3A_352 = vector.shape_cast %get3A_346 : vector<16xf32> to vector<1x16xf32>
    tpu.vector_store %arg10[%swap3A_348, %swap3A_349], %swap3A_352 {strides = array<i32>} : memref<4x64xf32, #tpu.memory_space<vmem>>, vector<1x16xf32>,
    %dma_start3A = arith.constant 0 : i32
    %dma_start3A_353 = arith.constant 0 : i32
    %dma_start3A_354 = arith.constant 0 : i32
    %dma_start3A_355 = tpu.memref_slice %arg10[%dma_start3A, %dma_start3A_354] : memref<4x64xf32, #tpu.memory_space<vmem>> -> memref<1x64xf32, #tpu.memory_space<vmem>>
    %dma_start3A_356 = tpu.memref_squeeze %dma_start3A_355 : memref<1x64xf32, #tpu.memory_space<vmem>> -> memref<64xf32, #tpu.memory_space<vmem>>
    %dma_start3A_357 = arith.constant 0 : i32
    %dma_start3A_358 = tpu.memref_slice %arg9[%dma_start3A_353, %dma_start3A_357] : memref<4x64xi32, #tpu.memory_space<vmem>> -> memref<1x64xi32, #tpu.memory_space<vmem>>
    %dma_start3A_359 = tpu.memref_squeeze %dma_start3A_358 : memref<1x64xi32, #tpu.memory_space<vmem>> -> memref<64xi32, #tpu.memory_space<vmem>>
    %dma_start3A_360 = arith.constant 0 : i32
    %dma_start3A_361 = tpu.memref_slice %arg6[%dma_start3A_360] : memref<12288xf32, #tpu.memory_space<hbm>> -> memref<12288xf32, #tpu.memory_space<hbm>>
    tpu.enqueue_indirect_dma source(%dma_start3A_356 : memref<64xf32, #tpu.memory_space<vmem>>) target(%dma_start3A_361 : memref<12288xf32, #tpu.memory_space<hbm>>) offsets(%dma_start3A_359 : memref<64xi32, #tpu.memory_space<vmem>>) semaphore(%arg20 : memref<!tpu.dma_semaphore, #tpu.memory_space<semaphore_mem>>)
    %dma_start3A_362 = arith.constant 1 : i32
    %dma_start3A_363 = arith.constant 1 : i32
    %dma_start3A_364 = arith.constant 0 : i32
    %dma_start3A_365 = tpu.memref_slice %arg10[%dma_start3A_362, %dma_start3A_364] : memref<4x64xf32, #tpu.memory_space<vmem>> -> memref<1x64xf32, #tpu.memory_space<vmem>>
    %dma_start3A_366 = tpu.memref_squeeze %dma_start3A_365 : memref<1x64xf32, #tpu.memory_space<vmem>> -> memref<64xf32, #tpu.memory_space<vmem>>
    %dma_start3A_367 = arith.constant 0 : i32
    %dma_start3A_368 = tpu.memref_slice %arg9[%dma_start3A_363, %dma_start3A_367] : memref<4x64xi32, #tpu.memory_space<vmem>> -> memref<1x64xi32, #tpu.memory_space<vmem>>
    %dma_start3A_369 = tpu.memref_squeeze %dma_start3A_368 : memref<1x64xi32, #tpu.memory_space<vmem>> -> memref<64xi32, #tpu.memory_space<vmem>>
    %dma_start3A_370 = arith.constant 0 : i32
    %dma_start3A_371 = tpu.memref_slice %arg6[%dma_start3A_370] : memref<12288xf32, #tpu.memory_space<hbm>> -> memref<12288xf32, #tpu.memory_space<hbm>>
    tpu.enqueue_indirect_dma source(%dma_start3A_366 : memref<64xf32, #tpu.memory_space<vmem>>) target(%dma_start3A_371 : memref<12288xf32, #tpu.memory_space<hbm>>) offsets(%dma_start3A_369 : memref<64xi32, #tpu.memory_space<vmem>>) semaphore(%arg20 : memref<!tpu.dma_semaphore, #tpu.memory_space<semaphore_mem>>)
    %dma_start3A_372 = arith.constant 2 : i32
    %dma_start3A_373 = arith.constant 2 : i32
    %dma_start3A_374 = arith.constant 0 : i32
    %dma_start3A_375 = tpu.memref_slice %arg10[%dma_start3A_372, %dma_start3A_374] : memref<4x64xf32, #tpu.memory_space<vmem>> -> memref<1x64xf32, #tpu.memory_space<vmem>>
    %dma_start3A_376 = tpu.memref_squeeze %dma_start3A_375 : memref<1x64xf32, #tpu.memory_space<vmem>> -> memref<64xf32, #tpu.memory_space<vmem>>
    %dma_start3A_377 = arith.constant 0 : i32
    %dma_start3A_378 = tpu.memref_slice %arg9[%dma_start3A_373, %dma_start3A_377] : memref<4x64xi32, #tpu.memory_space<vmem>> -> memref<1x64xi32, #tpu.memory_space<vmem>>
    %dma_start3A_379 = tpu.memref_squeeze %dma_start3A_378 : memref<1x64xi32, #tpu.memory_space<vmem>> -> memref<64xi32, #tpu.memory_space<vmem>>
    %dma_start3A_380 = arith.constant 0 : i32
    %dma_start3A_381 = tpu.memref_slice %arg6[%dma_start3A_380] : memref<12288xf32, #tpu.memory_space<hbm>> -> memref<12288xf32, #tpu.memory_space<hbm>>
    tpu.enqueue_indirect_dma source(%dma_start3A_376 : memref<64xf32, #tpu.memory_space<vmem>>) target(%dma_start3A_381 : memref<12288xf32, #tpu.memory_space<hbm>>) offsets(%dma_start3A_379 : memref<64xi32, #tpu.memory_space<vmem>>) semaphore(%arg20 : memref<!tpu.dma_semaphore, #tpu.memory_space<semaphore_mem>>)
    %dma_start3A_382 = arith.constant 3 : i32
    %dma_start3A_383 = arith.constant 3 : i32
    %dma_start3A_384 = arith.constant 0 : i32
    %dma_start3A_385 = tpu.memref_slice %arg10[%dma_start3A_382, %dma_start3A_384] : memref<4x64xf32, #tpu.memory_space<vmem>> -> memref<1x64xf32, #tpu.memory_space<vmem>>
    %dma_start3A_386 = tpu.memref_squeeze %dma_start3A_385 : memref<1x64xf32, #tpu.memory_space<vmem>> -> memref<64xf32, #tpu.memory_space<vmem>>
    %dma_start3A_387 = arith.constant 0 : i32
    %dma_start3A_388 = tpu.memref_slice %arg9[%dma_start3A_383, %dma_start3A_387] : memref<4x64xi32, #tpu.memory_space<vmem>> -> memref<1x64xi32, #tpu.memory_space<vmem>>
    %dma_start3A_389 = tpu.memref_squeeze %dma_start3A_388 : memref<1x64xi32, #tpu.memory_space<vmem>> -> memref<64xi32, #tpu.memory_space<vmem>>
    %dma_start3A_390 = arith.constant 0 : i32
    %dma_start3A_391 = tpu.memref_slice %arg6[%dma_start3A_390] : memref<12288xf32, #tpu.memory_space<hbm>> -> memref<12288xf32, #tpu.memory_space<hbm>>
    tpu.enqueue_indirect_dma source(%dma_start3A_386 : memref<64xf32, #tpu.memory_space<vmem>>) target(%dma_start3A_391 : memref<12288xf32, #tpu.memory_space<hbm>>) offsets(%dma_start3A_389 : memref<64xi32, #tpu.memory_space<vmem>>) semaphore(%arg20 : memref<!tpu.dma_semaphore, #tpu.memory_space<semaphore_mem>>)
    %mul3A_392 = arith.constant 256 : i32
    %mul3A_393 = arith.muli %add3A, %mul3A_392 : i32
    %and3A = arith.constant 4095 : i32
    %and3A_394 = arith.andi %mul3A_393, %and3A : i32
    %add3A_395 = arith.constant 0 : i32
    %add3A_396 = arith.addi %and3A_394, %add3A_395 : i32
    %multiple_of3A = tpu.assume_multiple %add3A_396, 8 : i32
    %dma_start3A_397 = arith.constant 0 : i32
    %dma_start3A_398 = tpu.memref_slice %arg4[%multiple_of3A, %dma_start3A_397] : memref<4096x512xf32, #tpu.memory_space<hbm>> -> memref<64x512xf32, #tpu.memory_space<hbm>>
    %dma_start3A_399 = arith.constant 0 : i32
    %dma_start3A_400 = tpu.memref_slice %arg4[%multiple_of3A, %dma_start3A_399] : memref<4096x512xf32, #tpu.memory_space<hbm>> -> memref<64x512xf32, #tpu.memory_space<hbm>>
    tpu.enqueue_dma source(%dma_start3A_400 : memref<64x512xf32, #tpu.memory_space<hbm>>) target(%arg11 : memref<64x512xf32, #tpu.memory_space<vmem>>) target_semaphore(%arg14 : memref<!tpu.dma_semaphore, #tpu.memory_space<semaphore_mem>>)
    %add3A_401 = arith.constant 64 : i32
    %add3A_402 = arith.addi %and3A_394, %add3A_401 : i32
    %multiple_of3A_403 = tpu.assume_multiple %add3A_402, 8 : i32
    %dma_start3A_404 = arith.constant 0 : i32
    %dma_start3A_405 = tpu.memref_slice %arg4[%multiple_of3A_403, %dma_start3A_404] : memref<4096x512xf32, #tpu.memory_space<hbm>> -> memref<64x512xf32, #tpu.memory_space<hbm>>
    %dma_start3A_406 = arith.constant 0 : i32
    %dma_start3A_407 = tpu.memref_slice %arg4[%multiple_of3A_403, %dma_start3A_406] : memref<4096x512xf32, #tpu.memory_space<hbm>> -> memref<64x512xf32, #tpu.memory_space<hbm>>
    tpu.enqueue_dma source(%dma_start3A_407 : memref<64x512xf32, #tpu.memory_space<hbm>>) target(%arg12 : memref<64x512xf32, #tpu.memory_space<vmem>>) target_semaphore(%arg15 : memref<!tpu.dma_semaphore, #tpu.memory_space<semaphore_mem>>)
    %dma_wait3A = arith.constant 0 : i32
    %dma_wait3A_408 = tpu.memref_slice %arg4[%multiple_of3A, %dma_wait3A] : memref<4096x512xf32, #tpu.memory_space<hbm>> -> memref<64x512xf32, #tpu.memory_space<hbm>>
    %dma_wait3A_409 = arith.constant 0 : i32
    %dma_wait3A_410 = tpu.memref_slice %arg4[%multiple_of3A, %dma_wait3A_409] : memref<4096x512xf32, #tpu.memory_space<hbm>> -> memref<64x512xf32, #tpu.memory_space<hbm>>
    tpu.wait_dma2 semaphore(%arg14 : memref<!tpu.dma_semaphore, #tpu.memory_space<semaphore_mem>>) src(%dma_wait3A_410 : memref<64x512xf32, #tpu.memory_space<hbm>>) dst(%arg11 : memref<64x512xf32, #tpu.memory_space<vmem>>)
    %add3A_411 = arith.constant 128 : i32
    %add3A_412 = arith.addi %and3A_394, %add3A_411 : i32
    %multiple_of3A_413 = tpu.assume_multiple %add3A_412, 8 : i32
    %dma_start3A_414 = arith.constant 0 : i32
    %dma_start3A_415 = tpu.memref_slice %arg4[%multiple_of3A_413, %dma_start3A_414] : memref<4096x512xf32, #tpu.memory_space<hbm>> -> memref<64x512xf32, #tpu.memory_space<hbm>>
    %dma_start3A_416 = arith.constant 0 : i32
    %dma_start3A_417 = tpu.memref_slice %arg4[%multiple_of3A_413, %dma_start3A_416] : memref<4096x512xf32, #tpu.memory_space<hbm>> -> memref<64x512xf32, #tpu.memory_space<hbm>>
    tpu.enqueue_dma source(%dma_start3A_417 : memref<64x512xf32, #tpu.memory_space<hbm>>) target(%arg13 : memref<64x512xf32, #tpu.memory_space<vmem>>) target_semaphore(%arg16 : memref<!tpu.dma_semaphore, #tpu.memory_space<semaphore_mem>>)
    %dma_start3A_418 = arith.constant 0 : i32
    %dma_start3A_419 = arith.constant 0 : i32
    %dma_start3A_420 = tpu.memref_slice %arg9[%dma_start3A_418, %dma_start3A_419] : memref<4x64xi32, #tpu.memory_space<vmem>> -> memref<1x64xi32, #tpu.memory_space<vmem>>
    %dma_start3A_421 = tpu.memref_squeeze %dma_start3A_420 : memref<1x64xi32, #tpu.memory_space<vmem>> -> memref<64xi32, #tpu.memory_space<vmem>>
    %dma_start3A_422 = arith.constant 0 : i32
    %dma_start3A_423 = arith.constant 0 : i32
    %dma_start3A_424 = tpu.memref_slice %arg5[%dma_start3A_422, %dma_start3A_423] : memref<12288x512xf32, #tpu.memory_space<hbm>> -> memref<12288x512xf32, #tpu.memory_space<hbm>>
    tpu.enqueue_indirect_dma source(%arg11 : memref<64x512xf32, #tpu.memory_space<vmem>>) target(%dma_start3A_424 : memref<12288x512xf32, #tpu.memory_space<hbm>>) offsets(%dma_start3A_421 : memref<64xi32, #tpu.memory_space<vmem>>) semaphore(%arg17 : memref<!tpu.dma_semaphore, #tpu.memory_space<semaphore_mem>>)
    %dma_wait3A_425 = arith.constant 0 : i32
    %dma_wait3A_426 = tpu.memref_slice %arg4[%multiple_of3A_403, %dma_wait3A_425] : memref<4096x512xf32, #tpu.memory_space<hbm>> -> memref<64x512xf32, #tpu.memory_space<hbm>>
    %dma_wait3A_427 = arith.constant 0 : i32
    %dma_wait3A_428 = tpu.memref_slice %arg4[%multiple_of3A_403, %dma_wait3A_427] : memref<4096x512xf32, #tpu.memory_space<hbm>> -> memref<64x512xf32, #tpu.memory_space<hbm>>
    tpu.wait_dma2 semaphore(%arg15 : memref<!tpu.dma_semaphore, #tpu.memory_space<semaphore_mem>>) src(%dma_wait3A_428 : memref<64x512xf32, #tpu.memory_space<hbm>>) dst(%arg12 : memref<64x512xf32, #tpu.memory_space<vmem>>)
    %dma_wait3A_429 = arith.constant 0 : i32
    %dma_wait3A_430 = arith.constant 0 : i32
    %dma_wait3A_431 = tpu.memref_slice %arg9[%dma_wait3A_429, %dma_wait3A_430] : memref<4x64xi32, #tpu.memory_space<vmem>> -> memref<1x64xi32, #tpu.memory_space<vmem>>
    %dma_wait3A_432 = tpu.memref_squeeze %dma_wait3A_431 : memref<1x64xi32, #tpu.memory_space<vmem>> -> memref<64xi32, #tpu.memory_space<vmem>>
    %dma_wait3A_433 = arith.constant 0 : i32
    %dma_wait3A_434 = arith.constant 0 : i32
    %dma_wait3A_435 = tpu.memref_slice %arg5[%dma_wait3A_433, %dma_wait3A_434] : memref<12288x512xf32, #tpu.memory_space<hbm>> -> memref<12288x512xf32, #tpu.memory_space<hbm>>
    tpu.wait_indirect_dma semaphore(%arg17 : memref<!tpu.dma_semaphore, #tpu.memory_space<semaphore_mem>>) src(%arg11 : memref<64x512xf32, #tpu.memory_space<vmem>>) dst(%dma_wait3A_435 : memref<12288x512xf32, #tpu.memory_space<hbm>>)
    %add3A_436 = arith.constant 192 : i32
    %add3A_437 = arith.addi %and3A_394, %add3A_436 : i32
    %multiple_of3A_438 = tpu.assume_multiple %add3A_437, 8 : i32
    %dma_start3A_439 = arith.constant 0 : i32
    %dma_start3A_440 = tpu.memref_slice %arg4[%multiple_of3A_438, %dma_start3A_439] : memref<4096x512xf32, #tpu.memory_space<hbm>> -> memref<64x512xf32, #tpu.memory_space<hbm>>
    %dma_start3A_441 = arith.constant 0 : i32
    %dma_start3A_442 = tpu.memref_slice %arg4[%multiple_of3A_438, %dma_start3A_441] : memref<4096x512xf32, #tpu.memory_space<hbm>> -> memref<64x512xf32, #tpu.memory_space<hbm>>
    tpu.enqueue_dma source(%dma_start3A_442 : memref<64x512xf32, #tpu.memory_space<hbm>>) target(%arg11 : memref<64x512xf32, #tpu.memory_space<vmem>>) target_semaphore(%arg14 : memref<!tpu.dma_semaphore, #tpu.memory_space<semaphore_mem>>)
    %dma_start3A_443 = arith.constant 1 : i32
    %dma_start3A_444 = arith.constant 0 : i32
    %dma_start3A_445 = tpu.memref_slice %arg9[%dma_start3A_443, %dma_start3A_444] : memref<4x64xi32, #tpu.memory_space<vmem>> -> memref<1x64xi32, #tpu.memory_space<vmem>>
    %dma_start3A_446 = tpu.memref_squeeze %dma_start3A_445 : memref<1x64xi32, #tpu.memory_space<vmem>> -> memref<64xi32, #tpu.memory_space<vmem>>
    %dma_start3A_447 = arith.constant 0 : i32
    %dma_start3A_448 = arith.constant 0 : i32
    %dma_start3A_449 = tpu.memref_slice %arg5[%dma_start3A_447, %dma_start3A_448] : memref<12288x512xf32, #tpu.memory_space<hbm>> -> memref<12288x512xf32, #tpu.memory_space<hbm>>
    tpu.enqueue_indirect_dma source(%arg12 : memref<64x512xf32, #tpu.memory_space<vmem>>) target(%dma_start3A_449 : memref<12288x512xf32, #tpu.memory_space<hbm>>) offsets(%dma_start3A_446 : memref<64xi32, #tpu.memory_space<vmem>>) semaphore(%arg18 : memref<!tpu.dma_semaphore, #tpu.memory_space<semaphore_mem>>)
    %dma_wait3A_450 = arith.constant 0 : i32
    %dma_wait3A_451 = tpu.memref_slice %arg4[%multiple_of3A_413, %dma_wait3A_450] : memref<4096x512xf32, #tpu.memory_space<hbm>> -> memref<64x512xf32, #tpu.memory_space<hbm>>
    %dma_wait3A_452 = arith.constant 0 : i32
    %dma_wait3A_453 = tpu.memref_slice %arg4[%multiple_of3A_413, %dma_wait3A_452] : memref<4096x512xf32, #tpu.memory_space<hbm>> -> memref<64x512xf32, #tpu.memory_space<hbm>>
    tpu.wait_dma2 semaphore(%arg16 : memref<!tpu.dma_semaphore, #tpu.memory_space<semaphore_mem>>) src(%dma_wait3A_453 : memref<64x512xf32, #tpu.memory_space<hbm>>) dst(%arg13 : memref<64x512xf32, #tpu.memory_space<vmem>>)
    %dma_start3A_454 = arith.constant 2 : i32
    %dma_start3A_455 = arith.constant 0 : i32
    %dma_start3A_456 = tpu.memref_slice %arg9[%dma_start3A_454, %dma_start3A_455] : memref<4x64xi32, #tpu.memory_space<vmem>> -> memref<1x64xi32, #tpu.memory_space<vmem>>
    %dma_start3A_457 = tpu.memref_squeeze %dma_start3A_456 : memref<1x64xi32, #tpu.memory_space<vmem>> -> memref<64xi32, #tpu.memory_space<vmem>>
    %dma_start3A_458 = arith.constant 0 : i32
    %dma_start3A_459 = arith.constant 0 : i32
    %dma_start3A_460 = tpu.memref_slice %arg5[%dma_start3A_458, %dma_start3A_459] : memref<12288x512xf32, #tpu.memory_space<hbm>> -> memref<12288x512xf32, #tpu.memory_space<hbm>>
    tpu.enqueue_indirect_dma source(%arg13 : memref<64x512xf32, #tpu.memory_space<vmem>>) target(%dma_start3A_460 : memref<12288x512xf32, #tpu.memory_space<hbm>>) offsets(%dma_start3A_457 : memref<64xi32, #tpu.memory_space<vmem>>) semaphore(%arg19 : memref<!tpu.dma_semaphore, #tpu.memory_space<semaphore_mem>>)
    %dma_wait3A_461 = arith.constant 0 : i32
    %dma_wait3A_462 = tpu.memref_slice %arg4[%multiple_of3A_438, %dma_wait3A_461] : memref<4096x512xf32, #tpu.memory_space<hbm>> -> memref<64x512xf32, #tpu.memory_space<hbm>>
    %dma_wait3A_463 = arith.constant 0 : i32
    %dma_wait3A_464 = tpu.memref_slice %arg4[%multiple_of3A_438, %dma_wait3A_463] : memref<4096x512xf32, #tpu.memory_space<hbm>> -> memref<64x512xf32, #tpu.memory_space<hbm>>
    tpu.wait_dma2 semaphore(%arg14 : memref<!tpu.dma_semaphore, #tpu.memory_space<semaphore_mem>>) src(%dma_wait3A_464 : memref<64x512xf32, #tpu.memory_space<hbm>>) dst(%arg11 : memref<64x512xf32, #tpu.memory_space<vmem>>)
    %dma_start3A_465 = arith.constant 3 : i32
    %dma_start3A_466 = arith.constant 0 : i32
    %dma_start3A_467 = tpu.memref_slice %arg9[%dma_start3A_465, %dma_start3A_466] : memref<4x64xi32, #tpu.memory_space<vmem>> -> memref<1x64xi32, #tpu.memory_space<vmem>>
    %dma_start3A_468 = tpu.memref_squeeze %dma_start3A_467 : memref<1x64xi32, #tpu.memory_space<vmem>> -> memref<64xi32, #tpu.memory_space<vmem>>
    %dma_start3A_469 = arith.constant 0 : i32
    %dma_start3A_470 = arith.constant 0 : i32
    %dma_start3A_471 = tpu.memref_slice %arg5[%dma_start3A_469, %dma_start3A_470] : memref<12288x512xf32, #tpu.memory_space<hbm>> -> memref<12288x512xf32, #tpu.memory_space<hbm>>
    tpu.enqueue_indirect_dma source(%arg11 : memref<64x512xf32, #tpu.memory_space<vmem>>) target(%dma_start3A_471 : memref<12288x512xf32, #tpu.memory_space<hbm>>) offsets(%dma_start3A_468 : memref<64xi32, #tpu.memory_space<vmem>>) semaphore(%arg17 : memref<!tpu.dma_semaphore, #tpu.memory_space<semaphore_mem>>)
    %dma_wait3A_472 = arith.constant 3 : i32
    %dma_wait3A_473 = arith.constant 0 : i32
    %dma_wait3A_474 = tpu.memref_slice %arg9[%dma_wait3A_472, %dma_wait3A_473] : memref<4x64xi32, #tpu.memory_space<vmem>> -> memref<1x64xi32, #tpu.memory_space<vmem>>
    %dma_wait3A_475 = tpu.memref_squeeze %dma_wait3A_474 : memref<1x64xi32, #tpu.memory_space<vmem>> -> memref<64xi32, #tpu.memory_space<vmem>>
    %dma_wait3A_476 = arith.constant 0 : i32
    %dma_wait3A_477 = arith.constant 0 : i32
    %dma_wait3A_478 = tpu.memref_slice %arg5[%dma_wait3A_476, %dma_wait3A_477] : memref<12288x512xf32, #tpu.memory_space<hbm>> -> memref<12288x512xf32, #tpu.memory_space<hbm>>
    tpu.wait_indirect_dma semaphore(%arg17 : memref<!tpu.dma_semaphore, #tpu.memory_space<semaphore_mem>>) src(%arg11 : memref<64x512xf32, #tpu.memory_space<vmem>>) dst(%dma_wait3A_478 : memref<12288x512xf32, #tpu.memory_space<hbm>>)
    %dma_wait3A_479 = arith.constant 1 : i32
    %dma_wait3A_480 = arith.constant 0 : i32
    %dma_wait3A_481 = tpu.memref_slice %arg9[%dma_wait3A_479, %dma_wait3A_480] : memref<4x64xi32, #tpu.memory_space<vmem>> -> memref<1x64xi32, #tpu.memory_space<vmem>>
    %dma_wait3A_482 = tpu.memref_squeeze %dma_wait3A_481 : memref<1x64xi32, #tpu.memory_space<vmem>> -> memref<64xi32, #tpu.memory_space<vmem>>
    %dma_wait3A_483 = arith.constant 0 : i32
    %dma_wait3A_484 = arith.constant 0 : i32
    %dma_wait3A_485 = tpu.memref_slice %arg5[%dma_wait3A_483, %dma_wait3A_484] : memref<12288x512xf32, #tpu.memory_space<hbm>> -> memref<12288x512xf32, #tpu.memory_space<hbm>>
    tpu.wait_indirect_dma semaphore(%arg18 : memref<!tpu.dma_semaphore, #tpu.memory_space<semaphore_mem>>) src(%arg12 : memref<64x512xf32, #tpu.memory_space<vmem>>) dst(%dma_wait3A_485 : memref<12288x512xf32, #tpu.memory_space<hbm>>)
    %dma_wait3A_486 = arith.constant 2 : i32
    %dma_wait3A_487 = arith.constant 0 : i32
    %dma_wait3A_488 = tpu.memref_slice %arg9[%dma_wait3A_486, %dma_wait3A_487] : memref<4x64xi32, #tpu.memory_space<vmem>> -> memref<1x64xi32, #tpu.memory_space<vmem>>
    %dma_wait3A_489 = tpu.memref_squeeze %dma_wait3A_488 : memref<1x64xi32, #tpu.memory_space<vmem>> -> memref<64xi32, #tpu.memory_space<vmem>>
    %dma_wait3A_490 = arith.constant 0 : i32
    %dma_wait3A_491 = arith.constant 0 : i32
    %dma_wait3A_492 = tpu.memref_slice %arg5[%dma_wait3A_490, %dma_wait3A_491] : memref<12288x512xf32, #tpu.memory_space<hbm>> -> memref<12288x512xf32, #tpu.memory_space<hbm>>
    tpu.wait_indirect_dma semaphore(%arg19 : memref<!tpu.dma_semaphore, #tpu.memory_space<semaphore_mem>>) src(%arg13 : memref<64x512xf32, #tpu.memory_space<vmem>>) dst(%dma_wait3A_492 : memref<12288x512xf32, #tpu.memory_space<hbm>>)
    %dma_wait3A_493 = arith.constant 0 : i32
    %dma_wait3A_494 = arith.constant 0 : i32
    %dma_wait3A_495 = arith.constant 0 : i32
    %dma_wait3A_496 = tpu.memref_slice %arg10[%dma_wait3A_493, %dma_wait3A_495] : memref<4x64xf32, #tpu.memory_space<vmem>> -> memref<1x64xf32, #tpu.memory_space<vmem>>
    %dma_wait3A_497 = tpu.memref_squeeze %dma_wait3A_496 : memref<1x64xf32, #tpu.memory_space<vmem>> -> memref<64xf32, #tpu.memory_space<vmem>>
    %dma_wait3A_498 = arith.constant 0 : i32
    %dma_wait3A_499 = tpu.memref_slice %arg9[%dma_wait3A_494, %dma_wait3A_498] : memref<4x64xi32, #tpu.memory_space<vmem>> -> memref<1x64xi32, #tpu.memory_space<vmem>>
    %dma_wait3A_500 = tpu.memref_squeeze %dma_wait3A_499 : memref<1x64xi32, #tpu.memory_space<vmem>> -> memref<64xi32, #tpu.memory_space<vmem>>
    %dma_wait3A_501 = arith.constant 0 : i32
    %dma_wait3A_502 = tpu.memref_slice %arg6[%dma_wait3A_501] : memref<12288xf32, #tpu.memory_space<hbm>> -> memref<12288xf32, #tpu.memory_space<hbm>>
    tpu.wait_indirect_dma semaphore(%arg20 : memref<!tpu.dma_semaphore, #tpu.memory_space<semaphore_mem>>) src(%dma_wait3A_497 : memref<64xf32, #tpu.memory_space<vmem>>) dst(%dma_wait3A_502 : memref<12288xf32, #tpu.memory_space<hbm>>)
    %dma_wait3A_503 = arith.constant 1 : i32
    %dma_wait3A_504 = arith.constant 1 : i32
    %dma_wait3A_505 = arith.constant 0 : i32
    %dma_wait3A_506 = tpu.memref_slice %arg10[%dma_wait3A_503, %dma_wait3A_505] : memref<4x64xf32, #tpu.memory_space<vmem>> -> memref<1x64xf32, #tpu.memory_space<vmem>>
    %dma_wait3A_507 = tpu.memref_squeeze %dma_wait3A_506 : memref<1x64xf32, #tpu.memory_space<vmem>> -> memref<64xf32, #tpu.memory_space<vmem>>
    %dma_wait3A_508 = arith.constant 0 : i32
    %dma_wait3A_509 = tpu.memref_slice %arg9[%dma_wait3A_504, %dma_wait3A_508] : memref<4x64xi32, #tpu.memory_space<vmem>> -> memref<1x64xi32, #tpu.memory_space<vmem>>
    %dma_wait3A_510 = tpu.memref_squeeze %dma_wait3A_509 : memref<1x64xi32, #tpu.memory_space<vmem>> -> memref<64xi32, #tpu.memory_space<vmem>>
    %dma_wait3A_511 = arith.constant 0 : i32
    %dma_wait3A_512 = tpu.memref_slice %arg6[%dma_wait3A_511] : memref<12288xf32, #tpu.memory_space<hbm>> -> memref<12288xf32, #tpu.memory_space<hbm>>
    tpu.wait_indirect_dma semaphore(%arg20 : memref<!tpu.dma_semaphore, #tpu.memory_space<semaphore_mem>>) src(%dma_wait3A_507 : memref<64xf32, #tpu.memory_space<vmem>>) dst(%dma_wait3A_512 : memref<12288xf32, #tpu.memory_space<hbm>>)
    %dma_wait3A_513 = arith.constant 2 : i32
    %dma_wait3A_514 = arith.constant 2 : i32
    %dma_wait3A_515 = arith.constant 0 : i32
    %dma_wait3A_516 = tpu.memref_slice %arg10[%dma_wait3A_513, %dma_wait3A_515] : memref<4x64xf32, #tpu.memory_space<vmem>> -> memref<1x64xf32, #tpu.memory_space<vmem>>
    %dma_wait3A_517 = tpu.memref_squeeze %dma_wait3A_516 : memref<1x64xf32, #tpu.memory_space<vmem>> -> memref<64xf32, #tpu.memory_space<vmem>>
    %dma_wait3A_518 = arith.constant 0 : i32
    %dma_wait3A_519 = tpu.memref_slice %arg9[%dma_wait3A_514, %dma_wait3A_518] : memref<4x64xi32, #tpu.memory_space<vmem>> -> memref<1x64xi32, #tpu.memory_space<vmem>>
    %dma_wait3A_520 = tpu.memref_squeeze %dma_wait3A_519 : memref<1x64xi32, #tpu.memory_space<vmem>> -> memref<64xi32, #tpu.memory_space<vmem>>
    %dma_wait3A_521 = arith.constant 0 : i32
    %dma_wait3A_522 = tpu.memref_slice %arg6[%dma_wait3A_521] : memref<12288xf32, #tpu.memory_space<hbm>> -> memref<12288xf32, #tpu.memory_space<hbm>>
    tpu.wait_indirect_dma semaphore(%arg20 : memref<!tpu.dma_semaphore, #tpu.memory_space<semaphore_mem>>) src(%dma_wait3A_517 : memref<64xf32, #tpu.memory_space<vmem>>) dst(%dma_wait3A_522 : memref<12288xf32, #tpu.memory_space<hbm>>)
    %dma_wait3A_523 = arith.constant 3 : i32
    %dma_wait3A_524 = arith.constant 3 : i32
    %dma_wait3A_525 = arith.constant 0 : i32
    %dma_wait3A_526 = tpu.memref_slice %arg10[%dma_wait3A_523, %dma_wait3A_525] : memref<4x64xf32, #tpu.memory_space<vmem>> -> memref<1x64xf32, #tpu.memory_space<vmem>>
    %dma_wait3A_527 = tpu.memref_squeeze %dma_wait3A_526 : memref<1x64xf32, #tpu.memory_space<vmem>> -> memref<64xf32, #tpu.memory_space<vmem>>
    %dma_wait3A_528 = arith.constant 0 : i32
    %dma_wait3A_529 = tpu.memref_slice %arg9[%dma_wait3A_524, %dma_wait3A_528] : memref<4x64xi32, #tpu.memory_space<vmem>> -> memref<1x64xi32, #tpu.memory_space<vmem>>
    %dma_wait3A_530 = tpu.memref_squeeze %dma_wait3A_529 : memref<1x64xi32, #tpu.memory_space<vmem>> -> memref<64xi32, #tpu.memory_space<vmem>>
    %dma_wait3A_531 = arith.constant 0 : i32
    %dma_wait3A_532 = tpu.memref_slice %arg6[%dma_wait3A_531] : memref<12288xf32, #tpu.memory_space<hbm>> -> memref<12288xf32, #tpu.memory_space<hbm>>
    tpu.wait_indirect_dma semaphore(%arg20 : memref<!tpu.dma_semaphore, #tpu.memory_space<semaphore_mem>>) src(%dma_wait3A_527 : memref<64xf32, #tpu.memory_space<vmem>>) dst(%dma_wait3A_532 : memref<12288xf32, #tpu.memory_space<hbm>>)
    return
  }
}

#map = affine_map<(d0, d1) -> (0, 0)>
module attributes {stable_mosaic.version = 14 : i64} {
  func.func @_sc_combine_body(%arg0: i32, %arg1: i32, %arg2: memref<64x128xi32, #tpu.memory_space<hbm>>, %arg3: memref<12288x1024xf32, #tpu.memory_space<hbm>>, %arg4: memref<4096x1024xf32, #tpu.memory_space<hbm>>, %arg5: memref<128xi32, #tpu.memory_space<vmem>>, %arg6: memref<128xi32, #tpu.memory_space<vmem>>, %arg7: memref<16x1024xf32, #tpu.memory_space<vmem>>, %arg8: memref<16x1024xf32, #tpu.memory_space<vmem>>, %arg9: memref<16x1024xf32, #tpu.memory_space<vmem>>, %arg10: memref<16x1024xf32, #tpu.memory_space<vmem>>, %arg11: memref<!tpu.dma_semaphore, #tpu.memory_space<semaphore_mem>>, %arg12: memref<!tpu.dma_semaphore, #tpu.memory_space<semaphore_mem>>, %arg13: memref<!tpu.dma_semaphore, #tpu.memory_space<semaphore_mem>>, %arg14: memref<!tpu.dma_semaphore, #tpu.memory_space<semaphore_mem>>, %arg15: memref<!tpu.dma_semaphore, #tpu.memory_space<semaphore_mem>>, %arg16: memref<!tpu.dma_semaphore, #tpu.memory_space<semaphore_mem>>) attributes {dimension_semantics = [#tpu.dimension_semantics<core_parallel>, #tpu.dimension_semantics<subcore_parallel>], iteration_bounds = array<i64: 2, 16>, scalar_prefetch = 0 : i64, scratch_operands = 12 : i64, tpu.core_type = #tpu.core_type<sc_vector_subcore>, window_params = [{transform_indices = #map}, {transform_indices = #map}, {transform_indices = #map}]} {
    %mul3A = arith.constant 2 : i32
    %mul3A_0 = arith.muli %arg1, %mul3A : i32
    %add3A = arith.addi %mul3A_0, %arg0 : i32
    %mul3A_1 = arith.constant 128 : i32
    %mul3A_2 = arith.muli %add3A, %mul3A_1 : i32
    %multiple_of3A = tpu.assume_multiple %mul3A_2, 8 : i32
    "tpu.region"() ({
      %run_scoped3A = tpu.sem_alloc : memref<!tpu.dma_semaphore, #tpu.memory_space<semaphore_mem>>
      %dma_start3A_290 = arith.constant 0 : i32
      %dma_start3A_291 = tpu.memref_slice %arg2[%add3A, %dma_start3A_290] : memref<64x128xi32, #tpu.memory_space<hbm>> -> memref<1x128xi32, #tpu.memory_space<hbm>>
      %dma_start3A_292 = tpu.memref_squeeze %dma_start3A_291 : memref<1x128xi32, #tpu.memory_space<hbm>> -> memref<128xi32, #tpu.memory_space<hbm>>
      %dma_start3A_293 = arith.constant 0 : i32
      %dma_start3A_294 = tpu.memref_slice %arg2[%add3A, %dma_start3A_293] : memref<64x128xi32, #tpu.memory_space<hbm>> -> memref<1x128xi32, #tpu.memory_space<hbm>>
      %dma_start3A_295 = tpu.memref_squeeze %dma_start3A_294 : memref<1x128xi32, #tpu.memory_space<hbm>> -> memref<128xi32, #tpu.memory_space<hbm>>
      tpu.enqueue_dma source(%dma_start3A_295 : memref<128xi32, #tpu.memory_space<hbm>>) target(%arg5 : memref<128xi32, #tpu.memory_space<vmem>>) target_semaphore(%run_scoped3A : memref<!tpu.dma_semaphore, #tpu.memory_space<semaphore_mem>>)
      %dma_wait3A_296 = arith.constant 0 : i32
      %dma_wait3A_297 = tpu.memref_slice %arg2[%add3A, %dma_wait3A_296] : memref<64x128xi32, #tpu.memory_space<hbm>> -> memref<1x128xi32, #tpu.memory_space<hbm>>
      %dma_wait3A_298 = tpu.memref_squeeze %dma_wait3A_297 : memref<1x128xi32, #tpu.memory_space<hbm>> -> memref<128xi32, #tpu.memory_space<hbm>>
      %dma_wait3A_299 = arith.constant 0 : i32
      %dma_wait3A_300 = tpu.memref_slice %arg2[%add3A, %dma_wait3A_299] : memref<64x128xi32, #tpu.memory_space<hbm>> -> memref<1x128xi32, #tpu.memory_space<hbm>>
      %dma_wait3A_301 = tpu.memref_squeeze %dma_wait3A_300 : memref<1x128xi32, #tpu.memory_space<hbm>> -> memref<128xi32, #tpu.memory_space<hbm>>
      tpu.wait_dma2 semaphore(%run_scoped3A : memref<!tpu.dma_semaphore, #tpu.memory_space<semaphore_mem>>) src(%dma_wait3A_301 : memref<128xi32, #tpu.memory_space<hbm>>) dst(%arg5 : memref<128xi32, #tpu.memory_space<vmem>>)
      tpu.yield
    }) : () -> ()
    %add3A_3 = arith.constant 32 : i32
    %add3A_4 = arith.addi %add3A_3, %add3A : i32
    "tpu.region"() ({
      %run_scoped3A = tpu.sem_alloc : memref<!tpu.dma_semaphore, #tpu.memory_space<semaphore_mem>>
      %dma_start3A_290 = arith.constant 0 : i32
      %dma_start3A_291 = tpu.memref_slice %arg2[%add3A_4, %dma_start3A_290] : memref<64x128xi32, #tpu.memory_space<hbm>> -> memref<1x128xi32, #tpu.memory_space<hbm>>
      %dma_start3A_292 = tpu.memref_squeeze %dma_start3A_291 : memref<1x128xi32, #tpu.memory_space<hbm>> -> memref<128xi32, #tpu.memory_space<hbm>>
      %dma_start3A_293 = arith.constant 0 : i32
      %dma_start3A_294 = tpu.memref_slice %arg2[%add3A_4, %dma_start3A_293] : memref<64x128xi32, #tpu.memory_space<hbm>> -> memref<1x128xi32, #tpu.memory_space<hbm>>
      %dma_start3A_295 = tpu.memref_squeeze %dma_start3A_294 : memref<1x128xi32, #tpu.memory_space<hbm>> -> memref<128xi32, #tpu.memory_space<hbm>>
      tpu.enqueue_dma source(%dma_start3A_295 : memref<128xi32, #tpu.memory_space<hbm>>) target(%arg6 : memref<128xi32, #tpu.memory_space<vmem>>) target_semaphore(%run_scoped3A : memref<!tpu.dma_semaphore, #tpu.memory_space<semaphore_mem>>)
      %dma_wait3A_296 = arith.constant 0 : i32
      %dma_wait3A_297 = tpu.memref_slice %arg2[%add3A_4, %dma_wait3A_296] : memref<64x128xi32, #tpu.memory_space<hbm>> -> memref<1x128xi32, #tpu.memory_space<hbm>>
      %dma_wait3A_298 = tpu.memref_squeeze %dma_wait3A_297 : memref<1x128xi32, #tpu.memory_space<hbm>> -> memref<128xi32, #tpu.memory_space<hbm>>
      %dma_wait3A_299 = arith.constant 0 : i32
      %dma_wait3A_300 = tpu.memref_slice %arg2[%add3A_4, %dma_wait3A_299] : memref<64x128xi32, #tpu.memory_space<hbm>> -> memref<1x128xi32, #tpu.memory_space<hbm>>
      %dma_wait3A_301 = tpu.memref_squeeze %dma_wait3A_300 : memref<1x128xi32, #tpu.memory_space<hbm>> -> memref<128xi32, #tpu.memory_space<hbm>>
      tpu.wait_dma2 semaphore(%run_scoped3A : memref<!tpu.dma_semaphore, #tpu.memory_space<semaphore_mem>>) src(%dma_wait3A_301 : memref<128xi32, #tpu.memory_space<hbm>>) dst(%arg6 : memref<128xi32, #tpu.memory_space<vmem>>)
      tpu.yield
    }) : () -> ()
    %dma_start3A = arith.constant 0 : i32
    %dma_start3A_5 = tpu.memref_slice %arg5[%dma_start3A] : memref<128xi32, #tpu.memory_space<vmem>> -> memref<16xi32, #tpu.memory_space<vmem>>
    %dma_start3A_6 = arith.constant 0 : i32
    %dma_start3A_7 = arith.constant 0 : i32
    %dma_start3A_8 = tpu.memref_slice %arg3[%dma_start3A_6, %dma_start3A_7] : memref<12288x1024xf32, #tpu.memory_space<hbm>> -> memref<12288x1024xf32, #tpu.memory_space<hbm>>
    tpu.enqueue_indirect_dma source(%dma_start3A_8 : memref<12288x1024xf32, #tpu.memory_space<hbm>>) target(%arg7 : memref<16x1024xf32, #tpu.memory_space<vmem>>) offsets(%dma_start3A_5 : memref<16xi32, #tpu.memory_space<vmem>>) semaphore(%arg11 : memref<!tpu.dma_semaphore, #tpu.memory_space<semaphore_mem>>)
    %dma_start3A_9 = arith.constant 0 : i32
    %dma_start3A_10 = tpu.memref_slice %arg6[%dma_start3A_9] : memref<128xi32, #tpu.memory_space<vmem>> -> memref<16xi32, #tpu.memory_space<vmem>>
    %dma_start3A_11 = arith.constant 0 : i32
    %dma_start3A_12 = arith.constant 0 : i32
    %dma_start3A_13 = tpu.memref_slice %arg3[%dma_start3A_11, %dma_start3A_12] : memref<12288x1024xf32, #tpu.memory_space<hbm>> -> memref<12288x1024xf32, #tpu.memory_space<hbm>>
    tpu.enqueue_indirect_dma source(%dma_start3A_13 : memref<12288x1024xf32, #tpu.memory_space<hbm>>) target(%arg8 : memref<16x1024xf32, #tpu.memory_space<vmem>>) offsets(%dma_start3A_10 : memref<16xi32, #tpu.memory_space<vmem>>) semaphore(%arg12 : memref<!tpu.dma_semaphore, #tpu.memory_space<semaphore_mem>>)
    %dma_wait3A = arith.constant 0 : i32
    %dma_wait3A_14 = tpu.memref_slice %arg5[%dma_wait3A] : memref<128xi32, #tpu.memory_space<vmem>> -> memref<16xi32, #tpu.memory_space<vmem>>
    %dma_wait3A_15 = arith.constant 0 : i32
    %dma_wait3A_16 = arith.constant 0 : i32
    %dma_wait3A_17 = tpu.memref_slice %arg3[%dma_wait3A_15, %dma_wait3A_16] : memref<12288x1024xf32, #tpu.memory_space<hbm>> -> memref<12288x1024xf32, #tpu.memory_space<hbm>>
    tpu.wait_indirect_dma semaphore(%arg11 : memref<!tpu.dma_semaphore, #tpu.memory_space<semaphore_mem>>) src(%dma_wait3A_17 : memref<12288x1024xf32, #tpu.memory_space<hbm>>) dst(%arg7 : memref<16x1024xf32, #tpu.memory_space<vmem>>)
    %dma_wait3A_18 = arith.constant 0 : i32
    %dma_wait3A_19 = tpu.memref_slice %arg6[%dma_wait3A_18] : memref<128xi32, #tpu.memory_space<vmem>> -> memref<16xi32, #tpu.memory_space<vmem>>
    %dma_wait3A_20 = arith.constant 0 : i32
    %dma_wait3A_21 = arith.constant 0 : i32
    %dma_wait3A_22 = tpu.memref_slice %arg3[%dma_wait3A_20, %dma_wait3A_21] : memref<12288x1024xf32, #tpu.memory_space<hbm>> -> memref<12288x1024xf32, #tpu.memory_space<hbm>>
    tpu.wait_indirect_dma semaphore(%arg12 : memref<!tpu.dma_semaphore, #tpu.memory_space<semaphore_mem>>) src(%dma_wait3A_22 : memref<12288x1024xf32, #tpu.memory_space<hbm>>) dst(%arg8 : memref<16x1024xf32, #tpu.memory_space<vmem>>)
    %dma_start3A_23 = arith.constant 16 : i32
    %dma_start3A_24 = tpu.memref_slice %arg5[%dma_start3A_23] : memref<128xi32, #tpu.memory_space<vmem>> -> memref<16xi32, #tpu.memory_space<vmem>>
    %dma_start3A_25 = arith.constant 0 : i32
    %dma_start3A_26 = arith.constant 0 : i32
    %dma_start3A_27 = tpu.memref_slice %arg3[%dma_start3A_25, %dma_start3A_26] : memref<12288x1024xf32, #tpu.memory_space<hbm>> -> memref<12288x1024xf32, #tpu.memory_space<hbm>>
    tpu.enqueue_indirect_dma source(%dma_start3A_27 : memref<12288x1024xf32, #tpu.memory_space<hbm>>) target(%arg9 : memref<16x1024xf32, #tpu.memory_space<vmem>>) offsets(%dma_start3A_24 : memref<16xi32, #tpu.memory_space<vmem>>) semaphore(%arg13 : memref<!tpu.dma_semaphore, #tpu.memory_space<semaphore_mem>>)
    %dma_start3A_28 = arith.constant 16 : i32
    %dma_start3A_29 = tpu.memref_slice %arg6[%dma_start3A_28] : memref<128xi32, #tpu.memory_space<vmem>> -> memref<16xi32, #tpu.memory_space<vmem>>
    %dma_start3A_30 = arith.constant 0 : i32
    %dma_start3A_31 = arith.constant 0 : i32
    %dma_start3A_32 = tpu.memref_slice %arg3[%dma_start3A_30, %dma_start3A_31] : memref<12288x1024xf32, #tpu.memory_space<hbm>> -> memref<12288x1024xf32, #tpu.memory_space<hbm>>
    tpu.enqueue_indirect_dma source(%dma_start3A_32 : memref<12288x1024xf32, #tpu.memory_space<hbm>>) target(%arg10 : memref<16x1024xf32, #tpu.memory_space<vmem>>) offsets(%dma_start3A_29 : memref<16xi32, #tpu.memory_space<vmem>>) semaphore(%arg14 : memref<!tpu.dma_semaphore, #tpu.memory_space<semaphore_mem>>)
    %scan3A = arith.constant 0 : i32
    %scan3A_33 = arith.constant 0 : i32
    %scan3A_34 = arith.constant 64 : i32
    %scan3A_35 = arith.addi %scan3A_33, %scan3A_34 : i32
    %scan3A_36 = arith.constant 1 : i32
    scf.for %scan3A_290 = %scan3A_33 to %scan3A_35 step %scan3A_36  : i32 {
      %mul3A_291 = arith.constant 16 : i32
      %mul3A_292 = arith.muli %scan3A_290, %mul3A_291 : i32
      %multiple_of3A_293 = tpu.assume_multiple %mul3A_292, 16 : i32
      %get3A = arith.constant 0 : i32
      %get3A_294 = arith.index_cast %get3A : i32 to index
      %get3A_295 = arith.index_cast %multiple_of3A_293 : i32 to index
      %get3A_296 = tpu.vector_load %arg7[%get3A_294, %get3A_295] {strides = array<i32>} : memref<16x1024xf32, #tpu.memory_space<vmem>>, vector<1x16xf32>,
      %get3A_297 = vector.shape_cast %get3A_296 : vector<1x16xf32> to vector<16xf32>
      %get3A_298 = arith.constant 0 : i32
      %get3A_299 = arith.index_cast %get3A_298 : i32 to index
      %get3A_300 = arith.index_cast %multiple_of3A_293 : i32 to index
      %get3A_301 = tpu.vector_load %arg8[%get3A_299, %get3A_300] {strides = array<i32>} : memref<16x1024xf32, #tpu.memory_space<vmem>>, vector<1x16xf32>,
      %get3A_302 = vector.shape_cast %get3A_301 : vector<1x16xf32> to vector<16xf32>
      %add3A_303 = arith.addf %get3A_297, %get3A_302 : vector<16xf32>
      %swap3A = arith.constant 0 : i32
      %swap3A_304 = arith.index_cast %swap3A : i32 to index
      %swap3A_305 = arith.index_cast %multiple_of3A_293 : i32 to index
      %swap3A_306 = tpu.vector_load %arg7[%swap3A_304, %swap3A_305] {strides = array<i32>} : memref<16x1024xf32, #tpu.memory_space<vmem>>, vector<1x16xf32>,
      %swap3A_307 = vector.shape_cast %swap3A_306 : vector<1x16xf32> to vector<16xf32>
      %swap3A_308 = vector.shape_cast %add3A_303 : vector<16xf32> to vector<1x16xf32>
      tpu.vector_store %arg7[%swap3A_304, %swap3A_305], %swap3A_308 {strides = array<i32>} : memref<16x1024xf32, #tpu.memory_space<vmem>>, vector<1x16xf32>,
      %get3A_309 = arith.constant 1 : i32
      %get3A_310 = arith.index_cast %get3A_309 : i32 to index
      %get3A_311 = arith.index_cast %multiple_of3A_293 : i32 to index
      %get3A_312 = tpu.vector_load %arg7[%get3A_310, %get3A_311] {strides = array<i32>} : memref<16x1024xf32, #tpu.memory_space<vmem>>, vector<1x16xf32>,
      %get3A_313 = vector.shape_cast %get3A_312 : vector<1x16xf32> to vector<16xf32>
      %get3A_314 = arith.constant 1 : i32
      %get3A_315 = arith.index_cast %get3A_314 : i32 to index
      %get3A_316 = arith.index_cast %multiple_of3A_293 : i32 to index
      %get3A_317 = tpu.vector_load %arg8[%get3A_315, %get3A_316] {strides = array<i32>} : memref<16x1024xf32, #tpu.memory_space<vmem>>, vector<1x16xf32>,
      %get3A_318 = vector.shape_cast %get3A_317 : vector<1x16xf32> to vector<16xf32>
      %add3A_319 = arith.addf %get3A_313, %get3A_318 : vector<16xf32>
      %swap3A_320 = arith.constant 1 : i32
      %swap3A_321 = arith.index_cast %swap3A_320 : i32 to index
      %swap3A_322 = arith.index_cast %multiple_of3A_293 : i32 to index
      %swap3A_323 = tpu.vector_load %arg7[%swap3A_321, %swap3A_322] {strides = array<i32>} : memref<16x1024xf32, #tpu.memory_space<vmem>>, vector<1x16xf32>,
      %swap3A_324 = vector.shape_cast %swap3A_323 : vector<1x16xf32> to vector<16xf32>
      %swap3A_325 = vector.shape_cast %add3A_319 : vector<16xf32> to vector<1x16xf32>
      tpu.vector_store %arg7[%swap3A_321, %swap3A_322], %swap3A_325 {strides = array<i32>} : memref<16x1024xf32, #tpu.memory_space<vmem>>, vector<1x16xf32>,
      %get3A_326 = arith.constant 2 : i32
      %get3A_327 = arith.index_cast %get3A_326 : i32 to index
      %get3A_328 = arith.index_cast %multiple_of3A_293 : i32 to index
      %get3A_329 = tpu.vector_load %arg7[%get3A_327, %get3A_328] {strides = array<i32>} : memref<16x1024xf32, #tpu.memory_space<vmem>>, vector<1x16xf32>,
      %get3A_330 = vector.shape_cast %get3A_329 : vector<1x16xf32> to vector<16xf32>
      %get3A_331 = arith.constant 2 : i32
      %get3A_332 = arith.index_cast %get3A_331 : i32 to index
      %get3A_333 = arith.index_cast %multiple_of3A_293 : i32 to index
      %get3A_334 = tpu.vector_load %arg8[%get3A_332, %get3A_333] {strides = array<i32>} : memref<16x1024xf32, #tpu.memory_space<vmem>>, vector<1x16xf32>,
      %get3A_335 = vector.shape_cast %get3A_334 : vector<1x16xf32> to vector<16xf32>
      %add3A_336 = arith.addf %get3A_330, %get3A_335 : vector<16xf32>
      %swap3A_337 = arith.constant 2 : i32
      %swap3A_338 = arith.index_cast %swap3A_337 : i32 to index
      %swap3A_339 = arith.index_cast %multiple_of3A_293 : i32 to index
      %swap3A_340 = tpu.vector_load %arg7[%swap3A_338, %swap3A_339] {strides = array<i32>} : memref<16x1024xf32, #tpu.memory_space<vmem>>, vector<1x16xf32>,
      %swap3A_341 = vector.shape_cast %swap3A_340 : vector<1x16xf32> to vector<16xf32>
      %swap3A_342 = vector.shape_cast %add3A_336 : vector<16xf32> to vector<1x16xf32>
      tpu.vector_store %arg7[%swap3A_338, %swap3A_339], %swap3A_342 {strides = array<i32>} : memref<16x1024xf32, #tpu.memory_space<vmem>>, vector<1x16xf32>,
      %get3A_343 = arith.constant 3 : i32
      %get3A_344 = arith.index_cast %get3A_343 : i32 to index
      %get3A_345 = arith.index_cast %multiple_of3A_293 : i32 to index
      %get3A_346 = tpu.vector_load %arg7[%get3A_344, %get3A_345] {strides = array<i32>} : memref<16x1024xf32, #tpu.memory_space<vmem>>, vector<1x16xf32>,
      %get3A_347 = vector.shape_cast %get3A_346 : vector<1x16xf32> to vector<16xf32>
      %get3A_348 = arith.constant 3 : i32
      %get3A_349 = arith.index_cast %get3A_348 : i32 to index
      %get3A_350 = arith.index_cast %multiple_of3A_293 : i32 to index
      %get3A_351 = tpu.vector_load %arg8[%get3A_349, %get3A_350] {strides = array<i32>} : memref<16x1024xf32, #tpu.memory_space<vmem>>, vector<1x16xf32>,
      %get3A_352 = vector.shape_cast %get3A_351 : vector<1x16xf32> to vector<16xf32>
      %add3A_353 = arith.addf %get3A_347, %get3A_352 : vector<16xf32>
      %swap3A_354 = arith.constant 3 : i32
      %swap3A_355 = arith.index_cast %swap3A_354 : i32 to index
      %swap3A_356 = arith.index_cast %multiple_of3A_293 : i32 to index
      %swap3A_357 = tpu.vector_load %arg7[%swap3A_355, %swap3A_356] {strides = array<i32>} : memref<16x1024xf32, #tpu.memory_space<vmem>>, vector<1x16xf32>,
      %swap3A_358 = vector.shape_cast %swap3A_357 : vector<1x16xf32> to vector<16xf32>
      %swap3A_359 = vector.shape_cast %add3A_353 : vector<16xf32> to vector<1x16xf32>
      tpu.vector_store %arg7[%swap3A_355, %swap3A_356], %swap3A_359 {strides = array<i32>} : memref<16x1024xf32, #tpu.memory_space<vmem>>, vector<1x16xf32>,
      %get3A_360 = arith.constant 4 : i32
      %get3A_361 = arith.index_cast %get3A_360 : i32 to index
      %get3A_362 = arith.index_cast %multiple_of3A_293 : i32 to index
      %get3A_363 = tpu.vector_load %arg7[%get3A_361, %get3A_362] {strides = array<i32>} : memref<16x1024xf32, #tpu.memory_space<vmem>>, vector<1x16xf32>,
      %get3A_364 = vector.shape_cast %get3A_363 : vector<1x16xf32> to vector<16xf32>
      %get3A_365 = arith.constant 4 : i32
      %get3A_366 = arith.index_cast %get3A_365 : i32 to index
      %get3A_367 = arith.index_cast %multiple_of3A_293 : i32 to index
      %get3A_368 = tpu.vector_load %arg8[%get3A_366, %get3A_367] {strides = array<i32>} : memref<16x1024xf32, #tpu.memory_space<vmem>>, vector<1x16xf32>,
      %get3A_369 = vector.shape_cast %get3A_368 : vector<1x16xf32> to vector<16xf32>
      %add3A_370 = arith.addf %get3A_364, %get3A_369 : vector<16xf32>
      %swap3A_371 = arith.constant 4 : i32
      %swap3A_372 = arith.index_cast %swap3A_371 : i32 to index
      %swap3A_373 = arith.index_cast %multiple_of3A_293 : i32 to index
      %swap3A_374 = tpu.vector_load %arg7[%swap3A_372, %swap3A_373] {strides = array<i32>} : memref<16x1024xf32, #tpu.memory_space<vmem>>, vector<1x16xf32>,
      %swap3A_375 = vector.shape_cast %swap3A_374 : vector<1x16xf32> to vector<16xf32>
      %swap3A_376 = vector.shape_cast %add3A_370 : vector<16xf32> to vector<1x16xf32>
      tpu.vector_store %arg7[%swap3A_372, %swap3A_373], %swap3A_376 {strides = array<i32>} : memref<16x1024xf32, #tpu.memory_space<vmem>>, vector<1x16xf32>,
      %get3A_377 = arith.constant 5 : i32
      %get3A_378 = arith.index_cast %get3A_377 : i32 to index
      %get3A_379 = arith.index_cast %multiple_of3A_293 : i32 to index
      %get3A_380 = tpu.vector_load %arg7[%get3A_378, %get3A_379] {strides = array<i32>} : memref<16x1024xf32, #tpu.memory_space<vmem>>, vector<1x16xf32>,
      %get3A_381 = vector.shape_cast %get3A_380 : vector<1x16xf32> to vector<16xf32>
      %get3A_382 = arith.constant 5 : i32
      %get3A_383 = arith.index_cast %get3A_382 : i32 to index
      %get3A_384 = arith.index_cast %multiple_of3A_293 : i32 to index
      %get3A_385 = tpu.vector_load %arg8[%get3A_383, %get3A_384] {strides = array<i32>} : memref<16x1024xf32, #tpu.memory_space<vmem>>, vector<1x16xf32>,
      %get3A_386 = vector.shape_cast %get3A_385 : vector<1x16xf32> to vector<16xf32>
      %add3A_387 = arith.addf %get3A_381, %get3A_386 : vector<16xf32>
      %swap3A_388 = arith.constant 5 : i32
      %swap3A_389 = arith.index_cast %swap3A_388 : i32 to index
      %swap3A_390 = arith.index_cast %multiple_of3A_293 : i32 to index
      %swap3A_391 = tpu.vector_load %arg7[%swap3A_389, %swap3A_390] {strides = array<i32>} : memref<16x1024xf32, #tpu.memory_space<vmem>>, vector<1x16xf32>,
      %swap3A_392 = vector.shape_cast %swap3A_391 : vector<1x16xf32> to vector<16xf32>
      %swap3A_393 = vector.shape_cast %add3A_387 : vector<16xf32> to vector<1x16xf32>
      tpu.vector_store %arg7[%swap3A_389, %swap3A_390], %swap3A_393 {strides = array<i32>} : memref<16x1024xf32, #tpu.memory_space<vmem>>, vector<1x16xf32>,
      %get3A_394 = arith.constant 6 : i32
      %get3A_395 = arith.index_cast %get3A_394 : i32 to index
      %get3A_396 = arith.index_cast %multiple_of3A_293 : i32 to index
      %get3A_397 = tpu.vector_load %arg7[%get3A_395, %get3A_396] {strides = array<i32>} : memref<16x1024xf32, #tpu.memory_space<vmem>>, vector<1x16xf32>,
      %get3A_398 = vector.shape_cast %get3A_397 : vector<1x16xf32> to vector<16xf32>
      %get3A_399 = arith.constant 6 : i32
      %get3A_400 = arith.index_cast %get3A_399 : i32 to index
      %get3A_401 = arith.index_cast %multiple_of3A_293 : i32 to index
      %get3A_402 = tpu.vector_load %arg8[%get3A_400, %get3A_401] {strides = array<i32>} : memref<16x1024xf32, #tpu.memory_space<vmem>>, vector<1x16xf32>,
      %get3A_403 = vector.shape_cast %get3A_402 : vector<1x16xf32> to vector<16xf32>
      %add3A_404 = arith.addf %get3A_398, %get3A_403 : vector<16xf32>
      %swap3A_405 = arith.constant 6 : i32
      %swap3A_406 = arith.index_cast %swap3A_405 : i32 to index
      %swap3A_407 = arith.index_cast %multiple_of3A_293 : i32 to index
      %swap3A_408 = tpu.vector_load %arg7[%swap3A_406, %swap3A_407] {strides = array<i32>} : memref<16x1024xf32, #tpu.memory_space<vmem>>, vector<1x16xf32>,
      %swap3A_409 = vector.shape_cast %swap3A_408 : vector<1x16xf32> to vector<16xf32>
      %swap3A_410 = vector.shape_cast %add3A_404 : vector<16xf32> to vector<1x16xf32>
      tpu.vector_store %arg7[%swap3A_406, %swap3A_407], %swap3A_410 {strides = array<i32>} : memref<16x1024xf32, #tpu.memory_space<vmem>>, vector<1x16xf32>,
      %get3A_411 = arith.constant 7 : i32
      %get3A_412 = arith.index_cast %get3A_411 : i32 to index
      %get3A_413 = arith.index_cast %multiple_of3A_293 : i32 to index
      %get3A_414 = tpu.vector_load %arg7[%get3A_412, %get3A_413] {strides = array<i32>} : memref<16x1024xf32, #tpu.memory_space<vmem>>, vector<1x16xf32>,
      %get3A_415 = vector.shape_cast %get3A_414 : vector<1x16xf32> to vector<16xf32>
      %get3A_416 = arith.constant 7 : i32
      %get3A_417 = arith.index_cast %get3A_416 : i32 to index
      %get3A_418 = arith.index_cast %multiple_of3A_293 : i32 to index
      %get3A_419 = tpu.vector_load %arg8[%get3A_417, %get3A_418] {strides = array<i32>} : memref<16x1024xf32, #tpu.memory_space<vmem>>, vector<1x16xf32>,
      %get3A_420 = vector.shape_cast %get3A_419 : vector<1x16xf32> to vector<16xf32>
      %add3A_421 = arith.addf %get3A_415, %get3A_420 : vector<16xf32>
      %swap3A_422 = arith.constant 7 : i32
      %swap3A_423 = arith.index_cast %swap3A_422 : i32 to index
      %swap3A_424 = arith.index_cast %multiple_of3A_293 : i32 to index
      %swap3A_425 = tpu.vector_load %arg7[%swap3A_423, %swap3A_424] {strides = array<i32>} : memref<16x1024xf32, #tpu.memory_space<vmem>>, vector<1x16xf32>,
      %swap3A_426 = vector.shape_cast %swap3A_425 : vector<1x16xf32> to vector<16xf32>
      %swap3A_427 = vector.shape_cast %add3A_421 : vector<16xf32> to vector<1x16xf32>
      tpu.vector_store %arg7[%swap3A_423, %swap3A_424], %swap3A_427 {strides = array<i32>} : memref<16x1024xf32, #tpu.memory_space<vmem>>, vector<1x16xf32>,
      %get3A_428 = arith.constant 8 : i32
      %get3A_429 = arith.index_cast %get3A_428 : i32 to index
      %get3A_430 = arith.index_cast %multiple_of3A_293 : i32 to index
      %get3A_431 = tpu.vector_load %arg7[%get3A_429, %get3A_430] {strides = array<i32>} : memref<16x1024xf32, #tpu.memory_space<vmem>>, vector<1x16xf32>,
      %get3A_432 = vector.shape_cast %get3A_431 : vector<1x16xf32> to vector<16xf32>
      %get3A_433 = arith.constant 8 : i32
      %get3A_434 = arith.index_cast %get3A_433 : i32 to index
      %get3A_435 = arith.index_cast %multiple_of3A_293 : i32 to index
      %get3A_436 = tpu.vector_load %arg8[%get3A_434, %get3A_435] {strides = array<i32>} : memref<16x1024xf32, #tpu.memory_space<vmem>>, vector<1x16xf32>,
      %get3A_437 = vector.shape_cast %get3A_436 : vector<1x16xf32> to vector<16xf32>
      %add3A_438 = arith.addf %get3A_432, %get3A_437 : vector<16xf32>
      %swap3A_439 = arith.constant 8 : i32
      %swap3A_440 = arith.index_cast %swap3A_439 : i32 to index
      %swap3A_441 = arith.index_cast %multiple_of3A_293 : i32 to index
      %swap3A_442 = tpu.vector_load %arg7[%swap3A_440, %swap3A_441] {strides = array<i32>} : memref<16x1024xf32, #tpu.memory_space<vmem>>, vector<1x16xf32>,
      %swap3A_443 = vector.shape_cast %swap3A_442 : vector<1x16xf32> to vector<16xf32>
      %swap3A_444 = vector.shape_cast %add3A_438 : vector<16xf32> to vector<1x16xf32>
      tpu.vector_store %arg7[%swap3A_440, %swap3A_441], %swap3A_444 {strides = array<i32>} : memref<16x1024xf32, #tpu.memory_space<vmem>>, vector<1x16xf32>,
      %get3A_445 = arith.constant 9 : i32
      %get3A_446 = arith.index_cast %get3A_445 : i32 to index
      %get3A_447 = arith.index_cast %multiple_of3A_293 : i32 to index
      %get3A_448 = tpu.vector_load %arg7[%get3A_446, %get3A_447] {strides = array<i32>} : memref<16x1024xf32, #tpu.memory_space<vmem>>, vector<1x16xf32>,
      %get3A_449 = vector.shape_cast %get3A_448 : vector<1x16xf32> to vector<16xf32>
      %get3A_450 = arith.constant 9 : i32
      %get3A_451 = arith.index_cast %get3A_450 : i32 to index
      %get3A_452 = arith.index_cast %multiple_of3A_293 : i32 to index
      %get3A_453 = tpu.vector_load %arg8[%get3A_451, %get3A_452] {strides = array<i32>} : memref<16x1024xf32, #tpu.memory_space<vmem>>, vector<1x16xf32>,
      %get3A_454 = vector.shape_cast %get3A_453 : vector<1x16xf32> to vector<16xf32>
      %add3A_455 = arith.addf %get3A_449, %get3A_454 : vector<16xf32>
      %swap3A_456 = arith.constant 9 : i32
      %swap3A_457 = arith.index_cast %swap3A_456 : i32 to index
      %swap3A_458 = arith.index_cast %multiple_of3A_293 : i32 to index
      %swap3A_459 = tpu.vector_load %arg7[%swap3A_457, %swap3A_458] {strides = array<i32>} : memref<16x1024xf32, #tpu.memory_space<vmem>>, vector<1x16xf32>,
      %swap3A_460 = vector.shape_cast %swap3A_459 : vector<1x16xf32> to vector<16xf32>
      %swap3A_461 = vector.shape_cast %add3A_455 : vector<16xf32> to vector<1x16xf32>
      tpu.vector_store %arg7[%swap3A_457, %swap3A_458], %swap3A_461 {strides = array<i32>} : memref<16x1024xf32, #tpu.memory_space<vmem>>, vector<1x16xf32>,
      %get3A_462 = arith.constant 10 : i32
      %get3A_463 = arith.index_cast %get3A_462 : i32 to index
      %get3A_464 = arith.index_cast %multiple_of3A_293 : i32 to index
      %get3A_465 = tpu.vector_load %arg7[%get3A_463, %get3A_464] {strides = array<i32>} : memref<16x1024xf32, #tpu.memory_space<vmem>>, vector<1x16xf32>,
      %get3A_466 = vector.shape_cast %get3A_465 : vector<1x16xf32> to vector<16xf32>
      %get3A_467 = arith.constant 10 : i32
      %get3A_468 = arith.index_cast %get3A_467 : i32 to index
      %get3A_469 = arith.index_cast %multiple_of3A_293 : i32 to index
      %get3A_470 = tpu.vector_load %arg8[%get3A_468, %get3A_469] {strides = array<i32>} : memref<16x1024xf32, #tpu.memory_space<vmem>>, vector<1x16xf32>,
      %get3A_471 = vector.shape_cast %get3A_470 : vector<1x16xf32> to vector<16xf32>
      %add3A_472 = arith.addf %get3A_466, %get3A_471 : vector<16xf32>
      %swap3A_473 = arith.constant 10 : i32
      %swap3A_474 = arith.index_cast %swap3A_473 : i32 to index
      %swap3A_475 = arith.index_cast %multiple_of3A_293 : i32 to index
      %swap3A_476 = tpu.vector_load %arg7[%swap3A_474, %swap3A_475] {strides = array<i32>} : memref<16x1024xf32, #tpu.memory_space<vmem>>, vector<1x16xf32>,
      %swap3A_477 = vector.shape_cast %swap3A_476 : vector<1x16xf32> to vector<16xf32>
      %swap3A_478 = vector.shape_cast %add3A_472 : vector<16xf32> to vector<1x16xf32>
      tpu.vector_store %arg7[%swap3A_474, %swap3A_475], %swap3A_478 {strides = array<i32>} : memref<16x1024xf32, #tpu.memory_space<vmem>>, vector<1x16xf32>,
      %get3A_479 = arith.constant 11 : i32
      %get3A_480 = arith.index_cast %get3A_479 : i32 to index
      %get3A_481 = arith.index_cast %multiple_of3A_293 : i32 to index
      %get3A_482 = tpu.vector_load %arg7[%get3A_480, %get3A_481] {strides = array<i32>} : memref<16x1024xf32, #tpu.memory_space<vmem>>, vector<1x16xf32>,
      %get3A_483 = vector.shape_cast %get3A_482 : vector<1x16xf32> to vector<16xf32>
      %get3A_484 = arith.constant 11 : i32
      %get3A_485 = arith.index_cast %get3A_484 : i32 to index
      %get3A_486 = arith.index_cast %multiple_of3A_293 : i32 to index
      %get3A_487 = tpu.vector_load %arg8[%get3A_485, %get3A_486] {strides = array<i32>} : memref<16x1024xf32, #tpu.memory_space<vmem>>, vector<1x16xf32>,
      %get3A_488 = vector.shape_cast %get3A_487 : vector<1x16xf32> to vector<16xf32>
      %add3A_489 = arith.addf %get3A_483, %get3A_488 : vector<16xf32>
      %swap3A_490 = arith.constant 11 : i32
      %swap3A_491 = arith.index_cast %swap3A_490 : i32 to index
      %swap3A_492 = arith.index_cast %multiple_of3A_293 : i32 to index
      %swap3A_493 = tpu.vector_load %arg7[%swap3A_491, %swap3A_492] {strides = array<i32>} : memref<16x1024xf32, #tpu.memory_space<vmem>>, vector<1x16xf32>,
      %swap3A_494 = vector.shape_cast %swap3A_493 : vector<1x16xf32> to vector<16xf32>
      %swap3A_495 = vector.shape_cast %add3A_489 : vector<16xf32> to vector<1x16xf32>
      tpu.vector_store %arg7[%swap3A_491, %swap3A_492], %swap3A_495 {strides = array<i32>} : memref<16x1024xf32, #tpu.memory_space<vmem>>, vector<1x16xf32>,
      %get3A_496 = arith.constant 12 : i32
      %get3A_497 = arith.index_cast %get3A_496 : i32 to index
      %get3A_498 = arith.index_cast %multiple_of3A_293 : i32 to index
      %get3A_499 = tpu.vector_load %arg7[%get3A_497, %get3A_498] {strides = array<i32>} : memref<16x1024xf32, #tpu.memory_space<vmem>>, vector<1x16xf32>,
      %get3A_500 = vector.shape_cast %get3A_499 : vector<1x16xf32> to vector<16xf32>
      %get3A_501 = arith.constant 12 : i32
      %get3A_502 = arith.index_cast %get3A_501 : i32 to index
      %get3A_503 = arith.index_cast %multiple_of3A_293 : i32 to index
      %get3A_504 = tpu.vector_load %arg8[%get3A_502, %get3A_503] {strides = array<i32>} : memref<16x1024xf32, #tpu.memory_space<vmem>>, vector<1x16xf32>,
      %get3A_505 = vector.shape_cast %get3A_504 : vector<1x16xf32> to vector<16xf32>
      %add3A_506 = arith.addf %get3A_500, %get3A_505 : vector<16xf32>
      %swap3A_507 = arith.constant 12 : i32
      %swap3A_508 = arith.index_cast %swap3A_507 : i32 to index
      %swap3A_509 = arith.index_cast %multiple_of3A_293 : i32 to index
      %swap3A_510 = tpu.vector_load %arg7[%swap3A_508, %swap3A_509] {strides = array<i32>} : memref<16x1024xf32, #tpu.memory_space<vmem>>, vector<1x16xf32>,
      %swap3A_511 = vector.shape_cast %swap3A_510 : vector<1x16xf32> to vector<16xf32>
      %swap3A_512 = vector.shape_cast %add3A_506 : vector<16xf32> to vector<1x16xf32>
      tpu.vector_store %arg7[%swap3A_508, %swap3A_509], %swap3A_512 {strides = array<i32>} : memref<16x1024xf32, #tpu.memory_space<vmem>>, vector<1x16xf32>,
      %get3A_513 = arith.constant 13 : i32
      %get3A_514 = arith.index_cast %get3A_513 : i32 to index
      %get3A_515 = arith.index_cast %multiple_of3A_293 : i32 to index
      %get3A_516 = tpu.vector_load %arg7[%get3A_514, %get3A_515] {strides = array<i32>} : memref<16x1024xf32, #tpu.memory_space<vmem>>, vector<1x16xf32>,
      %get3A_517 = vector.shape_cast %get3A_516 : vector<1x16xf32> to vector<16xf32>
      %get3A_518 = arith.constant 13 : i32
      %get3A_519 = arith.index_cast %get3A_518 : i32 to index
      %get3A_520 = arith.index_cast %multiple_of3A_293 : i32 to index
      %get3A_521 = tpu.vector_load %arg8[%get3A_519, %get3A_520] {strides = array<i32>} : memref<16x1024xf32, #tpu.memory_space<vmem>>, vector<1x16xf32>,
      %get3A_522 = vector.shape_cast %get3A_521 : vector<1x16xf32> to vector<16xf32>
      %add3A_523 = arith.addf %get3A_517, %get3A_522 : vector<16xf32>
      %swap3A_524 = arith.constant 13 : i32
      %swap3A_525 = arith.index_cast %swap3A_524 : i32 to index
      %swap3A_526 = arith.index_cast %multiple_of3A_293 : i32 to index
      %swap3A_527 = tpu.vector_load %arg7[%swap3A_525, %swap3A_526] {strides = array<i32>} : memref<16x1024xf32, #tpu.memory_space<vmem>>, vector<1x16xf32>,
      %swap3A_528 = vector.shape_cast %swap3A_527 : vector<1x16xf32> to vector<16xf32>
      %swap3A_529 = vector.shape_cast %add3A_523 : vector<16xf32> to vector<1x16xf32>
      tpu.vector_store %arg7[%swap3A_525, %swap3A_526], %swap3A_529 {strides = array<i32>} : memref<16x1024xf32, #tpu.memory_space<vmem>>, vector<1x16xf32>,
      %get3A_530 = arith.constant 14 : i32
      %get3A_531 = arith.index_cast %get3A_530 : i32 to index
      %get3A_532 = arith.index_cast %multiple_of3A_293 : i32 to index
      %get3A_533 = tpu.vector_load %arg7[%get3A_531, %get3A_532] {strides = array<i32>} : memref<16x1024xf32, #tpu.memory_space<vmem>>, vector<1x16xf32>,
      %get3A_534 = vector.shape_cast %get3A_533 : vector<1x16xf32> to vector<16xf32>
      %get3A_535 = arith.constant 14 : i32
      %get3A_536 = arith.index_cast %get3A_535 : i32 to index
      %get3A_537 = arith.index_cast %multiple_of3A_293 : i32 to index
      %get3A_538 = tpu.vector_load %arg8[%get3A_536, %get3A_537] {strides = array<i32>} : memref<16x1024xf32, #tpu.memory_space<vmem>>, vector<1x16xf32>,
      %get3A_539 = vector.shape_cast %get3A_538 : vector<1x16xf32> to vector<16xf32>
      %add3A_540 = arith.addf %get3A_534, %get3A_539 : vector<16xf32>
      %swap3A_541 = arith.constant 14 : i32
      %swap3A_542 = arith.index_cast %swap3A_541 : i32 to index
      %swap3A_543 = arith.index_cast %multiple_of3A_293 : i32 to index
      %swap3A_544 = tpu.vector_load %arg7[%swap3A_542, %swap3A_543] {strides = array<i32>} : memref<16x1024xf32, #tpu.memory_space<vmem>>, vector<1x16xf32>,
      %swap3A_545 = vector.shape_cast %swap3A_544 : vector<1x16xf32> to vector<16xf32>
      %swap3A_546 = vector.shape_cast %add3A_540 : vector<16xf32> to vector<1x16xf32>
      tpu.vector_store %arg7[%swap3A_542, %swap3A_543], %swap3A_546 {strides = array<i32>} : memref<16x1024xf32, #tpu.memory_space<vmem>>, vector<1x16xf32>,
      %get3A_547 = arith.constant 15 : i32
      %get3A_548 = arith.index_cast %get3A_547 : i32 to index
      %get3A_549 = arith.index_cast %multiple_of3A_293 : i32 to index
      %get3A_550 = tpu.vector_load %arg7[%get3A_548, %get3A_549] {strides = array<i32>} : memref<16x1024xf32, #tpu.memory_space<vmem>>, vector<1x16xf32>,
      %get3A_551 = vector.shape_cast %get3A_550 : vector<1x16xf32> to vector<16xf32>
      %get3A_552 = arith.constant 15 : i32
      %get3A_553 = arith.index_cast %get3A_552 : i32 to index
      %get3A_554 = arith.index_cast %multiple_of3A_293 : i32 to index
      %get3A_555 = tpu.vector_load %arg8[%get3A_553, %get3A_554] {strides = array<i32>} : memref<16x1024xf32, #tpu.memory_space<vmem>>, vector<1x16xf32>,
      %get3A_556 = vector.shape_cast %get3A_555 : vector<1x16xf32> to vector<16xf32>
      %add3A_557 = arith.addf %get3A_551, %get3A_556 : vector<16xf32>
      %swap3A_558 = arith.constant 15 : i32
      %swap3A_559 = arith.index_cast %swap3A_558 : i32 to index
      %swap3A_560 = arith.index_cast %multiple_of3A_293 : i32 to index
      %swap3A_561 = tpu.vector_load %arg7[%swap3A_559, %swap3A_560] {strides = array<i32>} : memref<16x1024xf32, #tpu.memory_space<vmem>>, vector<1x16xf32>,
      %swap3A_562 = vector.shape_cast %swap3A_561 : vector<1x16xf32> to vector<16xf32>
      %swap3A_563 = vector.shape_cast %add3A_557 : vector<16xf32> to vector<1x16xf32>
      tpu.vector_store %arg7[%swap3A_559, %swap3A_560], %swap3A_563 {strides = array<i32>} : memref<16x1024xf32, #tpu.memory_space<vmem>>, vector<1x16xf32>,
    }
    %scan3A_37 = arith.constant 64 : i32
    %add3A_38 = arith.constant 0 : i32
    %add3A_39 = arith.addi %multiple_of3A, %add3A_38 : i32
    %dma_start3A_40 = arith.constant 0 : i32
    %dma_start3A_41 = tpu.memref_slice %arg4[%add3A_39, %dma_start3A_40] : memref<4096x1024xf32, #tpu.memory_space<hbm>> -> memref<16x1024xf32, #tpu.memory_space<hbm>>
    %dma_start3A_42 = arith.constant 0 : i32
    %dma_start3A_43 = tpu.memref_slice %arg4[%add3A_39, %dma_start3A_42] : memref<4096x1024xf32, #tpu.memory_space<hbm>> -> memref<16x1024xf32, #tpu.memory_space<hbm>>
    tpu.enqueue_dma source(%arg7 : memref<16x1024xf32, #tpu.memory_space<vmem>>) target(%dma_start3A_43 : memref<16x1024xf32, #tpu.memory_space<hbm>>) target_semaphore(%arg15 : memref<!tpu.dma_semaphore, #tpu.memory_space<semaphore_mem>>)
    %dma_wait3A_44 = arith.constant 16 : i32
    %dma_wait3A_45 = tpu.memref_slice %arg5[%dma_wait3A_44] : memref<128xi32, #tpu.memory_space<vmem>> -> memref<16xi32, #tpu.memory_space<vmem>>
    %dma_wait3A_46 = arith.constant 0 : i32
    %dma_wait3A_47 = arith.constant 0 : i32
    %dma_wait3A_48 = tpu.memref_slice %arg3[%dma_wait3A_46, %dma_wait3A_47] : memref<12288x1024xf32, #tpu.memory_space<hbm>> -> memref<12288x1024xf32, #tpu.memory_space<hbm>>
    tpu.wait_indirect_dma semaphore(%arg13 : memref<!tpu.dma_semaphore, #tpu.memory_space<semaphore_mem>>) src(%dma_wait3A_48 : memref<12288x1024xf32, #tpu.memory_space<hbm>>) dst(%arg9 : memref<16x1024xf32, #tpu.memory_space<vmem>>)
    %dma_wait3A_49 = arith.constant 16 : i32
    %dma_wait3A_50 = tpu.memref_slice %arg6[%dma_wait3A_49] : memref<128xi32, #tpu.memory_space<vmem>> -> memref<16xi32, #tpu.memory_space<vmem>>
    %dma_wait3A_51 = arith.constant 0 : i32
    %dma_wait3A_52 = arith.constant 0 : i32
    %dma_wait3A_53 = tpu.memref_slice %arg3[%dma_wait3A_51, %dma_wait3A_52] : memref<12288x1024xf32, #tpu.memory_space<hbm>> -> memref<12288x1024xf32, #tpu.memory_space<hbm>>
    tpu.wait_indirect_dma semaphore(%arg14 : memref<!tpu.dma_semaphore, #tpu.memory_space<semaphore_mem>>) src(%dma_wait3A_53 : memref<12288x1024xf32, #tpu.memory_space<hbm>>) dst(%arg10 : memref<16x1024xf32, #tpu.memory_space<vmem>>)
    %dma_wait3A_54 = arith.constant 0 : i32
    %dma_wait3A_55 = tpu.memref_slice %arg4[%add3A_39, %dma_wait3A_54] : memref<4096x1024xf32, #tpu.memory_space<hbm>> -> memref<16x1024xf32, #tpu.memory_space<hbm>>
    %dma_wait3A_56 = arith.constant 0 : i32
    %dma_wait3A_57 = tpu.memref_slice %arg4[%add3A_39, %dma_wait3A_56] : memref<4096x1024xf32, #tpu.memory_space<hbm>> -> memref<16x1024xf32, #tpu.memory_space<hbm>>
    tpu.wait_dma2 semaphore(%arg15 : memref<!tpu.dma_semaphore, #tpu.memory_space<semaphore_mem>>) src(%arg7 : memref<16x1024xf32, #tpu.memory_space<vmem>>) dst(%dma_wait3A_57 : memref<16x1024xf32, #tpu.memory_space<hbm>>)
    %dma_start3A_58 = arith.constant 32 : i32
    %dma_start3A_59 = tpu.memref_slice %arg5[%dma_start3A_58] : memref<128xi32, #tpu.memory_space<vmem>> -> memref<16xi32, #tpu.memory_space<vmem>>
    %dma_start3A_60 = arith.constant 0 : i32
    %dma_start3A_61 = arith.constant 0 : i32
    %dma_start3A_62 = tpu.memref_slice %arg3[%dma_start3A_60, %dma_start3A_61] : memref<12288x1024xf32, #tpu.memory_space<hbm>> -> memref<12288x1024xf32, #tpu.memory_space<hbm>>
    tpu.enqueue_indirect_dma source(%dma_start3A_62 : memref<12288x1024xf32, #tpu.memory_space<hbm>>) target(%arg7 : memref<16x1024xf32, #tpu.memory_space<vmem>>) offsets(%dma_start3A_59 : memref<16xi32, #tpu.memory_space<vmem>>) semaphore(%arg11 : memref<!tpu.dma_semaphore, #tpu.memory_space<semaphore_mem>>)
    %dma_start3A_63 = arith.constant 32 : i32
    %dma_start3A_64 = tpu.memref_slice %arg6[%dma_start3A_63] : memref<128xi32, #tpu.memory_space<vmem>> -> memref<16xi32, #tpu.memory_space<vmem>>
    %dma_start3A_65 = arith.constant 0 : i32
    %dma_start3A_66 = arith.constant 0 : i32
    %dma_start3A_67 = tpu.memref_slice %arg3[%dma_start3A_65, %dma_start3A_66] : memref<12288x1024xf32, #tpu.memory_space<hbm>> -> memref<12288x1024xf32, #tpu.memory_space<hbm>>
    tpu.enqueue_indirect_dma source(%dma_start3A_67 : memref<12288x1024xf32, #tpu.memory_space<hbm>>) target(%arg8 : memref<16x1024xf32, #tpu.memory_space<vmem>>) offsets(%dma_start3A_64 : memref<16xi32, #tpu.memory_space<vmem>>) semaphore(%arg12 : memref<!tpu.dma_semaphore, #tpu.memory_space<semaphore_mem>>)
    %scan3A_68 = arith.constant 0 : i32
    %scan3A_69 = arith.constant 0 : i32
    %scan3A_70 = arith.constant 64 : i32
    %scan3A_71 = arith.addi %scan3A_69, %scan3A_70 : i32
    %scan3A_72 = arith.constant 1 : i32
    scf.for %scan3A_290 = %scan3A_69 to %scan3A_71 step %scan3A_72  : i32 {
      %mul3A_291 = arith.constant 16 : i32
      %mul3A_292 = arith.muli %scan3A_290, %mul3A_291 : i32
      %multiple_of3A_293 = tpu.assume_multiple %mul3A_292, 16 : i32
      %get3A = arith.constant 0 : i32
      %get3A_294 = arith.index_cast %get3A : i32 to index
      %get3A_295 = arith.index_cast %multiple_of3A_293 : i32 to index
      %get3A_296 = tpu.vector_load %arg9[%get3A_294, %get3A_295] {strides = array<i32>} : memref<16x1024xf32, #tpu.memory_space<vmem>>, vector<1x16xf32>,
      %get3A_297 = vector.shape_cast %get3A_296 : vector<1x16xf32> to vector<16xf32>
      %get3A_298 = arith.constant 0 : i32
      %get3A_299 = arith.index_cast %get3A_298 : i32 to index
      %get3A_300 = arith.index_cast %multiple_of3A_293 : i32 to index
      %get3A_301 = tpu.vector_load %arg10[%get3A_299, %get3A_300] {strides = array<i32>} : memref<16x1024xf32, #tpu.memory_space<vmem>>, vector<1x16xf32>,
      %get3A_302 = vector.shape_cast %get3A_301 : vector<1x16xf32> to vector<16xf32>
      %add3A_303 = arith.addf %get3A_297, %get3A_302 : vector<16xf32>
      %swap3A = arith.constant 0 : i32
      %swap3A_304 = arith.index_cast %swap3A : i32 to index
      %swap3A_305 = arith.index_cast %multiple_of3A_293 : i32 to index
      %swap3A_306 = tpu.vector_load %arg9[%swap3A_304, %swap3A_305] {strides = array<i32>} : memref<16x1024xf32, #tpu.memory_space<vmem>>, vector<1x16xf32>,
      %swap3A_307 = vector.shape_cast %swap3A_306 : vector<1x16xf32> to vector<16xf32>
      %swap3A_308 = vector.shape_cast %add3A_303 : vector<16xf32> to vector<1x16xf32>
      tpu.vector_store %arg9[%swap3A_304, %swap3A_305], %swap3A_308 {strides = array<i32>} : memref<16x1024xf32, #tpu.memory_space<vmem>>, vector<1x16xf32>,
      %get3A_309 = arith.constant 1 : i32
      %get3A_310 = arith.index_cast %get3A_309 : i32 to index
      %get3A_311 = arith.index_cast %multiple_of3A_293 : i32 to index
      %get3A_312 = tpu.vector_load %arg9[%get3A_310, %get3A_311] {strides = array<i32>} : memref<16x1024xf32, #tpu.memory_space<vmem>>, vector<1x16xf32>,
      %get3A_313 = vector.shape_cast %get3A_312 : vector<1x16xf32> to vector<16xf32>
      %get3A_314 = arith.constant 1 : i32
      %get3A_315 = arith.index_cast %get3A_314 : i32 to index
      %get3A_316 = arith.index_cast %multiple_of3A_293 : i32 to index
      %get3A_317 = tpu.vector_load %arg10[%get3A_315, %get3A_316] {strides = array<i32>} : memref<16x1024xf32, #tpu.memory_space<vmem>>, vector<1x16xf32>,
      %get3A_318 = vector.shape_cast %get3A_317 : vector<1x16xf32> to vector<16xf32>
      %add3A_319 = arith.addf %get3A_313, %get3A_318 : vector<16xf32>
      %swap3A_320 = arith.constant 1 : i32
      %swap3A_321 = arith.index_cast %swap3A_320 : i32 to index
      %swap3A_322 = arith.index_cast %multiple_of3A_293 : i32 to index
      %swap3A_323 = tpu.vector_load %arg9[%swap3A_321, %swap3A_322] {strides = array<i32>} : memref<16x1024xf32, #tpu.memory_space<vmem>>, vector<1x16xf32>,
      %swap3A_324 = vector.shape_cast %swap3A_323 : vector<1x16xf32> to vector<16xf32>
      %swap3A_325 = vector.shape_cast %add3A_319 : vector<16xf32> to vector<1x16xf32>
      tpu.vector_store %arg9[%swap3A_321, %swap3A_322], %swap3A_325 {strides = array<i32>} : memref<16x1024xf32, #tpu.memory_space<vmem>>, vector<1x16xf32>,
      %get3A_326 = arith.constant 2 : i32
      %get3A_327 = arith.index_cast %get3A_326 : i32 to index
      %get3A_328 = arith.index_cast %multiple_of3A_293 : i32 to index
      %get3A_329 = tpu.vector_load %arg9[%get3A_327, %get3A_328] {strides = array<i32>} : memref<16x1024xf32, #tpu.memory_space<vmem>>, vector<1x16xf32>,
      %get3A_330 = vector.shape_cast %get3A_329 : vector<1x16xf32> to vector<16xf32>
      %get3A_331 = arith.constant 2 : i32
      %get3A_332 = arith.index_cast %get3A_331 : i32 to index
      %get3A_333 = arith.index_cast %multiple_of3A_293 : i32 to index
      %get3A_334 = tpu.vector_load %arg10[%get3A_332, %get3A_333] {strides = array<i32>} : memref<16x1024xf32, #tpu.memory_space<vmem>>, vector<1x16xf32>,
      %get3A_335 = vector.shape_cast %get3A_334 : vector<1x16xf32> to vector<16xf32>
      %add3A_336 = arith.addf %get3A_330, %get3A_335 : vector<16xf32>
      %swap3A_337 = arith.constant 2 : i32
      %swap3A_338 = arith.index_cast %swap3A_337 : i32 to index
      %swap3A_339 = arith.index_cast %multiple_of3A_293 : i32 to index
      %swap3A_340 = tpu.vector_load %arg9[%swap3A_338, %swap3A_339] {strides = array<i32>} : memref<16x1024xf32, #tpu.memory_space<vmem>>, vector<1x16xf32>,
      %swap3A_341 = vector.shape_cast %swap3A_340 : vector<1x16xf32> to vector<16xf32>
      %swap3A_342 = vector.shape_cast %add3A_336 : vector<16xf32> to vector<1x16xf32>
      tpu.vector_store %arg9[%swap3A_338, %swap3A_339], %swap3A_342 {strides = array<i32>} : memref<16x1024xf32, #tpu.memory_space<vmem>>, vector<1x16xf32>,
      %get3A_343 = arith.constant 3 : i32
      %get3A_344 = arith.index_cast %get3A_343 : i32 to index
      %get3A_345 = arith.index_cast %multiple_of3A_293 : i32 to index
      %get3A_346 = tpu.vector_load %arg9[%get3A_344, %get3A_345] {strides = array<i32>} : memref<16x1024xf32, #tpu.memory_space<vmem>>, vector<1x16xf32>,
      %get3A_347 = vector.shape_cast %get3A_346 : vector<1x16xf32> to vector<16xf32>
      %get3A_348 = arith.constant 3 : i32
      %get3A_349 = arith.index_cast %get3A_348 : i32 to index
      %get3A_350 = arith.index_cast %multiple_of3A_293 : i32 to index
      %get3A_351 = tpu.vector_load %arg10[%get3A_349, %get3A_350] {strides = array<i32>} : memref<16x1024xf32, #tpu.memory_space<vmem>>, vector<1x16xf32>,
      %get3A_352 = vector.shape_cast %get3A_351 : vector<1x16xf32> to vector<16xf32>
      %add3A_353 = arith.addf %get3A_347, %get3A_352 : vector<16xf32>
      %swap3A_354 = arith.constant 3 : i32
      %swap3A_355 = arith.index_cast %swap3A_354 : i32 to index
      %swap3A_356 = arith.index_cast %multiple_of3A_293 : i32 to index
      %swap3A_357 = tpu.vector_load %arg9[%swap3A_355, %swap3A_356] {strides = array<i32>} : memref<16x1024xf32, #tpu.memory_space<vmem>>, vector<1x16xf32>,
      %swap3A_358 = vector.shape_cast %swap3A_357 : vector<1x16xf32> to vector<16xf32>
      %swap3A_359 = vector.shape_cast %add3A_353 : vector<16xf32> to vector<1x16xf32>
      tpu.vector_store %arg9[%swap3A_355, %swap3A_356], %swap3A_359 {strides = array<i32>} : memref<16x1024xf32, #tpu.memory_space<vmem>>, vector<1x16xf32>,
      %get3A_360 = arith.constant 4 : i32
      %get3A_361 = arith.index_cast %get3A_360 : i32 to index
      %get3A_362 = arith.index_cast %multiple_of3A_293 : i32 to index
      %get3A_363 = tpu.vector_load %arg9[%get3A_361, %get3A_362] {strides = array<i32>} : memref<16x1024xf32, #tpu.memory_space<vmem>>, vector<1x16xf32>,
      %get3A_364 = vector.shape_cast %get3A_363 : vector<1x16xf32> to vector<16xf32>
      %get3A_365 = arith.constant 4 : i32
      %get3A_366 = arith.index_cast %get3A_365 : i32 to index
      %get3A_367 = arith.index_cast %multiple_of3A_293 : i32 to index
      %get3A_368 = tpu.vector_load %arg10[%get3A_366, %get3A_367] {strides = array<i32>} : memref<16x1024xf32, #tpu.memory_space<vmem>>, vector<1x16xf32>,
      %get3A_369 = vector.shape_cast %get3A_368 : vector<1x16xf32> to vector<16xf32>
      %add3A_370 = arith.addf %get3A_364, %get3A_369 : vector<16xf32>
      %swap3A_371 = arith.constant 4 : i32
      %swap3A_372 = arith.index_cast %swap3A_371 : i32 to index
      %swap3A_373 = arith.index_cast %multiple_of3A_293 : i32 to index
      %swap3A_374 = tpu.vector_load %arg9[%swap3A_372, %swap3A_373] {strides = array<i32>} : memref<16x1024xf32, #tpu.memory_space<vmem>>, vector<1x16xf32>,
      %swap3A_375 = vector.shape_cast %swap3A_374 : vector<1x16xf32> to vector<16xf32>
      %swap3A_376 = vector.shape_cast %add3A_370 : vector<16xf32> to vector<1x16xf32>
      tpu.vector_store %arg9[%swap3A_372, %swap3A_373], %swap3A_376 {strides = array<i32>} : memref<16x1024xf32, #tpu.memory_space<vmem>>, vector<1x16xf32>,
      %get3A_377 = arith.constant 5 : i32
      %get3A_378 = arith.index_cast %get3A_377 : i32 to index
      %get3A_379 = arith.index_cast %multiple_of3A_293 : i32 to index
      %get3A_380 = tpu.vector_load %arg9[%get3A_378, %get3A_379] {strides = array<i32>} : memref<16x1024xf32, #tpu.memory_space<vmem>>, vector<1x16xf32>,
      %get3A_381 = vector.shape_cast %get3A_380 : vector<1x16xf32> to vector<16xf32>
      %get3A_382 = arith.constant 5 : i32
      %get3A_383 = arith.index_cast %get3A_382 : i32 to index
      %get3A_384 = arith.index_cast %multiple_of3A_293 : i32 to index
      %get3A_385 = tpu.vector_load %arg10[%get3A_383, %get3A_384] {strides = array<i32>} : memref<16x1024xf32, #tpu.memory_space<vmem>>, vector<1x16xf32>,
      %get3A_386 = vector.shape_cast %get3A_385 : vector<1x16xf32> to vector<16xf32>
      %add3A_387 = arith.addf %get3A_381, %get3A_386 : vector<16xf32>
      %swap3A_388 = arith.constant 5 : i32
      %swap3A_389 = arith.index_cast %swap3A_388 : i32 to index
      %swap3A_390 = arith.index_cast %multiple_of3A_293 : i32 to index
      %swap3A_391 = tpu.vector_load %arg9[%swap3A_389, %swap3A_390] {strides = array<i32>} : memref<16x1024xf32, #tpu.memory_space<vmem>>, vector<1x16xf32>,
      %swap3A_392 = vector.shape_cast %swap3A_391 : vector<1x16xf32> to vector<16xf32>
      %swap3A_393 = vector.shape_cast %add3A_387 : vector<16xf32> to vector<1x16xf32>
      tpu.vector_store %arg9[%swap3A_389, %swap3A_390], %swap3A_393 {strides = array<i32>} : memref<16x1024xf32, #tpu.memory_space<vmem>>, vector<1x16xf32>,
      %get3A_394 = arith.constant 6 : i32
      %get3A_395 = arith.index_cast %get3A_394 : i32 to index
      %get3A_396 = arith.index_cast %multiple_of3A_293 : i32 to index
      %get3A_397 = tpu.vector_load %arg9[%get3A_395, %get3A_396] {strides = array<i32>} : memref<16x1024xf32, #tpu.memory_space<vmem>>, vector<1x16xf32>,
      %get3A_398 = vector.shape_cast %get3A_397 : vector<1x16xf32> to vector<16xf32>
      %get3A_399 = arith.constant 6 : i32
      %get3A_400 = arith.index_cast %get3A_399 : i32 to index
      %get3A_401 = arith.index_cast %multiple_of3A_293 : i32 to index
      %get3A_402 = tpu.vector_load %arg10[%get3A_400, %get3A_401] {strides = array<i32>} : memref<16x1024xf32, #tpu.memory_space<vmem>>, vector<1x16xf32>,
      %get3A_403 = vector.shape_cast %get3A_402 : vector<1x16xf32> to vector<16xf32>
      %add3A_404 = arith.addf %get3A_398, %get3A_403 : vector<16xf32>
      %swap3A_405 = arith.constant 6 : i32
      %swap3A_406 = arith.index_cast %swap3A_405 : i32 to index
      %swap3A_407 = arith.index_cast %multiple_of3A_293 : i32 to index
      %swap3A_408 = tpu.vector_load %arg9[%swap3A_406, %swap3A_407] {strides = array<i32>} : memref<16x1024xf32, #tpu.memory_space<vmem>>, vector<1x16xf32>,
      %swap3A_409 = vector.shape_cast %swap3A_408 : vector<1x16xf32> to vector<16xf32>
      %swap3A_410 = vector.shape_cast %add3A_404 : vector<16xf32> to vector<1x16xf32>
      tpu.vector_store %arg9[%swap3A_406, %swap3A_407], %swap3A_410 {strides = array<i32>} : memref<16x1024xf32, #tpu.memory_space<vmem>>, vector<1x16xf32>,
      %get3A_411 = arith.constant 7 : i32
      %get3A_412 = arith.index_cast %get3A_411 : i32 to index
      %get3A_413 = arith.index_cast %multiple_of3A_293 : i32 to index
      %get3A_414 = tpu.vector_load %arg9[%get3A_412, %get3A_413] {strides = array<i32>} : memref<16x1024xf32, #tpu.memory_space<vmem>>, vector<1x16xf32>,
      %get3A_415 = vector.shape_cast %get3A_414 : vector<1x16xf32> to vector<16xf32>
      %get3A_416 = arith.constant 7 : i32
      %get3A_417 = arith.index_cast %get3A_416 : i32 to index
      %get3A_418 = arith.index_cast %multiple_of3A_293 : i32 to index
      %get3A_419 = tpu.vector_load %arg10[%get3A_417, %get3A_418] {strides = array<i32>} : memref<16x1024xf32, #tpu.memory_space<vmem>>, vector<1x16xf32>,
      %get3A_420 = vector.shape_cast %get3A_419 : vector<1x16xf32> to vector<16xf32>
      %add3A_421 = arith.addf %get3A_415, %get3A_420 : vector<16xf32>
      %swap3A_422 = arith.constant 7 : i32
      %swap3A_423 = arith.index_cast %swap3A_422 : i32 to index
      %swap3A_424 = arith.index_cast %multiple_of3A_293 : i32 to index
      %swap3A_425 = tpu.vector_load %arg9[%swap3A_423, %swap3A_424] {strides = array<i32>} : memref<16x1024xf32, #tpu.memory_space<vmem>>, vector<1x16xf32>,
      %swap3A_426 = vector.shape_cast %swap3A_425 : vector<1x16xf32> to vector<16xf32>
      %swap3A_427 = vector.shape_cast %add3A_421 : vector<16xf32> to vector<1x16xf32>
      tpu.vector_store %arg9[%swap3A_423, %swap3A_424], %swap3A_427 {strides = array<i32>} : memref<16x1024xf32, #tpu.memory_space<vmem>>, vector<1x16xf32>,
      %get3A_428 = arith.constant 8 : i32
      %get3A_429 = arith.index_cast %get3A_428 : i32 to index
      %get3A_430 = arith.index_cast %multiple_of3A_293 : i32 to index
      %get3A_431 = tpu.vector_load %arg9[%get3A_429, %get3A_430] {strides = array<i32>} : memref<16x1024xf32, #tpu.memory_space<vmem>>, vector<1x16xf32>,
      %get3A_432 = vector.shape_cast %get3A_431 : vector<1x16xf32> to vector<16xf32>
      %get3A_433 = arith.constant 8 : i32
      %get3A_434 = arith.index_cast %get3A_433 : i32 to index
      %get3A_435 = arith.index_cast %multiple_of3A_293 : i32 to index
      %get3A_436 = tpu.vector_load %arg10[%get3A_434, %get3A_435] {strides = array<i32>} : memref<16x1024xf32, #tpu.memory_space<vmem>>, vector<1x16xf32>,
      %get3A_437 = vector.shape_cast %get3A_436 : vector<1x16xf32> to vector<16xf32>
      %add3A_438 = arith.addf %get3A_432, %get3A_437 : vector<16xf32>
      %swap3A_439 = arith.constant 8 : i32
      %swap3A_440 = arith.index_cast %swap3A_439 : i32 to index
      %swap3A_441 = arith.index_cast %multiple_of3A_293 : i32 to index
      %swap3A_442 = tpu.vector_load %arg9[%swap3A_440, %swap3A_441] {strides = array<i32>} : memref<16x1024xf32, #tpu.memory_space<vmem>>, vector<1x16xf32>,
      %swap3A_443 = vector.shape_cast %swap3A_442 : vector<1x16xf32> to vector<16xf32>
      %swap3A_444 = vector.shape_cast %add3A_438 : vector<16xf32> to vector<1x16xf32>
      tpu.vector_store %arg9[%swap3A_440, %swap3A_441], %swap3A_444 {strides = array<i32>} : memref<16x1024xf32, #tpu.memory_space<vmem>>, vector<1x16xf32>,
      %get3A_445 = arith.constant 9 : i32
      %get3A_446 = arith.index_cast %get3A_445 : i32 to index
      %get3A_447 = arith.index_cast %multiple_of3A_293 : i32 to index
      %get3A_448 = tpu.vector_load %arg9[%get3A_446, %get3A_447] {strides = array<i32>} : memref<16x1024xf32, #tpu.memory_space<vmem>>, vector<1x16xf32>,
      %get3A_449 = vector.shape_cast %get3A_448 : vector<1x16xf32> to vector<16xf32>
      %get3A_450 = arith.constant 9 : i32
      %get3A_451 = arith.index_cast %get3A_450 : i32 to index
      %get3A_452 = arith.index_cast %multiple_of3A_293 : i32 to index
      %get3A_453 = tpu.vector_load %arg10[%get3A_451, %get3A_452] {strides = array<i32>} : memref<16x1024xf32, #tpu.memory_space<vmem>>, vector<1x16xf32>,
      %get3A_454 = vector.shape_cast %get3A_453 : vector<1x16xf32> to vector<16xf32>
      %add3A_455 = arith.addf %get3A_449, %get3A_454 : vector<16xf32>
      %swap3A_456 = arith.constant 9 : i32
      %swap3A_457 = arith.index_cast %swap3A_456 : i32 to index
      %swap3A_458 = arith.index_cast %multiple_of3A_293 : i32 to index
      %swap3A_459 = tpu.vector_load %arg9[%swap3A_457, %swap3A_458] {strides = array<i32>} : memref<16x1024xf32, #tpu.memory_space<vmem>>, vector<1x16xf32>,
      %swap3A_460 = vector.shape_cast %swap3A_459 : vector<1x16xf32> to vector<16xf32>
      %swap3A_461 = vector.shape_cast %add3A_455 : vector<16xf32> to vector<1x16xf32>
      tpu.vector_store %arg9[%swap3A_457, %swap3A_458], %swap3A_461 {strides = array<i32>} : memref<16x1024xf32, #tpu.memory_space<vmem>>, vector<1x16xf32>,
      %get3A_462 = arith.constant 10 : i32
      %get3A_463 = arith.index_cast %get3A_462 : i32 to index
      %get3A_464 = arith.index_cast %multiple_of3A_293 : i32 to index
      %get3A_465 = tpu.vector_load %arg9[%get3A_463, %get3A_464] {strides = array<i32>} : memref<16x1024xf32, #tpu.memory_space<vmem>>, vector<1x16xf32>,
      %get3A_466 = vector.shape_cast %get3A_465 : vector<1x16xf32> to vector<16xf32>
      %get3A_467 = arith.constant 10 : i32
      %get3A_468 = arith.index_cast %get3A_467 : i32 to index
      %get3A_469 = arith.index_cast %multiple_of3A_293 : i32 to index
      %get3A_470 = tpu.vector_load %arg10[%get3A_468, %get3A_469] {strides = array<i32>} : memref<16x1024xf32, #tpu.memory_space<vmem>>, vector<1x16xf32>,
      %get3A_471 = vector.shape_cast %get3A_470 : vector<1x16xf32> to vector<16xf32>
      %add3A_472 = arith.addf %get3A_466, %get3A_471 : vector<16xf32>
      %swap3A_473 = arith.constant 10 : i32
      %swap3A_474 = arith.index_cast %swap3A_473 : i32 to index
      %swap3A_475 = arith.index_cast %multiple_of3A_293 : i32 to index
      %swap3A_476 = tpu.vector_load %arg9[%swap3A_474, %swap3A_475] {strides = array<i32>} : memref<16x1024xf32, #tpu.memory_space<vmem>>, vector<1x16xf32>,
      %swap3A_477 = vector.shape_cast %swap3A_476 : vector<1x16xf32> to vector<16xf32>
      %swap3A_478 = vector.shape_cast %add3A_472 : vector<16xf32> to vector<1x16xf32>
      tpu.vector_store %arg9[%swap3A_474, %swap3A_475], %swap3A_478 {strides = array<i32>} : memref<16x1024xf32, #tpu.memory_space<vmem>>, vector<1x16xf32>,
      %get3A_479 = arith.constant 11 : i32
      %get3A_480 = arith.index_cast %get3A_479 : i32 to index
      %get3A_481 = arith.index_cast %multiple_of3A_293 : i32 to index
      %get3A_482 = tpu.vector_load %arg9[%get3A_480, %get3A_481] {strides = array<i32>} : memref<16x1024xf32, #tpu.memory_space<vmem>>, vector<1x16xf32>,
      %get3A_483 = vector.shape_cast %get3A_482 : vector<1x16xf32> to vector<16xf32>
      %get3A_484 = arith.constant 11 : i32
      %get3A_485 = arith.index_cast %get3A_484 : i32 to index
      %get3A_486 = arith.index_cast %multiple_of3A_293 : i32 to index
      %get3A_487 = tpu.vector_load %arg10[%get3A_485, %get3A_486] {strides = array<i32>} : memref<16x1024xf32, #tpu.memory_space<vmem>>, vector<1x16xf32>,
      %get3A_488 = vector.shape_cast %get3A_487 : vector<1x16xf32> to vector<16xf32>
      %add3A_489 = arith.addf %get3A_483, %get3A_488 : vector<16xf32>
      %swap3A_490 = arith.constant 11 : i32
      %swap3A_491 = arith.index_cast %swap3A_490 : i32 to index
      %swap3A_492 = arith.index_cast %multiple_of3A_293 : i32 to index
      %swap3A_493 = tpu.vector_load %arg9[%swap3A_491, %swap3A_492] {strides = array<i32>} : memref<16x1024xf32, #tpu.memory_space<vmem>>, vector<1x16xf32>,
      %swap3A_494 = vector.shape_cast %swap3A_493 : vector<1x16xf32> to vector<16xf32>
      %swap3A_495 = vector.shape_cast %add3A_489 : vector<16xf32> to vector<1x16xf32>
      tpu.vector_store %arg9[%swap3A_491, %swap3A_492], %swap3A_495 {strides = array<i32>} : memref<16x1024xf32, #tpu.memory_space<vmem>>, vector<1x16xf32>,
      %get3A_496 = arith.constant 12 : i32
      %get3A_497 = arith.index_cast %get3A_496 : i32 to index
      %get3A_498 = arith.index_cast %multiple_of3A_293 : i32 to index
      %get3A_499 = tpu.vector_load %arg9[%get3A_497, %get3A_498] {strides = array<i32>} : memref<16x1024xf32, #tpu.memory_space<vmem>>, vector<1x16xf32>,
      %get3A_500 = vector.shape_cast %get3A_499 : vector<1x16xf32> to vector<16xf32>
      %get3A_501 = arith.constant 12 : i32
      %get3A_502 = arith.index_cast %get3A_501 : i32 to index
      %get3A_503 = arith.index_cast %multiple_of3A_293 : i32 to index
      %get3A_504 = tpu.vector_load %arg10[%get3A_502, %get3A_503] {strides = array<i32>} : memref<16x1024xf32, #tpu.memory_space<vmem>>, vector<1x16xf32>,
      %get3A_505 = vector.shape_cast %get3A_504 : vector<1x16xf32> to vector<16xf32>
      %add3A_506 = arith.addf %get3A_500, %get3A_505 : vector<16xf32>
      %swap3A_507 = arith.constant 12 : i32
      %swap3A_508 = arith.index_cast %swap3A_507 : i32 to index
      %swap3A_509 = arith.index_cast %multiple_of3A_293 : i32 to index
      %swap3A_510 = tpu.vector_load %arg9[%swap3A_508, %swap3A_509] {strides = array<i32>} : memref<16x1024xf32, #tpu.memory_space<vmem>>, vector<1x16xf32>,
      %swap3A_511 = vector.shape_cast %swap3A_510 : vector<1x16xf32> to vector<16xf32>
      %swap3A_512 = vector.shape_cast %add3A_506 : vector<16xf32> to vector<1x16xf32>
      tpu.vector_store %arg9[%swap3A_508, %swap3A_509], %swap3A_512 {strides = array<i32>} : memref<16x1024xf32, #tpu.memory_space<vmem>>, vector<1x16xf32>,
      %get3A_513 = arith.constant 13 : i32
      %get3A_514 = arith.index_cast %get3A_513 : i32 to index
      %get3A_515 = arith.index_cast %multiple_of3A_293 : i32 to index
      %get3A_516 = tpu.vector_load %arg9[%get3A_514, %get3A_515] {strides = array<i32>} : memref<16x1024xf32, #tpu.memory_space<vmem>>, vector<1x16xf32>,
      %get3A_517 = vector.shape_cast %get3A_516 : vector<1x16xf32> to vector<16xf32>
      %get3A_518 = arith.constant 13 : i32
      %get3A_519 = arith.index_cast %get3A_518 : i32 to index
      %get3A_520 = arith.index_cast %multiple_of3A_293 : i32 to index
      %get3A_521 = tpu.vector_load %arg10[%get3A_519, %get3A_520] {strides = array<i32>} : memref<16x1024xf32, #tpu.memory_space<vmem>>, vector<1x16xf32>,
      %get3A_522 = vector.shape_cast %get3A_521 : vector<1x16xf32> to vector<16xf32>
      %add3A_523 = arith.addf %get3A_517, %get3A_522 : vector<16xf32>
      %swap3A_524 = arith.constant 13 : i32
      %swap3A_525 = arith.index_cast %swap3A_524 : i32 to index
      %swap3A_526 = arith.index_cast %multiple_of3A_293 : i32 to index
      %swap3A_527 = tpu.vector_load %arg9[%swap3A_525, %swap3A_526] {strides = array<i32>} : memref<16x1024xf32, #tpu.memory_space<vmem>>, vector<1x16xf32>,
      %swap3A_528 = vector.shape_cast %swap3A_527 : vector<1x16xf32> to vector<16xf32>
      %swap3A_529 = vector.shape_cast %add3A_523 : vector<16xf32> to vector<1x16xf32>
      tpu.vector_store %arg9[%swap3A_525, %swap3A_526], %swap3A_529 {strides = array<i32>} : memref<16x1024xf32, #tpu.memory_space<vmem>>, vector<1x16xf32>,
      %get3A_530 = arith.constant 14 : i32
      %get3A_531 = arith.index_cast %get3A_530 : i32 to index
      %get3A_532 = arith.index_cast %multiple_of3A_293 : i32 to index
      %get3A_533 = tpu.vector_load %arg9[%get3A_531, %get3A_532] {strides = array<i32>} : memref<16x1024xf32, #tpu.memory_space<vmem>>, vector<1x16xf32>,
      %get3A_534 = vector.shape_cast %get3A_533 : vector<1x16xf32> to vector<16xf32>
      %get3A_535 = arith.constant 14 : i32
      %get3A_536 = arith.index_cast %get3A_535 : i32 to index
      %get3A_537 = arith.index_cast %multiple_of3A_293 : i32 to index
      %get3A_538 = tpu.vector_load %arg10[%get3A_536, %get3A_537] {strides = array<i32>} : memref<16x1024xf32, #tpu.memory_space<vmem>>, vector<1x16xf32>,
      %get3A_539 = vector.shape_cast %get3A_538 : vector<1x16xf32> to vector<16xf32>
      %add3A_540 = arith.addf %get3A_534, %get3A_539 : vector<16xf32>
      %swap3A_541 = arith.constant 14 : i32
      %swap3A_542 = arith.index_cast %swap3A_541 : i32 to index
      %swap3A_543 = arith.index_cast %multiple_of3A_293 : i32 to index
      %swap3A_544 = tpu.vector_load %arg9[%swap3A_542, %swap3A_543] {strides = array<i32>} : memref<16x1024xf32, #tpu.memory_space<vmem>>, vector<1x16xf32>,
      %swap3A_545 = vector.shape_cast %swap3A_544 : vector<1x16xf32> to vector<16xf32>
      %swap3A_546 = vector.shape_cast %add3A_540 : vector<16xf32> to vector<1x16xf32>
      tpu.vector_store %arg9[%swap3A_542, %swap3A_543], %swap3A_546 {strides = array<i32>} : memref<16x1024xf32, #tpu.memory_space<vmem>>, vector<1x16xf32>,
      %get3A_547 = arith.constant 15 : i32
      %get3A_548 = arith.index_cast %get3A_547 : i32 to index
      %get3A_549 = arith.index_cast %multiple_of3A_293 : i32 to index
      %get3A_550 = tpu.vector_load %arg9[%get3A_548, %get3A_549] {strides = array<i32>} : memref<16x1024xf32, #tpu.memory_space<vmem>>, vector<1x16xf32>,
      %get3A_551 = vector.shape_cast %get3A_550 : vector<1x16xf32> to vector<16xf32>
      %get3A_552 = arith.constant 15 : i32
      %get3A_553 = arith.index_cast %get3A_552 : i32 to index
      %get3A_554 = arith.index_cast %multiple_of3A_293 : i32 to index
      %get3A_555 = tpu.vector_load %arg10[%get3A_553, %get3A_554] {strides = array<i32>} : memref<16x1024xf32, #tpu.memory_space<vmem>>, vector<1x16xf32>,
      %get3A_556 = vector.shape_cast %get3A_555 : vector<1x16xf32> to vector<16xf32>
      %add3A_557 = arith.addf %get3A_551, %get3A_556 : vector<16xf32>
      %swap3A_558 = arith.constant 15 : i32
      %swap3A_559 = arith.index_cast %swap3A_558 : i32 to index
      %swap3A_560 = arith.index_cast %multiple_of3A_293 : i32 to index
      %swap3A_561 = tpu.vector_load %arg9[%swap3A_559, %swap3A_560] {strides = array<i32>} : memref<16x1024xf32, #tpu.memory_space<vmem>>, vector<1x16xf32>,
      %swap3A_562 = vector.shape_cast %swap3A_561 : vector<1x16xf32> to vector<16xf32>
      %swap3A_563 = vector.shape_cast %add3A_557 : vector<16xf32> to vector<1x16xf32>
      tpu.vector_store %arg9[%swap3A_559, %swap3A_560], %swap3A_563 {strides = array<i32>} : memref<16x1024xf32, #tpu.memory_space<vmem>>, vector<1x16xf32>,
    }
    %scan3A_73 = arith.constant 64 : i32
    %add3A_74 = arith.constant 16 : i32
    %add3A_75 = arith.addi %multiple_of3A, %add3A_74 : i32
    %dma_start3A_76 = arith.constant 0 : i32
    %dma_start3A_77 = tpu.memref_slice %arg4[%add3A_75, %dma_start3A_76] : memref<4096x1024xf32, #tpu.memory_space<hbm>> -> memref<16x1024xf32, #tpu.memory_space<hbm>>
    %dma_start3A_78 = arith.constant 0 : i32
    %dma_start3A_79 = tpu.memref_slice %arg4[%add3A_75, %dma_start3A_78] : memref<4096x1024xf32, #tpu.memory_space<hbm>> -> memref<16x1024xf32, #tpu.memory_space<hbm>>
    tpu.enqueue_dma source(%arg9 : memref<16x1024xf32, #tpu.memory_space<vmem>>) target(%dma_start3A_79 : memref<16x1024xf32, #tpu.memory_space<hbm>>) target_semaphore(%arg16 : memref<!tpu.dma_semaphore, #tpu.memory_space<semaphore_mem>>)
    %dma_wait3A_80 = arith.constant 32 : i32
    %dma_wait3A_81 = tpu.memref_slice %arg5[%dma_wait3A_80] : memref<128xi32, #tpu.memory_space<vmem>> -> memref<16xi32, #tpu.memory_space<vmem>>
    %dma_wait3A_82 = arith.constant 0 : i32
    %dma_wait3A_83 = arith.constant 0 : i32
    %dma_wait3A_84 = tpu.memref_slice %arg3[%dma_wait3A_82, %dma_wait3A_83] : memref<12288x1024xf32, #tpu.memory_space<hbm>> -> memref<12288x1024xf32, #tpu.memory_space<hbm>>
    tpu.wait_indirect_dma semaphore(%arg11 : memref<!tpu.dma_semaphore, #tpu.memory_space<semaphore_mem>>) src(%dma_wait3A_84 : memref<12288x1024xf32, #tpu.memory_space<hbm>>) dst(%arg7 : memref<16x1024xf32, #tpu.memory_space<vmem>>)
    %dma_wait3A_85 = arith.constant 32 : i32
    %dma_wait3A_86 = tpu.memref_slice %arg6[%dma_wait3A_85] : memref<128xi32, #tpu.memory_space<vmem>> -> memref<16xi32, #tpu.memory_space<vmem>>
    %dma_wait3A_87 = arith.constant 0 : i32
    %dma_wait3A_88 = arith.constant 0 : i32
    %dma_wait3A_89 = tpu.memref_slice %arg3[%dma_wait3A_87, %dma_wait3A_88] : memref<12288x1024xf32, #tpu.memory_space<hbm>> -> memref<12288x1024xf32, #tpu.memory_space<hbm>>
    tpu.wait_indirect_dma semaphore(%arg12 : memref<!tpu.dma_semaphore, #tpu.memory_space<semaphore_mem>>) src(%dma_wait3A_89 : memref<12288x1024xf32, #tpu.memory_space<hbm>>) dst(%arg8 : memref<16x1024xf32, #tpu.memory_space<vmem>>)
    %dma_wait3A_90 = arith.constant 0 : i32
    %dma_wait3A_91 = tpu.memref_slice %arg4[%add3A_75, %dma_wait3A_90] : memref<4096x1024xf32, #tpu.memory_space<hbm>> -> memref<16x1024xf32, #tpu.memory_space<hbm>>
    %dma_wait3A_92 = arith.constant 0 : i32
    %dma_wait3A_93 = tpu.memref_slice %arg4[%add3A_75, %dma_wait3A_92] : memref<4096x1024xf32, #tpu.memory_space<hbm>> -> memref<16x1024xf32, #tpu.memory_space<hbm>>
    tpu.wait_dma2 semaphore(%arg16 : memref<!tpu.dma_semaphore, #tpu.memory_space<semaphore_mem>>) src(%arg9 : memref<16x1024xf32, #tpu.memory_space<vmem>>) dst(%dma_wait3A_93 : memref<16x1024xf32, #tpu.memory_space<hbm>>)
    %dma_start3A_94 = arith.constant 48 : i32
    %dma_start3A_95 = tpu.memref_slice %arg5[%dma_start3A_94] : memref<128xi32, #tpu.memory_space<vmem>> -> memref<16xi32, #tpu.memory_space<vmem>>
    %dma_start3A_96 = arith.constant 0 : i32
    %dma_start3A_97 = arith.constant 0 : i32
    %dma_start3A_98 = tpu.memref_slice %arg3[%dma_start3A_96, %dma_start3A_97] : memref<12288x1024xf32, #tpu.memory_space<hbm>> -> memref<12288x1024xf32, #tpu.memory_space<hbm>>
    tpu.enqueue_indirect_dma source(%dma_start3A_98 : memref<12288x1024xf32, #tpu.memory_space<hbm>>) target(%arg9 : memref<16x1024xf32, #tpu.memory_space<vmem>>) offsets(%dma_start3A_95 : memref<16xi32, #tpu.memory_space<vmem>>) semaphore(%arg13 : memref<!tpu.dma_semaphore, #tpu.memory_space<semaphore_mem>>)
    %dma_start3A_99 = arith.constant 48 : i32
    %dma_start3A_100 = tpu.memref_slice %arg6[%dma_start3A_99] : memref<128xi32, #tpu.memory_space<vmem>> -> memref<16xi32, #tpu.memory_space<vmem>>
    %dma_start3A_101 = arith.constant 0 : i32
    %dma_start3A_102 = arith.constant 0 : i32
    %dma_start3A_103 = tpu.memref_slice %arg3[%dma_start3A_101, %dma_start3A_102] : memref<12288x1024xf32, #tpu.memory_space<hbm>> -> memref<12288x1024xf32, #tpu.memory_space<hbm>>
    tpu.enqueue_indirect_dma source(%dma_start3A_103 : memref<12288x1024xf32, #tpu.memory_space<hbm>>) target(%arg10 : memref<16x1024xf32, #tpu.memory_space<vmem>>) offsets(%dma_start3A_100 : memref<16xi32, #tpu.memory_space<vmem>>) semaphore(%arg14 : memref<!tpu.dma_semaphore, #tpu.memory_space<semaphore_mem>>)
    %scan3A_104 = arith.constant 0 : i32
    %scan3A_105 = arith.constant 0 : i32
    %scan3A_106 = arith.constant 64 : i32
    %scan3A_107 = arith.addi %scan3A_105, %scan3A_106 : i32
    %scan3A_108 = arith.constant 1 : i32
    scf.for %scan3A_290 = %scan3A_105 to %scan3A_107 step %scan3A_108  : i32 {
      %mul3A_291 = arith.constant 16 : i32
      %mul3A_292 = arith.muli %scan3A_290, %mul3A_291 : i32
      %multiple_of3A_293 = tpu.assume_multiple %mul3A_292, 16 : i32
      %get3A = arith.constant 0 : i32
      %get3A_294 = arith.index_cast %get3A : i32 to index
      %get3A_295 = arith.index_cast %multiple_of3A_293 : i32 to index
      %get3A_296 = tpu.vector_load %arg7[%get3A_294, %get3A_295] {strides = array<i32>} : memref<16x1024xf32, #tpu.memory_space<vmem>>, vector<1x16xf32>,
      %get3A_297 = vector.shape_cast %get3A_296 : vector<1x16xf32> to vector<16xf32>
      %get3A_298 = arith.constant 0 : i32
      %get3A_299 = arith.index_cast %get3A_298 : i32 to index
      %get3A_300 = arith.index_cast %multiple_of3A_293 : i32 to index
      %get3A_301 = tpu.vector_load %arg8[%get3A_299, %get3A_300] {strides = array<i32>} : memref<16x1024xf32, #tpu.memory_space<vmem>>, vector<1x16xf32>,
      %get3A_302 = vector.shape_cast %get3A_301 : vector<1x16xf32> to vector<16xf32>
      %add3A_303 = arith.addf %get3A_297, %get3A_302 : vector<16xf32>
      %swap3A = arith.constant 0 : i32
      %swap3A_304 = arith.index_cast %swap3A : i32 to index
      %swap3A_305 = arith.index_cast %multiple_of3A_293 : i32 to index
      %swap3A_306 = tpu.vector_load %arg7[%swap3A_304, %swap3A_305] {strides = array<i32>} : memref<16x1024xf32, #tpu.memory_space<vmem>>, vector<1x16xf32>,
      %swap3A_307 = vector.shape_cast %swap3A_306 : vector<1x16xf32> to vector<16xf32>
      %swap3A_308 = vector.shape_cast %add3A_303 : vector<16xf32> to vector<1x16xf32>
      tpu.vector_store %arg7[%swap3A_304, %swap3A_305], %swap3A_308 {strides = array<i32>} : memref<16x1024xf32, #tpu.memory_space<vmem>>, vector<1x16xf32>,
      %get3A_309 = arith.constant 1 : i32
      %get3A_310 = arith.index_cast %get3A_309 : i32 to index
      %get3A_311 = arith.index_cast %multiple_of3A_293 : i32 to index
      %get3A_312 = tpu.vector_load %arg7[%get3A_310, %get3A_311] {strides = array<i32>} : memref<16x1024xf32, #tpu.memory_space<vmem>>, vector<1x16xf32>,
      %get3A_313 = vector.shape_cast %get3A_312 : vector<1x16xf32> to vector<16xf32>
      %get3A_314 = arith.constant 1 : i32
      %get3A_315 = arith.index_cast %get3A_314 : i32 to index
      %get3A_316 = arith.index_cast %multiple_of3A_293 : i32 to index
      %get3A_317 = tpu.vector_load %arg8[%get3A_315, %get3A_316] {strides = array<i32>} : memref<16x1024xf32, #tpu.memory_space<vmem>>, vector<1x16xf32>,
      %get3A_318 = vector.shape_cast %get3A_317 : vector<1x16xf32> to vector<16xf32>
      %add3A_319 = arith.addf %get3A_313, %get3A_318 : vector<16xf32>
      %swap3A_320 = arith.constant 1 : i32
      %swap3A_321 = arith.index_cast %swap3A_320 : i32 to index
      %swap3A_322 = arith.index_cast %multiple_of3A_293 : i32 to index
      %swap3A_323 = tpu.vector_load %arg7[%swap3A_321, %swap3A_322] {strides = array<i32>} : memref<16x1024xf32, #tpu.memory_space<vmem>>, vector<1x16xf32>,
      %swap3A_324 = vector.shape_cast %swap3A_323 : vector<1x16xf32> to vector<16xf32>
      %swap3A_325 = vector.shape_cast %add3A_319 : vector<16xf32> to vector<1x16xf32>
      tpu.vector_store %arg7[%swap3A_321, %swap3A_322], %swap3A_325 {strides = array<i32>} : memref<16x1024xf32, #tpu.memory_space<vmem>>, vector<1x16xf32>,
      %get3A_326 = arith.constant 2 : i32
      %get3A_327 = arith.index_cast %get3A_326 : i32 to index
      %get3A_328 = arith.index_cast %multiple_of3A_293 : i32 to index
      %get3A_329 = tpu.vector_load %arg7[%get3A_327, %get3A_328] {strides = array<i32>} : memref<16x1024xf32, #tpu.memory_space<vmem>>, vector<1x16xf32>,
      %get3A_330 = vector.shape_cast %get3A_329 : vector<1x16xf32> to vector<16xf32>
      %get3A_331 = arith.constant 2 : i32
      %get3A_332 = arith.index_cast %get3A_331 : i32 to index
      %get3A_333 = arith.index_cast %multiple_of3A_293 : i32 to index
      %get3A_334 = tpu.vector_load %arg8[%get3A_332, %get3A_333] {strides = array<i32>} : memref<16x1024xf32, #tpu.memory_space<vmem>>, vector<1x16xf32>,
      %get3A_335 = vector.shape_cast %get3A_334 : vector<1x16xf32> to vector<16xf32>
      %add3A_336 = arith.addf %get3A_330, %get3A_335 : vector<16xf32>
      %swap3A_337 = arith.constant 2 : i32
      %swap3A_338 = arith.index_cast %swap3A_337 : i32 to index
      %swap3A_339 = arith.index_cast %multiple_of3A_293 : i32 to index
      %swap3A_340 = tpu.vector_load %arg7[%swap3A_338, %swap3A_339] {strides = array<i32>} : memref<16x1024xf32, #tpu.memory_space<vmem>>, vector<1x16xf32>,
      %swap3A_341 = vector.shape_cast %swap3A_340 : vector<1x16xf32> to vector<16xf32>
      %swap3A_342 = vector.shape_cast %add3A_336 : vector<16xf32> to vector<1x16xf32>
      tpu.vector_store %arg7[%swap3A_338, %swap3A_339], %swap3A_342 {strides = array<i32>} : memref<16x1024xf32, #tpu.memory_space<vmem>>, vector<1x16xf32>,
      %get3A_343 = arith.constant 3 : i32
      %get3A_344 = arith.index_cast %get3A_343 : i32 to index
      %get3A_345 = arith.index_cast %multiple_of3A_293 : i32 to index
      %get3A_346 = tpu.vector_load %arg7[%get3A_344, %get3A_345] {strides = array<i32>} : memref<16x1024xf32, #tpu.memory_space<vmem>>, vector<1x16xf32>,
      %get3A_347 = vector.shape_cast %get3A_346 : vector<1x16xf32> to vector<16xf32>
      %get3A_348 = arith.constant 3 : i32
      %get3A_349 = arith.index_cast %get3A_348 : i32 to index
      %get3A_350 = arith.index_cast %multiple_of3A_293 : i32 to index
      %get3A_351 = tpu.vector_load %arg8[%get3A_349, %get3A_350] {strides = array<i32>} : memref<16x1024xf32, #tpu.memory_space<vmem>>, vector<1x16xf32>,
      %get3A_352 = vector.shape_cast %get3A_351 : vector<1x16xf32> to vector<16xf32>
      %add3A_353 = arith.addf %get3A_347, %get3A_352 : vector<16xf32>
      %swap3A_354 = arith.constant 3 : i32
      %swap3A_355 = arith.index_cast %swap3A_354 : i32 to index
      %swap3A_356 = arith.index_cast %multiple_of3A_293 : i32 to index
      %swap3A_357 = tpu.vector_load %arg7[%swap3A_355, %swap3A_356] {strides = array<i32>} : memref<16x1024xf32, #tpu.memory_space<vmem>>, vector<1x16xf32>,
      %swap3A_358 = vector.shape_cast %swap3A_357 : vector<1x16xf32> to vector<16xf32>
      %swap3A_359 = vector.shape_cast %add3A_353 : vector<16xf32> to vector<1x16xf32>
      tpu.vector_store %arg7[%swap3A_355, %swap3A_356], %swap3A_359 {strides = array<i32>} : memref<16x1024xf32, #tpu.memory_space<vmem>>, vector<1x16xf32>,
      %get3A_360 = arith.constant 4 : i32
      %get3A_361 = arith.index_cast %get3A_360 : i32 to index
      %get3A_362 = arith.index_cast %multiple_of3A_293 : i32 to index
      %get3A_363 = tpu.vector_load %arg7[%get3A_361, %get3A_362] {strides = array<i32>} : memref<16x1024xf32, #tpu.memory_space<vmem>>, vector<1x16xf32>,
      %get3A_364 = vector.shape_cast %get3A_363 : vector<1x16xf32> to vector<16xf32>
      %get3A_365 = arith.constant 4 : i32
      %get3A_366 = arith.index_cast %get3A_365 : i32 to index
      %get3A_367 = arith.index_cast %multiple_of3A_293 : i32 to index
      %get3A_368 = tpu.vector_load %arg8[%get3A_366, %get3A_367] {strides = array<i32>} : memref<16x1024xf32, #tpu.memory_space<vmem>>, vector<1x16xf32>,
      %get3A_369 = vector.shape_cast %get3A_368 : vector<1x16xf32> to vector<16xf32>
      %add3A_370 = arith.addf %get3A_364, %get3A_369 : vector<16xf32>
      %swap3A_371 = arith.constant 4 : i32
      %swap3A_372 = arith.index_cast %swap3A_371 : i32 to index
      %swap3A_373 = arith.index_cast %multiple_of3A_293 : i32 to index
      %swap3A_374 = tpu.vector_load %arg7[%swap3A_372, %swap3A_373] {strides = array<i32>} : memref<16x1024xf32, #tpu.memory_space<vmem>>, vector<1x16xf32>,
      %swap3A_375 = vector.shape_cast %swap3A_374 : vector<1x16xf32> to vector<16xf32>
      %swap3A_376 = vector.shape_cast %add3A_370 : vector<16xf32> to vector<1x16xf32>
      tpu.vector_store %arg7[%swap3A_372, %swap3A_373], %swap3A_376 {strides = array<i32>} : memref<16x1024xf32, #tpu.memory_space<vmem>>, vector<1x16xf32>,
      %get3A_377 = arith.constant 5 : i32
      %get3A_378 = arith.index_cast %get3A_377 : i32 to index
      %get3A_379 = arith.index_cast %multiple_of3A_293 : i32 to index
      %get3A_380 = tpu.vector_load %arg7[%get3A_378, %get3A_379] {strides = array<i32>} : memref<16x1024xf32, #tpu.memory_space<vmem>>, vector<1x16xf32>,
      %get3A_381 = vector.shape_cast %get3A_380 : vector<1x16xf32> to vector<16xf32>
      %get3A_382 = arith.constant 5 : i32
      %get3A_383 = arith.index_cast %get3A_382 : i32 to index
      %get3A_384 = arith.index_cast %multiple_of3A_293 : i32 to index
      %get3A_385 = tpu.vector_load %arg8[%get3A_383, %get3A_384] {strides = array<i32>} : memref<16x1024xf32, #tpu.memory_space<vmem>>, vector<1x16xf32>,
      %get3A_386 = vector.shape_cast %get3A_385 : vector<1x16xf32> to vector<16xf32>
      %add3A_387 = arith.addf %get3A_381, %get3A_386 : vector<16xf32>
      %swap3A_388 = arith.constant 5 : i32
      %swap3A_389 = arith.index_cast %swap3A_388 : i32 to index
      %swap3A_390 = arith.index_cast %multiple_of3A_293 : i32 to index
      %swap3A_391 = tpu.vector_load %arg7[%swap3A_389, %swap3A_390] {strides = array<i32>} : memref<16x1024xf32, #tpu.memory_space<vmem>>, vector<1x16xf32>,
      %swap3A_392 = vector.shape_cast %swap3A_391 : vector<1x16xf32> to vector<16xf32>
      %swap3A_393 = vector.shape_cast %add3A_387 : vector<16xf32> to vector<1x16xf32>
      tpu.vector_store %arg7[%swap3A_389, %swap3A_390], %swap3A_393 {strides = array<i32>} : memref<16x1024xf32, #tpu.memory_space<vmem>>, vector<1x16xf32>,
      %get3A_394 = arith.constant 6 : i32
      %get3A_395 = arith.index_cast %get3A_394 : i32 to index
      %get3A_396 = arith.index_cast %multiple_of3A_293 : i32 to index
      %get3A_397 = tpu.vector_load %arg7[%get3A_395, %get3A_396] {strides = array<i32>} : memref<16x1024xf32, #tpu.memory_space<vmem>>, vector<1x16xf32>,
      %get3A_398 = vector.shape_cast %get3A_397 : vector<1x16xf32> to vector<16xf32>
      %get3A_399 = arith.constant 6 : i32
      %get3A_400 = arith.index_cast %get3A_399 : i32 to index
      %get3A_401 = arith.index_cast %multiple_of3A_293 : i32 to index
      %get3A_402 = tpu.vector_load %arg8[%get3A_400, %get3A_401] {strides = array<i32>} : memref<16x1024xf32, #tpu.memory_space<vmem>>, vector<1x16xf32>,
      %get3A_403 = vector.shape_cast %get3A_402 : vector<1x16xf32> to vector<16xf32>
      %add3A_404 = arith.addf %get3A_398, %get3A_403 : vector<16xf32>
      %swap3A_405 = arith.constant 6 : i32
      %swap3A_406 = arith.index_cast %swap3A_405 : i32 to index
      %swap3A_407 = arith.index_cast %multiple_of3A_293 : i32 to index
      %swap3A_408 = tpu.vector_load %arg7[%swap3A_406, %swap3A_407] {strides = array<i32>} : memref<16x1024xf32, #tpu.memory_space<vmem>>, vector<1x16xf32>,
      %swap3A_409 = vector.shape_cast %swap3A_408 : vector<1x16xf32> to vector<16xf32>
      %swap3A_410 = vector.shape_cast %add3A_404 : vector<16xf32> to vector<1x16xf32>
      tpu.vector_store %arg7[%swap3A_406, %swap3A_407], %swap3A_410 {strides = array<i32>} : memref<16x1024xf32, #tpu.memory_space<vmem>>, vector<1x16xf32>,
      %get3A_411 = arith.constant 7 : i32
      %get3A_412 = arith.index_cast %get3A_411 : i32 to index
      %get3A_413 = arith.index_cast %multiple_of3A_293 : i32 to index
      %get3A_414 = tpu.vector_load %arg7[%get3A_412, %get3A_413] {strides = array<i32>} : memref<16x1024xf32, #tpu.memory_space<vmem>>, vector<1x16xf32>,
      %get3A_415 = vector.shape_cast %get3A_414 : vector<1x16xf32> to vector<16xf32>
      %get3A_416 = arith.constant 7 : i32
      %get3A_417 = arith.index_cast %get3A_416 : i32 to index
      %get3A_418 = arith.index_cast %multiple_of3A_293 : i32 to index
      %get3A_419 = tpu.vector_load %arg8[%get3A_417, %get3A_418] {strides = array<i32>} : memref<16x1024xf32, #tpu.memory_space<vmem>>, vector<1x16xf32>,
      %get3A_420 = vector.shape_cast %get3A_419 : vector<1x16xf32> to vector<16xf32>
      %add3A_421 = arith.addf %get3A_415, %get3A_420 : vector<16xf32>
      %swap3A_422 = arith.constant 7 : i32
      %swap3A_423 = arith.index_cast %swap3A_422 : i32 to index
      %swap3A_424 = arith.index_cast %multiple_of3A_293 : i32 to index
      %swap3A_425 = tpu.vector_load %arg7[%swap3A_423, %swap3A_424] {strides = array<i32>} : memref<16x1024xf32, #tpu.memory_space<vmem>>, vector<1x16xf32>,
      %swap3A_426 = vector.shape_cast %swap3A_425 : vector<1x16xf32> to vector<16xf32>
      %swap3A_427 = vector.shape_cast %add3A_421 : vector<16xf32> to vector<1x16xf32>
      tpu.vector_store %arg7[%swap3A_423, %swap3A_424], %swap3A_427 {strides = array<i32>} : memref<16x1024xf32, #tpu.memory_space<vmem>>, vector<1x16xf32>,
      %get3A_428 = arith.constant 8 : i32
      %get3A_429 = arith.index_cast %get3A_428 : i32 to index
      %get3A_430 = arith.index_cast %multiple_of3A_293 : i32 to index
      %get3A_431 = tpu.vector_load %arg7[%get3A_429, %get3A_430] {strides = array<i32>} : memref<16x1024xf32, #tpu.memory_space<vmem>>, vector<1x16xf32>,
      %get3A_432 = vector.shape_cast %get3A_431 : vector<1x16xf32> to vector<16xf32>
      %get3A_433 = arith.constant 8 : i32
      %get3A_434 = arith.index_cast %get3A_433 : i32 to index
      %get3A_435 = arith.index_cast %multiple_of3A_293 : i32 to index
      %get3A_436 = tpu.vector_load %arg8[%get3A_434, %get3A_435] {strides = array<i32>} : memref<16x1024xf32, #tpu.memory_space<vmem>>, vector<1x16xf32>,
      %get3A_437 = vector.shape_cast %get3A_436 : vector<1x16xf32> to vector<16xf32>
      %add3A_438 = arith.addf %get3A_432, %get3A_437 : vector<16xf32>
      %swap3A_439 = arith.constant 8 : i32
      %swap3A_440 = arith.index_cast %swap3A_439 : i32 to index
      %swap3A_441 = arith.index_cast %multiple_of3A_293 : i32 to index
      %swap3A_442 = tpu.vector_load %arg7[%swap3A_440, %swap3A_441] {strides = array<i32>} : memref<16x1024xf32, #tpu.memory_space<vmem>>, vector<1x16xf32>,
      %swap3A_443 = vector.shape_cast %swap3A_442 : vector<1x16xf32> to vector<16xf32>
      %swap3A_444 = vector.shape_cast %add3A_438 : vector<16xf32> to vector<1x16xf32>
      tpu.vector_store %arg7[%swap3A_440, %swap3A_441], %swap3A_444 {strides = array<i32>} : memref<16x1024xf32, #tpu.memory_space<vmem>>, vector<1x16xf32>,
      %get3A_445 = arith.constant 9 : i32
      %get3A_446 = arith.index_cast %get3A_445 : i32 to index
      %get3A_447 = arith.index_cast %multiple_of3A_293 : i32 to index
      %get3A_448 = tpu.vector_load %arg7[%get3A_446, %get3A_447] {strides = array<i32>} : memref<16x1024xf32, #tpu.memory_space<vmem>>, vector<1x16xf32>,
      %get3A_449 = vector.shape_cast %get3A_448 : vector<1x16xf32> to vector<16xf32>
      %get3A_450 = arith.constant 9 : i32
      %get3A_451 = arith.index_cast %get3A_450 : i32 to index
      %get3A_452 = arith.index_cast %multiple_of3A_293 : i32 to index
      %get3A_453 = tpu.vector_load %arg8[%get3A_451, %get3A_452] {strides = array<i32>} : memref<16x1024xf32, #tpu.memory_space<vmem>>, vector<1x16xf32>,
      %get3A_454 = vector.shape_cast %get3A_453 : vector<1x16xf32> to vector<16xf32>
      %add3A_455 = arith.addf %get3A_449, %get3A_454 : vector<16xf32>
      %swap3A_456 = arith.constant 9 : i32
      %swap3A_457 = arith.index_cast %swap3A_456 : i32 to index
      %swap3A_458 = arith.index_cast %multiple_of3A_293 : i32 to index
      %swap3A_459 = tpu.vector_load %arg7[%swap3A_457, %swap3A_458] {strides = array<i32>} : memref<16x1024xf32, #tpu.memory_space<vmem>>, vector<1x16xf32>,
      %swap3A_460 = vector.shape_cast %swap3A_459 : vector<1x16xf32> to vector<16xf32>
      %swap3A_461 = vector.shape_cast %add3A_455 : vector<16xf32> to vector<1x16xf32>
      tpu.vector_store %arg7[%swap3A_457, %swap3A_458], %swap3A_461 {strides = array<i32>} : memref<16x1024xf32, #tpu.memory_space<vmem>>, vector<1x16xf32>,
      %get3A_462 = arith.constant 10 : i32
      %get3A_463 = arith.index_cast %get3A_462 : i32 to index
      %get3A_464 = arith.index_cast %multiple_of3A_293 : i32 to index
      %get3A_465 = tpu.vector_load %arg7[%get3A_463, %get3A_464] {strides = array<i32>} : memref<16x1024xf32, #tpu.memory_space<vmem>>, vector<1x16xf32>,
      %get3A_466 = vector.shape_cast %get3A_465 : vector<1x16xf32> to vector<16xf32>
      %get3A_467 = arith.constant 10 : i32
      %get3A_468 = arith.index_cast %get3A_467 : i32 to index
      %get3A_469 = arith.index_cast %multiple_of3A_293 : i32 to index
      %get3A_470 = tpu.vector_load %arg8[%get3A_468, %get3A_469] {strides = array<i32>} : memref<16x1024xf32, #tpu.memory_space<vmem>>, vector<1x16xf32>,
      %get3A_471 = vector.shape_cast %get3A_470 : vector<1x16xf32> to vector<16xf32>
      %add3A_472 = arith.addf %get3A_466, %get3A_471 : vector<16xf32>
      %swap3A_473 = arith.constant 10 : i32
      %swap3A_474 = arith.index_cast %swap3A_473 : i32 to index
      %swap3A_475 = arith.index_cast %multiple_of3A_293 : i32 to index
      %swap3A_476 = tpu.vector_load %arg7[%swap3A_474, %swap3A_475] {strides = array<i32>} : memref<16x1024xf32, #tpu.memory_space<vmem>>, vector<1x16xf32>,
      %swap3A_477 = vector.shape_cast %swap3A_476 : vector<1x16xf32> to vector<16xf32>
      %swap3A_478 = vector.shape_cast %add3A_472 : vector<16xf32> to vector<1x16xf32>
      tpu.vector_store %arg7[%swap3A_474, %swap3A_475], %swap3A_478 {strides = array<i32>} : memref<16x1024xf32, #tpu.memory_space<vmem>>, vector<1x16xf32>,
      %get3A_479 = arith.constant 11 : i32
      %get3A_480 = arith.index_cast %get3A_479 : i32 to index
      %get3A_481 = arith.index_cast %multiple_of3A_293 : i32 to index
      %get3A_482 = tpu.vector_load %arg7[%get3A_480, %get3A_481] {strides = array<i32>} : memref<16x1024xf32, #tpu.memory_space<vmem>>, vector<1x16xf32>,
      %get3A_483 = vector.shape_cast %get3A_482 : vector<1x16xf32> to vector<16xf32>
      %get3A_484 = arith.constant 11 : i32
      %get3A_485 = arith.index_cast %get3A_484 : i32 to index
      %get3A_486 = arith.index_cast %multiple_of3A_293 : i32 to index
      %get3A_487 = tpu.vector_load %arg8[%get3A_485, %get3A_486] {strides = array<i32>} : memref<16x1024xf32, #tpu.memory_space<vmem>>, vector<1x16xf32>,
      %get3A_488 = vector.shape_cast %get3A_487 : vector<1x16xf32> to vector<16xf32>
      %add3A_489 = arith.addf %get3A_483, %get3A_488 : vector<16xf32>
      %swap3A_490 = arith.constant 11 : i32
      %swap3A_491 = arith.index_cast %swap3A_490 : i32 to index
      %swap3A_492 = arith.index_cast %multiple_of3A_293 : i32 to index
      %swap3A_493 = tpu.vector_load %arg7[%swap3A_491, %swap3A_492] {strides = array<i32>} : memref<16x1024xf32, #tpu.memory_space<vmem>>, vector<1x16xf32>,
      %swap3A_494 = vector.shape_cast %swap3A_493 : vector<1x16xf32> to vector<16xf32>
      %swap3A_495 = vector.shape_cast %add3A_489 : vector<16xf32> to vector<1x16xf32>
      tpu.vector_store %arg7[%swap3A_491, %swap3A_492], %swap3A_495 {strides = array<i32>} : memref<16x1024xf32, #tpu.memory_space<vmem>>, vector<1x16xf32>,
      %get3A_496 = arith.constant 12 : i32
      %get3A_497 = arith.index_cast %get3A_496 : i32 to index
      %get3A_498 = arith.index_cast %multiple_of3A_293 : i32 to index
      %get3A_499 = tpu.vector_load %arg7[%get3A_497, %get3A_498] {strides = array<i32>} : memref<16x1024xf32, #tpu.memory_space<vmem>>, vector<1x16xf32>,
      %get3A_500 = vector.shape_cast %get3A_499 : vector<1x16xf32> to vector<16xf32>
      %get3A_501 = arith.constant 12 : i32
      %get3A_502 = arith.index_cast %get3A_501 : i32 to index
      %get3A_503 = arith.index_cast %multiple_of3A_293 : i32 to index
      %get3A_504 = tpu.vector_load %arg8[%get3A_502, %get3A_503] {strides = array<i32>} : memref<16x1024xf32, #tpu.memory_space<vmem>>, vector<1x16xf32>,
      %get3A_505 = vector.shape_cast %get3A_504 : vector<1x16xf32> to vector<16xf32>
      %add3A_506 = arith.addf %get3A_500, %get3A_505 : vector<16xf32>
      %swap3A_507 = arith.constant 12 : i32
      %swap3A_508 = arith.index_cast %swap3A_507 : i32 to index
      %swap3A_509 = arith.index_cast %multiple_of3A_293 : i32 to index
      %swap3A_510 = tpu.vector_load %arg7[%swap3A_508, %swap3A_509] {strides = array<i32>} : memref<16x1024xf32, #tpu.memory_space<vmem>>, vector<1x16xf32>,
      %swap3A_511 = vector.shape_cast %swap3A_510 : vector<1x16xf32> to vector<16xf32>
      %swap3A_512 = vector.shape_cast %add3A_506 : vector<16xf32> to vector<1x16xf32>
      tpu.vector_store %arg7[%swap3A_508, %swap3A_509], %swap3A_512 {strides = array<i32>} : memref<16x1024xf32, #tpu.memory_space<vmem>>, vector<1x16xf32>,
      %get3A_513 = arith.constant 13 : i32
      %get3A_514 = arith.index_cast %get3A_513 : i32 to index
      %get3A_515 = arith.index_cast %multiple_of3A_293 : i32 to index
      %get3A_516 = tpu.vector_load %arg7[%get3A_514, %get3A_515] {strides = array<i32>} : memref<16x1024xf32, #tpu.memory_space<vmem>>, vector<1x16xf32>,
      %get3A_517 = vector.shape_cast %get3A_516 : vector<1x16xf32> to vector<16xf32>
      %get3A_518 = arith.constant 13 : i32
      %get3A_519 = arith.index_cast %get3A_518 : i32 to index
      %get3A_520 = arith.index_cast %multiple_of3A_293 : i32 to index
      %get3A_521 = tpu.vector_load %arg8[%get3A_519, %get3A_520] {strides = array<i32>} : memref<16x1024xf32, #tpu.memory_space<vmem>>, vector<1x16xf32>,
      %get3A_522 = vector.shape_cast %get3A_521 : vector<1x16xf32> to vector<16xf32>
      %add3A_523 = arith.addf %get3A_517, %get3A_522 : vector<16xf32>
      %swap3A_524 = arith.constant 13 : i32
      %swap3A_525 = arith.index_cast %swap3A_524 : i32 to index
      %swap3A_526 = arith.index_cast %multiple_of3A_293 : i32 to index
      %swap3A_527 = tpu.vector_load %arg7[%swap3A_525, %swap3A_526] {strides = array<i32>} : memref<16x1024xf32, #tpu.memory_space<vmem>>, vector<1x16xf32>,
      %swap3A_528 = vector.shape_cast %swap3A_527 : vector<1x16xf32> to vector<16xf32>
      %swap3A_529 = vector.shape_cast %add3A_523 : vector<16xf32> to vector<1x16xf32>
      tpu.vector_store %arg7[%swap3A_525, %swap3A_526], %swap3A_529 {strides = array<i32>} : memref<16x1024xf32, #tpu.memory_space<vmem>>, vector<1x16xf32>,
      %get3A_530 = arith.constant 14 : i32
      %get3A_531 = arith.index_cast %get3A_530 : i32 to index
      %get3A_532 = arith.index_cast %multiple_of3A_293 : i32 to index
      %get3A_533 = tpu.vector_load %arg7[%get3A_531, %get3A_532] {strides = array<i32>} : memref<16x1024xf32, #tpu.memory_space<vmem>>, vector<1x16xf32>,
      %get3A_534 = vector.shape_cast %get3A_533 : vector<1x16xf32> to vector<16xf32>
      %get3A_535 = arith.constant 14 : i32
      %get3A_536 = arith.index_cast %get3A_535 : i32 to index
      %get3A_537 = arith.index_cast %multiple_of3A_293 : i32 to index
      %get3A_538 = tpu.vector_load %arg8[%get3A_536, %get3A_537] {strides = array<i32>} : memref<16x1024xf32, #tpu.memory_space<vmem>>, vector<1x16xf32>,
      %get3A_539 = vector.shape_cast %get3A_538 : vector<1x16xf32> to vector<16xf32>
      %add3A_540 = arith.addf %get3A_534, %get3A_539 : vector<16xf32>
      %swap3A_541 = arith.constant 14 : i32
      %swap3A_542 = arith.index_cast %swap3A_541 : i32 to index
      %swap3A_543 = arith.index_cast %multiple_of3A_293 : i32 to index
      %swap3A_544 = tpu.vector_load %arg7[%swap3A_542, %swap3A_543] {strides = array<i32>} : memref<16x1024xf32, #tpu.memory_space<vmem>>, vector<1x16xf32>,
      %swap3A_545 = vector.shape_cast %swap3A_544 : vector<1x16xf32> to vector<16xf32>
      %swap3A_546 = vector.shape_cast %add3A_540 : vector<16xf32> to vector<1x16xf32>
      tpu.vector_store %arg7[%swap3A_542, %swap3A_543], %swap3A_546 {strides = array<i32>} : memref<16x1024xf32, #tpu.memory_space<vmem>>, vector<1x16xf32>,
      %get3A_547 = arith.constant 15 : i32
      %get3A_548 = arith.index_cast %get3A_547 : i32 to index
      %get3A_549 = arith.index_cast %multiple_of3A_293 : i32 to index
      %get3A_550 = tpu.vector_load %arg7[%get3A_548, %get3A_549] {strides = array<i32>} : memref<16x1024xf32, #tpu.memory_space<vmem>>, vector<1x16xf32>,
      %get3A_551 = vector.shape_cast %get3A_550 : vector<1x16xf32> to vector<16xf32>
      %get3A_552 = arith.constant 15 : i32
      %get3A_553 = arith.index_cast %get3A_552 : i32 to index
      %get3A_554 = arith.index_cast %multiple_of3A_293 : i32 to index
      %get3A_555 = tpu.vector_load %arg8[%get3A_553, %get3A_554] {strides = array<i32>} : memref<16x1024xf32, #tpu.memory_space<vmem>>, vector<1x16xf32>,
      %get3A_556 = vector.shape_cast %get3A_555 : vector<1x16xf32> to vector<16xf32>
      %add3A_557 = arith.addf %get3A_551, %get3A_556 : vector<16xf32>
      %swap3A_558 = arith.constant 15 : i32
      %swap3A_559 = arith.index_cast %swap3A_558 : i32 to index
      %swap3A_560 = arith.index_cast %multiple_of3A_293 : i32 to index
      %swap3A_561 = tpu.vector_load %arg7[%swap3A_559, %swap3A_560] {strides = array<i32>} : memref<16x1024xf32, #tpu.memory_space<vmem>>, vector<1x16xf32>,
      %swap3A_562 = vector.shape_cast %swap3A_561 : vector<1x16xf32> to vector<16xf32>
      %swap3A_563 = vector.shape_cast %add3A_557 : vector<16xf32> to vector<1x16xf32>
      tpu.vector_store %arg7[%swap3A_559, %swap3A_560], %swap3A_563 {strides = array<i32>} : memref<16x1024xf32, #tpu.memory_space<vmem>>, vector<1x16xf32>,
    }
    %scan3A_109 = arith.constant 64 : i32
    %add3A_110 = arith.constant 32 : i32
    %add3A_111 = arith.addi %multiple_of3A, %add3A_110 : i32
    %dma_start3A_112 = arith.constant 0 : i32
    %dma_start3A_113 = tpu.memref_slice %arg4[%add3A_111, %dma_start3A_112] : memref<4096x1024xf32, #tpu.memory_space<hbm>> -> memref<16x1024xf32, #tpu.memory_space<hbm>>
    %dma_start3A_114 = arith.constant 0 : i32
    %dma_start3A_115 = tpu.memref_slice %arg4[%add3A_111, %dma_start3A_114] : memref<4096x1024xf32, #tpu.memory_space<hbm>> -> memref<16x1024xf32, #tpu.memory_space<hbm>>
    tpu.enqueue_dma source(%arg7 : memref<16x1024xf32, #tpu.memory_space<vmem>>) target(%dma_start3A_115 : memref<16x1024xf32, #tpu.memory_space<hbm>>) target_semaphore(%arg15 : memref<!tpu.dma_semaphore, #tpu.memory_space<semaphore_mem>>)
    %dma_wait3A_116 = arith.constant 48 : i32
    %dma_wait3A_117 = tpu.memref_slice %arg5[%dma_wait3A_116] : memref<128xi32, #tpu.memory_space<vmem>> -> memref<16xi32, #tpu.memory_space<vmem>>
    %dma_wait3A_118 = arith.constant 0 : i32
    %dma_wait3A_119 = arith.constant 0 : i32
    %dma_wait3A_120 = tpu.memref_slice %arg3[%dma_wait3A_118, %dma_wait3A_119] : memref<12288x1024xf32, #tpu.memory_space<hbm>> -> memref<12288x1024xf32, #tpu.memory_space<hbm>>
    tpu.wait_indirect_dma semaphore(%arg13 : memref<!tpu.dma_semaphore, #tpu.memory_space<semaphore_mem>>) src(%dma_wait3A_120 : memref<12288x1024xf32, #tpu.memory_space<hbm>>) dst(%arg9 : memref<16x1024xf32, #tpu.memory_space<vmem>>)
    %dma_wait3A_121 = arith.constant 48 : i32
    %dma_wait3A_122 = tpu.memref_slice %arg6[%dma_wait3A_121] : memref<128xi32, #tpu.memory_space<vmem>> -> memref<16xi32, #tpu.memory_space<vmem>>
    %dma_wait3A_123 = arith.constant 0 : i32
    %dma_wait3A_124 = arith.constant 0 : i32
    %dma_wait3A_125 = tpu.memref_slice %arg3[%dma_wait3A_123, %dma_wait3A_124] : memref<12288x1024xf32, #tpu.memory_space<hbm>> -> memref<12288x1024xf32, #tpu.memory_space<hbm>>
    tpu.wait_indirect_dma semaphore(%arg14 : memref<!tpu.dma_semaphore, #tpu.memory_space<semaphore_mem>>) src(%dma_wait3A_125 : memref<12288x1024xf32, #tpu.memory_space<hbm>>) dst(%arg10 : memref<16x1024xf32, #tpu.memory_space<vmem>>)
    %dma_wait3A_126 = arith.constant 0 : i32
    %dma_wait3A_127 = tpu.memref_slice %arg4[%add3A_111, %dma_wait3A_126] : memref<4096x1024xf32, #tpu.memory_space<hbm>> -> memref<16x1024xf32, #tpu.memory_space<hbm>>
    %dma_wait3A_128 = arith.constant 0 : i32
    %dma_wait3A_129 = tpu.memref_slice %arg4[%add3A_111, %dma_wait3A_128] : memref<4096x1024xf32, #tpu.memory_space<hbm>> -> memref<16x1024xf32, #tpu.memory_space<hbm>>
    tpu.wait_dma2 semaphore(%arg15 : memref<!tpu.dma_semaphore, #tpu.memory_space<semaphore_mem>>) src(%arg7 : memref<16x1024xf32, #tpu.memory_space<vmem>>) dst(%dma_wait3A_129 : memref<16x1024xf32, #tpu.memory_space<hbm>>)
    %dma_start3A_130 = arith.constant 64 : i32
    %dma_start3A_131 = tpu.memref_slice %arg5[%dma_start3A_130] : memref<128xi32, #tpu.memory_space<vmem>> -> memref<16xi32, #tpu.memory_space<vmem>>
    %dma_start3A_132 = arith.constant 0 : i32
    %dma_start3A_133 = arith.constant 0 : i32
    %dma_start3A_134 = tpu.memref_slice %arg3[%dma_start3A_132, %dma_start3A_133] : memref<12288x1024xf32, #tpu.memory_space<hbm>> -> memref<12288x1024xf32, #tpu.memory_space<hbm>>
    tpu.enqueue_indirect_dma source(%dma_start3A_134 : memref<12288x1024xf32, #tpu.memory_space<hbm>>) target(%arg7 : memref<16x1024xf32, #tpu.memory_space<vmem>>) offsets(%dma_start3A_131 : memref<16xi32, #tpu.memory_space<vmem>>) semaphore(%arg11 : memref<!tpu.dma_semaphore, #tpu.memory_space<semaphore_mem>>)
    %dma_start3A_135 = arith.constant 64 : i32
    %dma_start3A_136 = tpu.memref_slice %arg6[%dma_start3A_135] : memref<128xi32, #tpu.memory_space<vmem>> -> memref<16xi32, #tpu.memory_space<vmem>>
    %dma_start3A_137 = arith.constant 0 : i32
    %dma_start3A_138 = arith.constant 0 : i32
    %dma_start3A_139 = tpu.memref_slice %arg3[%dma_start3A_137, %dma_start3A_138] : memref<12288x1024xf32, #tpu.memory_space<hbm>> -> memref<12288x1024xf32, #tpu.memory_space<hbm>>
    tpu.enqueue_indirect_dma source(%dma_start3A_139 : memref<12288x1024xf32, #tpu.memory_space<hbm>>) target(%arg8 : memref<16x1024xf32, #tpu.memory_space<vmem>>) offsets(%dma_start3A_136 : memref<16xi32, #tpu.memory_space<vmem>>) semaphore(%arg12 : memref<!tpu.dma_semaphore, #tpu.memory_space<semaphore_mem>>)
    %scan3A_140 = arith.constant 0 : i32
    %scan3A_141 = arith.constant 0 : i32
    %scan3A_142 = arith.constant 64 : i32
    %scan3A_143 = arith.addi %scan3A_141, %scan3A_142 : i32
    %scan3A_144 = arith.constant 1 : i32
    scf.for %scan3A_290 = %scan3A_141 to %scan3A_143 step %scan3A_144  : i32 {
      %mul3A_291 = arith.constant 16 : i32
      %mul3A_292 = arith.muli %scan3A_290, %mul3A_291 : i32
      %multiple_of3A_293 = tpu.assume_multiple %mul3A_292, 16 : i32
      %get3A = arith.constant 0 : i32
      %get3A_294 = arith.index_cast %get3A : i32 to index
      %get3A_295 = arith.index_cast %multiple_of3A_293 : i32 to index
      %get3A_296 = tpu.vector_load %arg9[%get3A_294, %get3A_295] {strides = array<i32>} : memref<16x1024xf32, #tpu.memory_space<vmem>>, vector<1x16xf32>,
      %get3A_297 = vector.shape_cast %get3A_296 : vector<1x16xf32> to vector<16xf32>
      %get3A_298 = arith.constant 0 : i32
      %get3A_299 = arith.index_cast %get3A_298 : i32 to index
      %get3A_300 = arith.index_cast %multiple_of3A_293 : i32 to index
      %get3A_301 = tpu.vector_load %arg10[%get3A_299, %get3A_300] {strides = array<i32>} : memref<16x1024xf32, #tpu.memory_space<vmem>>, vector<1x16xf32>,
      %get3A_302 = vector.shape_cast %get3A_301 : vector<1x16xf32> to vector<16xf32>
      %add3A_303 = arith.addf %get3A_297, %get3A_302 : vector<16xf32>
      %swap3A = arith.constant 0 : i32
      %swap3A_304 = arith.index_cast %swap3A : i32 to index
      %swap3A_305 = arith.index_cast %multiple_of3A_293 : i32 to index
      %swap3A_306 = tpu.vector_load %arg9[%swap3A_304, %swap3A_305] {strides = array<i32>} : memref<16x1024xf32, #tpu.memory_space<vmem>>, vector<1x16xf32>,
      %swap3A_307 = vector.shape_cast %swap3A_306 : vector<1x16xf32> to vector<16xf32>
      %swap3A_308 = vector.shape_cast %add3A_303 : vector<16xf32> to vector<1x16xf32>
      tpu.vector_store %arg9[%swap3A_304, %swap3A_305], %swap3A_308 {strides = array<i32>} : memref<16x1024xf32, #tpu.memory_space<vmem>>, vector<1x16xf32>,
      %get3A_309 = arith.constant 1 : i32
      %get3A_310 = arith.index_cast %get3A_309 : i32 to index
      %get3A_311 = arith.index_cast %multiple_of3A_293 : i32 to index
      %get3A_312 = tpu.vector_load %arg9[%get3A_310, %get3A_311] {strides = array<i32>} : memref<16x1024xf32, #tpu.memory_space<vmem>>, vector<1x16xf32>,
      %get3A_313 = vector.shape_cast %get3A_312 : vector<1x16xf32> to vector<16xf32>
      %get3A_314 = arith.constant 1 : i32
      %get3A_315 = arith.index_cast %get3A_314 : i32 to index
      %get3A_316 = arith.index_cast %multiple_of3A_293 : i32 to index
      %get3A_317 = tpu.vector_load %arg10[%get3A_315, %get3A_316] {strides = array<i32>} : memref<16x1024xf32, #tpu.memory_space<vmem>>, vector<1x16xf32>,
      %get3A_318 = vector.shape_cast %get3A_317 : vector<1x16xf32> to vector<16xf32>
      %add3A_319 = arith.addf %get3A_313, %get3A_318 : vector<16xf32>
      %swap3A_320 = arith.constant 1 : i32
      %swap3A_321 = arith.index_cast %swap3A_320 : i32 to index
      %swap3A_322 = arith.index_cast %multiple_of3A_293 : i32 to index
      %swap3A_323 = tpu.vector_load %arg9[%swap3A_321, %swap3A_322] {strides = array<i32>} : memref<16x1024xf32, #tpu.memory_space<vmem>>, vector<1x16xf32>,
      %swap3A_324 = vector.shape_cast %swap3A_323 : vector<1x16xf32> to vector<16xf32>
      %swap3A_325 = vector.shape_cast %add3A_319 : vector<16xf32> to vector<1x16xf32>
      tpu.vector_store %arg9[%swap3A_321, %swap3A_322], %swap3A_325 {strides = array<i32>} : memref<16x1024xf32, #tpu.memory_space<vmem>>, vector<1x16xf32>,
      %get3A_326 = arith.constant 2 : i32
      %get3A_327 = arith.index_cast %get3A_326 : i32 to index
      %get3A_328 = arith.index_cast %multiple_of3A_293 : i32 to index
      %get3A_329 = tpu.vector_load %arg9[%get3A_327, %get3A_328] {strides = array<i32>} : memref<16x1024xf32, #tpu.memory_space<vmem>>, vector<1x16xf32>,
      %get3A_330 = vector.shape_cast %get3A_329 : vector<1x16xf32> to vector<16xf32>
      %get3A_331 = arith.constant 2 : i32
      %get3A_332 = arith.index_cast %get3A_331 : i32 to index
      %get3A_333 = arith.index_cast %multiple_of3A_293 : i32 to index
      %get3A_334 = tpu.vector_load %arg10[%get3A_332, %get3A_333] {strides = array<i32>} : memref<16x1024xf32, #tpu.memory_space<vmem>>, vector<1x16xf32>,
      %get3A_335 = vector.shape_cast %get3A_334 : vector<1x16xf32> to vector<16xf32>
      %add3A_336 = arith.addf %get3A_330, %get3A_335 : vector<16xf32>
      %swap3A_337 = arith.constant 2 : i32
      %swap3A_338 = arith.index_cast %swap3A_337 : i32 to index
      %swap3A_339 = arith.index_cast %multiple_of3A_293 : i32 to index
      %swap3A_340 = tpu.vector_load %arg9[%swap3A_338, %swap3A_339] {strides = array<i32>} : memref<16x1024xf32, #tpu.memory_space<vmem>>, vector<1x16xf32>,
      %swap3A_341 = vector.shape_cast %swap3A_340 : vector<1x16xf32> to vector<16xf32>
      %swap3A_342 = vector.shape_cast %add3A_336 : vector<16xf32> to vector<1x16xf32>
      tpu.vector_store %arg9[%swap3A_338, %swap3A_339], %swap3A_342 {strides = array<i32>} : memref<16x1024xf32, #tpu.memory_space<vmem>>, vector<1x16xf32>,
      %get3A_343 = arith.constant 3 : i32
      %get3A_344 = arith.index_cast %get3A_343 : i32 to index
      %get3A_345 = arith.index_cast %multiple_of3A_293 : i32 to index
      %get3A_346 = tpu.vector_load %arg9[%get3A_344, %get3A_345] {strides = array<i32>} : memref<16x1024xf32, #tpu.memory_space<vmem>>, vector<1x16xf32>,
      %get3A_347 = vector.shape_cast %get3A_346 : vector<1x16xf32> to vector<16xf32>
      %get3A_348 = arith.constant 3 : i32
      %get3A_349 = arith.index_cast %get3A_348 : i32 to index
      %get3A_350 = arith.index_cast %multiple_of3A_293 : i32 to index
      %get3A_351 = tpu.vector_load %arg10[%get3A_349, %get3A_350] {strides = array<i32>} : memref<16x1024xf32, #tpu.memory_space<vmem>>, vector<1x16xf32>,
      %get3A_352 = vector.shape_cast %get3A_351 : vector<1x16xf32> to vector<16xf32>
      %add3A_353 = arith.addf %get3A_347, %get3A_352 : vector<16xf32>
      %swap3A_354 = arith.constant 3 : i32
      %swap3A_355 = arith.index_cast %swap3A_354 : i32 to index
      %swap3A_356 = arith.index_cast %multiple_of3A_293 : i32 to index
      %swap3A_357 = tpu.vector_load %arg9[%swap3A_355, %swap3A_356] {strides = array<i32>} : memref<16x1024xf32, #tpu.memory_space<vmem>>, vector<1x16xf32>,
      %swap3A_358 = vector.shape_cast %swap3A_357 : vector<1x16xf32> to vector<16xf32>
      %swap3A_359 = vector.shape_cast %add3A_353 : vector<16xf32> to vector<1x16xf32>
      tpu.vector_store %arg9[%swap3A_355, %swap3A_356], %swap3A_359 {strides = array<i32>} : memref<16x1024xf32, #tpu.memory_space<vmem>>, vector<1x16xf32>,
      %get3A_360 = arith.constant 4 : i32
      %get3A_361 = arith.index_cast %get3A_360 : i32 to index
      %get3A_362 = arith.index_cast %multiple_of3A_293 : i32 to index
      %get3A_363 = tpu.vector_load %arg9[%get3A_361, %get3A_362] {strides = array<i32>} : memref<16x1024xf32, #tpu.memory_space<vmem>>, vector<1x16xf32>,
      %get3A_364 = vector.shape_cast %get3A_363 : vector<1x16xf32> to vector<16xf32>
      %get3A_365 = arith.constant 4 : i32
      %get3A_366 = arith.index_cast %get3A_365 : i32 to index
      %get3A_367 = arith.index_cast %multiple_of3A_293 : i32 to index
      %get3A_368 = tpu.vector_load %arg10[%get3A_366, %get3A_367] {strides = array<i32>} : memref<16x1024xf32, #tpu.memory_space<vmem>>, vector<1x16xf32>,
      %get3A_369 = vector.shape_cast %get3A_368 : vector<1x16xf32> to vector<16xf32>
      %add3A_370 = arith.addf %get3A_364, %get3A_369 : vector<16xf32>
      %swap3A_371 = arith.constant 4 : i32
      %swap3A_372 = arith.index_cast %swap3A_371 : i32 to index
      %swap3A_373 = arith.index_cast %multiple_of3A_293 : i32 to index
      %swap3A_374 = tpu.vector_load %arg9[%swap3A_372, %swap3A_373] {strides = array<i32>} : memref<16x1024xf32, #tpu.memory_space<vmem>>, vector<1x16xf32>,
      %swap3A_375 = vector.shape_cast %swap3A_374 : vector<1x16xf32> to vector<16xf32>
      %swap3A_376 = vector.shape_cast %add3A_370 : vector<16xf32> to vector<1x16xf32>
      tpu.vector_store %arg9[%swap3A_372, %swap3A_373], %swap3A_376 {strides = array<i32>} : memref<16x1024xf32, #tpu.memory_space<vmem>>, vector<1x16xf32>,
      %get3A_377 = arith.constant 5 : i32
      %get3A_378 = arith.index_cast %get3A_377 : i32 to index
      %get3A_379 = arith.index_cast %multiple_of3A_293 : i32 to index
      %get3A_380 = tpu.vector_load %arg9[%get3A_378, %get3A_379] {strides = array<i32>} : memref<16x1024xf32, #tpu.memory_space<vmem>>, vector<1x16xf32>,
      %get3A_381 = vector.shape_cast %get3A_380 : vector<1x16xf32> to vector<16xf32>
      %get3A_382 = arith.constant 5 : i32
      %get3A_383 = arith.index_cast %get3A_382 : i32 to index
      %get3A_384 = arith.index_cast %multiple_of3A_293 : i32 to index
      %get3A_385 = tpu.vector_load %arg10[%get3A_383, %get3A_384] {strides = array<i32>} : memref<16x1024xf32, #tpu.memory_space<vmem>>, vector<1x16xf32>,
      %get3A_386 = vector.shape_cast %get3A_385 : vector<1x16xf32> to vector<16xf32>
      %add3A_387 = arith.addf %get3A_381, %get3A_386 : vector<16xf32>
      %swap3A_388 = arith.constant 5 : i32
      %swap3A_389 = arith.index_cast %swap3A_388 : i32 to index
      %swap3A_390 = arith.index_cast %multiple_of3A_293 : i32 to index
      %swap3A_391 = tpu.vector_load %arg9[%swap3A_389, %swap3A_390] {strides = array<i32>} : memref<16x1024xf32, #tpu.memory_space<vmem>>, vector<1x16xf32>,
      %swap3A_392 = vector.shape_cast %swap3A_391 : vector<1x16xf32> to vector<16xf32>
      %swap3A_393 = vector.shape_cast %add3A_387 : vector<16xf32> to vector<1x16xf32>
      tpu.vector_store %arg9[%swap3A_389, %swap3A_390], %swap3A_393 {strides = array<i32>} : memref<16x1024xf32, #tpu.memory_space<vmem>>, vector<1x16xf32>,
      %get3A_394 = arith.constant 6 : i32
      %get3A_395 = arith.index_cast %get3A_394 : i32 to index
      %get3A_396 = arith.index_cast %multiple_of3A_293 : i32 to index
      %get3A_397 = tpu.vector_load %arg9[%get3A_395, %get3A_396] {strides = array<i32>} : memref<16x1024xf32, #tpu.memory_space<vmem>>, vector<1x16xf32>,
      %get3A_398 = vector.shape_cast %get3A_397 : vector<1x16xf32> to vector<16xf32>
      %get3A_399 = arith.constant 6 : i32
      %get3A_400 = arith.index_cast %get3A_399 : i32 to index
      %get3A_401 = arith.index_cast %multiple_of3A_293 : i32 to index
      %get3A_402 = tpu.vector_load %arg10[%get3A_400, %get3A_401] {strides = array<i32>} : memref<16x1024xf32, #tpu.memory_space<vmem>>, vector<1x16xf32>,
      %get3A_403 = vector.shape_cast %get3A_402 : vector<1x16xf32> to vector<16xf32>
      %add3A_404 = arith.addf %get3A_398, %get3A_403 : vector<16xf32>
      %swap3A_405 = arith.constant 6 : i32
      %swap3A_406 = arith.index_cast %swap3A_405 : i32 to index
      %swap3A_407 = arith.index_cast %multiple_of3A_293 : i32 to index
      %swap3A_408 = tpu.vector_load %arg9[%swap3A_406, %swap3A_407] {strides = array<i32>} : memref<16x1024xf32, #tpu.memory_space<vmem>>, vector<1x16xf32>,
      %swap3A_409 = vector.shape_cast %swap3A_408 : vector<1x16xf32> to vector<16xf32>
      %swap3A_410 = vector.shape_cast %add3A_404 : vector<16xf32> to vector<1x16xf32>
      tpu.vector_store %arg9[%swap3A_406, %swap3A_407], %swap3A_410 {strides = array<i32>} : memref<16x1024xf32, #tpu.memory_space<vmem>>, vector<1x16xf32>,
      %get3A_411 = arith.constant 7 : i32
      %get3A_412 = arith.index_cast %get3A_411 : i32 to index
      %get3A_413 = arith.index_cast %multiple_of3A_293 : i32 to index
      %get3A_414 = tpu.vector_load %arg9[%get3A_412, %get3A_413] {strides = array<i32>} : memref<16x1024xf32, #tpu.memory_space<vmem>>, vector<1x16xf32>,
      %get3A_415 = vector.shape_cast %get3A_414 : vector<1x16xf32> to vector<16xf32>
      %get3A_416 = arith.constant 7 : i32
      %get3A_417 = arith.index_cast %get3A_416 : i32 to index
      %get3A_418 = arith.index_cast %multiple_of3A_293 : i32 to index
      %get3A_419 = tpu.vector_load %arg10[%get3A_417, %get3A_418] {strides = array<i32>} : memref<16x1024xf32, #tpu.memory_space<vmem>>, vector<1x16xf32>,
      %get3A_420 = vector.shape_cast %get3A_419 : vector<1x16xf32> to vector<16xf32>
      %add3A_421 = arith.addf %get3A_415, %get3A_420 : vector<16xf32>
      %swap3A_422 = arith.constant 7 : i32
      %swap3A_423 = arith.index_cast %swap3A_422 : i32 to index
      %swap3A_424 = arith.index_cast %multiple_of3A_293 : i32 to index
      %swap3A_425 = tpu.vector_load %arg9[%swap3A_423, %swap3A_424] {strides = array<i32>} : memref<16x1024xf32, #tpu.memory_space<vmem>>, vector<1x16xf32>,
      %swap3A_426 = vector.shape_cast %swap3A_425 : vector<1x16xf32> to vector<16xf32>
      %swap3A_427 = vector.shape_cast %add3A_421 : vector<16xf32> to vector<1x16xf32>
      tpu.vector_store %arg9[%swap3A_423, %swap3A_424], %swap3A_427 {strides = array<i32>} : memref<16x1024xf32, #tpu.memory_space<vmem>>, vector<1x16xf32>,
      %get3A_428 = arith.constant 8 : i32
      %get3A_429 = arith.index_cast %get3A_428 : i32 to index
      %get3A_430 = arith.index_cast %multiple_of3A_293 : i32 to index
      %get3A_431 = tpu.vector_load %arg9[%get3A_429, %get3A_430] {strides = array<i32>} : memref<16x1024xf32, #tpu.memory_space<vmem>>, vector<1x16xf32>,
      %get3A_432 = vector.shape_cast %get3A_431 : vector<1x16xf32> to vector<16xf32>
      %get3A_433 = arith.constant 8 : i32
      %get3A_434 = arith.index_cast %get3A_433 : i32 to index
      %get3A_435 = arith.index_cast %multiple_of3A_293 : i32 to index
      %get3A_436 = tpu.vector_load %arg10[%get3A_434, %get3A_435] {strides = array<i32>} : memref<16x1024xf32, #tpu.memory_space<vmem>>, vector<1x16xf32>,
      %get3A_437 = vector.shape_cast %get3A_436 : vector<1x16xf32> to vector<16xf32>
      %add3A_438 = arith.addf %get3A_432, %get3A_437 : vector<16xf32>
      %swap3A_439 = arith.constant 8 : i32
      %swap3A_440 = arith.index_cast %swap3A_439 : i32 to index
      %swap3A_441 = arith.index_cast %multiple_of3A_293 : i32 to index
      %swap3A_442 = tpu.vector_load %arg9[%swap3A_440, %swap3A_441] {strides = array<i32>} : memref<16x1024xf32, #tpu.memory_space<vmem>>, vector<1x16xf32>,
      %swap3A_443 = vector.shape_cast %swap3A_442 : vector<1x16xf32> to vector<16xf32>
      %swap3A_444 = vector.shape_cast %add3A_438 : vector<16xf32> to vector<1x16xf32>
      tpu.vector_store %arg9[%swap3A_440, %swap3A_441], %swap3A_444 {strides = array<i32>} : memref<16x1024xf32, #tpu.memory_space<vmem>>, vector<1x16xf32>,
      %get3A_445 = arith.constant 9 : i32
      %get3A_446 = arith.index_cast %get3A_445 : i32 to index
      %get3A_447 = arith.index_cast %multiple_of3A_293 : i32 to index
      %get3A_448 = tpu.vector_load %arg9[%get3A_446, %get3A_447] {strides = array<i32>} : memref<16x1024xf32, #tpu.memory_space<vmem>>, vector<1x16xf32>,
      %get3A_449 = vector.shape_cast %get3A_448 : vector<1x16xf32> to vector<16xf32>
      %get3A_450 = arith.constant 9 : i32
      %get3A_451 = arith.index_cast %get3A_450 : i32 to index
      %get3A_452 = arith.index_cast %multiple_of3A_293 : i32 to index
      %get3A_453 = tpu.vector_load %arg10[%get3A_451, %get3A_452] {strides = array<i32>} : memref<16x1024xf32, #tpu.memory_space<vmem>>, vector<1x16xf32>,
      %get3A_454 = vector.shape_cast %get3A_453 : vector<1x16xf32> to vector<16xf32>
      %add3A_455 = arith.addf %get3A_449, %get3A_454 : vector<16xf32>
      %swap3A_456 = arith.constant 9 : i32
      %swap3A_457 = arith.index_cast %swap3A_456 : i32 to index
      %swap3A_458 = arith.index_cast %multiple_of3A_293 : i32 to index
      %swap3A_459 = tpu.vector_load %arg9[%swap3A_457, %swap3A_458] {strides = array<i32>} : memref<16x1024xf32, #tpu.memory_space<vmem>>, vector<1x16xf32>,
      %swap3A_460 = vector.shape_cast %swap3A_459 : vector<1x16xf32> to vector<16xf32>
      %swap3A_461 = vector.shape_cast %add3A_455 : vector<16xf32> to vector<1x16xf32>
      tpu.vector_store %arg9[%swap3A_457, %swap3A_458], %swap3A_461 {strides = array<i32>} : memref<16x1024xf32, #tpu.memory_space<vmem>>, vector<1x16xf32>,
      %get3A_462 = arith.constant 10 : i32
      %get3A_463 = arith.index_cast %get3A_462 : i32 to index
      %get3A_464 = arith.index_cast %multiple_of3A_293 : i32 to index
      %get3A_465 = tpu.vector_load %arg9[%get3A_463, %get3A_464] {strides = array<i32>} : memref<16x1024xf32, #tpu.memory_space<vmem>>, vector<1x16xf32>,
      %get3A_466 = vector.shape_cast %get3A_465 : vector<1x16xf32> to vector<16xf32>
      %get3A_467 = arith.constant 10 : i32
      %get3A_468 = arith.index_cast %get3A_467 : i32 to index
      %get3A_469 = arith.index_cast %multiple_of3A_293 : i32 to index
      %get3A_470 = tpu.vector_load %arg10[%get3A_468, %get3A_469] {strides = array<i32>} : memref<16x1024xf32, #tpu.memory_space<vmem>>, vector<1x16xf32>,
      %get3A_471 = vector.shape_cast %get3A_470 : vector<1x16xf32> to vector<16xf32>
      %add3A_472 = arith.addf %get3A_466, %get3A_471 : vector<16xf32>
      %swap3A_473 = arith.constant 10 : i32
      %swap3A_474 = arith.index_cast %swap3A_473 : i32 to index
      %swap3A_475 = arith.index_cast %multiple_of3A_293 : i32 to index
      %swap3A_476 = tpu.vector_load %arg9[%swap3A_474, %swap3A_475] {strides = array<i32>} : memref<16x1024xf32, #tpu.memory_space<vmem>>, vector<1x16xf32>,
      %swap3A_477 = vector.shape_cast %swap3A_476 : vector<1x16xf32> to vector<16xf32>
      %swap3A_478 = vector.shape_cast %add3A_472 : vector<16xf32> to vector<1x16xf32>
      tpu.vector_store %arg9[%swap3A_474, %swap3A_475], %swap3A_478 {strides = array<i32>} : memref<16x1024xf32, #tpu.memory_space<vmem>>, vector<1x16xf32>,
      %get3A_479 = arith.constant 11 : i32
      %get3A_480 = arith.index_cast %get3A_479 : i32 to index
      %get3A_481 = arith.index_cast %multiple_of3A_293 : i32 to index
      %get3A_482 = tpu.vector_load %arg9[%get3A_480, %get3A_481] {strides = array<i32>} : memref<16x1024xf32, #tpu.memory_space<vmem>>, vector<1x16xf32>,
      %get3A_483 = vector.shape_cast %get3A_482 : vector<1x16xf32> to vector<16xf32>
      %get3A_484 = arith.constant 11 : i32
      %get3A_485 = arith.index_cast %get3A_484 : i32 to index
      %get3A_486 = arith.index_cast %multiple_of3A_293 : i32 to index
      %get3A_487 = tpu.vector_load %arg10[%get3A_485, %get3A_486] {strides = array<i32>} : memref<16x1024xf32, #tpu.memory_space<vmem>>, vector<1x16xf32>,
      %get3A_488 = vector.shape_cast %get3A_487 : vector<1x16xf32> to vector<16xf32>
      %add3A_489 = arith.addf %get3A_483, %get3A_488 : vector<16xf32>
      %swap3A_490 = arith.constant 11 : i32
      %swap3A_491 = arith.index_cast %swap3A_490 : i32 to index
      %swap3A_492 = arith.index_cast %multiple_of3A_293 : i32 to index
      %swap3A_493 = tpu.vector_load %arg9[%swap3A_491, %swap3A_492] {strides = array<i32>} : memref<16x1024xf32, #tpu.memory_space<vmem>>, vector<1x16xf32>,
      %swap3A_494 = vector.shape_cast %swap3A_493 : vector<1x16xf32> to vector<16xf32>
      %swap3A_495 = vector.shape_cast %add3A_489 : vector<16xf32> to vector<1x16xf32>
      tpu.vector_store %arg9[%swap3A_491, %swap3A_492], %swap3A_495 {strides = array<i32>} : memref<16x1024xf32, #tpu.memory_space<vmem>>, vector<1x16xf32>,
      %get3A_496 = arith.constant 12 : i32
      %get3A_497 = arith.index_cast %get3A_496 : i32 to index
      %get3A_498 = arith.index_cast %multiple_of3A_293 : i32 to index
      %get3A_499 = tpu.vector_load %arg9[%get3A_497, %get3A_498] {strides = array<i32>} : memref<16x1024xf32, #tpu.memory_space<vmem>>, vector<1x16xf32>,
      %get3A_500 = vector.shape_cast %get3A_499 : vector<1x16xf32> to vector<16xf32>
      %get3A_501 = arith.constant 12 : i32
      %get3A_502 = arith.index_cast %get3A_501 : i32 to index
      %get3A_503 = arith.index_cast %multiple_of3A_293 : i32 to index
      %get3A_504 = tpu.vector_load %arg10[%get3A_502, %get3A_503] {strides = array<i32>} : memref<16x1024xf32, #tpu.memory_space<vmem>>, vector<1x16xf32>,
      %get3A_505 = vector.shape_cast %get3A_504 : vector<1x16xf32> to vector<16xf32>
      %add3A_506 = arith.addf %get3A_500, %get3A_505 : vector<16xf32>
      %swap3A_507 = arith.constant 12 : i32
      %swap3A_508 = arith.index_cast %swap3A_507 : i32 to index
      %swap3A_509 = arith.index_cast %multiple_of3A_293 : i32 to index
      %swap3A_510 = tpu.vector_load %arg9[%swap3A_508, %swap3A_509] {strides = array<i32>} : memref<16x1024xf32, #tpu.memory_space<vmem>>, vector<1x16xf32>,
      %swap3A_511 = vector.shape_cast %swap3A_510 : vector<1x16xf32> to vector<16xf32>
      %swap3A_512 = vector.shape_cast %add3A_506 : vector<16xf32> to vector<1x16xf32>
      tpu.vector_store %arg9[%swap3A_508, %swap3A_509], %swap3A_512 {strides = array<i32>} : memref<16x1024xf32, #tpu.memory_space<vmem>>, vector<1x16xf32>,
      %get3A_513 = arith.constant 13 : i32
      %get3A_514 = arith.index_cast %get3A_513 : i32 to index
      %get3A_515 = arith.index_cast %multiple_of3A_293 : i32 to index
      %get3A_516 = tpu.vector_load %arg9[%get3A_514, %get3A_515] {strides = array<i32>} : memref<16x1024xf32, #tpu.memory_space<vmem>>, vector<1x16xf32>,
      %get3A_517 = vector.shape_cast %get3A_516 : vector<1x16xf32> to vector<16xf32>
      %get3A_518 = arith.constant 13 : i32
      %get3A_519 = arith.index_cast %get3A_518 : i32 to index
      %get3A_520 = arith.index_cast %multiple_of3A_293 : i32 to index
      %get3A_521 = tpu.vector_load %arg10[%get3A_519, %get3A_520] {strides = array<i32>} : memref<16x1024xf32, #tpu.memory_space<vmem>>, vector<1x16xf32>,
      %get3A_522 = vector.shape_cast %get3A_521 : vector<1x16xf32> to vector<16xf32>
      %add3A_523 = arith.addf %get3A_517, %get3A_522 : vector<16xf32>
      %swap3A_524 = arith.constant 13 : i32
      %swap3A_525 = arith.index_cast %swap3A_524 : i32 to index
      %swap3A_526 = arith.index_cast %multiple_of3A_293 : i32 to index
      %swap3A_527 = tpu.vector_load %arg9[%swap3A_525, %swap3A_526] {strides = array<i32>} : memref<16x1024xf32, #tpu.memory_space<vmem>>, vector<1x16xf32>,
      %swap3A_528 = vector.shape_cast %swap3A_527 : vector<1x16xf32> to vector<16xf32>
      %swap3A_529 = vector.shape_cast %add3A_523 : vector<16xf32> to vector<1x16xf32>
      tpu.vector_store %arg9[%swap3A_525, %swap3A_526], %swap3A_529 {strides = array<i32>} : memref<16x1024xf32, #tpu.memory_space<vmem>>, vector<1x16xf32>,
      %get3A_530 = arith.constant 14 : i32
      %get3A_531 = arith.index_cast %get3A_530 : i32 to index
      %get3A_532 = arith.index_cast %multiple_of3A_293 : i32 to index
      %get3A_533 = tpu.vector_load %arg9[%get3A_531, %get3A_532] {strides = array<i32>} : memref<16x1024xf32, #tpu.memory_space<vmem>>, vector<1x16xf32>,
      %get3A_534 = vector.shape_cast %get3A_533 : vector<1x16xf32> to vector<16xf32>
      %get3A_535 = arith.constant 14 : i32
      %get3A_536 = arith.index_cast %get3A_535 : i32 to index
      %get3A_537 = arith.index_cast %multiple_of3A_293 : i32 to index
      %get3A_538 = tpu.vector_load %arg10[%get3A_536, %get3A_537] {strides = array<i32>} : memref<16x1024xf32, #tpu.memory_space<vmem>>, vector<1x16xf32>,
      %get3A_539 = vector.shape_cast %get3A_538 : vector<1x16xf32> to vector<16xf32>
      %add3A_540 = arith.addf %get3A_534, %get3A_539 : vector<16xf32>
      %swap3A_541 = arith.constant 14 : i32
      %swap3A_542 = arith.index_cast %swap3A_541 : i32 to index
      %swap3A_543 = arith.index_cast %multiple_of3A_293 : i32 to index
      %swap3A_544 = tpu.vector_load %arg9[%swap3A_542, %swap3A_543] {strides = array<i32>} : memref<16x1024xf32, #tpu.memory_space<vmem>>, vector<1x16xf32>,
      %swap3A_545 = vector.shape_cast %swap3A_544 : vector<1x16xf32> to vector<16xf32>
      %swap3A_546 = vector.shape_cast %add3A_540 : vector<16xf32> to vector<1x16xf32>
      tpu.vector_store %arg9[%swap3A_542, %swap3A_543], %swap3A_546 {strides = array<i32>} : memref<16x1024xf32, #tpu.memory_space<vmem>>, vector<1x16xf32>,
      %get3A_547 = arith.constant 15 : i32
      %get3A_548 = arith.index_cast %get3A_547 : i32 to index
      %get3A_549 = arith.index_cast %multiple_of3A_293 : i32 to index
      %get3A_550 = tpu.vector_load %arg9[%get3A_548, %get3A_549] {strides = array<i32>} : memref<16x1024xf32, #tpu.memory_space<vmem>>, vector<1x16xf32>,
      %get3A_551 = vector.shape_cast %get3A_550 : vector<1x16xf32> to vector<16xf32>
      %get3A_552 = arith.constant 15 : i32
      %get3A_553 = arith.index_cast %get3A_552 : i32 to index
      %get3A_554 = arith.index_cast %multiple_of3A_293 : i32 to index
      %get3A_555 = tpu.vector_load %arg10[%get3A_553, %get3A_554] {strides = array<i32>} : memref<16x1024xf32, #tpu.memory_space<vmem>>, vector<1x16xf32>,
      %get3A_556 = vector.shape_cast %get3A_555 : vector<1x16xf32> to vector<16xf32>
      %add3A_557 = arith.addf %get3A_551, %get3A_556 : vector<16xf32>
      %swap3A_558 = arith.constant 15 : i32
      %swap3A_559 = arith.index_cast %swap3A_558 : i32 to index
      %swap3A_560 = arith.index_cast %multiple_of3A_293 : i32 to index
      %swap3A_561 = tpu.vector_load %arg9[%swap3A_559, %swap3A_560] {strides = array<i32>} : memref<16x1024xf32, #tpu.memory_space<vmem>>, vector<1x16xf32>,
      %swap3A_562 = vector.shape_cast %swap3A_561 : vector<1x16xf32> to vector<16xf32>
      %swap3A_563 = vector.shape_cast %add3A_557 : vector<16xf32> to vector<1x16xf32>
      tpu.vector_store %arg9[%swap3A_559, %swap3A_560], %swap3A_563 {strides = array<i32>} : memref<16x1024xf32, #tpu.memory_space<vmem>>, vector<1x16xf32>,
    }
    %scan3A_145 = arith.constant 64 : i32
    %add3A_146 = arith.constant 48 : i32
    %add3A_147 = arith.addi %multiple_of3A, %add3A_146 : i32
    %dma_start3A_148 = arith.constant 0 : i32
    %dma_start3A_149 = tpu.memref_slice %arg4[%add3A_147, %dma_start3A_148] : memref<4096x1024xf32, #tpu.memory_space<hbm>> -> memref<16x1024xf32, #tpu.memory_space<hbm>>
    %dma_start3A_150 = arith.constant 0 : i32
    %dma_start3A_151 = tpu.memref_slice %arg4[%add3A_147, %dma_start3A_150] : memref<4096x1024xf32, #tpu.memory_space<hbm>> -> memref<16x1024xf32, #tpu.memory_space<hbm>>
    tpu.enqueue_dma source(%arg9 : memref<16x1024xf32, #tpu.memory_space<vmem>>) target(%dma_start3A_151 : memref<16x1024xf32, #tpu.memory_space<hbm>>) target_semaphore(%arg16 : memref<!tpu.dma_semaphore, #tpu.memory_space<semaphore_mem>>)
    %dma_wait3A_152 = arith.constant 64 : i32
    %dma_wait3A_153 = tpu.memref_slice %arg5[%dma_wait3A_152] : memref<128xi32, #tpu.memory_space<vmem>> -> memref<16xi32, #tpu.memory_space<vmem>>
    %dma_wait3A_154 = arith.constant 0 : i32
    %dma_wait3A_155 = arith.constant 0 : i32
    %dma_wait3A_156 = tpu.memref_slice %arg3[%dma_wait3A_154, %dma_wait3A_155] : memref<12288x1024xf32, #tpu.memory_space<hbm>> -> memref<12288x1024xf32, #tpu.memory_space<hbm>>
    tpu.wait_indirect_dma semaphore(%arg11 : memref<!tpu.dma_semaphore, #tpu.memory_space<semaphore_mem>>) src(%dma_wait3A_156 : memref<12288x1024xf32, #tpu.memory_space<hbm>>) dst(%arg7 : memref<16x1024xf32, #tpu.memory_space<vmem>>)
    %dma_wait3A_157 = arith.constant 64 : i32
    %dma_wait3A_158 = tpu.memref_slice %arg6[%dma_wait3A_157] : memref<128xi32, #tpu.memory_space<vmem>> -> memref<16xi32, #tpu.memory_space<vmem>>
    %dma_wait3A_159 = arith.constant 0 : i32
    %dma_wait3A_160 = arith.constant 0 : i32
    %dma_wait3A_161 = tpu.memref_slice %arg3[%dma_wait3A_159, %dma_wait3A_160] : memref<12288x1024xf32, #tpu.memory_space<hbm>> -> memref<12288x1024xf32, #tpu.memory_space<hbm>>
    tpu.wait_indirect_dma semaphore(%arg12 : memref<!tpu.dma_semaphore, #tpu.memory_space<semaphore_mem>>) src(%dma_wait3A_161 : memref<12288x1024xf32, #tpu.memory_space<hbm>>) dst(%arg8 : memref<16x1024xf32, #tpu.memory_space<vmem>>)
    %dma_wait3A_162 = arith.constant 0 : i32
    %dma_wait3A_163 = tpu.memref_slice %arg4[%add3A_147, %dma_wait3A_162] : memref<4096x1024xf32, #tpu.memory_space<hbm>> -> memref<16x1024xf32, #tpu.memory_space<hbm>>
    %dma_wait3A_164 = arith.constant 0 : i32
    %dma_wait3A_165 = tpu.memref_slice %arg4[%add3A_147, %dma_wait3A_164] : memref<4096x1024xf32, #tpu.memory_space<hbm>> -> memref<16x1024xf32, #tpu.memory_space<hbm>>
    tpu.wait_dma2 semaphore(%arg16 : memref<!tpu.dma_semaphore, #tpu.memory_space<semaphore_mem>>) src(%arg9 : memref<16x1024xf32, #tpu.memory_space<vmem>>) dst(%dma_wait3A_165 : memref<16x1024xf32, #tpu.memory_space<hbm>>)
    %dma_start3A_166 = arith.constant 80 : i32
    %dma_start3A_167 = tpu.memref_slice %arg5[%dma_start3A_166] : memref<128xi32, #tpu.memory_space<vmem>> -> memref<16xi32, #tpu.memory_space<vmem>>
    %dma_start3A_168 = arith.constant 0 : i32
    %dma_start3A_169 = arith.constant 0 : i32
    %dma_start3A_170 = tpu.memref_slice %arg3[%dma_start3A_168, %dma_start3A_169] : memref<12288x1024xf32, #tpu.memory_space<hbm>> -> memref<12288x1024xf32, #tpu.memory_space<hbm>>
    tpu.enqueue_indirect_dma source(%dma_start3A_170 : memref<12288x1024xf32, #tpu.memory_space<hbm>>) target(%arg9 : memref<16x1024xf32, #tpu.memory_space<vmem>>) offsets(%dma_start3A_167 : memref<16xi32, #tpu.memory_space<vmem>>) semaphore(%arg13 : memref<!tpu.dma_semaphore, #tpu.memory_space<semaphore_mem>>)
    %dma_start3A_171 = arith.constant 80 : i32
    %dma_start3A_172 = tpu.memref_slice %arg6[%dma_start3A_171] : memref<128xi32, #tpu.memory_space<vmem>> -> memref<16xi32, #tpu.memory_space<vmem>>
    %dma_start3A_173 = arith.constant 0 : i32
    %dma_start3A_174 = arith.constant 0 : i32
    %dma_start3A_175 = tpu.memref_slice %arg3[%dma_start3A_173, %dma_start3A_174] : memref<12288x1024xf32, #tpu.memory_space<hbm>> -> memref<12288x1024xf32, #tpu.memory_space<hbm>>
    tpu.enqueue_indirect_dma source(%dma_start3A_175 : memref<12288x1024xf32, #tpu.memory_space<hbm>>) target(%arg10 : memref<16x1024xf32, #tpu.memory_space<vmem>>) offsets(%dma_start3A_172 : memref<16xi32, #tpu.memory_space<vmem>>) semaphore(%arg14 : memref<!tpu.dma_semaphore, #tpu.memory_space<semaphore_mem>>)
    %scan3A_176 = arith.constant 0 : i32
    %scan3A_177 = arith.constant 0 : i32
    %scan3A_178 = arith.constant 64 : i32
    %scan3A_179 = arith.addi %scan3A_177, %scan3A_178 : i32
    %scan3A_180 = arith.constant 1 : i32
    scf.for %scan3A_290 = %scan3A_177 to %scan3A_179 step %scan3A_180  : i32 {
      %mul3A_291 = arith.constant 16 : i32
      %mul3A_292 = arith.muli %scan3A_290, %mul3A_291 : i32
      %multiple_of3A_293 = tpu.assume_multiple %mul3A_292, 16 : i32
      %get3A = arith.constant 0 : i32
      %get3A_294 = arith.index_cast %get3A : i32 to index
      %get3A_295 = arith.index_cast %multiple_of3A_293 : i32 to index
      %get3A_296 = tpu.vector_load %arg7[%get3A_294, %get3A_295] {strides = array<i32>} : memref<16x1024xf32, #tpu.memory_space<vmem>>, vector<1x16xf32>,
      %get3A_297 = vector.shape_cast %get3A_296 : vector<1x16xf32> to vector<16xf32>
      %get3A_298 = arith.constant 0 : i32
      %get3A_299 = arith.index_cast %get3A_298 : i32 to index
      %get3A_300 = arith.index_cast %multiple_of3A_293 : i32 to index
      %get3A_301 = tpu.vector_load %arg8[%get3A_299, %get3A_300] {strides = array<i32>} : memref<16x1024xf32, #tpu.memory_space<vmem>>, vector<1x16xf32>,
      %get3A_302 = vector.shape_cast %get3A_301 : vector<1x16xf32> to vector<16xf32>
      %add3A_303 = arith.addf %get3A_297, %get3A_302 : vector<16xf32>
      %swap3A = arith.constant 0 : i32
      %swap3A_304 = arith.index_cast %swap3A : i32 to index
      %swap3A_305 = arith.index_cast %multiple_of3A_293 : i32 to index
      %swap3A_306 = tpu.vector_load %arg7[%swap3A_304, %swap3A_305] {strides = array<i32>} : memref<16x1024xf32, #tpu.memory_space<vmem>>, vector<1x16xf32>,
      %swap3A_307 = vector.shape_cast %swap3A_306 : vector<1x16xf32> to vector<16xf32>
      %swap3A_308 = vector.shape_cast %add3A_303 : vector<16xf32> to vector<1x16xf32>
      tpu.vector_store %arg7[%swap3A_304, %swap3A_305], %swap3A_308 {strides = array<i32>} : memref<16x1024xf32, #tpu.memory_space<vmem>>, vector<1x16xf32>,
      %get3A_309 = arith.constant 1 : i32
      %get3A_310 = arith.index_cast %get3A_309 : i32 to index
      %get3A_311 = arith.index_cast %multiple_of3A_293 : i32 to index
      %get3A_312 = tpu.vector_load %arg7[%get3A_310, %get3A_311] {strides = array<i32>} : memref<16x1024xf32, #tpu.memory_space<vmem>>, vector<1x16xf32>,
      %get3A_313 = vector.shape_cast %get3A_312 : vector<1x16xf32> to vector<16xf32>
      %get3A_314 = arith.constant 1 : i32
      %get3A_315 = arith.index_cast %get3A_314 : i32 to index
      %get3A_316 = arith.index_cast %multiple_of3A_293 : i32 to index
      %get3A_317 = tpu.vector_load %arg8[%get3A_315, %get3A_316] {strides = array<i32>} : memref<16x1024xf32, #tpu.memory_space<vmem>>, vector<1x16xf32>,
      %get3A_318 = vector.shape_cast %get3A_317 : vector<1x16xf32> to vector<16xf32>
      %add3A_319 = arith.addf %get3A_313, %get3A_318 : vector<16xf32>
      %swap3A_320 = arith.constant 1 : i32
      %swap3A_321 = arith.index_cast %swap3A_320 : i32 to index
      %swap3A_322 = arith.index_cast %multiple_of3A_293 : i32 to index
      %swap3A_323 = tpu.vector_load %arg7[%swap3A_321, %swap3A_322] {strides = array<i32>} : memref<16x1024xf32, #tpu.memory_space<vmem>>, vector<1x16xf32>,
      %swap3A_324 = vector.shape_cast %swap3A_323 : vector<1x16xf32> to vector<16xf32>
      %swap3A_325 = vector.shape_cast %add3A_319 : vector<16xf32> to vector<1x16xf32>
      tpu.vector_store %arg7[%swap3A_321, %swap3A_322], %swap3A_325 {strides = array<i32>} : memref<16x1024xf32, #tpu.memory_space<vmem>>, vector<1x16xf32>,
      %get3A_326 = arith.constant 2 : i32
      %get3A_327 = arith.index_cast %get3A_326 : i32 to index
      %get3A_328 = arith.index_cast %multiple_of3A_293 : i32 to index
      %get3A_329 = tpu.vector_load %arg7[%get3A_327, %get3A_328] {strides = array<i32>} : memref<16x1024xf32, #tpu.memory_space<vmem>>, vector<1x16xf32>,
      %get3A_330 = vector.shape_cast %get3A_329 : vector<1x16xf32> to vector<16xf32>
      %get3A_331 = arith.constant 2 : i32
      %get3A_332 = arith.index_cast %get3A_331 : i32 to index
      %get3A_333 = arith.index_cast %multiple_of3A_293 : i32 to index
      %get3A_334 = tpu.vector_load %arg8[%get3A_332, %get3A_333] {strides = array<i32>} : memref<16x1024xf32, #tpu.memory_space<vmem>>, vector<1x16xf32>,
      %get3A_335 = vector.shape_cast %get3A_334 : vector<1x16xf32> to vector<16xf32>
      %add3A_336 = arith.addf %get3A_330, %get3A_335 : vector<16xf32>
      %swap3A_337 = arith.constant 2 : i32
      %swap3A_338 = arith.index_cast %swap3A_337 : i32 to index
      %swap3A_339 = arith.index_cast %multiple_of3A_293 : i32 to index
      %swap3A_340 = tpu.vector_load %arg7[%swap3A_338, %swap3A_339] {strides = array<i32>} : memref<16x1024xf32, #tpu.memory_space<vmem>>, vector<1x16xf32>,
      %swap3A_341 = vector.shape_cast %swap3A_340 : vector<1x16xf32> to vector<16xf32>
      %swap3A_342 = vector.shape_cast %add3A_336 : vector<16xf32> to vector<1x16xf32>
      tpu.vector_store %arg7[%swap3A_338, %swap3A_339], %swap3A_342 {strides = array<i32>} : memref<16x1024xf32, #tpu.memory_space<vmem>>, vector<1x16xf32>,
      %get3A_343 = arith.constant 3 : i32
      %get3A_344 = arith.index_cast %get3A_343 : i32 to index
      %get3A_345 = arith.index_cast %multiple_of3A_293 : i32 to index
      %get3A_346 = tpu.vector_load %arg7[%get3A_344, %get3A_345] {strides = array<i32>} : memref<16x1024xf32, #tpu.memory_space<vmem>>, vector<1x16xf32>,
      %get3A_347 = vector.shape_cast %get3A_346 : vector<1x16xf32> to vector<16xf32>
      %get3A_348 = arith.constant 3 : i32
      %get3A_349 = arith.index_cast %get3A_348 : i32 to index
      %get3A_350 = arith.index_cast %multiple_of3A_293 : i32 to index
      %get3A_351 = tpu.vector_load %arg8[%get3A_349, %get3A_350] {strides = array<i32>} : memref<16x1024xf32, #tpu.memory_space<vmem>>, vector<1x16xf32>,
      %get3A_352 = vector.shape_cast %get3A_351 : vector<1x16xf32> to vector<16xf32>
      %add3A_353 = arith.addf %get3A_347, %get3A_352 : vector<16xf32>
      %swap3A_354 = arith.constant 3 : i32
      %swap3A_355 = arith.index_cast %swap3A_354 : i32 to index
      %swap3A_356 = arith.index_cast %multiple_of3A_293 : i32 to index
      %swap3A_357 = tpu.vector_load %arg7[%swap3A_355, %swap3A_356] {strides = array<i32>} : memref<16x1024xf32, #tpu.memory_space<vmem>>, vector<1x16xf32>,
      %swap3A_358 = vector.shape_cast %swap3A_357 : vector<1x16xf32> to vector<16xf32>
      %swap3A_359 = vector.shape_cast %add3A_353 : vector<16xf32> to vector<1x16xf32>
      tpu.vector_store %arg7[%swap3A_355, %swap3A_356], %swap3A_359 {strides = array<i32>} : memref<16x1024xf32, #tpu.memory_space<vmem>>, vector<1x16xf32>,
      %get3A_360 = arith.constant 4 : i32
      %get3A_361 = arith.index_cast %get3A_360 : i32 to index
      %get3A_362 = arith.index_cast %multiple_of3A_293 : i32 to index
      %get3A_363 = tpu.vector_load %arg7[%get3A_361, %get3A_362] {strides = array<i32>} : memref<16x1024xf32, #tpu.memory_space<vmem>>, vector<1x16xf32>,
      %get3A_364 = vector.shape_cast %get3A_363 : vector<1x16xf32> to vector<16xf32>
      %get3A_365 = arith.constant 4 : i32
      %get3A_366 = arith.index_cast %get3A_365 : i32 to index
      %get3A_367 = arith.index_cast %multiple_of3A_293 : i32 to index
      %get3A_368 = tpu.vector_load %arg8[%get3A_366, %get3A_367] {strides = array<i32>} : memref<16x1024xf32, #tpu.memory_space<vmem>>, vector<1x16xf32>,
      %get3A_369 = vector.shape_cast %get3A_368 : vector<1x16xf32> to vector<16xf32>
      %add3A_370 = arith.addf %get3A_364, %get3A_369 : vector<16xf32>
      %swap3A_371 = arith.constant 4 : i32
      %swap3A_372 = arith.index_cast %swap3A_371 : i32 to index
      %swap3A_373 = arith.index_cast %multiple_of3A_293 : i32 to index
      %swap3A_374 = tpu.vector_load %arg7[%swap3A_372, %swap3A_373] {strides = array<i32>} : memref<16x1024xf32, #tpu.memory_space<vmem>>, vector<1x16xf32>,
      %swap3A_375 = vector.shape_cast %swap3A_374 : vector<1x16xf32> to vector<16xf32>
      %swap3A_376 = vector.shape_cast %add3A_370 : vector<16xf32> to vector<1x16xf32>
      tpu.vector_store %arg7[%swap3A_372, %swap3A_373], %swap3A_376 {strides = array<i32>} : memref<16x1024xf32, #tpu.memory_space<vmem>>, vector<1x16xf32>,
      %get3A_377 = arith.constant 5 : i32
      %get3A_378 = arith.index_cast %get3A_377 : i32 to index
      %get3A_379 = arith.index_cast %multiple_of3A_293 : i32 to index
      %get3A_380 = tpu.vector_load %arg7[%get3A_378, %get3A_379] {strides = array<i32>} : memref<16x1024xf32, #tpu.memory_space<vmem>>, vector<1x16xf32>,
      %get3A_381 = vector.shape_cast %get3A_380 : vector<1x16xf32> to vector<16xf32>
      %get3A_382 = arith.constant 5 : i32
      %get3A_383 = arith.index_cast %get3A_382 : i32 to index
      %get3A_384 = arith.index_cast %multiple_of3A_293 : i32 to index
      %get3A_385 = tpu.vector_load %arg8[%get3A_383, %get3A_384] {strides = array<i32>} : memref<16x1024xf32, #tpu.memory_space<vmem>>, vector<1x16xf32>,
      %get3A_386 = vector.shape_cast %get3A_385 : vector<1x16xf32> to vector<16xf32>
      %add3A_387 = arith.addf %get3A_381, %get3A_386 : vector<16xf32>
      %swap3A_388 = arith.constant 5 : i32
      %swap3A_389 = arith.index_cast %swap3A_388 : i32 to index
      %swap3A_390 = arith.index_cast %multiple_of3A_293 : i32 to index
      %swap3A_391 = tpu.vector_load %arg7[%swap3A_389, %swap3A_390] {strides = array<i32>} : memref<16x1024xf32, #tpu.memory_space<vmem>>, vector<1x16xf32>,
      %swap3A_392 = vector.shape_cast %swap3A_391 : vector<1x16xf32> to vector<16xf32>
      %swap3A_393 = vector.shape_cast %add3A_387 : vector<16xf32> to vector<1x16xf32>
      tpu.vector_store %arg7[%swap3A_389, %swap3A_390], %swap3A_393 {strides = array<i32>} : memref<16x1024xf32, #tpu.memory_space<vmem>>, vector<1x16xf32>,
      %get3A_394 = arith.constant 6 : i32
      %get3A_395 = arith.index_cast %get3A_394 : i32 to index
      %get3A_396 = arith.index_cast %multiple_of3A_293 : i32 to index
      %get3A_397 = tpu.vector_load %arg7[%get3A_395, %get3A_396] {strides = array<i32>} : memref<16x1024xf32, #tpu.memory_space<vmem>>, vector<1x16xf32>,
      %get3A_398 = vector.shape_cast %get3A_397 : vector<1x16xf32> to vector<16xf32>
      %get3A_399 = arith.constant 6 : i32
      %get3A_400 = arith.index_cast %get3A_399 : i32 to index
      %get3A_401 = arith.index_cast %multiple_of3A_293 : i32 to index
      %get3A_402 = tpu.vector_load %arg8[%get3A_400, %get3A_401] {strides = array<i32>} : memref<16x1024xf32, #tpu.memory_space<vmem>>, vector<1x16xf32>,
      %get3A_403 = vector.shape_cast %get3A_402 : vector<1x16xf32> to vector<16xf32>
      %add3A_404 = arith.addf %get3A_398, %get3A_403 : vector<16xf32>
      %swap3A_405 = arith.constant 6 : i32
      %swap3A_406 = arith.index_cast %swap3A_405 : i32 to index
      %swap3A_407 = arith.index_cast %multiple_of3A_293 : i32 to index
      %swap3A_408 = tpu.vector_load %arg7[%swap3A_406, %swap3A_407] {strides = array<i32>} : memref<16x1024xf32, #tpu.memory_space<vmem>>, vector<1x16xf32>,
      %swap3A_409 = vector.shape_cast %swap3A_408 : vector<1x16xf32> to vector<16xf32>
      %swap3A_410 = vector.shape_cast %add3A_404 : vector<16xf32> to vector<1x16xf32>
      tpu.vector_store %arg7[%swap3A_406, %swap3A_407], %swap3A_410 {strides = array<i32>} : memref<16x1024xf32, #tpu.memory_space<vmem>>, vector<1x16xf32>,
      %get3A_411 = arith.constant 7 : i32
      %get3A_412 = arith.index_cast %get3A_411 : i32 to index
      %get3A_413 = arith.index_cast %multiple_of3A_293 : i32 to index
      %get3A_414 = tpu.vector_load %arg7[%get3A_412, %get3A_413] {strides = array<i32>} : memref<16x1024xf32, #tpu.memory_space<vmem>>, vector<1x16xf32>,
      %get3A_415 = vector.shape_cast %get3A_414 : vector<1x16xf32> to vector<16xf32>
      %get3A_416 = arith.constant 7 : i32
      %get3A_417 = arith.index_cast %get3A_416 : i32 to index
      %get3A_418 = arith.index_cast %multiple_of3A_293 : i32 to index
      %get3A_419 = tpu.vector_load %arg8[%get3A_417, %get3A_418] {strides = array<i32>} : memref<16x1024xf32, #tpu.memory_space<vmem>>, vector<1x16xf32>,
      %get3A_420 = vector.shape_cast %get3A_419 : vector<1x16xf32> to vector<16xf32>
      %add3A_421 = arith.addf %get3A_415, %get3A_420 : vector<16xf32>
      %swap3A_422 = arith.constant 7 : i32
      %swap3A_423 = arith.index_cast %swap3A_422 : i32 to index
      %swap3A_424 = arith.index_cast %multiple_of3A_293 : i32 to index
      %swap3A_425 = tpu.vector_load %arg7[%swap3A_423, %swap3A_424] {strides = array<i32>} : memref<16x1024xf32, #tpu.memory_space<vmem>>, vector<1x16xf32>,
      %swap3A_426 = vector.shape_cast %swap3A_425 : vector<1x16xf32> to vector<16xf32>
      %swap3A_427 = vector.shape_cast %add3A_421 : vector<16xf32> to vector<1x16xf32>
      tpu.vector_store %arg7[%swap3A_423, %swap3A_424], %swap3A_427 {strides = array<i32>} : memref<16x1024xf32, #tpu.memory_space<vmem>>, vector<1x16xf32>,
      %get3A_428 = arith.constant 8 : i32
      %get3A_429 = arith.index_cast %get3A_428 : i32 to index
      %get3A_430 = arith.index_cast %multiple_of3A_293 : i32 to index
      %get3A_431 = tpu.vector_load %arg7[%get3A_429, %get3A_430] {strides = array<i32>} : memref<16x1024xf32, #tpu.memory_space<vmem>>, vector<1x16xf32>,
      %get3A_432 = vector.shape_cast %get3A_431 : vector<1x16xf32> to vector<16xf32>
      %get3A_433 = arith.constant 8 : i32
      %get3A_434 = arith.index_cast %get3A_433 : i32 to index
      %get3A_435 = arith.index_cast %multiple_of3A_293 : i32 to index
      %get3A_436 = tpu.vector_load %arg8[%get3A_434, %get3A_435] {strides = array<i32>} : memref<16x1024xf32, #tpu.memory_space<vmem>>, vector<1x16xf32>,
      %get3A_437 = vector.shape_cast %get3A_436 : vector<1x16xf32> to vector<16xf32>
      %add3A_438 = arith.addf %get3A_432, %get3A_437 : vector<16xf32>
      %swap3A_439 = arith.constant 8 : i32
      %swap3A_440 = arith.index_cast %swap3A_439 : i32 to index
      %swap3A_441 = arith.index_cast %multiple_of3A_293 : i32 to index
      %swap3A_442 = tpu.vector_load %arg7[%swap3A_440, %swap3A_441] {strides = array<i32>} : memref<16x1024xf32, #tpu.memory_space<vmem>>, vector<1x16xf32>,
      %swap3A_443 = vector.shape_cast %swap3A_442 : vector<1x16xf32> to vector<16xf32>
      %swap3A_444 = vector.shape_cast %add3A_438 : vector<16xf32> to vector<1x16xf32>
      tpu.vector_store %arg7[%swap3A_440, %swap3A_441], %swap3A_444 {strides = array<i32>} : memref<16x1024xf32, #tpu.memory_space<vmem>>, vector<1x16xf32>,
      %get3A_445 = arith.constant 9 : i32
      %get3A_446 = arith.index_cast %get3A_445 : i32 to index
      %get3A_447 = arith.index_cast %multiple_of3A_293 : i32 to index
      %get3A_448 = tpu.vector_load %arg7[%get3A_446, %get3A_447] {strides = array<i32>} : memref<16x1024xf32, #tpu.memory_space<vmem>>, vector<1x16xf32>,
      %get3A_449 = vector.shape_cast %get3A_448 : vector<1x16xf32> to vector<16xf32>
      %get3A_450 = arith.constant 9 : i32
      %get3A_451 = arith.index_cast %get3A_450 : i32 to index
      %get3A_452 = arith.index_cast %multiple_of3A_293 : i32 to index
      %get3A_453 = tpu.vector_load %arg8[%get3A_451, %get3A_452] {strides = array<i32>} : memref<16x1024xf32, #tpu.memory_space<vmem>>, vector<1x16xf32>,
      %get3A_454 = vector.shape_cast %get3A_453 : vector<1x16xf32> to vector<16xf32>
      %add3A_455 = arith.addf %get3A_449, %get3A_454 : vector<16xf32>
      %swap3A_456 = arith.constant 9 : i32
      %swap3A_457 = arith.index_cast %swap3A_456 : i32 to index
      %swap3A_458 = arith.index_cast %multiple_of3A_293 : i32 to index
      %swap3A_459 = tpu.vector_load %arg7[%swap3A_457, %swap3A_458] {strides = array<i32>} : memref<16x1024xf32, #tpu.memory_space<vmem>>, vector<1x16xf32>,
      %swap3A_460 = vector.shape_cast %swap3A_459 : vector<1x16xf32> to vector<16xf32>
      %swap3A_461 = vector.shape_cast %add3A_455 : vector<16xf32> to vector<1x16xf32>
      tpu.vector_store %arg7[%swap3A_457, %swap3A_458], %swap3A_461 {strides = array<i32>} : memref<16x1024xf32, #tpu.memory_space<vmem>>, vector<1x16xf32>,
      %get3A_462 = arith.constant 10 : i32
      %get3A_463 = arith.index_cast %get3A_462 : i32 to index
      %get3A_464 = arith.index_cast %multiple_of3A_293 : i32 to index
      %get3A_465 = tpu.vector_load %arg7[%get3A_463, %get3A_464] {strides = array<i32>} : memref<16x1024xf32, #tpu.memory_space<vmem>>, vector<1x16xf32>,
      %get3A_466 = vector.shape_cast %get3A_465 : vector<1x16xf32> to vector<16xf32>
      %get3A_467 = arith.constant 10 : i32
      %get3A_468 = arith.index_cast %get3A_467 : i32 to index
      %get3A_469 = arith.index_cast %multiple_of3A_293 : i32 to index
      %get3A_470 = tpu.vector_load %arg8[%get3A_468, %get3A_469] {strides = array<i32>} : memref<16x1024xf32, #tpu.memory_space<vmem>>, vector<1x16xf32>,
      %get3A_471 = vector.shape_cast %get3A_470 : vector<1x16xf32> to vector<16xf32>
      %add3A_472 = arith.addf %get3A_466, %get3A_471 : vector<16xf32>
      %swap3A_473 = arith.constant 10 : i32
      %swap3A_474 = arith.index_cast %swap3A_473 : i32 to index
      %swap3A_475 = arith.index_cast %multiple_of3A_293 : i32 to index
      %swap3A_476 = tpu.vector_load %arg7[%swap3A_474, %swap3A_475] {strides = array<i32>} : memref<16x1024xf32, #tpu.memory_space<vmem>>, vector<1x16xf32>,
      %swap3A_477 = vector.shape_cast %swap3A_476 : vector<1x16xf32> to vector<16xf32>
      %swap3A_478 = vector.shape_cast %add3A_472 : vector<16xf32> to vector<1x16xf32>
      tpu.vector_store %arg7[%swap3A_474, %swap3A_475], %swap3A_478 {strides = array<i32>} : memref<16x1024xf32, #tpu.memory_space<vmem>>, vector<1x16xf32>,
      %get3A_479 = arith.constant 11 : i32
      %get3A_480 = arith.index_cast %get3A_479 : i32 to index
      %get3A_481 = arith.index_cast %multiple_of3A_293 : i32 to index
      %get3A_482 = tpu.vector_load %arg7[%get3A_480, %get3A_481] {strides = array<i32>} : memref<16x1024xf32, #tpu.memory_space<vmem>>, vector<1x16xf32>,
      %get3A_483 = vector.shape_cast %get3A_482 : vector<1x16xf32> to vector<16xf32>
      %get3A_484 = arith.constant 11 : i32
      %get3A_485 = arith.index_cast %get3A_484 : i32 to index
      %get3A_486 = arith.index_cast %multiple_of3A_293 : i32 to index
      %get3A_487 = tpu.vector_load %arg8[%get3A_485, %get3A_486] {strides = array<i32>} : memref<16x1024xf32, #tpu.memory_space<vmem>>, vector<1x16xf32>,
      %get3A_488 = vector.shape_cast %get3A_487 : vector<1x16xf32> to vector<16xf32>
      %add3A_489 = arith.addf %get3A_483, %get3A_488 : vector<16xf32>
      %swap3A_490 = arith.constant 11 : i32
      %swap3A_491 = arith.index_cast %swap3A_490 : i32 to index
      %swap3A_492 = arith.index_cast %multiple_of3A_293 : i32 to index
      %swap3A_493 = tpu.vector_load %arg7[%swap3A_491, %swap3A_492] {strides = array<i32>} : memref<16x1024xf32, #tpu.memory_space<vmem>>, vector<1x16xf32>,
      %swap3A_494 = vector.shape_cast %swap3A_493 : vector<1x16xf32> to vector<16xf32>
      %swap3A_495 = vector.shape_cast %add3A_489 : vector<16xf32> to vector<1x16xf32>
      tpu.vector_store %arg7[%swap3A_491, %swap3A_492], %swap3A_495 {strides = array<i32>} : memref<16x1024xf32, #tpu.memory_space<vmem>>, vector<1x16xf32>,
      %get3A_496 = arith.constant 12 : i32
      %get3A_497 = arith.index_cast %get3A_496 : i32 to index
      %get3A_498 = arith.index_cast %multiple_of3A_293 : i32 to index
      %get3A_499 = tpu.vector_load %arg7[%get3A_497, %get3A_498] {strides = array<i32>} : memref<16x1024xf32, #tpu.memory_space<vmem>>, vector<1x16xf32>,
      %get3A_500 = vector.shape_cast %get3A_499 : vector<1x16xf32> to vector<16xf32>
      %get3A_501 = arith.constant 12 : i32
      %get3A_502 = arith.index_cast %get3A_501 : i32 to index
      %get3A_503 = arith.index_cast %multiple_of3A_293 : i32 to index
      %get3A_504 = tpu.vector_load %arg8[%get3A_502, %get3A_503] {strides = array<i32>} : memref<16x1024xf32, #tpu.memory_space<vmem>>, vector<1x16xf32>,
      %get3A_505 = vector.shape_cast %get3A_504 : vector<1x16xf32> to vector<16xf32>
      %add3A_506 = arith.addf %get3A_500, %get3A_505 : vector<16xf32>
      %swap3A_507 = arith.constant 12 : i32
      %swap3A_508 = arith.index_cast %swap3A_507 : i32 to index
      %swap3A_509 = arith.index_cast %multiple_of3A_293 : i32 to index
      %swap3A_510 = tpu.vector_load %arg7[%swap3A_508, %swap3A_509] {strides = array<i32>} : memref<16x1024xf32, #tpu.memory_space<vmem>>, vector<1x16xf32>,
      %swap3A_511 = vector.shape_cast %swap3A_510 : vector<1x16xf32> to vector<16xf32>
      %swap3A_512 = vector.shape_cast %add3A_506 : vector<16xf32> to vector<1x16xf32>
      tpu.vector_store %arg7[%swap3A_508, %swap3A_509], %swap3A_512 {strides = array<i32>} : memref<16x1024xf32, #tpu.memory_space<vmem>>, vector<1x16xf32>,
      %get3A_513 = arith.constant 13 : i32
      %get3A_514 = arith.index_cast %get3A_513 : i32 to index
      %get3A_515 = arith.index_cast %multiple_of3A_293 : i32 to index
      %get3A_516 = tpu.vector_load %arg7[%get3A_514, %get3A_515] {strides = array<i32>} : memref<16x1024xf32, #tpu.memory_space<vmem>>, vector<1x16xf32>,
      %get3A_517 = vector.shape_cast %get3A_516 : vector<1x16xf32> to vector<16xf32>
      %get3A_518 = arith.constant 13 : i32
      %get3A_519 = arith.index_cast %get3A_518 : i32 to index
      %get3A_520 = arith.index_cast %multiple_of3A_293 : i32 to index
      %get3A_521 = tpu.vector_load %arg8[%get3A_519, %get3A_520] {strides = array<i32>} : memref<16x1024xf32, #tpu.memory_space<vmem>>, vector<1x16xf32>,
      %get3A_522 = vector.shape_cast %get3A_521 : vector<1x16xf32> to vector<16xf32>
      %add3A_523 = arith.addf %get3A_517, %get3A_522 : vector<16xf32>
      %swap3A_524 = arith.constant 13 : i32
      %swap3A_525 = arith.index_cast %swap3A_524 : i32 to index
      %swap3A_526 = arith.index_cast %multiple_of3A_293 : i32 to index
      %swap3A_527 = tpu.vector_load %arg7[%swap3A_525, %swap3A_526] {strides = array<i32>} : memref<16x1024xf32, #tpu.memory_space<vmem>>, vector<1x16xf32>,
      %swap3A_528 = vector.shape_cast %swap3A_527 : vector<1x16xf32> to vector<16xf32>
      %swap3A_529 = vector.shape_cast %add3A_523 : vector<16xf32> to vector<1x16xf32>
      tpu.vector_store %arg7[%swap3A_525, %swap3A_526], %swap3A_529 {strides = array<i32>} : memref<16x1024xf32, #tpu.memory_space<vmem>>, vector<1x16xf32>,
      %get3A_530 = arith.constant 14 : i32
      %get3A_531 = arith.index_cast %get3A_530 : i32 to index
      %get3A_532 = arith.index_cast %multiple_of3A_293 : i32 to index
      %get3A_533 = tpu.vector_load %arg7[%get3A_531, %get3A_532] {strides = array<i32>} : memref<16x1024xf32, #tpu.memory_space<vmem>>, vector<1x16xf32>,
      %get3A_534 = vector.shape_cast %get3A_533 : vector<1x16xf32> to vector<16xf32>
      %get3A_535 = arith.constant 14 : i32
      %get3A_536 = arith.index_cast %get3A_535 : i32 to index
      %get3A_537 = arith.index_cast %multiple_of3A_293 : i32 to index
      %get3A_538 = tpu.vector_load %arg8[%get3A_536, %get3A_537] {strides = array<i32>} : memref<16x1024xf32, #tpu.memory_space<vmem>>, vector<1x16xf32>,
      %get3A_539 = vector.shape_cast %get3A_538 : vector<1x16xf32> to vector<16xf32>
      %add3A_540 = arith.addf %get3A_534, %get3A_539 : vector<16xf32>
      %swap3A_541 = arith.constant 14 : i32
      %swap3A_542 = arith.index_cast %swap3A_541 : i32 to index
      %swap3A_543 = arith.index_cast %multiple_of3A_293 : i32 to index
      %swap3A_544 = tpu.vector_load %arg7[%swap3A_542, %swap3A_543] {strides = array<i32>} : memref<16x1024xf32, #tpu.memory_space<vmem>>, vector<1x16xf32>,
      %swap3A_545 = vector.shape_cast %swap3A_544 : vector<1x16xf32> to vector<16xf32>
      %swap3A_546 = vector.shape_cast %add3A_540 : vector<16xf32> to vector<1x16xf32>
      tpu.vector_store %arg7[%swap3A_542, %swap3A_543], %swap3A_546 {strides = array<i32>} : memref<16x1024xf32, #tpu.memory_space<vmem>>, vector<1x16xf32>,
      %get3A_547 = arith.constant 15 : i32
      %get3A_548 = arith.index_cast %get3A_547 : i32 to index
      %get3A_549 = arith.index_cast %multiple_of3A_293 : i32 to index
      %get3A_550 = tpu.vector_load %arg7[%get3A_548, %get3A_549] {strides = array<i32>} : memref<16x1024xf32, #tpu.memory_space<vmem>>, vector<1x16xf32>,
      %get3A_551 = vector.shape_cast %get3A_550 : vector<1x16xf32> to vector<16xf32>
      %get3A_552 = arith.constant 15 : i32
      %get3A_553 = arith.index_cast %get3A_552 : i32 to index
      %get3A_554 = arith.index_cast %multiple_of3A_293 : i32 to index
      %get3A_555 = tpu.vector_load %arg8[%get3A_553, %get3A_554] {strides = array<i32>} : memref<16x1024xf32, #tpu.memory_space<vmem>>, vector<1x16xf32>,
      %get3A_556 = vector.shape_cast %get3A_555 : vector<1x16xf32> to vector<16xf32>
      %add3A_557 = arith.addf %get3A_551, %get3A_556 : vector<16xf32>
      %swap3A_558 = arith.constant 15 : i32
      %swap3A_559 = arith.index_cast %swap3A_558 : i32 to index
      %swap3A_560 = arith.index_cast %multiple_of3A_293 : i32 to index
      %swap3A_561 = tpu.vector_load %arg7[%swap3A_559, %swap3A_560] {strides = array<i32>} : memref<16x1024xf32, #tpu.memory_space<vmem>>, vector<1x16xf32>,
      %swap3A_562 = vector.shape_cast %swap3A_561 : vector<1x16xf32> to vector<16xf32>
      %swap3A_563 = vector.shape_cast %add3A_557 : vector<16xf32> to vector<1x16xf32>
      tpu.vector_store %arg7[%swap3A_559, %swap3A_560], %swap3A_563 {strides = array<i32>} : memref<16x1024xf32, #tpu.memory_space<vmem>>, vector<1x16xf32>,
    }
    %scan3A_181 = arith.constant 64 : i32
    %add3A_182 = arith.constant 64 : i32
    %add3A_183 = arith.addi %multiple_of3A, %add3A_182 : i32
    %dma_start3A_184 = arith.constant 0 : i32
    %dma_start3A_185 = tpu.memref_slice %arg4[%add3A_183, %dma_start3A_184] : memref<4096x1024xf32, #tpu.memory_space<hbm>> -> memref<16x1024xf32, #tpu.memory_space<hbm>>
    %dma_start3A_186 = arith.constant 0 : i32
    %dma_start3A_187 = tpu.memref_slice %arg4[%add3A_183, %dma_start3A_186] : memref<4096x1024xf32, #tpu.memory_space<hbm>> -> memref<16x1024xf32, #tpu.memory_space<hbm>>
    tpu.enqueue_dma source(%arg7 : memref<16x1024xf32, #tpu.memory_space<vmem>>) target(%dma_start3A_187 : memref<16x1024xf32, #tpu.memory_space<hbm>>) target_semaphore(%arg15 : memref<!tpu.dma_semaphore, #tpu.memory_space<semaphore_mem>>)
    %dma_wait3A_188 = arith.constant 80 : i32
    %dma_wait3A_189 = tpu.memref_slice %arg5[%dma_wait3A_188] : memref<128xi32, #tpu.memory_space<vmem>> -> memref<16xi32, #tpu.memory_space<vmem>>
    %dma_wait3A_190 = arith.constant 0 : i32
    %dma_wait3A_191 = arith.constant 0 : i32
    %dma_wait3A_192 = tpu.memref_slice %arg3[%dma_wait3A_190, %dma_wait3A_191] : memref<12288x1024xf32, #tpu.memory_space<hbm>> -> memref<12288x1024xf32, #tpu.memory_space<hbm>>
    tpu.wait_indirect_dma semaphore(%arg13 : memref<!tpu.dma_semaphore, #tpu.memory_space<semaphore_mem>>) src(%dma_wait3A_192 : memref<12288x1024xf32, #tpu.memory_space<hbm>>) dst(%arg9 : memref<16x1024xf32, #tpu.memory_space<vmem>>)
    %dma_wait3A_193 = arith.constant 80 : i32
    %dma_wait3A_194 = tpu.memref_slice %arg6[%dma_wait3A_193] : memref<128xi32, #tpu.memory_space<vmem>> -> memref<16xi32, #tpu.memory_space<vmem>>
    %dma_wait3A_195 = arith.constant 0 : i32
    %dma_wait3A_196 = arith.constant 0 : i32
    %dma_wait3A_197 = tpu.memref_slice %arg3[%dma_wait3A_195, %dma_wait3A_196] : memref<12288x1024xf32, #tpu.memory_space<hbm>> -> memref<12288x1024xf32, #tpu.memory_space<hbm>>
    tpu.wait_indirect_dma semaphore(%arg14 : memref<!tpu.dma_semaphore, #tpu.memory_space<semaphore_mem>>) src(%dma_wait3A_197 : memref<12288x1024xf32, #tpu.memory_space<hbm>>) dst(%arg10 : memref<16x1024xf32, #tpu.memory_space<vmem>>)
    %dma_wait3A_198 = arith.constant 0 : i32
    %dma_wait3A_199 = tpu.memref_slice %arg4[%add3A_183, %dma_wait3A_198] : memref<4096x1024xf32, #tpu.memory_space<hbm>> -> memref<16x1024xf32, #tpu.memory_space<hbm>>
    %dma_wait3A_200 = arith.constant 0 : i32
    %dma_wait3A_201 = tpu.memref_slice %arg4[%add3A_183, %dma_wait3A_200] : memref<4096x1024xf32, #tpu.memory_space<hbm>> -> memref<16x1024xf32, #tpu.memory_space<hbm>>
    tpu.wait_dma2 semaphore(%arg15 : memref<!tpu.dma_semaphore, #tpu.memory_space<semaphore_mem>>) src(%arg7 : memref<16x1024xf32, #tpu.memory_space<vmem>>) dst(%dma_wait3A_201 : memref<16x1024xf32, #tpu.memory_space<hbm>>)
    %dma_start3A_202 = arith.constant 96 : i32
    %dma_start3A_203 = tpu.memref_slice %arg5[%dma_start3A_202] : memref<128xi32, #tpu.memory_space<vmem>> -> memref<16xi32, #tpu.memory_space<vmem>>
    %dma_start3A_204 = arith.constant 0 : i32
    %dma_start3A_205 = arith.constant 0 : i32
    %dma_start3A_206 = tpu.memref_slice %arg3[%dma_start3A_204, %dma_start3A_205] : memref<12288x1024xf32, #tpu.memory_space<hbm>> -> memref<12288x1024xf32, #tpu.memory_space<hbm>>
    tpu.enqueue_indirect_dma source(%dma_start3A_206 : memref<12288x1024xf32, #tpu.memory_space<hbm>>) target(%arg7 : memref<16x1024xf32, #tpu.memory_space<vmem>>) offsets(%dma_start3A_203 : memref<16xi32, #tpu.memory_space<vmem>>) semaphore(%arg11 : memref<!tpu.dma_semaphore, #tpu.memory_space<semaphore_mem>>)
    %dma_start3A_207 = arith.constant 96 : i32
    %dma_start3A_208 = tpu.memref_slice %arg6[%dma_start3A_207] : memref<128xi32, #tpu.memory_space<vmem>> -> memref<16xi32, #tpu.memory_space<vmem>>
    %dma_start3A_209 = arith.constant 0 : i32
    %dma_start3A_210 = arith.constant 0 : i32
    %dma_start3A_211 = tpu.memref_slice %arg3[%dma_start3A_209, %dma_start3A_210] : memref<12288x1024xf32, #tpu.memory_space<hbm>> -> memref<12288x1024xf32, #tpu.memory_space<hbm>>
    tpu.enqueue_indirect_dma source(%dma_start3A_211 : memref<12288x1024xf32, #tpu.memory_space<hbm>>) target(%arg8 : memref<16x1024xf32, #tpu.memory_space<vmem>>) offsets(%dma_start3A_208 : memref<16xi32, #tpu.memory_space<vmem>>) semaphore(%arg12 : memref<!tpu.dma_semaphore, #tpu.memory_space<semaphore_mem>>)
    %scan3A_212 = arith.constant 0 : i32
    %scan3A_213 = arith.constant 0 : i32
    %scan3A_214 = arith.constant 64 : i32
    %scan3A_215 = arith.addi %scan3A_213, %scan3A_214 : i32
    %scan3A_216 = arith.constant 1 : i32
    scf.for %scan3A_290 = %scan3A_213 to %scan3A_215 step %scan3A_216  : i32 {
      %mul3A_291 = arith.constant 16 : i32
      %mul3A_292 = arith.muli %scan3A_290, %mul3A_291 : i32
      %multiple_of3A_293 = tpu.assume_multiple %mul3A_292, 16 : i32
      %get3A = arith.constant 0 : i32
      %get3A_294 = arith.index_cast %get3A : i32 to index
      %get3A_295 = arith.index_cast %multiple_of3A_293 : i32 to index
      %get3A_296 = tpu.vector_load %arg9[%get3A_294, %get3A_295] {strides = array<i32>} : memref<16x1024xf32, #tpu.memory_space<vmem>>, vector<1x16xf32>,
      %get3A_297 = vector.shape_cast %get3A_296 : vector<1x16xf32> to vector<16xf32>
      %get3A_298 = arith.constant 0 : i32
      %get3A_299 = arith.index_cast %get3A_298 : i32 to index
      %get3A_300 = arith.index_cast %multiple_of3A_293 : i32 to index
      %get3A_301 = tpu.vector_load %arg10[%get3A_299, %get3A_300] {strides = array<i32>} : memref<16x1024xf32, #tpu.memory_space<vmem>>, vector<1x16xf32>,
      %get3A_302 = vector.shape_cast %get3A_301 : vector<1x16xf32> to vector<16xf32>
      %add3A_303 = arith.addf %get3A_297, %get3A_302 : vector<16xf32>
      %swap3A = arith.constant 0 : i32
      %swap3A_304 = arith.index_cast %swap3A : i32 to index
      %swap3A_305 = arith.index_cast %multiple_of3A_293 : i32 to index
      %swap3A_306 = tpu.vector_load %arg9[%swap3A_304, %swap3A_305] {strides = array<i32>} : memref<16x1024xf32, #tpu.memory_space<vmem>>, vector<1x16xf32>,
      %swap3A_307 = vector.shape_cast %swap3A_306 : vector<1x16xf32> to vector<16xf32>
      %swap3A_308 = vector.shape_cast %add3A_303 : vector<16xf32> to vector<1x16xf32>
      tpu.vector_store %arg9[%swap3A_304, %swap3A_305], %swap3A_308 {strides = array<i32>} : memref<16x1024xf32, #tpu.memory_space<vmem>>, vector<1x16xf32>,
      %get3A_309 = arith.constant 1 : i32
      %get3A_310 = arith.index_cast %get3A_309 : i32 to index
      %get3A_311 = arith.index_cast %multiple_of3A_293 : i32 to index
      %get3A_312 = tpu.vector_load %arg9[%get3A_310, %get3A_311] {strides = array<i32>} : memref<16x1024xf32, #tpu.memory_space<vmem>>, vector<1x16xf32>,
      %get3A_313 = vector.shape_cast %get3A_312 : vector<1x16xf32> to vector<16xf32>
      %get3A_314 = arith.constant 1 : i32
      %get3A_315 = arith.index_cast %get3A_314 : i32 to index
      %get3A_316 = arith.index_cast %multiple_of3A_293 : i32 to index
      %get3A_317 = tpu.vector_load %arg10[%get3A_315, %get3A_316] {strides = array<i32>} : memref<16x1024xf32, #tpu.memory_space<vmem>>, vector<1x16xf32>,
      %get3A_318 = vector.shape_cast %get3A_317 : vector<1x16xf32> to vector<16xf32>
      %add3A_319 = arith.addf %get3A_313, %get3A_318 : vector<16xf32>
      %swap3A_320 = arith.constant 1 : i32
      %swap3A_321 = arith.index_cast %swap3A_320 : i32 to index
      %swap3A_322 = arith.index_cast %multiple_of3A_293 : i32 to index
      %swap3A_323 = tpu.vector_load %arg9[%swap3A_321, %swap3A_322] {strides = array<i32>} : memref<16x1024xf32, #tpu.memory_space<vmem>>, vector<1x16xf32>,
      %swap3A_324 = vector.shape_cast %swap3A_323 : vector<1x16xf32> to vector<16xf32>
      %swap3A_325 = vector.shape_cast %add3A_319 : vector<16xf32> to vector<1x16xf32>
      tpu.vector_store %arg9[%swap3A_321, %swap3A_322], %swap3A_325 {strides = array<i32>} : memref<16x1024xf32, #tpu.memory_space<vmem>>, vector<1x16xf32>,
      %get3A_326 = arith.constant 2 : i32
      %get3A_327 = arith.index_cast %get3A_326 : i32 to index
      %get3A_328 = arith.index_cast %multiple_of3A_293 : i32 to index
      %get3A_329 = tpu.vector_load %arg9[%get3A_327, %get3A_328] {strides = array<i32>} : memref<16x1024xf32, #tpu.memory_space<vmem>>, vector<1x16xf32>,
      %get3A_330 = vector.shape_cast %get3A_329 : vector<1x16xf32> to vector<16xf32>
      %get3A_331 = arith.constant 2 : i32
      %get3A_332 = arith.index_cast %get3A_331 : i32 to index
      %get3A_333 = arith.index_cast %multiple_of3A_293 : i32 to index
      %get3A_334 = tpu.vector_load %arg10[%get3A_332, %get3A_333] {strides = array<i32>} : memref<16x1024xf32, #tpu.memory_space<vmem>>, vector<1x16xf32>,
      %get3A_335 = vector.shape_cast %get3A_334 : vector<1x16xf32> to vector<16xf32>
      %add3A_336 = arith.addf %get3A_330, %get3A_335 : vector<16xf32>
      %swap3A_337 = arith.constant 2 : i32
      %swap3A_338 = arith.index_cast %swap3A_337 : i32 to index
      %swap3A_339 = arith.index_cast %multiple_of3A_293 : i32 to index
      %swap3A_340 = tpu.vector_load %arg9[%swap3A_338, %swap3A_339] {strides = array<i32>} : memref<16x1024xf32, #tpu.memory_space<vmem>>, vector<1x16xf32>,
      %swap3A_341 = vector.shape_cast %swap3A_340 : vector<1x16xf32> to vector<16xf32>
      %swap3A_342 = vector.shape_cast %add3A_336 : vector<16xf32> to vector<1x16xf32>
      tpu.vector_store %arg9[%swap3A_338, %swap3A_339], %swap3A_342 {strides = array<i32>} : memref<16x1024xf32, #tpu.memory_space<vmem>>, vector<1x16xf32>,
      %get3A_343 = arith.constant 3 : i32
      %get3A_344 = arith.index_cast %get3A_343 : i32 to index
      %get3A_345 = arith.index_cast %multiple_of3A_293 : i32 to index
      %get3A_346 = tpu.vector_load %arg9[%get3A_344, %get3A_345] {strides = array<i32>} : memref<16x1024xf32, #tpu.memory_space<vmem>>, vector<1x16xf32>,
      %get3A_347 = vector.shape_cast %get3A_346 : vector<1x16xf32> to vector<16xf32>
      %get3A_348 = arith.constant 3 : i32
      %get3A_349 = arith.index_cast %get3A_348 : i32 to index
      %get3A_350 = arith.index_cast %multiple_of3A_293 : i32 to index
      %get3A_351 = tpu.vector_load %arg10[%get3A_349, %get3A_350] {strides = array<i32>} : memref<16x1024xf32, #tpu.memory_space<vmem>>, vector<1x16xf32>,
      %get3A_352 = vector.shape_cast %get3A_351 : vector<1x16xf32> to vector<16xf32>
      %add3A_353 = arith.addf %get3A_347, %get3A_352 : vector<16xf32>
      %swap3A_354 = arith.constant 3 : i32
      %swap3A_355 = arith.index_cast %swap3A_354 : i32 to index
      %swap3A_356 = arith.index_cast %multiple_of3A_293 : i32 to index
      %swap3A_357 = tpu.vector_load %arg9[%swap3A_355, %swap3A_356] {strides = array<i32>} : memref<16x1024xf32, #tpu.memory_space<vmem>>, vector<1x16xf32>,
      %swap3A_358 = vector.shape_cast %swap3A_357 : vector<1x16xf32> to vector<16xf32>
      %swap3A_359 = vector.shape_cast %add3A_353 : vector<16xf32> to vector<1x16xf32>
      tpu.vector_store %arg9[%swap3A_355, %swap3A_356], %swap3A_359 {strides = array<i32>} : memref<16x1024xf32, #tpu.memory_space<vmem>>, vector<1x16xf32>,
      %get3A_360 = arith.constant 4 : i32
      %get3A_361 = arith.index_cast %get3A_360 : i32 to index
      %get3A_362 = arith.index_cast %multiple_of3A_293 : i32 to index
      %get3A_363 = tpu.vector_load %arg9[%get3A_361, %get3A_362] {strides = array<i32>} : memref<16x1024xf32, #tpu.memory_space<vmem>>, vector<1x16xf32>,
      %get3A_364 = vector.shape_cast %get3A_363 : vector<1x16xf32> to vector<16xf32>
      %get3A_365 = arith.constant 4 : i32
      %get3A_366 = arith.index_cast %get3A_365 : i32 to index
      %get3A_367 = arith.index_cast %multiple_of3A_293 : i32 to index
      %get3A_368 = tpu.vector_load %arg10[%get3A_366, %get3A_367] {strides = array<i32>} : memref<16x1024xf32, #tpu.memory_space<vmem>>, vector<1x16xf32>,
      %get3A_369 = vector.shape_cast %get3A_368 : vector<1x16xf32> to vector<16xf32>
      %add3A_370 = arith.addf %get3A_364, %get3A_369 : vector<16xf32>
      %swap3A_371 = arith.constant 4 : i32
      %swap3A_372 = arith.index_cast %swap3A_371 : i32 to index
      %swap3A_373 = arith.index_cast %multiple_of3A_293 : i32 to index
      %swap3A_374 = tpu.vector_load %arg9[%swap3A_372, %swap3A_373] {strides = array<i32>} : memref<16x1024xf32, #tpu.memory_space<vmem>>, vector<1x16xf32>,
      %swap3A_375 = vector.shape_cast %swap3A_374 : vector<1x16xf32> to vector<16xf32>
      %swap3A_376 = vector.shape_cast %add3A_370 : vector<16xf32> to vector<1x16xf32>
      tpu.vector_store %arg9[%swap3A_372, %swap3A_373], %swap3A_376 {strides = array<i32>} : memref<16x1024xf32, #tpu.memory_space<vmem>>, vector<1x16xf32>,
      %get3A_377 = arith.constant 5 : i32
      %get3A_378 = arith.index_cast %get3A_377 : i32 to index
      %get3A_379 = arith.index_cast %multiple_of3A_293 : i32 to index
      %get3A_380 = tpu.vector_load %arg9[%get3A_378, %get3A_379] {strides = array<i32>} : memref<16x1024xf32, #tpu.memory_space<vmem>>, vector<1x16xf32>,
      %get3A_381 = vector.shape_cast %get3A_380 : vector<1x16xf32> to vector<16xf32>
      %get3A_382 = arith.constant 5 : i32
      %get3A_383 = arith.index_cast %get3A_382 : i32 to index
      %get3A_384 = arith.index_cast %multiple_of3A_293 : i32 to index
      %get3A_385 = tpu.vector_load %arg10[%get3A_383, %get3A_384] {strides = array<i32>} : memref<16x1024xf32, #tpu.memory_space<vmem>>, vector<1x16xf32>,
      %get3A_386 = vector.shape_cast %get3A_385 : vector<1x16xf32> to vector<16xf32>
      %add3A_387 = arith.addf %get3A_381, %get3A_386 : vector<16xf32>
      %swap3A_388 = arith.constant 5 : i32
      %swap3A_389 = arith.index_cast %swap3A_388 : i32 to index
      %swap3A_390 = arith.index_cast %multiple_of3A_293 : i32 to index
      %swap3A_391 = tpu.vector_load %arg9[%swap3A_389, %swap3A_390] {strides = array<i32>} : memref<16x1024xf32, #tpu.memory_space<vmem>>, vector<1x16xf32>,
      %swap3A_392 = vector.shape_cast %swap3A_391 : vector<1x16xf32> to vector<16xf32>
      %swap3A_393 = vector.shape_cast %add3A_387 : vector<16xf32> to vector<1x16xf32>
      tpu.vector_store %arg9[%swap3A_389, %swap3A_390], %swap3A_393 {strides = array<i32>} : memref<16x1024xf32, #tpu.memory_space<vmem>>, vector<1x16xf32>,
      %get3A_394 = arith.constant 6 : i32
      %get3A_395 = arith.index_cast %get3A_394 : i32 to index
      %get3A_396 = arith.index_cast %multiple_of3A_293 : i32 to index
      %get3A_397 = tpu.vector_load %arg9[%get3A_395, %get3A_396] {strides = array<i32>} : memref<16x1024xf32, #tpu.memory_space<vmem>>, vector<1x16xf32>,
      %get3A_398 = vector.shape_cast %get3A_397 : vector<1x16xf32> to vector<16xf32>
      %get3A_399 = arith.constant 6 : i32
      %get3A_400 = arith.index_cast %get3A_399 : i32 to index
      %get3A_401 = arith.index_cast %multiple_of3A_293 : i32 to index
      %get3A_402 = tpu.vector_load %arg10[%get3A_400, %get3A_401] {strides = array<i32>} : memref<16x1024xf32, #tpu.memory_space<vmem>>, vector<1x16xf32>,
      %get3A_403 = vector.shape_cast %get3A_402 : vector<1x16xf32> to vector<16xf32>
      %add3A_404 = arith.addf %get3A_398, %get3A_403 : vector<16xf32>
      %swap3A_405 = arith.constant 6 : i32
      %swap3A_406 = arith.index_cast %swap3A_405 : i32 to index
      %swap3A_407 = arith.index_cast %multiple_of3A_293 : i32 to index
      %swap3A_408 = tpu.vector_load %arg9[%swap3A_406, %swap3A_407] {strides = array<i32>} : memref<16x1024xf32, #tpu.memory_space<vmem>>, vector<1x16xf32>,
      %swap3A_409 = vector.shape_cast %swap3A_408 : vector<1x16xf32> to vector<16xf32>
      %swap3A_410 = vector.shape_cast %add3A_404 : vector<16xf32> to vector<1x16xf32>
      tpu.vector_store %arg9[%swap3A_406, %swap3A_407], %swap3A_410 {strides = array<i32>} : memref<16x1024xf32, #tpu.memory_space<vmem>>, vector<1x16xf32>,
      %get3A_411 = arith.constant 7 : i32
      %get3A_412 = arith.index_cast %get3A_411 : i32 to index
      %get3A_413 = arith.index_cast %multiple_of3A_293 : i32 to index
      %get3A_414 = tpu.vector_load %arg9[%get3A_412, %get3A_413] {strides = array<i32>} : memref<16x1024xf32, #tpu.memory_space<vmem>>, vector<1x16xf32>,
      %get3A_415 = vector.shape_cast %get3A_414 : vector<1x16xf32> to vector<16xf32>
      %get3A_416 = arith.constant 7 : i32
      %get3A_417 = arith.index_cast %get3A_416 : i32 to index
      %get3A_418 = arith.index_cast %multiple_of3A_293 : i32 to index
      %get3A_419 = tpu.vector_load %arg10[%get3A_417, %get3A_418] {strides = array<i32>} : memref<16x1024xf32, #tpu.memory_space<vmem>>, vector<1x16xf32>,
      %get3A_420 = vector.shape_cast %get3A_419 : vector<1x16xf32> to vector<16xf32>
      %add3A_421 = arith.addf %get3A_415, %get3A_420 : vector<16xf32>
      %swap3A_422 = arith.constant 7 : i32
      %swap3A_423 = arith.index_cast %swap3A_422 : i32 to index
      %swap3A_424 = arith.index_cast %multiple_of3A_293 : i32 to index
      %swap3A_425 = tpu.vector_load %arg9[%swap3A_423, %swap3A_424] {strides = array<i32>} : memref<16x1024xf32, #tpu.memory_space<vmem>>, vector<1x16xf32>,
      %swap3A_426 = vector.shape_cast %swap3A_425 : vector<1x16xf32> to vector<16xf32>
      %swap3A_427 = vector.shape_cast %add3A_421 : vector<16xf32> to vector<1x16xf32>
      tpu.vector_store %arg9[%swap3A_423, %swap3A_424], %swap3A_427 {strides = array<i32>} : memref<16x1024xf32, #tpu.memory_space<vmem>>, vector<1x16xf32>,
      %get3A_428 = arith.constant 8 : i32
      %get3A_429 = arith.index_cast %get3A_428 : i32 to index
      %get3A_430 = arith.index_cast %multiple_of3A_293 : i32 to index
      %get3A_431 = tpu.vector_load %arg9[%get3A_429, %get3A_430] {strides = array<i32>} : memref<16x1024xf32, #tpu.memory_space<vmem>>, vector<1x16xf32>,
      %get3A_432 = vector.shape_cast %get3A_431 : vector<1x16xf32> to vector<16xf32>
      %get3A_433 = arith.constant 8 : i32
      %get3A_434 = arith.index_cast %get3A_433 : i32 to index
      %get3A_435 = arith.index_cast %multiple_of3A_293 : i32 to index
      %get3A_436 = tpu.vector_load %arg10[%get3A_434, %get3A_435] {strides = array<i32>} : memref<16x1024xf32, #tpu.memory_space<vmem>>, vector<1x16xf32>,
      %get3A_437 = vector.shape_cast %get3A_436 : vector<1x16xf32> to vector<16xf32>
      %add3A_438 = arith.addf %get3A_432, %get3A_437 : vector<16xf32>
      %swap3A_439 = arith.constant 8 : i32
      %swap3A_440 = arith.index_cast %swap3A_439 : i32 to index
      %swap3A_441 = arith.index_cast %multiple_of3A_293 : i32 to index
      %swap3A_442 = tpu.vector_load %arg9[%swap3A_440, %swap3A_441] {strides = array<i32>} : memref<16x1024xf32, #tpu.memory_space<vmem>>, vector<1x16xf32>,
      %swap3A_443 = vector.shape_cast %swap3A_442 : vector<1x16xf32> to vector<16xf32>
      %swap3A_444 = vector.shape_cast %add3A_438 : vector<16xf32> to vector<1x16xf32>
      tpu.vector_store %arg9[%swap3A_440, %swap3A_441], %swap3A_444 {strides = array<i32>} : memref<16x1024xf32, #tpu.memory_space<vmem>>, vector<1x16xf32>,
      %get3A_445 = arith.constant 9 : i32
      %get3A_446 = arith.index_cast %get3A_445 : i32 to index
      %get3A_447 = arith.index_cast %multiple_of3A_293 : i32 to index
      %get3A_448 = tpu.vector_load %arg9[%get3A_446, %get3A_447] {strides = array<i32>} : memref<16x1024xf32, #tpu.memory_space<vmem>>, vector<1x16xf32>,
      %get3A_449 = vector.shape_cast %get3A_448 : vector<1x16xf32> to vector<16xf32>
      %get3A_450 = arith.constant 9 : i32
      %get3A_451 = arith.index_cast %get3A_450 : i32 to index
      %get3A_452 = arith.index_cast %multiple_of3A_293 : i32 to index
      %get3A_453 = tpu.vector_load %arg10[%get3A_451, %get3A_452] {strides = array<i32>} : memref<16x1024xf32, #tpu.memory_space<vmem>>, vector<1x16xf32>,
      %get3A_454 = vector.shape_cast %get3A_453 : vector<1x16xf32> to vector<16xf32>
      %add3A_455 = arith.addf %get3A_449, %get3A_454 : vector<16xf32>
      %swap3A_456 = arith.constant 9 : i32
      %swap3A_457 = arith.index_cast %swap3A_456 : i32 to index
      %swap3A_458 = arith.index_cast %multiple_of3A_293 : i32 to index
      %swap3A_459 = tpu.vector_load %arg9[%swap3A_457, %swap3A_458] {strides = array<i32>} : memref<16x1024xf32, #tpu.memory_space<vmem>>, vector<1x16xf32>,
      %swap3A_460 = vector.shape_cast %swap3A_459 : vector<1x16xf32> to vector<16xf32>
      %swap3A_461 = vector.shape_cast %add3A_455 : vector<16xf32> to vector<1x16xf32>
      tpu.vector_store %arg9[%swap3A_457, %swap3A_458], %swap3A_461 {strides = array<i32>} : memref<16x1024xf32, #tpu.memory_space<vmem>>, vector<1x16xf32>,
      %get3A_462 = arith.constant 10 : i32
      %get3A_463 = arith.index_cast %get3A_462 : i32 to index
      %get3A_464 = arith.index_cast %multiple_of3A_293 : i32 to index
      %get3A_465 = tpu.vector_load %arg9[%get3A_463, %get3A_464] {strides = array<i32>} : memref<16x1024xf32, #tpu.memory_space<vmem>>, vector<1x16xf32>,
      %get3A_466 = vector.shape_cast %get3A_465 : vector<1x16xf32> to vector<16xf32>
      %get3A_467 = arith.constant 10 : i32
      %get3A_468 = arith.index_cast %get3A_467 : i32 to index
      %get3A_469 = arith.index_cast %multiple_of3A_293 : i32 to index
      %get3A_470 = tpu.vector_load %arg10[%get3A_468, %get3A_469] {strides = array<i32>} : memref<16x1024xf32, #tpu.memory_space<vmem>>, vector<1x16xf32>,
      %get3A_471 = vector.shape_cast %get3A_470 : vector<1x16xf32> to vector<16xf32>
      %add3A_472 = arith.addf %get3A_466, %get3A_471 : vector<16xf32>
      %swap3A_473 = arith.constant 10 : i32
      %swap3A_474 = arith.index_cast %swap3A_473 : i32 to index
      %swap3A_475 = arith.index_cast %multiple_of3A_293 : i32 to index
      %swap3A_476 = tpu.vector_load %arg9[%swap3A_474, %swap3A_475] {strides = array<i32>} : memref<16x1024xf32, #tpu.memory_space<vmem>>, vector<1x16xf32>,
      %swap3A_477 = vector.shape_cast %swap3A_476 : vector<1x16xf32> to vector<16xf32>
      %swap3A_478 = vector.shape_cast %add3A_472 : vector<16xf32> to vector<1x16xf32>
      tpu.vector_store %arg9[%swap3A_474, %swap3A_475], %swap3A_478 {strides = array<i32>} : memref<16x1024xf32, #tpu.memory_space<vmem>>, vector<1x16xf32>,
      %get3A_479 = arith.constant 11 : i32
      %get3A_480 = arith.index_cast %get3A_479 : i32 to index
      %get3A_481 = arith.index_cast %multiple_of3A_293 : i32 to index
      %get3A_482 = tpu.vector_load %arg9[%get3A_480, %get3A_481] {strides = array<i32>} : memref<16x1024xf32, #tpu.memory_space<vmem>>, vector<1x16xf32>,
      %get3A_483 = vector.shape_cast %get3A_482 : vector<1x16xf32> to vector<16xf32>
      %get3A_484 = arith.constant 11 : i32
      %get3A_485 = arith.index_cast %get3A_484 : i32 to index
      %get3A_486 = arith.index_cast %multiple_of3A_293 : i32 to index
      %get3A_487 = tpu.vector_load %arg10[%get3A_485, %get3A_486] {strides = array<i32>} : memref<16x1024xf32, #tpu.memory_space<vmem>>, vector<1x16xf32>,
      %get3A_488 = vector.shape_cast %get3A_487 : vector<1x16xf32> to vector<16xf32>
      %add3A_489 = arith.addf %get3A_483, %get3A_488 : vector<16xf32>
      %swap3A_490 = arith.constant 11 : i32
      %swap3A_491 = arith.index_cast %swap3A_490 : i32 to index
      %swap3A_492 = arith.index_cast %multiple_of3A_293 : i32 to index
      %swap3A_493 = tpu.vector_load %arg9[%swap3A_491, %swap3A_492] {strides = array<i32>} : memref<16x1024xf32, #tpu.memory_space<vmem>>, vector<1x16xf32>,
      %swap3A_494 = vector.shape_cast %swap3A_493 : vector<1x16xf32> to vector<16xf32>
      %swap3A_495 = vector.shape_cast %add3A_489 : vector<16xf32> to vector<1x16xf32>
      tpu.vector_store %arg9[%swap3A_491, %swap3A_492], %swap3A_495 {strides = array<i32>} : memref<16x1024xf32, #tpu.memory_space<vmem>>, vector<1x16xf32>,
      %get3A_496 = arith.constant 12 : i32
      %get3A_497 = arith.index_cast %get3A_496 : i32 to index
      %get3A_498 = arith.index_cast %multiple_of3A_293 : i32 to index
      %get3A_499 = tpu.vector_load %arg9[%get3A_497, %get3A_498] {strides = array<i32>} : memref<16x1024xf32, #tpu.memory_space<vmem>>, vector<1x16xf32>,
      %get3A_500 = vector.shape_cast %get3A_499 : vector<1x16xf32> to vector<16xf32>
      %get3A_501 = arith.constant 12 : i32
      %get3A_502 = arith.index_cast %get3A_501 : i32 to index
      %get3A_503 = arith.index_cast %multiple_of3A_293 : i32 to index
      %get3A_504 = tpu.vector_load %arg10[%get3A_502, %get3A_503] {strides = array<i32>} : memref<16x1024xf32, #tpu.memory_space<vmem>>, vector<1x16xf32>,
      %get3A_505 = vector.shape_cast %get3A_504 : vector<1x16xf32> to vector<16xf32>
      %add3A_506 = arith.addf %get3A_500, %get3A_505 : vector<16xf32>
      %swap3A_507 = arith.constant 12 : i32
      %swap3A_508 = arith.index_cast %swap3A_507 : i32 to index
      %swap3A_509 = arith.index_cast %multiple_of3A_293 : i32 to index
      %swap3A_510 = tpu.vector_load %arg9[%swap3A_508, %swap3A_509] {strides = array<i32>} : memref<16x1024xf32, #tpu.memory_space<vmem>>, vector<1x16xf32>,
      %swap3A_511 = vector.shape_cast %swap3A_510 : vector<1x16xf32> to vector<16xf32>
      %swap3A_512 = vector.shape_cast %add3A_506 : vector<16xf32> to vector<1x16xf32>
      tpu.vector_store %arg9[%swap3A_508, %swap3A_509], %swap3A_512 {strides = array<i32>} : memref<16x1024xf32, #tpu.memory_space<vmem>>, vector<1x16xf32>,
      %get3A_513 = arith.constant 13 : i32
      %get3A_514 = arith.index_cast %get3A_513 : i32 to index
      %get3A_515 = arith.index_cast %multiple_of3A_293 : i32 to index
      %get3A_516 = tpu.vector_load %arg9[%get3A_514, %get3A_515] {strides = array<i32>} : memref<16x1024xf32, #tpu.memory_space<vmem>>, vector<1x16xf32>,
      %get3A_517 = vector.shape_cast %get3A_516 : vector<1x16xf32> to vector<16xf32>
      %get3A_518 = arith.constant 13 : i32
      %get3A_519 = arith.index_cast %get3A_518 : i32 to index
      %get3A_520 = arith.index_cast %multiple_of3A_293 : i32 to index
      %get3A_521 = tpu.vector_load %arg10[%get3A_519, %get3A_520] {strides = array<i32>} : memref<16x1024xf32, #tpu.memory_space<vmem>>, vector<1x16xf32>,
      %get3A_522 = vector.shape_cast %get3A_521 : vector<1x16xf32> to vector<16xf32>
      %add3A_523 = arith.addf %get3A_517, %get3A_522 : vector<16xf32>
      %swap3A_524 = arith.constant 13 : i32
      %swap3A_525 = arith.index_cast %swap3A_524 : i32 to index
      %swap3A_526 = arith.index_cast %multiple_of3A_293 : i32 to index
      %swap3A_527 = tpu.vector_load %arg9[%swap3A_525, %swap3A_526] {strides = array<i32>} : memref<16x1024xf32, #tpu.memory_space<vmem>>, vector<1x16xf32>,
      %swap3A_528 = vector.shape_cast %swap3A_527 : vector<1x16xf32> to vector<16xf32>
      %swap3A_529 = vector.shape_cast %add3A_523 : vector<16xf32> to vector<1x16xf32>
      tpu.vector_store %arg9[%swap3A_525, %swap3A_526], %swap3A_529 {strides = array<i32>} : memref<16x1024xf32, #tpu.memory_space<vmem>>, vector<1x16xf32>,
      %get3A_530 = arith.constant 14 : i32
      %get3A_531 = arith.index_cast %get3A_530 : i32 to index
      %get3A_532 = arith.index_cast %multiple_of3A_293 : i32 to index
      %get3A_533 = tpu.vector_load %arg9[%get3A_531, %get3A_532] {strides = array<i32>} : memref<16x1024xf32, #tpu.memory_space<vmem>>, vector<1x16xf32>,
      %get3A_534 = vector.shape_cast %get3A_533 : vector<1x16xf32> to vector<16xf32>
      %get3A_535 = arith.constant 14 : i32
      %get3A_536 = arith.index_cast %get3A_535 : i32 to index
      %get3A_537 = arith.index_cast %multiple_of3A_293 : i32 to index
      %get3A_538 = tpu.vector_load %arg10[%get3A_536, %get3A_537] {strides = array<i32>} : memref<16x1024xf32, #tpu.memory_space<vmem>>, vector<1x16xf32>,
      %get3A_539 = vector.shape_cast %get3A_538 : vector<1x16xf32> to vector<16xf32>
      %add3A_540 = arith.addf %get3A_534, %get3A_539 : vector<16xf32>
      %swap3A_541 = arith.constant 14 : i32
      %swap3A_542 = arith.index_cast %swap3A_541 : i32 to index
      %swap3A_543 = arith.index_cast %multiple_of3A_293 : i32 to index
      %swap3A_544 = tpu.vector_load %arg9[%swap3A_542, %swap3A_543] {strides = array<i32>} : memref<16x1024xf32, #tpu.memory_space<vmem>>, vector<1x16xf32>,
      %swap3A_545 = vector.shape_cast %swap3A_544 : vector<1x16xf32> to vector<16xf32>
      %swap3A_546 = vector.shape_cast %add3A_540 : vector<16xf32> to vector<1x16xf32>
      tpu.vector_store %arg9[%swap3A_542, %swap3A_543], %swap3A_546 {strides = array<i32>} : memref<16x1024xf32, #tpu.memory_space<vmem>>, vector<1x16xf32>,
      %get3A_547 = arith.constant 15 : i32
      %get3A_548 = arith.index_cast %get3A_547 : i32 to index
      %get3A_549 = arith.index_cast %multiple_of3A_293 : i32 to index
      %get3A_550 = tpu.vector_load %arg9[%get3A_548, %get3A_549] {strides = array<i32>} : memref<16x1024xf32, #tpu.memory_space<vmem>>, vector<1x16xf32>,
      %get3A_551 = vector.shape_cast %get3A_550 : vector<1x16xf32> to vector<16xf32>
      %get3A_552 = arith.constant 15 : i32
      %get3A_553 = arith.index_cast %get3A_552 : i32 to index
      %get3A_554 = arith.index_cast %multiple_of3A_293 : i32 to index
      %get3A_555 = tpu.vector_load %arg10[%get3A_553, %get3A_554] {strides = array<i32>} : memref<16x1024xf32, #tpu.memory_space<vmem>>, vector<1x16xf32>,
      %get3A_556 = vector.shape_cast %get3A_555 : vector<1x16xf32> to vector<16xf32>
      %add3A_557 = arith.addf %get3A_551, %get3A_556 : vector<16xf32>
      %swap3A_558 = arith.constant 15 : i32
      %swap3A_559 = arith.index_cast %swap3A_558 : i32 to index
      %swap3A_560 = arith.index_cast %multiple_of3A_293 : i32 to index
      %swap3A_561 = tpu.vector_load %arg9[%swap3A_559, %swap3A_560] {strides = array<i32>} : memref<16x1024xf32, #tpu.memory_space<vmem>>, vector<1x16xf32>,
      %swap3A_562 = vector.shape_cast %swap3A_561 : vector<1x16xf32> to vector<16xf32>
      %swap3A_563 = vector.shape_cast %add3A_557 : vector<16xf32> to vector<1x16xf32>
      tpu.vector_store %arg9[%swap3A_559, %swap3A_560], %swap3A_563 {strides = array<i32>} : memref<16x1024xf32, #tpu.memory_space<vmem>>, vector<1x16xf32>,
    }
    %scan3A_217 = arith.constant 64 : i32
    %add3A_218 = arith.constant 80 : i32
    %add3A_219 = arith.addi %multiple_of3A, %add3A_218 : i32
    %dma_start3A_220 = arith.constant 0 : i32
    %dma_start3A_221 = tpu.memref_slice %arg4[%add3A_219, %dma_start3A_220] : memref<4096x1024xf32, #tpu.memory_space<hbm>> -> memref<16x1024xf32, #tpu.memory_space<hbm>>
    %dma_start3A_222 = arith.constant 0 : i32
    %dma_start3A_223 = tpu.memref_slice %arg4[%add3A_219, %dma_start3A_222] : memref<4096x1024xf32, #tpu.memory_space<hbm>> -> memref<16x1024xf32, #tpu.memory_space<hbm>>
    tpu.enqueue_dma source(%arg9 : memref<16x1024xf32, #tpu.memory_space<vmem>>) target(%dma_start3A_223 : memref<16x1024xf32, #tpu.memory_space<hbm>>) target_semaphore(%arg16 : memref<!tpu.dma_semaphore, #tpu.memory_space<semaphore_mem>>)
    %dma_wait3A_224 = arith.constant 96 : i32
    %dma_wait3A_225 = tpu.memref_slice %arg5[%dma_wait3A_224] : memref<128xi32, #tpu.memory_space<vmem>> -> memref<16xi32, #tpu.memory_space<vmem>>
    %dma_wait3A_226 = arith.constant 0 : i32
    %dma_wait3A_227 = arith.constant 0 : i32
    %dma_wait3A_228 = tpu.memref_slice %arg3[%dma_wait3A_226, %dma_wait3A_227] : memref<12288x1024xf32, #tpu.memory_space<hbm>> -> memref<12288x1024xf32, #tpu.memory_space<hbm>>
    tpu.wait_indirect_dma semaphore(%arg11 : memref<!tpu.dma_semaphore, #tpu.memory_space<semaphore_mem>>) src(%dma_wait3A_228 : memref<12288x1024xf32, #tpu.memory_space<hbm>>) dst(%arg7 : memref<16x1024xf32, #tpu.memory_space<vmem>>)
    %dma_wait3A_229 = arith.constant 96 : i32
    %dma_wait3A_230 = tpu.memref_slice %arg6[%dma_wait3A_229] : memref<128xi32, #tpu.memory_space<vmem>> -> memref<16xi32, #tpu.memory_space<vmem>>
    %dma_wait3A_231 = arith.constant 0 : i32
    %dma_wait3A_232 = arith.constant 0 : i32
    %dma_wait3A_233 = tpu.memref_slice %arg3[%dma_wait3A_231, %dma_wait3A_232] : memref<12288x1024xf32, #tpu.memory_space<hbm>> -> memref<12288x1024xf32, #tpu.memory_space<hbm>>
    tpu.wait_indirect_dma semaphore(%arg12 : memref<!tpu.dma_semaphore, #tpu.memory_space<semaphore_mem>>) src(%dma_wait3A_233 : memref<12288x1024xf32, #tpu.memory_space<hbm>>) dst(%arg8 : memref<16x1024xf32, #tpu.memory_space<vmem>>)
    %dma_wait3A_234 = arith.constant 0 : i32
    %dma_wait3A_235 = tpu.memref_slice %arg4[%add3A_219, %dma_wait3A_234] : memref<4096x1024xf32, #tpu.memory_space<hbm>> -> memref<16x1024xf32, #tpu.memory_space<hbm>>
    %dma_wait3A_236 = arith.constant 0 : i32
    %dma_wait3A_237 = tpu.memref_slice %arg4[%add3A_219, %dma_wait3A_236] : memref<4096x1024xf32, #tpu.memory_space<hbm>> -> memref<16x1024xf32, #tpu.memory_space<hbm>>
    tpu.wait_dma2 semaphore(%arg16 : memref<!tpu.dma_semaphore, #tpu.memory_space<semaphore_mem>>) src(%arg9 : memref<16x1024xf32, #tpu.memory_space<vmem>>) dst(%dma_wait3A_237 : memref<16x1024xf32, #tpu.memory_space<hbm>>)
    %dma_start3A_238 = arith.constant 112 : i32
    %dma_start3A_239 = tpu.memref_slice %arg5[%dma_start3A_238] : memref<128xi32, #tpu.memory_space<vmem>> -> memref<16xi32, #tpu.memory_space<vmem>>
    %dma_start3A_240 = arith.constant 0 : i32
    %dma_start3A_241 = arith.constant 0 : i32
    %dma_start3A_242 = tpu.memref_slice %arg3[%dma_start3A_240, %dma_start3A_241] : memref<12288x1024xf32, #tpu.memory_space<hbm>> -> memref<12288x1024xf32, #tpu.memory_space<hbm>>
    tpu.enqueue_indirect_dma source(%dma_start3A_242 : memref<12288x1024xf32, #tpu.memory_space<hbm>>) target(%arg9 : memref<16x1024xf32, #tpu.memory_space<vmem>>) offsets(%dma_start3A_239 : memref<16xi32, #tpu.memory_space<vmem>>) semaphore(%arg13 : memref<!tpu.dma_semaphore, #tpu.memory_space<semaphore_mem>>)
    %dma_start3A_243 = arith.constant 112 : i32
    %dma_start3A_244 = tpu.memref_slice %arg6[%dma_start3A_243] : memref<128xi32, #tpu.memory_space<vmem>> -> memref<16xi32, #tpu.memory_space<vmem>>
    %dma_start3A_245 = arith.constant 0 : i32
    %dma_start3A_246 = arith.constant 0 : i32
    %dma_start3A_247 = tpu.memref_slice %arg3[%dma_start3A_245, %dma_start3A_246] : memref<12288x1024xf32, #tpu.memory_space<hbm>> -> memref<12288x1024xf32, #tpu.memory_space<hbm>>
    tpu.enqueue_indirect_dma source(%dma_start3A_247 : memref<12288x1024xf32, #tpu.memory_space<hbm>>) target(%arg10 : memref<16x1024xf32, #tpu.memory_space<vmem>>) offsets(%dma_start3A_244 : memref<16xi32, #tpu.memory_space<vmem>>) semaphore(%arg14 : memref<!tpu.dma_semaphore, #tpu.memory_space<semaphore_mem>>)
    %scan3A_248 = arith.constant 0 : i32
    %scan3A_249 = arith.constant 0 : i32
    %scan3A_250 = arith.constant 64 : i32
    %scan3A_251 = arith.addi %scan3A_249, %scan3A_250 : i32
    %scan3A_252 = arith.constant 1 : i32
    scf.for %scan3A_290 = %scan3A_249 to %scan3A_251 step %scan3A_252  : i32 {
      %mul3A_291 = arith.constant 16 : i32
      %mul3A_292 = arith.muli %scan3A_290, %mul3A_291 : i32
      %multiple_of3A_293 = tpu.assume_multiple %mul3A_292, 16 : i32
      %get3A = arith.constant 0 : i32
      %get3A_294 = arith.index_cast %get3A : i32 to index
      %get3A_295 = arith.index_cast %multiple_of3A_293 : i32 to index
      %get3A_296 = tpu.vector_load %arg7[%get3A_294, %get3A_295] {strides = array<i32>} : memref<16x1024xf32, #tpu.memory_space<vmem>>, vector<1x16xf32>,
      %get3A_297 = vector.shape_cast %get3A_296 : vector<1x16xf32> to vector<16xf32>
      %get3A_298 = arith.constant 0 : i32
      %get3A_299 = arith.index_cast %get3A_298 : i32 to index
      %get3A_300 = arith.index_cast %multiple_of3A_293 : i32 to index
      %get3A_301 = tpu.vector_load %arg8[%get3A_299, %get3A_300] {strides = array<i32>} : memref<16x1024xf32, #tpu.memory_space<vmem>>, vector<1x16xf32>,
      %get3A_302 = vector.shape_cast %get3A_301 : vector<1x16xf32> to vector<16xf32>
      %add3A_303 = arith.addf %get3A_297, %get3A_302 : vector<16xf32>
      %swap3A = arith.constant 0 : i32
      %swap3A_304 = arith.index_cast %swap3A : i32 to index
      %swap3A_305 = arith.index_cast %multiple_of3A_293 : i32 to index
      %swap3A_306 = tpu.vector_load %arg7[%swap3A_304, %swap3A_305] {strides = array<i32>} : memref<16x1024xf32, #tpu.memory_space<vmem>>, vector<1x16xf32>,
      %swap3A_307 = vector.shape_cast %swap3A_306 : vector<1x16xf32> to vector<16xf32>
      %swap3A_308 = vector.shape_cast %add3A_303 : vector<16xf32> to vector<1x16xf32>
      tpu.vector_store %arg7[%swap3A_304, %swap3A_305], %swap3A_308 {strides = array<i32>} : memref<16x1024xf32, #tpu.memory_space<vmem>>, vector<1x16xf32>,
      %get3A_309 = arith.constant 1 : i32
      %get3A_310 = arith.index_cast %get3A_309 : i32 to index
      %get3A_311 = arith.index_cast %multiple_of3A_293 : i32 to index
      %get3A_312 = tpu.vector_load %arg7[%get3A_310, %get3A_311] {strides = array<i32>} : memref<16x1024xf32, #tpu.memory_space<vmem>>, vector<1x16xf32>,
      %get3A_313 = vector.shape_cast %get3A_312 : vector<1x16xf32> to vector<16xf32>
      %get3A_314 = arith.constant 1 : i32
      %get3A_315 = arith.index_cast %get3A_314 : i32 to index
      %get3A_316 = arith.index_cast %multiple_of3A_293 : i32 to index
      %get3A_317 = tpu.vector_load %arg8[%get3A_315, %get3A_316] {strides = array<i32>} : memref<16x1024xf32, #tpu.memory_space<vmem>>, vector<1x16xf32>,
      %get3A_318 = vector.shape_cast %get3A_317 : vector<1x16xf32> to vector<16xf32>
      %add3A_319 = arith.addf %get3A_313, %get3A_318 : vector<16xf32>
      %swap3A_320 = arith.constant 1 : i32
      %swap3A_321 = arith.index_cast %swap3A_320 : i32 to index
      %swap3A_322 = arith.index_cast %multiple_of3A_293 : i32 to index
      %swap3A_323 = tpu.vector_load %arg7[%swap3A_321, %swap3A_322] {strides = array<i32>} : memref<16x1024xf32, #tpu.memory_space<vmem>>, vector<1x16xf32>,
      %swap3A_324 = vector.shape_cast %swap3A_323 : vector<1x16xf32> to vector<16xf32>
      %swap3A_325 = vector.shape_cast %add3A_319 : vector<16xf32> to vector<1x16xf32>
      tpu.vector_store %arg7[%swap3A_321, %swap3A_322], %swap3A_325 {strides = array<i32>} : memref<16x1024xf32, #tpu.memory_space<vmem>>, vector<1x16xf32>,
      %get3A_326 = arith.constant 2 : i32
      %get3A_327 = arith.index_cast %get3A_326 : i32 to index
      %get3A_328 = arith.index_cast %multiple_of3A_293 : i32 to index
      %get3A_329 = tpu.vector_load %arg7[%get3A_327, %get3A_328] {strides = array<i32>} : memref<16x1024xf32, #tpu.memory_space<vmem>>, vector<1x16xf32>,
      %get3A_330 = vector.shape_cast %get3A_329 : vector<1x16xf32> to vector<16xf32>
      %get3A_331 = arith.constant 2 : i32
      %get3A_332 = arith.index_cast %get3A_331 : i32 to index
      %get3A_333 = arith.index_cast %multiple_of3A_293 : i32 to index
      %get3A_334 = tpu.vector_load %arg8[%get3A_332, %get3A_333] {strides = array<i32>} : memref<16x1024xf32, #tpu.memory_space<vmem>>, vector<1x16xf32>,
      %get3A_335 = vector.shape_cast %get3A_334 : vector<1x16xf32> to vector<16xf32>
      %add3A_336 = arith.addf %get3A_330, %get3A_335 : vector<16xf32>
      %swap3A_337 = arith.constant 2 : i32
      %swap3A_338 = arith.index_cast %swap3A_337 : i32 to index
      %swap3A_339 = arith.index_cast %multiple_of3A_293 : i32 to index
      %swap3A_340 = tpu.vector_load %arg7[%swap3A_338, %swap3A_339] {strides = array<i32>} : memref<16x1024xf32, #tpu.memory_space<vmem>>, vector<1x16xf32>,
      %swap3A_341 = vector.shape_cast %swap3A_340 : vector<1x16xf32> to vector<16xf32>
      %swap3A_342 = vector.shape_cast %add3A_336 : vector<16xf32> to vector<1x16xf32>
      tpu.vector_store %arg7[%swap3A_338, %swap3A_339], %swap3A_342 {strides = array<i32>} : memref<16x1024xf32, #tpu.memory_space<vmem>>, vector<1x16xf32>,
      %get3A_343 = arith.constant 3 : i32
      %get3A_344 = arith.index_cast %get3A_343 : i32 to index
      %get3A_345 = arith.index_cast %multiple_of3A_293 : i32 to index
      %get3A_346 = tpu.vector_load %arg7[%get3A_344, %get3A_345] {strides = array<i32>} : memref<16x1024xf32, #tpu.memory_space<vmem>>, vector<1x16xf32>,
      %get3A_347 = vector.shape_cast %get3A_346 : vector<1x16xf32> to vector<16xf32>
      %get3A_348 = arith.constant 3 : i32
      %get3A_349 = arith.index_cast %get3A_348 : i32 to index
      %get3A_350 = arith.index_cast %multiple_of3A_293 : i32 to index
      %get3A_351 = tpu.vector_load %arg8[%get3A_349, %get3A_350] {strides = array<i32>} : memref<16x1024xf32, #tpu.memory_space<vmem>>, vector<1x16xf32>,
      %get3A_352 = vector.shape_cast %get3A_351 : vector<1x16xf32> to vector<16xf32>
      %add3A_353 = arith.addf %get3A_347, %get3A_352 : vector<16xf32>
      %swap3A_354 = arith.constant 3 : i32
      %swap3A_355 = arith.index_cast %swap3A_354 : i32 to index
      %swap3A_356 = arith.index_cast %multiple_of3A_293 : i32 to index
      %swap3A_357 = tpu.vector_load %arg7[%swap3A_355, %swap3A_356] {strides = array<i32>} : memref<16x1024xf32, #tpu.memory_space<vmem>>, vector<1x16xf32>,
      %swap3A_358 = vector.shape_cast %swap3A_357 : vector<1x16xf32> to vector<16xf32>
      %swap3A_359 = vector.shape_cast %add3A_353 : vector<16xf32> to vector<1x16xf32>
      tpu.vector_store %arg7[%swap3A_355, %swap3A_356], %swap3A_359 {strides = array<i32>} : memref<16x1024xf32, #tpu.memory_space<vmem>>, vector<1x16xf32>,
      %get3A_360 = arith.constant 4 : i32
      %get3A_361 = arith.index_cast %get3A_360 : i32 to index
      %get3A_362 = arith.index_cast %multiple_of3A_293 : i32 to index
      %get3A_363 = tpu.vector_load %arg7[%get3A_361, %get3A_362] {strides = array<i32>} : memref<16x1024xf32, #tpu.memory_space<vmem>>, vector<1x16xf32>,
      %get3A_364 = vector.shape_cast %get3A_363 : vector<1x16xf32> to vector<16xf32>
      %get3A_365 = arith.constant 4 : i32
      %get3A_366 = arith.index_cast %get3A_365 : i32 to index
      %get3A_367 = arith.index_cast %multiple_of3A_293 : i32 to index
      %get3A_368 = tpu.vector_load %arg8[%get3A_366, %get3A_367] {strides = array<i32>} : memref<16x1024xf32, #tpu.memory_space<vmem>>, vector<1x16xf32>,
      %get3A_369 = vector.shape_cast %get3A_368 : vector<1x16xf32> to vector<16xf32>
      %add3A_370 = arith.addf %get3A_364, %get3A_369 : vector<16xf32>
      %swap3A_371 = arith.constant 4 : i32
      %swap3A_372 = arith.index_cast %swap3A_371 : i32 to index
      %swap3A_373 = arith.index_cast %multiple_of3A_293 : i32 to index
      %swap3A_374 = tpu.vector_load %arg7[%swap3A_372, %swap3A_373] {strides = array<i32>} : memref<16x1024xf32, #tpu.memory_space<vmem>>, vector<1x16xf32>,
      %swap3A_375 = vector.shape_cast %swap3A_374 : vector<1x16xf32> to vector<16xf32>
      %swap3A_376 = vector.shape_cast %add3A_370 : vector<16xf32> to vector<1x16xf32>
      tpu.vector_store %arg7[%swap3A_372, %swap3A_373], %swap3A_376 {strides = array<i32>} : memref<16x1024xf32, #tpu.memory_space<vmem>>, vector<1x16xf32>,
      %get3A_377 = arith.constant 5 : i32
      %get3A_378 = arith.index_cast %get3A_377 : i32 to index
      %get3A_379 = arith.index_cast %multiple_of3A_293 : i32 to index
      %get3A_380 = tpu.vector_load %arg7[%get3A_378, %get3A_379] {strides = array<i32>} : memref<16x1024xf32, #tpu.memory_space<vmem>>, vector<1x16xf32>,
      %get3A_381 = vector.shape_cast %get3A_380 : vector<1x16xf32> to vector<16xf32>
      %get3A_382 = arith.constant 5 : i32
      %get3A_383 = arith.index_cast %get3A_382 : i32 to index
      %get3A_384 = arith.index_cast %multiple_of3A_293 : i32 to index
      %get3A_385 = tpu.vector_load %arg8[%get3A_383, %get3A_384] {strides = array<i32>} : memref<16x1024xf32, #tpu.memory_space<vmem>>, vector<1x16xf32>,
      %get3A_386 = vector.shape_cast %get3A_385 : vector<1x16xf32> to vector<16xf32>
      %add3A_387 = arith.addf %get3A_381, %get3A_386 : vector<16xf32>
      %swap3A_388 = arith.constant 5 : i32
      %swap3A_389 = arith.index_cast %swap3A_388 : i32 to index
      %swap3A_390 = arith.index_cast %multiple_of3A_293 : i32 to index
      %swap3A_391 = tpu.vector_load %arg7[%swap3A_389, %swap3A_390] {strides = array<i32>} : memref<16x1024xf32, #tpu.memory_space<vmem>>, vector<1x16xf32>,
      %swap3A_392 = vector.shape_cast %swap3A_391 : vector<1x16xf32> to vector<16xf32>
      %swap3A_393 = vector.shape_cast %add3A_387 : vector<16xf32> to vector<1x16xf32>
      tpu.vector_store %arg7[%swap3A_389, %swap3A_390], %swap3A_393 {strides = array<i32>} : memref<16x1024xf32, #tpu.memory_space<vmem>>, vector<1x16xf32>,
      %get3A_394 = arith.constant 6 : i32
      %get3A_395 = arith.index_cast %get3A_394 : i32 to index
      %get3A_396 = arith.index_cast %multiple_of3A_293 : i32 to index
      %get3A_397 = tpu.vector_load %arg7[%get3A_395, %get3A_396] {strides = array<i32>} : memref<16x1024xf32, #tpu.memory_space<vmem>>, vector<1x16xf32>,
      %get3A_398 = vector.shape_cast %get3A_397 : vector<1x16xf32> to vector<16xf32>
      %get3A_399 = arith.constant 6 : i32
      %get3A_400 = arith.index_cast %get3A_399 : i32 to index
      %get3A_401 = arith.index_cast %multiple_of3A_293 : i32 to index
      %get3A_402 = tpu.vector_load %arg8[%get3A_400, %get3A_401] {strides = array<i32>} : memref<16x1024xf32, #tpu.memory_space<vmem>>, vector<1x16xf32>,
      %get3A_403 = vector.shape_cast %get3A_402 : vector<1x16xf32> to vector<16xf32>
      %add3A_404 = arith.addf %get3A_398, %get3A_403 : vector<16xf32>
      %swap3A_405 = arith.constant 6 : i32
      %swap3A_406 = arith.index_cast %swap3A_405 : i32 to index
      %swap3A_407 = arith.index_cast %multiple_of3A_293 : i32 to index
      %swap3A_408 = tpu.vector_load %arg7[%swap3A_406, %swap3A_407] {strides = array<i32>} : memref<16x1024xf32, #tpu.memory_space<vmem>>, vector<1x16xf32>,
      %swap3A_409 = vector.shape_cast %swap3A_408 : vector<1x16xf32> to vector<16xf32>
      %swap3A_410 = vector.shape_cast %add3A_404 : vector<16xf32> to vector<1x16xf32>
      tpu.vector_store %arg7[%swap3A_406, %swap3A_407], %swap3A_410 {strides = array<i32>} : memref<16x1024xf32, #tpu.memory_space<vmem>>, vector<1x16xf32>,
      %get3A_411 = arith.constant 7 : i32
      %get3A_412 = arith.index_cast %get3A_411 : i32 to index
      %get3A_413 = arith.index_cast %multiple_of3A_293 : i32 to index
      %get3A_414 = tpu.vector_load %arg7[%get3A_412, %get3A_413] {strides = array<i32>} : memref<16x1024xf32, #tpu.memory_space<vmem>>, vector<1x16xf32>,
      %get3A_415 = vector.shape_cast %get3A_414 : vector<1x16xf32> to vector<16xf32>
      %get3A_416 = arith.constant 7 : i32
      %get3A_417 = arith.index_cast %get3A_416 : i32 to index
      %get3A_418 = arith.index_cast %multiple_of3A_293 : i32 to index
      %get3A_419 = tpu.vector_load %arg8[%get3A_417, %get3A_418] {strides = array<i32>} : memref<16x1024xf32, #tpu.memory_space<vmem>>, vector<1x16xf32>,
      %get3A_420 = vector.shape_cast %get3A_419 : vector<1x16xf32> to vector<16xf32>
      %add3A_421 = arith.addf %get3A_415, %get3A_420 : vector<16xf32>
      %swap3A_422 = arith.constant 7 : i32
      %swap3A_423 = arith.index_cast %swap3A_422 : i32 to index
      %swap3A_424 = arith.index_cast %multiple_of3A_293 : i32 to index
      %swap3A_425 = tpu.vector_load %arg7[%swap3A_423, %swap3A_424] {strides = array<i32>} : memref<16x1024xf32, #tpu.memory_space<vmem>>, vector<1x16xf32>,
      %swap3A_426 = vector.shape_cast %swap3A_425 : vector<1x16xf32> to vector<16xf32>
      %swap3A_427 = vector.shape_cast %add3A_421 : vector<16xf32> to vector<1x16xf32>
      tpu.vector_store %arg7[%swap3A_423, %swap3A_424], %swap3A_427 {strides = array<i32>} : memref<16x1024xf32, #tpu.memory_space<vmem>>, vector<1x16xf32>,
      %get3A_428 = arith.constant 8 : i32
      %get3A_429 = arith.index_cast %get3A_428 : i32 to index
      %get3A_430 = arith.index_cast %multiple_of3A_293 : i32 to index
      %get3A_431 = tpu.vector_load %arg7[%get3A_429, %get3A_430] {strides = array<i32>} : memref<16x1024xf32, #tpu.memory_space<vmem>>, vector<1x16xf32>,
      %get3A_432 = vector.shape_cast %get3A_431 : vector<1x16xf32> to vector<16xf32>
      %get3A_433 = arith.constant 8 : i32
      %get3A_434 = arith.index_cast %get3A_433 : i32 to index
      %get3A_435 = arith.index_cast %multiple_of3A_293 : i32 to index
      %get3A_436 = tpu.vector_load %arg8[%get3A_434, %get3A_435] {strides = array<i32>} : memref<16x1024xf32, #tpu.memory_space<vmem>>, vector<1x16xf32>,
      %get3A_437 = vector.shape_cast %get3A_436 : vector<1x16xf32> to vector<16xf32>
      %add3A_438 = arith.addf %get3A_432, %get3A_437 : vector<16xf32>
      %swap3A_439 = arith.constant 8 : i32
      %swap3A_440 = arith.index_cast %swap3A_439 : i32 to index
      %swap3A_441 = arith.index_cast %multiple_of3A_293 : i32 to index
      %swap3A_442 = tpu.vector_load %arg7[%swap3A_440, %swap3A_441] {strides = array<i32>} : memref<16x1024xf32, #tpu.memory_space<vmem>>, vector<1x16xf32>,
      %swap3A_443 = vector.shape_cast %swap3A_442 : vector<1x16xf32> to vector<16xf32>
      %swap3A_444 = vector.shape_cast %add3A_438 : vector<16xf32> to vector<1x16xf32>
      tpu.vector_store %arg7[%swap3A_440, %swap3A_441], %swap3A_444 {strides = array<i32>} : memref<16x1024xf32, #tpu.memory_space<vmem>>, vector<1x16xf32>,
      %get3A_445 = arith.constant 9 : i32
      %get3A_446 = arith.index_cast %get3A_445 : i32 to index
      %get3A_447 = arith.index_cast %multiple_of3A_293 : i32 to index
      %get3A_448 = tpu.vector_load %arg7[%get3A_446, %get3A_447] {strides = array<i32>} : memref<16x1024xf32, #tpu.memory_space<vmem>>, vector<1x16xf32>,
      %get3A_449 = vector.shape_cast %get3A_448 : vector<1x16xf32> to vector<16xf32>
      %get3A_450 = arith.constant 9 : i32
      %get3A_451 = arith.index_cast %get3A_450 : i32 to index
      %get3A_452 = arith.index_cast %multiple_of3A_293 : i32 to index
      %get3A_453 = tpu.vector_load %arg8[%get3A_451, %get3A_452] {strides = array<i32>} : memref<16x1024xf32, #tpu.memory_space<vmem>>, vector<1x16xf32>,
      %get3A_454 = vector.shape_cast %get3A_453 : vector<1x16xf32> to vector<16xf32>
      %add3A_455 = arith.addf %get3A_449, %get3A_454 : vector<16xf32>
      %swap3A_456 = arith.constant 9 : i32
      %swap3A_457 = arith.index_cast %swap3A_456 : i32 to index
      %swap3A_458 = arith.index_cast %multiple_of3A_293 : i32 to index
      %swap3A_459 = tpu.vector_load %arg7[%swap3A_457, %swap3A_458] {strides = array<i32>} : memref<16x1024xf32, #tpu.memory_space<vmem>>, vector<1x16xf32>,
      %swap3A_460 = vector.shape_cast %swap3A_459 : vector<1x16xf32> to vector<16xf32>
      %swap3A_461 = vector.shape_cast %add3A_455 : vector<16xf32> to vector<1x16xf32>
      tpu.vector_store %arg7[%swap3A_457, %swap3A_458], %swap3A_461 {strides = array<i32>} : memref<16x1024xf32, #tpu.memory_space<vmem>>, vector<1x16xf32>,
      %get3A_462 = arith.constant 10 : i32
      %get3A_463 = arith.index_cast %get3A_462 : i32 to index
      %get3A_464 = arith.index_cast %multiple_of3A_293 : i32 to index
      %get3A_465 = tpu.vector_load %arg7[%get3A_463, %get3A_464] {strides = array<i32>} : memref<16x1024xf32, #tpu.memory_space<vmem>>, vector<1x16xf32>,
      %get3A_466 = vector.shape_cast %get3A_465 : vector<1x16xf32> to vector<16xf32>
      %get3A_467 = arith.constant 10 : i32
      %get3A_468 = arith.index_cast %get3A_467 : i32 to index
      %get3A_469 = arith.index_cast %multiple_of3A_293 : i32 to index
      %get3A_470 = tpu.vector_load %arg8[%get3A_468, %get3A_469] {strides = array<i32>} : memref<16x1024xf32, #tpu.memory_space<vmem>>, vector<1x16xf32>,
      %get3A_471 = vector.shape_cast %get3A_470 : vector<1x16xf32> to vector<16xf32>
      %add3A_472 = arith.addf %get3A_466, %get3A_471 : vector<16xf32>
      %swap3A_473 = arith.constant 10 : i32
      %swap3A_474 = arith.index_cast %swap3A_473 : i32 to index
      %swap3A_475 = arith.index_cast %multiple_of3A_293 : i32 to index
      %swap3A_476 = tpu.vector_load %arg7[%swap3A_474, %swap3A_475] {strides = array<i32>} : memref<16x1024xf32, #tpu.memory_space<vmem>>, vector<1x16xf32>,
      %swap3A_477 = vector.shape_cast %swap3A_476 : vector<1x16xf32> to vector<16xf32>
      %swap3A_478 = vector.shape_cast %add3A_472 : vector<16xf32> to vector<1x16xf32>
      tpu.vector_store %arg7[%swap3A_474, %swap3A_475], %swap3A_478 {strides = array<i32>} : memref<16x1024xf32, #tpu.memory_space<vmem>>, vector<1x16xf32>,
      %get3A_479 = arith.constant 11 : i32
      %get3A_480 = arith.index_cast %get3A_479 : i32 to index
      %get3A_481 = arith.index_cast %multiple_of3A_293 : i32 to index
      %get3A_482 = tpu.vector_load %arg7[%get3A_480, %get3A_481] {strides = array<i32>} : memref<16x1024xf32, #tpu.memory_space<vmem>>, vector<1x16xf32>,
      %get3A_483 = vector.shape_cast %get3A_482 : vector<1x16xf32> to vector<16xf32>
      %get3A_484 = arith.constant 11 : i32
      %get3A_485 = arith.index_cast %get3A_484 : i32 to index
      %get3A_486 = arith.index_cast %multiple_of3A_293 : i32 to index
      %get3A_487 = tpu.vector_load %arg8[%get3A_485, %get3A_486] {strides = array<i32>} : memref<16x1024xf32, #tpu.memory_space<vmem>>, vector<1x16xf32>,
      %get3A_488 = vector.shape_cast %get3A_487 : vector<1x16xf32> to vector<16xf32>
      %add3A_489 = arith.addf %get3A_483, %get3A_488 : vector<16xf32>
      %swap3A_490 = arith.constant 11 : i32
      %swap3A_491 = arith.index_cast %swap3A_490 : i32 to index
      %swap3A_492 = arith.index_cast %multiple_of3A_293 : i32 to index
      %swap3A_493 = tpu.vector_load %arg7[%swap3A_491, %swap3A_492] {strides = array<i32>} : memref<16x1024xf32, #tpu.memory_space<vmem>>, vector<1x16xf32>,
      %swap3A_494 = vector.shape_cast %swap3A_493 : vector<1x16xf32> to vector<16xf32>
      %swap3A_495 = vector.shape_cast %add3A_489 : vector<16xf32> to vector<1x16xf32>
      tpu.vector_store %arg7[%swap3A_491, %swap3A_492], %swap3A_495 {strides = array<i32>} : memref<16x1024xf32, #tpu.memory_space<vmem>>, vector<1x16xf32>,
      %get3A_496 = arith.constant 12 : i32
      %get3A_497 = arith.index_cast %get3A_496 : i32 to index
      %get3A_498 = arith.index_cast %multiple_of3A_293 : i32 to index
      %get3A_499 = tpu.vector_load %arg7[%get3A_497, %get3A_498] {strides = array<i32>} : memref<16x1024xf32, #tpu.memory_space<vmem>>, vector<1x16xf32>,
      %get3A_500 = vector.shape_cast %get3A_499 : vector<1x16xf32> to vector<16xf32>
      %get3A_501 = arith.constant 12 : i32
      %get3A_502 = arith.index_cast %get3A_501 : i32 to index
      %get3A_503 = arith.index_cast %multiple_of3A_293 : i32 to index
      %get3A_504 = tpu.vector_load %arg8[%get3A_502, %get3A_503] {strides = array<i32>} : memref<16x1024xf32, #tpu.memory_space<vmem>>, vector<1x16xf32>,
      %get3A_505 = vector.shape_cast %get3A_504 : vector<1x16xf32> to vector<16xf32>
      %add3A_506 = arith.addf %get3A_500, %get3A_505 : vector<16xf32>
      %swap3A_507 = arith.constant 12 : i32
      %swap3A_508 = arith.index_cast %swap3A_507 : i32 to index
      %swap3A_509 = arith.index_cast %multiple_of3A_293 : i32 to index
      %swap3A_510 = tpu.vector_load %arg7[%swap3A_508, %swap3A_509] {strides = array<i32>} : memref<16x1024xf32, #tpu.memory_space<vmem>>, vector<1x16xf32>,
      %swap3A_511 = vector.shape_cast %swap3A_510 : vector<1x16xf32> to vector<16xf32>
      %swap3A_512 = vector.shape_cast %add3A_506 : vector<16xf32> to vector<1x16xf32>
      tpu.vector_store %arg7[%swap3A_508, %swap3A_509], %swap3A_512 {strides = array<i32>} : memref<16x1024xf32, #tpu.memory_space<vmem>>, vector<1x16xf32>,
      %get3A_513 = arith.constant 13 : i32
      %get3A_514 = arith.index_cast %get3A_513 : i32 to index
      %get3A_515 = arith.index_cast %multiple_of3A_293 : i32 to index
      %get3A_516 = tpu.vector_load %arg7[%get3A_514, %get3A_515] {strides = array<i32>} : memref<16x1024xf32, #tpu.memory_space<vmem>>, vector<1x16xf32>,
      %get3A_517 = vector.shape_cast %get3A_516 : vector<1x16xf32> to vector<16xf32>
      %get3A_518 = arith.constant 13 : i32
      %get3A_519 = arith.index_cast %get3A_518 : i32 to index
      %get3A_520 = arith.index_cast %multiple_of3A_293 : i32 to index
      %get3A_521 = tpu.vector_load %arg8[%get3A_519, %get3A_520] {strides = array<i32>} : memref<16x1024xf32, #tpu.memory_space<vmem>>, vector<1x16xf32>,
      %get3A_522 = vector.shape_cast %get3A_521 : vector<1x16xf32> to vector<16xf32>
      %add3A_523 = arith.addf %get3A_517, %get3A_522 : vector<16xf32>
      %swap3A_524 = arith.constant 13 : i32
      %swap3A_525 = arith.index_cast %swap3A_524 : i32 to index
      %swap3A_526 = arith.index_cast %multiple_of3A_293 : i32 to index
      %swap3A_527 = tpu.vector_load %arg7[%swap3A_525, %swap3A_526] {strides = array<i32>} : memref<16x1024xf32, #tpu.memory_space<vmem>>, vector<1x16xf32>,
      %swap3A_528 = vector.shape_cast %swap3A_527 : vector<1x16xf32> to vector<16xf32>
      %swap3A_529 = vector.shape_cast %add3A_523 : vector<16xf32> to vector<1x16xf32>
      tpu.vector_store %arg7[%swap3A_525, %swap3A_526], %swap3A_529 {strides = array<i32>} : memref<16x1024xf32, #tpu.memory_space<vmem>>, vector<1x16xf32>,
      %get3A_530 = arith.constant 14 : i32
      %get3A_531 = arith.index_cast %get3A_530 : i32 to index
      %get3A_532 = arith.index_cast %multiple_of3A_293 : i32 to index
      %get3A_533 = tpu.vector_load %arg7[%get3A_531, %get3A_532] {strides = array<i32>} : memref<16x1024xf32, #tpu.memory_space<vmem>>, vector<1x16xf32>,
      %get3A_534 = vector.shape_cast %get3A_533 : vector<1x16xf32> to vector<16xf32>
      %get3A_535 = arith.constant 14 : i32
      %get3A_536 = arith.index_cast %get3A_535 : i32 to index
      %get3A_537 = arith.index_cast %multiple_of3A_293 : i32 to index
      %get3A_538 = tpu.vector_load %arg8[%get3A_536, %get3A_537] {strides = array<i32>} : memref<16x1024xf32, #tpu.memory_space<vmem>>, vector<1x16xf32>,
      %get3A_539 = vector.shape_cast %get3A_538 : vector<1x16xf32> to vector<16xf32>
      %add3A_540 = arith.addf %get3A_534, %get3A_539 : vector<16xf32>
      %swap3A_541 = arith.constant 14 : i32
      %swap3A_542 = arith.index_cast %swap3A_541 : i32 to index
      %swap3A_543 = arith.index_cast %multiple_of3A_293 : i32 to index
      %swap3A_544 = tpu.vector_load %arg7[%swap3A_542, %swap3A_543] {strides = array<i32>} : memref<16x1024xf32, #tpu.memory_space<vmem>>, vector<1x16xf32>,
      %swap3A_545 = vector.shape_cast %swap3A_544 : vector<1x16xf32> to vector<16xf32>
      %swap3A_546 = vector.shape_cast %add3A_540 : vector<16xf32> to vector<1x16xf32>
      tpu.vector_store %arg7[%swap3A_542, %swap3A_543], %swap3A_546 {strides = array<i32>} : memref<16x1024xf32, #tpu.memory_space<vmem>>, vector<1x16xf32>,
      %get3A_547 = arith.constant 15 : i32
      %get3A_548 = arith.index_cast %get3A_547 : i32 to index
      %get3A_549 = arith.index_cast %multiple_of3A_293 : i32 to index
      %get3A_550 = tpu.vector_load %arg7[%get3A_548, %get3A_549] {strides = array<i32>} : memref<16x1024xf32, #tpu.memory_space<vmem>>, vector<1x16xf32>,
      %get3A_551 = vector.shape_cast %get3A_550 : vector<1x16xf32> to vector<16xf32>
      %get3A_552 = arith.constant 15 : i32
      %get3A_553 = arith.index_cast %get3A_552 : i32 to index
      %get3A_554 = arith.index_cast %multiple_of3A_293 : i32 to index
      %get3A_555 = tpu.vector_load %arg8[%get3A_553, %get3A_554] {strides = array<i32>} : memref<16x1024xf32, #tpu.memory_space<vmem>>, vector<1x16xf32>,
      %get3A_556 = vector.shape_cast %get3A_555 : vector<1x16xf32> to vector<16xf32>
      %add3A_557 = arith.addf %get3A_551, %get3A_556 : vector<16xf32>
      %swap3A_558 = arith.constant 15 : i32
      %swap3A_559 = arith.index_cast %swap3A_558 : i32 to index
      %swap3A_560 = arith.index_cast %multiple_of3A_293 : i32 to index
      %swap3A_561 = tpu.vector_load %arg7[%swap3A_559, %swap3A_560] {strides = array<i32>} : memref<16x1024xf32, #tpu.memory_space<vmem>>, vector<1x16xf32>,
      %swap3A_562 = vector.shape_cast %swap3A_561 : vector<1x16xf32> to vector<16xf32>
      %swap3A_563 = vector.shape_cast %add3A_557 : vector<16xf32> to vector<1x16xf32>
      tpu.vector_store %arg7[%swap3A_559, %swap3A_560], %swap3A_563 {strides = array<i32>} : memref<16x1024xf32, #tpu.memory_space<vmem>>, vector<1x16xf32>,
    }
    %scan3A_253 = arith.constant 64 : i32
    %add3A_254 = arith.constant 96 : i32
    %add3A_255 = arith.addi %multiple_of3A, %add3A_254 : i32
    %dma_start3A_256 = arith.constant 0 : i32
    %dma_start3A_257 = tpu.memref_slice %arg4[%add3A_255, %dma_start3A_256] : memref<4096x1024xf32, #tpu.memory_space<hbm>> -> memref<16x1024xf32, #tpu.memory_space<hbm>>
    %dma_start3A_258 = arith.constant 0 : i32
    %dma_start3A_259 = tpu.memref_slice %arg4[%add3A_255, %dma_start3A_258] : memref<4096x1024xf32, #tpu.memory_space<hbm>> -> memref<16x1024xf32, #tpu.memory_space<hbm>>
    tpu.enqueue_dma source(%arg7 : memref<16x1024xf32, #tpu.memory_space<vmem>>) target(%dma_start3A_259 : memref<16x1024xf32, #tpu.memory_space<hbm>>) target_semaphore(%arg15 : memref<!tpu.dma_semaphore, #tpu.memory_space<semaphore_mem>>)
    %dma_wait3A_260 = arith.constant 112 : i32
    %dma_wait3A_261 = tpu.memref_slice %arg5[%dma_wait3A_260] : memref<128xi32, #tpu.memory_space<vmem>> -> memref<16xi32, #tpu.memory_space<vmem>>
    %dma_wait3A_262 = arith.constant 0 : i32
    %dma_wait3A_263 = arith.constant 0 : i32
    %dma_wait3A_264 = tpu.memref_slice %arg3[%dma_wait3A_262, %dma_wait3A_263] : memref<12288x1024xf32, #tpu.memory_space<hbm>> -> memref<12288x1024xf32, #tpu.memory_space<hbm>>
    tpu.wait_indirect_dma semaphore(%arg13 : memref<!tpu.dma_semaphore, #tpu.memory_space<semaphore_mem>>) src(%dma_wait3A_264 : memref<12288x1024xf32, #tpu.memory_space<hbm>>) dst(%arg9 : memref<16x1024xf32, #tpu.memory_space<vmem>>)
    %dma_wait3A_265 = arith.constant 112 : i32
    %dma_wait3A_266 = tpu.memref_slice %arg6[%dma_wait3A_265] : memref<128xi32, #tpu.memory_space<vmem>> -> memref<16xi32, #tpu.memory_space<vmem>>
    %dma_wait3A_267 = arith.constant 0 : i32
    %dma_wait3A_268 = arith.constant 0 : i32
    %dma_wait3A_269 = tpu.memref_slice %arg3[%dma_wait3A_267, %dma_wait3A_268] : memref<12288x1024xf32, #tpu.memory_space<hbm>> -> memref<12288x1024xf32, #tpu.memory_space<hbm>>
    tpu.wait_indirect_dma semaphore(%arg14 : memref<!tpu.dma_semaphore, #tpu.memory_space<semaphore_mem>>) src(%dma_wait3A_269 : memref<12288x1024xf32, #tpu.memory_space<hbm>>) dst(%arg10 : memref<16x1024xf32, #tpu.memory_space<vmem>>)
    %scan3A_270 = arith.constant 0 : i32
    %scan3A_271 = arith.constant 0 : i32
    %scan3A_272 = arith.constant 64 : i32
    %scan3A_273 = arith.addi %scan3A_271, %scan3A_272 : i32
    %scan3A_274 = arith.constant 1 : i32
    scf.for %scan3A_290 = %scan3A_271 to %scan3A_273 step %scan3A_274  : i32 {
      %mul3A_291 = arith.constant 16 : i32
      %mul3A_292 = arith.muli %scan3A_290, %mul3A_291 : i32
      %multiple_of3A_293 = tpu.assume_multiple %mul3A_292, 16 : i32
      %get3A = arith.constant 0 : i32
      %get3A_294 = arith.index_cast %get3A : i32 to index
      %get3A_295 = arith.index_cast %multiple_of3A_293 : i32 to index
      %get3A_296 = tpu.vector_load %arg9[%get3A_294, %get3A_295] {strides = array<i32>} : memref<16x1024xf32, #tpu.memory_space<vmem>>, vector<1x16xf32>,
      %get3A_297 = vector.shape_cast %get3A_296 : vector<1x16xf32> to vector<16xf32>
      %get3A_298 = arith.constant 0 : i32
      %get3A_299 = arith.index_cast %get3A_298 : i32 to index
      %get3A_300 = arith.index_cast %multiple_of3A_293 : i32 to index
      %get3A_301 = tpu.vector_load %arg10[%get3A_299, %get3A_300] {strides = array<i32>} : memref<16x1024xf32, #tpu.memory_space<vmem>>, vector<1x16xf32>,
      %get3A_302 = vector.shape_cast %get3A_301 : vector<1x16xf32> to vector<16xf32>
      %add3A_303 = arith.addf %get3A_297, %get3A_302 : vector<16xf32>
      %swap3A = arith.constant 0 : i32
      %swap3A_304 = arith.index_cast %swap3A : i32 to index
      %swap3A_305 = arith.index_cast %multiple_of3A_293 : i32 to index
      %swap3A_306 = tpu.vector_load %arg9[%swap3A_304, %swap3A_305] {strides = array<i32>} : memref<16x1024xf32, #tpu.memory_space<vmem>>, vector<1x16xf32>,
      %swap3A_307 = vector.shape_cast %swap3A_306 : vector<1x16xf32> to vector<16xf32>
      %swap3A_308 = vector.shape_cast %add3A_303 : vector<16xf32> to vector<1x16xf32>
      tpu.vector_store %arg9[%swap3A_304, %swap3A_305], %swap3A_308 {strides = array<i32>} : memref<16x1024xf32, #tpu.memory_space<vmem>>, vector<1x16xf32>,
      %get3A_309 = arith.constant 1 : i32
      %get3A_310 = arith.index_cast %get3A_309 : i32 to index
      %get3A_311 = arith.index_cast %multiple_of3A_293 : i32 to index
      %get3A_312 = tpu.vector_load %arg9[%get3A_310, %get3A_311] {strides = array<i32>} : memref<16x1024xf32, #tpu.memory_space<vmem>>, vector<1x16xf32>,
      %get3A_313 = vector.shape_cast %get3A_312 : vector<1x16xf32> to vector<16xf32>
      %get3A_314 = arith.constant 1 : i32
      %get3A_315 = arith.index_cast %get3A_314 : i32 to index
      %get3A_316 = arith.index_cast %multiple_of3A_293 : i32 to index
      %get3A_317 = tpu.vector_load %arg10[%get3A_315, %get3A_316] {strides = array<i32>} : memref<16x1024xf32, #tpu.memory_space<vmem>>, vector<1x16xf32>,
      %get3A_318 = vector.shape_cast %get3A_317 : vector<1x16xf32> to vector<16xf32>
      %add3A_319 = arith.addf %get3A_313, %get3A_318 : vector<16xf32>
      %swap3A_320 = arith.constant 1 : i32
      %swap3A_321 = arith.index_cast %swap3A_320 : i32 to index
      %swap3A_322 = arith.index_cast %multiple_of3A_293 : i32 to index
      %swap3A_323 = tpu.vector_load %arg9[%swap3A_321, %swap3A_322] {strides = array<i32>} : memref<16x1024xf32, #tpu.memory_space<vmem>>, vector<1x16xf32>,
      %swap3A_324 = vector.shape_cast %swap3A_323 : vector<1x16xf32> to vector<16xf32>
      %swap3A_325 = vector.shape_cast %add3A_319 : vector<16xf32> to vector<1x16xf32>
      tpu.vector_store %arg9[%swap3A_321, %swap3A_322], %swap3A_325 {strides = array<i32>} : memref<16x1024xf32, #tpu.memory_space<vmem>>, vector<1x16xf32>,
      %get3A_326 = arith.constant 2 : i32
      %get3A_327 = arith.index_cast %get3A_326 : i32 to index
      %get3A_328 = arith.index_cast %multiple_of3A_293 : i32 to index
      %get3A_329 = tpu.vector_load %arg9[%get3A_327, %get3A_328] {strides = array<i32>} : memref<16x1024xf32, #tpu.memory_space<vmem>>, vector<1x16xf32>,
      %get3A_330 = vector.shape_cast %get3A_329 : vector<1x16xf32> to vector<16xf32>
      %get3A_331 = arith.constant 2 : i32
      %get3A_332 = arith.index_cast %get3A_331 : i32 to index
      %get3A_333 = arith.index_cast %multiple_of3A_293 : i32 to index
      %get3A_334 = tpu.vector_load %arg10[%get3A_332, %get3A_333] {strides = array<i32>} : memref<16x1024xf32, #tpu.memory_space<vmem>>, vector<1x16xf32>,
      %get3A_335 = vector.shape_cast %get3A_334 : vector<1x16xf32> to vector<16xf32>
      %add3A_336 = arith.addf %get3A_330, %get3A_335 : vector<16xf32>
      %swap3A_337 = arith.constant 2 : i32
      %swap3A_338 = arith.index_cast %swap3A_337 : i32 to index
      %swap3A_339 = arith.index_cast %multiple_of3A_293 : i32 to index
      %swap3A_340 = tpu.vector_load %arg9[%swap3A_338, %swap3A_339] {strides = array<i32>} : memref<16x1024xf32, #tpu.memory_space<vmem>>, vector<1x16xf32>,
      %swap3A_341 = vector.shape_cast %swap3A_340 : vector<1x16xf32> to vector<16xf32>
      %swap3A_342 = vector.shape_cast %add3A_336 : vector<16xf32> to vector<1x16xf32>
      tpu.vector_store %arg9[%swap3A_338, %swap3A_339], %swap3A_342 {strides = array<i32>} : memref<16x1024xf32, #tpu.memory_space<vmem>>, vector<1x16xf32>,
      %get3A_343 = arith.constant 3 : i32
      %get3A_344 = arith.index_cast %get3A_343 : i32 to index
      %get3A_345 = arith.index_cast %multiple_of3A_293 : i32 to index
      %get3A_346 = tpu.vector_load %arg9[%get3A_344, %get3A_345] {strides = array<i32>} : memref<16x1024xf32, #tpu.memory_space<vmem>>, vector<1x16xf32>,
      %get3A_347 = vector.shape_cast %get3A_346 : vector<1x16xf32> to vector<16xf32>
      %get3A_348 = arith.constant 3 : i32
      %get3A_349 = arith.index_cast %get3A_348 : i32 to index
      %get3A_350 = arith.index_cast %multiple_of3A_293 : i32 to index
      %get3A_351 = tpu.vector_load %arg10[%get3A_349, %get3A_350] {strides = array<i32>} : memref<16x1024xf32, #tpu.memory_space<vmem>>, vector<1x16xf32>,
      %get3A_352 = vector.shape_cast %get3A_351 : vector<1x16xf32> to vector<16xf32>
      %add3A_353 = arith.addf %get3A_347, %get3A_352 : vector<16xf32>
      %swap3A_354 = arith.constant 3 : i32
      %swap3A_355 = arith.index_cast %swap3A_354 : i32 to index
      %swap3A_356 = arith.index_cast %multiple_of3A_293 : i32 to index
      %swap3A_357 = tpu.vector_load %arg9[%swap3A_355, %swap3A_356] {strides = array<i32>} : memref<16x1024xf32, #tpu.memory_space<vmem>>, vector<1x16xf32>,
      %swap3A_358 = vector.shape_cast %swap3A_357 : vector<1x16xf32> to vector<16xf32>
      %swap3A_359 = vector.shape_cast %add3A_353 : vector<16xf32> to vector<1x16xf32>
      tpu.vector_store %arg9[%swap3A_355, %swap3A_356], %swap3A_359 {strides = array<i32>} : memref<16x1024xf32, #tpu.memory_space<vmem>>, vector<1x16xf32>,
      %get3A_360 = arith.constant 4 : i32
      %get3A_361 = arith.index_cast %get3A_360 : i32 to index
      %get3A_362 = arith.index_cast %multiple_of3A_293 : i32 to index
      %get3A_363 = tpu.vector_load %arg9[%get3A_361, %get3A_362] {strides = array<i32>} : memref<16x1024xf32, #tpu.memory_space<vmem>>, vector<1x16xf32>,
      %get3A_364 = vector.shape_cast %get3A_363 : vector<1x16xf32> to vector<16xf32>
      %get3A_365 = arith.constant 4 : i32
      %get3A_366 = arith.index_cast %get3A_365 : i32 to index
      %get3A_367 = arith.index_cast %multiple_of3A_293 : i32 to index
      %get3A_368 = tpu.vector_load %arg10[%get3A_366, %get3A_367] {strides = array<i32>} : memref<16x1024xf32, #tpu.memory_space<vmem>>, vector<1x16xf32>,
      %get3A_369 = vector.shape_cast %get3A_368 : vector<1x16xf32> to vector<16xf32>
      %add3A_370 = arith.addf %get3A_364, %get3A_369 : vector<16xf32>
      %swap3A_371 = arith.constant 4 : i32
      %swap3A_372 = arith.index_cast %swap3A_371 : i32 to index
      %swap3A_373 = arith.index_cast %multiple_of3A_293 : i32 to index
      %swap3A_374 = tpu.vector_load %arg9[%swap3A_372, %swap3A_373] {strides = array<i32>} : memref<16x1024xf32, #tpu.memory_space<vmem>>, vector<1x16xf32>,
      %swap3A_375 = vector.shape_cast %swap3A_374 : vector<1x16xf32> to vector<16xf32>
      %swap3A_376 = vector.shape_cast %add3A_370 : vector<16xf32> to vector<1x16xf32>
      tpu.vector_store %arg9[%swap3A_372, %swap3A_373], %swap3A_376 {strides = array<i32>} : memref<16x1024xf32, #tpu.memory_space<vmem>>, vector<1x16xf32>,
      %get3A_377 = arith.constant 5 : i32
      %get3A_378 = arith.index_cast %get3A_377 : i32 to index
      %get3A_379 = arith.index_cast %multiple_of3A_293 : i32 to index
      %get3A_380 = tpu.vector_load %arg9[%get3A_378, %get3A_379] {strides = array<i32>} : memref<16x1024xf32, #tpu.memory_space<vmem>>, vector<1x16xf32>,
      %get3A_381 = vector.shape_cast %get3A_380 : vector<1x16xf32> to vector<16xf32>
      %get3A_382 = arith.constant 5 : i32
      %get3A_383 = arith.index_cast %get3A_382 : i32 to index
      %get3A_384 = arith.index_cast %multiple_of3A_293 : i32 to index
      %get3A_385 = tpu.vector_load %arg10[%get3A_383, %get3A_384] {strides = array<i32>} : memref<16x1024xf32, #tpu.memory_space<vmem>>, vector<1x16xf32>,
      %get3A_386 = vector.shape_cast %get3A_385 : vector<1x16xf32> to vector<16xf32>
      %add3A_387 = arith.addf %get3A_381, %get3A_386 : vector<16xf32>
      %swap3A_388 = arith.constant 5 : i32
      %swap3A_389 = arith.index_cast %swap3A_388 : i32 to index
      %swap3A_390 = arith.index_cast %multiple_of3A_293 : i32 to index
      %swap3A_391 = tpu.vector_load %arg9[%swap3A_389, %swap3A_390] {strides = array<i32>} : memref<16x1024xf32, #tpu.memory_space<vmem>>, vector<1x16xf32>,
      %swap3A_392 = vector.shape_cast %swap3A_391 : vector<1x16xf32> to vector<16xf32>
      %swap3A_393 = vector.shape_cast %add3A_387 : vector<16xf32> to vector<1x16xf32>
      tpu.vector_store %arg9[%swap3A_389, %swap3A_390], %swap3A_393 {strides = array<i32>} : memref<16x1024xf32, #tpu.memory_space<vmem>>, vector<1x16xf32>,
      %get3A_394 = arith.constant 6 : i32
      %get3A_395 = arith.index_cast %get3A_394 : i32 to index
      %get3A_396 = arith.index_cast %multiple_of3A_293 : i32 to index
      %get3A_397 = tpu.vector_load %arg9[%get3A_395, %get3A_396] {strides = array<i32>} : memref<16x1024xf32, #tpu.memory_space<vmem>>, vector<1x16xf32>,
      %get3A_398 = vector.shape_cast %get3A_397 : vector<1x16xf32> to vector<16xf32>
      %get3A_399 = arith.constant 6 : i32
      %get3A_400 = arith.index_cast %get3A_399 : i32 to index
      %get3A_401 = arith.index_cast %multiple_of3A_293 : i32 to index
      %get3A_402 = tpu.vector_load %arg10[%get3A_400, %get3A_401] {strides = array<i32>} : memref<16x1024xf32, #tpu.memory_space<vmem>>, vector<1x16xf32>,
      %get3A_403 = vector.shape_cast %get3A_402 : vector<1x16xf32> to vector<16xf32>
      %add3A_404 = arith.addf %get3A_398, %get3A_403 : vector<16xf32>
      %swap3A_405 = arith.constant 6 : i32
      %swap3A_406 = arith.index_cast %swap3A_405 : i32 to index
      %swap3A_407 = arith.index_cast %multiple_of3A_293 : i32 to index
      %swap3A_408 = tpu.vector_load %arg9[%swap3A_406, %swap3A_407] {strides = array<i32>} : memref<16x1024xf32, #tpu.memory_space<vmem>>, vector<1x16xf32>,
      %swap3A_409 = vector.shape_cast %swap3A_408 : vector<1x16xf32> to vector<16xf32>
      %swap3A_410 = vector.shape_cast %add3A_404 : vector<16xf32> to vector<1x16xf32>
      tpu.vector_store %arg9[%swap3A_406, %swap3A_407], %swap3A_410 {strides = array<i32>} : memref<16x1024xf32, #tpu.memory_space<vmem>>, vector<1x16xf32>,
      %get3A_411 = arith.constant 7 : i32
      %get3A_412 = arith.index_cast %get3A_411 : i32 to index
      %get3A_413 = arith.index_cast %multiple_of3A_293 : i32 to index
      %get3A_414 = tpu.vector_load %arg9[%get3A_412, %get3A_413] {strides = array<i32>} : memref<16x1024xf32, #tpu.memory_space<vmem>>, vector<1x16xf32>,
      %get3A_415 = vector.shape_cast %get3A_414 : vector<1x16xf32> to vector<16xf32>
      %get3A_416 = arith.constant 7 : i32
      %get3A_417 = arith.index_cast %get3A_416 : i32 to index
      %get3A_418 = arith.index_cast %multiple_of3A_293 : i32 to index
      %get3A_419 = tpu.vector_load %arg10[%get3A_417, %get3A_418] {strides = array<i32>} : memref<16x1024xf32, #tpu.memory_space<vmem>>, vector<1x16xf32>,
      %get3A_420 = vector.shape_cast %get3A_419 : vector<1x16xf32> to vector<16xf32>
      %add3A_421 = arith.addf %get3A_415, %get3A_420 : vector<16xf32>
      %swap3A_422 = arith.constant 7 : i32
      %swap3A_423 = arith.index_cast %swap3A_422 : i32 to index
      %swap3A_424 = arith.index_cast %multiple_of3A_293 : i32 to index
      %swap3A_425 = tpu.vector_load %arg9[%swap3A_423, %swap3A_424] {strides = array<i32>} : memref<16x1024xf32, #tpu.memory_space<vmem>>, vector<1x16xf32>,
      %swap3A_426 = vector.shape_cast %swap3A_425 : vector<1x16xf32> to vector<16xf32>
      %swap3A_427 = vector.shape_cast %add3A_421 : vector<16xf32> to vector<1x16xf32>
      tpu.vector_store %arg9[%swap3A_423, %swap3A_424], %swap3A_427 {strides = array<i32>} : memref<16x1024xf32, #tpu.memory_space<vmem>>, vector<1x16xf32>,
      %get3A_428 = arith.constant 8 : i32
      %get3A_429 = arith.index_cast %get3A_428 : i32 to index
      %get3A_430 = arith.index_cast %multiple_of3A_293 : i32 to index
      %get3A_431 = tpu.vector_load %arg9[%get3A_429, %get3A_430] {strides = array<i32>} : memref<16x1024xf32, #tpu.memory_space<vmem>>, vector<1x16xf32>,
      %get3A_432 = vector.shape_cast %get3A_431 : vector<1x16xf32> to vector<16xf32>
      %get3A_433 = arith.constant 8 : i32
      %get3A_434 = arith.index_cast %get3A_433 : i32 to index
      %get3A_435 = arith.index_cast %multiple_of3A_293 : i32 to index
      %get3A_436 = tpu.vector_load %arg10[%get3A_434, %get3A_435] {strides = array<i32>} : memref<16x1024xf32, #tpu.memory_space<vmem>>, vector<1x16xf32>,
      %get3A_437 = vector.shape_cast %get3A_436 : vector<1x16xf32> to vector<16xf32>
      %add3A_438 = arith.addf %get3A_432, %get3A_437 : vector<16xf32>
      %swap3A_439 = arith.constant 8 : i32
      %swap3A_440 = arith.index_cast %swap3A_439 : i32 to index
      %swap3A_441 = arith.index_cast %multiple_of3A_293 : i32 to index
      %swap3A_442 = tpu.vector_load %arg9[%swap3A_440, %swap3A_441] {strides = array<i32>} : memref<16x1024xf32, #tpu.memory_space<vmem>>, vector<1x16xf32>,
      %swap3A_443 = vector.shape_cast %swap3A_442 : vector<1x16xf32> to vector<16xf32>
      %swap3A_444 = vector.shape_cast %add3A_438 : vector<16xf32> to vector<1x16xf32>
      tpu.vector_store %arg9[%swap3A_440, %swap3A_441], %swap3A_444 {strides = array<i32>} : memref<16x1024xf32, #tpu.memory_space<vmem>>, vector<1x16xf32>,
      %get3A_445 = arith.constant 9 : i32
      %get3A_446 = arith.index_cast %get3A_445 : i32 to index
      %get3A_447 = arith.index_cast %multiple_of3A_293 : i32 to index
      %get3A_448 = tpu.vector_load %arg9[%get3A_446, %get3A_447] {strides = array<i32>} : memref<16x1024xf32, #tpu.memory_space<vmem>>, vector<1x16xf32>,
      %get3A_449 = vector.shape_cast %get3A_448 : vector<1x16xf32> to vector<16xf32>
      %get3A_450 = arith.constant 9 : i32
      %get3A_451 = arith.index_cast %get3A_450 : i32 to index
      %get3A_452 = arith.index_cast %multiple_of3A_293 : i32 to index
      %get3A_453 = tpu.vector_load %arg10[%get3A_451, %get3A_452] {strides = array<i32>} : memref<16x1024xf32, #tpu.memory_space<vmem>>, vector<1x16xf32>,
      %get3A_454 = vector.shape_cast %get3A_453 : vector<1x16xf32> to vector<16xf32>
      %add3A_455 = arith.addf %get3A_449, %get3A_454 : vector<16xf32>
      %swap3A_456 = arith.constant 9 : i32
      %swap3A_457 = arith.index_cast %swap3A_456 : i32 to index
      %swap3A_458 = arith.index_cast %multiple_of3A_293 : i32 to index
      %swap3A_459 = tpu.vector_load %arg9[%swap3A_457, %swap3A_458] {strides = array<i32>} : memref<16x1024xf32, #tpu.memory_space<vmem>>, vector<1x16xf32>,
      %swap3A_460 = vector.shape_cast %swap3A_459 : vector<1x16xf32> to vector<16xf32>
      %swap3A_461 = vector.shape_cast %add3A_455 : vector<16xf32> to vector<1x16xf32>
      tpu.vector_store %arg9[%swap3A_457, %swap3A_458], %swap3A_461 {strides = array<i32>} : memref<16x1024xf32, #tpu.memory_space<vmem>>, vector<1x16xf32>,
      %get3A_462 = arith.constant 10 : i32
      %get3A_463 = arith.index_cast %get3A_462 : i32 to index
      %get3A_464 = arith.index_cast %multiple_of3A_293 : i32 to index
      %get3A_465 = tpu.vector_load %arg9[%get3A_463, %get3A_464] {strides = array<i32>} : memref<16x1024xf32, #tpu.memory_space<vmem>>, vector<1x16xf32>,
      %get3A_466 = vector.shape_cast %get3A_465 : vector<1x16xf32> to vector<16xf32>
      %get3A_467 = arith.constant 10 : i32
      %get3A_468 = arith.index_cast %get3A_467 : i32 to index
      %get3A_469 = arith.index_cast %multiple_of3A_293 : i32 to index
      %get3A_470 = tpu.vector_load %arg10[%get3A_468, %get3A_469] {strides = array<i32>} : memref<16x1024xf32, #tpu.memory_space<vmem>>, vector<1x16xf32>,
      %get3A_471 = vector.shape_cast %get3A_470 : vector<1x16xf32> to vector<16xf32>
      %add3A_472 = arith.addf %get3A_466, %get3A_471 : vector<16xf32>
      %swap3A_473 = arith.constant 10 : i32
      %swap3A_474 = arith.index_cast %swap3A_473 : i32 to index
      %swap3A_475 = arith.index_cast %multiple_of3A_293 : i32 to index
      %swap3A_476 = tpu.vector_load %arg9[%swap3A_474, %swap3A_475] {strides = array<i32>} : memref<16x1024xf32, #tpu.memory_space<vmem>>, vector<1x16xf32>,
      %swap3A_477 = vector.shape_cast %swap3A_476 : vector<1x16xf32> to vector<16xf32>
      %swap3A_478 = vector.shape_cast %add3A_472 : vector<16xf32> to vector<1x16xf32>
      tpu.vector_store %arg9[%swap3A_474, %swap3A_475], %swap3A_478 {strides = array<i32>} : memref<16x1024xf32, #tpu.memory_space<vmem>>, vector<1x16xf32>,
      %get3A_479 = arith.constant 11 : i32
      %get3A_480 = arith.index_cast %get3A_479 : i32 to index
      %get3A_481 = arith.index_cast %multiple_of3A_293 : i32 to index
      %get3A_482 = tpu.vector_load %arg9[%get3A_480, %get3A_481] {strides = array<i32>} : memref<16x1024xf32, #tpu.memory_space<vmem>>, vector<1x16xf32>,
      %get3A_483 = vector.shape_cast %get3A_482 : vector<1x16xf32> to vector<16xf32>
      %get3A_484 = arith.constant 11 : i32
      %get3A_485 = arith.index_cast %get3A_484 : i32 to index
      %get3A_486 = arith.index_cast %multiple_of3A_293 : i32 to index
      %get3A_487 = tpu.vector_load %arg10[%get3A_485, %get3A_486] {strides = array<i32>} : memref<16x1024xf32, #tpu.memory_space<vmem>>, vector<1x16xf32>,
      %get3A_488 = vector.shape_cast %get3A_487 : vector<1x16xf32> to vector<16xf32>
      %add3A_489 = arith.addf %get3A_483, %get3A_488 : vector<16xf32>
      %swap3A_490 = arith.constant 11 : i32
      %swap3A_491 = arith.index_cast %swap3A_490 : i32 to index
      %swap3A_492 = arith.index_cast %multiple_of3A_293 : i32 to index
      %swap3A_493 = tpu.vector_load %arg9[%swap3A_491, %swap3A_492] {strides = array<i32>} : memref<16x1024xf32, #tpu.memory_space<vmem>>, vector<1x16xf32>,
      %swap3A_494 = vector.shape_cast %swap3A_493 : vector<1x16xf32> to vector<16xf32>
      %swap3A_495 = vector.shape_cast %add3A_489 : vector<16xf32> to vector<1x16xf32>
      tpu.vector_store %arg9[%swap3A_491, %swap3A_492], %swap3A_495 {strides = array<i32>} : memref<16x1024xf32, #tpu.memory_space<vmem>>, vector<1x16xf32>,
      %get3A_496 = arith.constant 12 : i32
      %get3A_497 = arith.index_cast %get3A_496 : i32 to index
      %get3A_498 = arith.index_cast %multiple_of3A_293 : i32 to index
      %get3A_499 = tpu.vector_load %arg9[%get3A_497, %get3A_498] {strides = array<i32>} : memref<16x1024xf32, #tpu.memory_space<vmem>>, vector<1x16xf32>,
      %get3A_500 = vector.shape_cast %get3A_499 : vector<1x16xf32> to vector<16xf32>
      %get3A_501 = arith.constant 12 : i32
      %get3A_502 = arith.index_cast %get3A_501 : i32 to index
      %get3A_503 = arith.index_cast %multiple_of3A_293 : i32 to index
      %get3A_504 = tpu.vector_load %arg10[%get3A_502, %get3A_503] {strides = array<i32>} : memref<16x1024xf32, #tpu.memory_space<vmem>>, vector<1x16xf32>,
      %get3A_505 = vector.shape_cast %get3A_504 : vector<1x16xf32> to vector<16xf32>
      %add3A_506 = arith.addf %get3A_500, %get3A_505 : vector<16xf32>
      %swap3A_507 = arith.constant 12 : i32
      %swap3A_508 = arith.index_cast %swap3A_507 : i32 to index
      %swap3A_509 = arith.index_cast %multiple_of3A_293 : i32 to index
      %swap3A_510 = tpu.vector_load %arg9[%swap3A_508, %swap3A_509] {strides = array<i32>} : memref<16x1024xf32, #tpu.memory_space<vmem>>, vector<1x16xf32>,
      %swap3A_511 = vector.shape_cast %swap3A_510 : vector<1x16xf32> to vector<16xf32>
      %swap3A_512 = vector.shape_cast %add3A_506 : vector<16xf32> to vector<1x16xf32>
      tpu.vector_store %arg9[%swap3A_508, %swap3A_509], %swap3A_512 {strides = array<i32>} : memref<16x1024xf32, #tpu.memory_space<vmem>>, vector<1x16xf32>,
      %get3A_513 = arith.constant 13 : i32
      %get3A_514 = arith.index_cast %get3A_513 : i32 to index
      %get3A_515 = arith.index_cast %multiple_of3A_293 : i32 to index
      %get3A_516 = tpu.vector_load %arg9[%get3A_514, %get3A_515] {strides = array<i32>} : memref<16x1024xf32, #tpu.memory_space<vmem>>, vector<1x16xf32>,
      %get3A_517 = vector.shape_cast %get3A_516 : vector<1x16xf32> to vector<16xf32>
      %get3A_518 = arith.constant 13 : i32
      %get3A_519 = arith.index_cast %get3A_518 : i32 to index
      %get3A_520 = arith.index_cast %multiple_of3A_293 : i32 to index
      %get3A_521 = tpu.vector_load %arg10[%get3A_519, %get3A_520] {strides = array<i32>} : memref<16x1024xf32, #tpu.memory_space<vmem>>, vector<1x16xf32>,
      %get3A_522 = vector.shape_cast %get3A_521 : vector<1x16xf32> to vector<16xf32>
      %add3A_523 = arith.addf %get3A_517, %get3A_522 : vector<16xf32>
      %swap3A_524 = arith.constant 13 : i32
      %swap3A_525 = arith.index_cast %swap3A_524 : i32 to index
      %swap3A_526 = arith.index_cast %multiple_of3A_293 : i32 to index
      %swap3A_527 = tpu.vector_load %arg9[%swap3A_525, %swap3A_526] {strides = array<i32>} : memref<16x1024xf32, #tpu.memory_space<vmem>>, vector<1x16xf32>,
      %swap3A_528 = vector.shape_cast %swap3A_527 : vector<1x16xf32> to vector<16xf32>
      %swap3A_529 = vector.shape_cast %add3A_523 : vector<16xf32> to vector<1x16xf32>
      tpu.vector_store %arg9[%swap3A_525, %swap3A_526], %swap3A_529 {strides = array<i32>} : memref<16x1024xf32, #tpu.memory_space<vmem>>, vector<1x16xf32>,
      %get3A_530 = arith.constant 14 : i32
      %get3A_531 = arith.index_cast %get3A_530 : i32 to index
      %get3A_532 = arith.index_cast %multiple_of3A_293 : i32 to index
      %get3A_533 = tpu.vector_load %arg9[%get3A_531, %get3A_532] {strides = array<i32>} : memref<16x1024xf32, #tpu.memory_space<vmem>>, vector<1x16xf32>,
      %get3A_534 = vector.shape_cast %get3A_533 : vector<1x16xf32> to vector<16xf32>
      %get3A_535 = arith.constant 14 : i32
      %get3A_536 = arith.index_cast %get3A_535 : i32 to index
      %get3A_537 = arith.index_cast %multiple_of3A_293 : i32 to index
      %get3A_538 = tpu.vector_load %arg10[%get3A_536, %get3A_537] {strides = array<i32>} : memref<16x1024xf32, #tpu.memory_space<vmem>>, vector<1x16xf32>,
      %get3A_539 = vector.shape_cast %get3A_538 : vector<1x16xf32> to vector<16xf32>
      %add3A_540 = arith.addf %get3A_534, %get3A_539 : vector<16xf32>
      %swap3A_541 = arith.constant 14 : i32
      %swap3A_542 = arith.index_cast %swap3A_541 : i32 to index
      %swap3A_543 = arith.index_cast %multiple_of3A_293 : i32 to index
      %swap3A_544 = tpu.vector_load %arg9[%swap3A_542, %swap3A_543] {strides = array<i32>} : memref<16x1024xf32, #tpu.memory_space<vmem>>, vector<1x16xf32>,
      %swap3A_545 = vector.shape_cast %swap3A_544 : vector<1x16xf32> to vector<16xf32>
      %swap3A_546 = vector.shape_cast %add3A_540 : vector<16xf32> to vector<1x16xf32>
      tpu.vector_store %arg9[%swap3A_542, %swap3A_543], %swap3A_546 {strides = array<i32>} : memref<16x1024xf32, #tpu.memory_space<vmem>>, vector<1x16xf32>,
      %get3A_547 = arith.constant 15 : i32
      %get3A_548 = arith.index_cast %get3A_547 : i32 to index
      %get3A_549 = arith.index_cast %multiple_of3A_293 : i32 to index
      %get3A_550 = tpu.vector_load %arg9[%get3A_548, %get3A_549] {strides = array<i32>} : memref<16x1024xf32, #tpu.memory_space<vmem>>, vector<1x16xf32>,
      %get3A_551 = vector.shape_cast %get3A_550 : vector<1x16xf32> to vector<16xf32>
      %get3A_552 = arith.constant 15 : i32
      %get3A_553 = arith.index_cast %get3A_552 : i32 to index
      %get3A_554 = arith.index_cast %multiple_of3A_293 : i32 to index
      %get3A_555 = tpu.vector_load %arg10[%get3A_553, %get3A_554] {strides = array<i32>} : memref<16x1024xf32, #tpu.memory_space<vmem>>, vector<1x16xf32>,
      %get3A_556 = vector.shape_cast %get3A_555 : vector<1x16xf32> to vector<16xf32>
      %add3A_557 = arith.addf %get3A_551, %get3A_556 : vector<16xf32>
      %swap3A_558 = arith.constant 15 : i32
      %swap3A_559 = arith.index_cast %swap3A_558 : i32 to index
      %swap3A_560 = arith.index_cast %multiple_of3A_293 : i32 to index
      %swap3A_561 = tpu.vector_load %arg9[%swap3A_559, %swap3A_560] {strides = array<i32>} : memref<16x1024xf32, #tpu.memory_space<vmem>>, vector<1x16xf32>,
      %swap3A_562 = vector.shape_cast %swap3A_561 : vector<1x16xf32> to vector<16xf32>
      %swap3A_563 = vector.shape_cast %add3A_557 : vector<16xf32> to vector<1x16xf32>
      tpu.vector_store %arg9[%swap3A_559, %swap3A_560], %swap3A_563 {strides = array<i32>} : memref<16x1024xf32, #tpu.memory_space<vmem>>, vector<1x16xf32>,
    }
    %scan3A_275 = arith.constant 64 : i32
    %add3A_276 = arith.constant 112 : i32
    %add3A_277 = arith.addi %multiple_of3A, %add3A_276 : i32
    %dma_start3A_278 = arith.constant 0 : i32
    %dma_start3A_279 = tpu.memref_slice %arg4[%add3A_277, %dma_start3A_278] : memref<4096x1024xf32, #tpu.memory_space<hbm>> -> memref<16x1024xf32, #tpu.memory_space<hbm>>
    %dma_start3A_280 = arith.constant 0 : i32
    %dma_start3A_281 = tpu.memref_slice %arg4[%add3A_277, %dma_start3A_280] : memref<4096x1024xf32, #tpu.memory_space<hbm>> -> memref<16x1024xf32, #tpu.memory_space<hbm>>
    tpu.enqueue_dma source(%arg9 : memref<16x1024xf32, #tpu.memory_space<vmem>>) target(%dma_start3A_281 : memref<16x1024xf32, #tpu.memory_space<hbm>>) target_semaphore(%arg16 : memref<!tpu.dma_semaphore, #tpu.memory_space<semaphore_mem>>)
    %dma_wait3A_282 = arith.constant 0 : i32
    %dma_wait3A_283 = tpu.memref_slice %arg4[%add3A_255, %dma_wait3A_282] : memref<4096x1024xf32, #tpu.memory_space<hbm>> -> memref<16x1024xf32, #tpu.memory_space<hbm>>
    %dma_wait3A_284 = arith.constant 0 : i32
    %dma_wait3A_285 = tpu.memref_slice %arg4[%add3A_255, %dma_wait3A_284] : memref<4096x1024xf32, #tpu.memory_space<hbm>> -> memref<16x1024xf32, #tpu.memory_space<hbm>>
    tpu.wait_dma2 semaphore(%arg15 : memref<!tpu.dma_semaphore, #tpu.memory_space<semaphore_mem>>) src(%arg7 : memref<16x1024xf32, #tpu.memory_space<vmem>>) dst(%dma_wait3A_285 : memref<16x1024xf32, #tpu.memory_space<hbm>>)
    %dma_wait3A_286 = arith.constant 0 : i32
    %dma_wait3A_287 = tpu.memref_slice %arg4[%add3A_277, %dma_wait3A_286] : memref<4096x1024xf32, #tpu.memory_space<hbm>> -> memref<16x1024xf32, #tpu.memory_space<hbm>>
    %dma_wait3A_288 = arith.constant 0 : i32
    %dma_wait3A_289 = tpu.memref_slice %arg4[%add3A_277, %dma_wait3A_288] : memref<4096x1024xf32, #tpu.memory_space<hbm>> -> memref<16x1024xf32, #tpu.memory_space<hbm>>
    tpu.wait_dma2 semaphore(%arg16 : memref<!tpu.dma_semaphore, #tpu.memory_space<semaphore_mem>>) src(%arg9 : memref<16x1024xf32, #tpu.memory_space<vmem>>) dst(%dma_wait3A_289 : memref<16x1024xf32, #tpu.memory_space<hbm>>)
    return
  }
}

module attributes {stable_mosaic.version = 14 : i64} {
  func.func @_router_body(%arg0: memref<4096x1024xf32, #tpu.memory_space<vmem>>, %arg1: memref<8x1024xf32, #tpu.memory_space<vmem>>, %arg2: memref<64x128xi32, #tpu.memory_space<vmem>>, %arg3: memref<64x128xf32, #tpu.memory_space<vmem>>, %arg4: memref<24x1xi32, #tpu.memory_space<vmem>>, %arg5: memref<4096x512xf32, #tpu.memory_space<vmem>>) attributes {dimension_semantics = [], scalar_prefetch = 0 : i64, scratch_operands = 0 : i64, tpu.core_type = #tpu.core_type<tc>} {
    %get3A = arith.constant 0 : index
    %get3A_0 = arith.constant 0 : index
    %get3A_1 = vector.load %arg0[%get3A, %get3A_0] : memref<4096x1024xf32, #tpu.memory_space<vmem>>, vector<4096x1024xf32>
    %get3A_2 = arith.constant 0 : index
    %get3A_3 = arith.constant 0 : index
    %get3A_4 = vector.load %arg1[%get3A_2, %get3A_3] : memref<8x1024xf32, #tpu.memory_space<vmem>>, vector<8x1024xf32>
    %dot_general3A = arith.constant dense<0.000000e+00> : vector<4096x8xf32>
    %dot_general3A_5 = tpu.matmul %get3A_1, %get3A_4, %dot_general3A {dimension_numbers = #tpu.dot_dimension_numbers<[1], [1], [0], [0], [0, 0, 1, 0], [], []>, transpose_lhs_hint = false} : vector<4096x1024xf32>, vector<8x1024xf32>, vector<4096x8xf32> -> vector<4096x8xf32>
    %logistic3A = arith.negf %dot_general3A_5 : vector<4096x8xf32>
    %logistic3A_6 = math.exp %logistic3A : vector<4096x8xf32>
    %logistic3A_7 = arith.constant 1.000000e+00 : f32
    %logistic3A_8 = vector.broadcast %logistic3A_7 : f32 to vector<4096x8xf32>
    %logistic3A_9 = arith.addf %logistic3A_8, %logistic3A_6 : vector<4096x8xf32>
    %logistic3A_10 = arith.divf %logistic3A_8, %logistic3A_9 : vector<4096x8xf32>
    %iota3A = tpu.iota {dimensions = array<i32: 1>} : vector<4096x8xi32>
    %reduce_max3A = arith.constant dense<0xFF800000> : vector<4096xf32>
    %reduce_max3A_11 = vector.multi_reduction <maximumf>, %logistic3A_10, %reduce_max3A [1] : vector<4096x8xf32> to vector<4096xf32>
    %broadcast_in_dim3A = vector.shape_cast %reduce_max3A_11 : vector<4096xf32> to vector<4096x1xf32>
    %ge3A = vector.broadcast %broadcast_in_dim3A : vector<4096x1xf32> to vector<4096x8xf32>
    %ge3A_12 = arith.cmpf oge, %logistic3A_10, %ge3A : vector<4096x8xf32>
    %jit3A = arith.constant 8 : i32
    %broadcast_in_dim3A_13 = vector.broadcast %jit3A : i32 to vector<4096x8xi32>
    %select_n3A = arith.select %ge3A_12, %iota3A, %broadcast_in_dim3A_13 : vector<4096x8xi1>, vector<4096x8xi32>
    %reduce_min3A = arith.constant dense<2147483647> : vector<4096xi32>
    %reduce_min3A_14 = vector.multi_reduction <minsi>, %select_n3A, %reduce_min3A [1] : vector<4096x8xi32> to vector<4096xi32>
    %broadcast_in_dim3A_15 = vector.shape_cast %reduce_min3A_14 : vector<4096xi32> to vector<4096x1xi32>
    %eq3A = vector.broadcast %broadcast_in_dim3A_15 : vector<4096x1xi32> to vector<4096x8xi32>
    %eq3A_16 = arith.cmpi eq, %iota3A, %eq3A : vector<4096x8xi32>
    %jit3A_17 = arith.constant -1.000000e+00 : f32
    %broadcast_in_dim3A_18 = vector.broadcast %jit3A_17 : f32 to vector<4096x8xf32>
    %select_n3A_19 = arith.select %eq3A_16, %broadcast_in_dim3A_18, %logistic3A_10 : vector<4096x8xi1>, vector<4096x8xf32>
    %reduce_max3A_20 = arith.constant dense<0xFF800000> : vector<4096xf32>
    %reduce_max3A_21 = vector.multi_reduction <maximumf>, %select_n3A_19, %reduce_max3A_20 [1] : vector<4096x8xf32> to vector<4096xf32>
    %broadcast_in_dim3A_22 = vector.shape_cast %reduce_max3A_21 : vector<4096xf32> to vector<4096x1xf32>
    %ge3A_23 = vector.broadcast %broadcast_in_dim3A_22 : vector<4096x1xf32> to vector<4096x8xf32>
    %ge3A_24 = arith.cmpf oge, %select_n3A_19, %ge3A_23 : vector<4096x8xf32>
    %jit3A_25 = arith.constant 8 : i32
    %broadcast_in_dim3A_26 = vector.broadcast %jit3A_25 : i32 to vector<4096x8xi32>
    %select_n3A_27 = arith.select %ge3A_24, %iota3A, %broadcast_in_dim3A_26 : vector<4096x8xi1>, vector<4096x8xi32>
    %reduce_min3A_28 = arith.constant dense<2147483647> : vector<4096xi32>
    %reduce_min3A_29 = vector.multi_reduction <minsi>, %select_n3A_27, %reduce_min3A_28 [1] : vector<4096x8xi32> to vector<4096xi32>
    %broadcast_in_dim3A_30 = vector.shape_cast %reduce_min3A_29 : vector<4096xi32> to vector<4096x1xi32>
    %eq3A_31 = vector.broadcast %broadcast_in_dim3A_30 : vector<4096x1xi32> to vector<4096x8xi32>
    %eq3A_32 = arith.cmpi eq, %iota3A, %eq3A_31 : vector<4096x8xi32>
    %add3A = arith.addf %broadcast_in_dim3A, %broadcast_in_dim3A_22 : vector<4096x1xf32>
    %add3A_33 = arith.constant 9.99999968E-21 : f32
    %add3A_34 = vector.broadcast %add3A_33 : f32 to vector<4096x1xf32>
    %add3A_35 = arith.addf %add3A, %add3A_34 : vector<4096x1xf32>
    %div3A = arith.divf %broadcast_in_dim3A, %add3A_35 : vector<4096x1xf32>
    %div3A_36 = arith.divf %broadcast_in_dim3A_22, %add3A_35 : vector<4096x1xf32>
    %slice3A = vector.extract_strided_slice %div3A {offsets = [0, 0], sizes = [512, 1], strides = [1, 1]} : vector<4096x1xf32> to vector<512x1xf32>
    %reshape3A = vector.shape_cast %slice3A : vector<512x1xf32> to vector<4x128xf32>
    %swap3A = arith.constant 0 : index
    %swap3A_37 = arith.constant 0 : index
    %swap3A_38 = vector.load %arg3[%swap3A, %swap3A_37] : memref<64x128xf32, #tpu.memory_space<vmem>>, vector<4x128xf32>
    tpu.vector_store %arg3[%swap3A, %swap3A_37], %reshape3A {strides = array<i32>} : memref<64x128xf32, #tpu.memory_space<vmem>>, vector<4x128xf32>,
    %slice3A_39 = vector.extract_strided_slice %div3A_36 {offsets = [0, 0], sizes = [512, 1], strides = [1, 1]} : vector<4096x1xf32> to vector<512x1xf32>
    %reshape3A_40 = vector.shape_cast %slice3A_39 : vector<512x1xf32> to vector<4x128xf32>
    %swap3A_41 = arith.constant 32 : index
    %swap3A_42 = arith.constant 0 : index
    %swap3A_43 = vector.load %arg3[%swap3A_41, %swap3A_42] : memref<64x128xf32, #tpu.memory_space<vmem>>, vector<4x128xf32>
    tpu.vector_store %arg3[%swap3A_41, %swap3A_42], %reshape3A_40 {strides = array<i32>} : memref<64x128xf32, #tpu.memory_space<vmem>>, vector<4x128xf32>,
    %slice3A_44 = vector.extract_strided_slice %div3A {offsets = [512, 0], sizes = [512, 1], strides = [1, 1]} : vector<4096x1xf32> to vector<512x1xf32>
    %reshape3A_45 = vector.shape_cast %slice3A_44 : vector<512x1xf32> to vector<4x128xf32>
    %swap3A_46 = arith.constant 4 : index
    %swap3A_47 = arith.constant 0 : index
    %swap3A_48 = vector.load %arg3[%swap3A_46, %swap3A_47] : memref<64x128xf32, #tpu.memory_space<vmem>>, vector<4x128xf32>
    tpu.vector_store %arg3[%swap3A_46, %swap3A_47], %reshape3A_45 {strides = array<i32>} : memref<64x128xf32, #tpu.memory_space<vmem>>, vector<4x128xf32>,
    %slice3A_49 = vector.extract_strided_slice %div3A_36 {offsets = [512, 0], sizes = [512, 1], strides = [1, 1]} : vector<4096x1xf32> to vector<512x1xf32>
    %reshape3A_50 = vector.shape_cast %slice3A_49 : vector<512x1xf32> to vector<4x128xf32>
    %swap3A_51 = arith.constant 36 : index
    %swap3A_52 = arith.constant 0 : index
    %swap3A_53 = vector.load %arg3[%swap3A_51, %swap3A_52] : memref<64x128xf32, #tpu.memory_space<vmem>>, vector<4x128xf32>
    tpu.vector_store %arg3[%swap3A_51, %swap3A_52], %reshape3A_50 {strides = array<i32>} : memref<64x128xf32, #tpu.memory_space<vmem>>, vector<4x128xf32>,
    %slice3A_54 = vector.extract_strided_slice %div3A {offsets = [1024, 0], sizes = [512, 1], strides = [1, 1]} : vector<4096x1xf32> to vector<512x1xf32>
    %reshape3A_55 = vector.shape_cast %slice3A_54 : vector<512x1xf32> to vector<4x128xf32>
    %swap3A_56 = arith.constant 8 : index
    %swap3A_57 = arith.constant 0 : index
    %swap3A_58 = vector.load %arg3[%swap3A_56, %swap3A_57] : memref<64x128xf32, #tpu.memory_space<vmem>>, vector<4x128xf32>
    tpu.vector_store %arg3[%swap3A_56, %swap3A_57], %reshape3A_55 {strides = array<i32>} : memref<64x128xf32, #tpu.memory_space<vmem>>, vector<4x128xf32>,
    %slice3A_59 = vector.extract_strided_slice %div3A_36 {offsets = [1024, 0], sizes = [512, 1], strides = [1, 1]} : vector<4096x1xf32> to vector<512x1xf32>
    %reshape3A_60 = vector.shape_cast %slice3A_59 : vector<512x1xf32> to vector<4x128xf32>
    %swap3A_61 = arith.constant 40 : index
    %swap3A_62 = arith.constant 0 : index
    %swap3A_63 = vector.load %arg3[%swap3A_61, %swap3A_62] : memref<64x128xf32, #tpu.memory_space<vmem>>, vector<4x128xf32>
    tpu.vector_store %arg3[%swap3A_61, %swap3A_62], %reshape3A_60 {strides = array<i32>} : memref<64x128xf32, #tpu.memory_space<vmem>>, vector<4x128xf32>,
    %slice3A_64 = vector.extract_strided_slice %div3A {offsets = [1536, 0], sizes = [512, 1], strides = [1, 1]} : vector<4096x1xf32> to vector<512x1xf32>
    %reshape3A_65 = vector.shape_cast %slice3A_64 : vector<512x1xf32> to vector<4x128xf32>
    %swap3A_66 = arith.constant 12 : index
    %swap3A_67 = arith.constant 0 : index
    %swap3A_68 = vector.load %arg3[%swap3A_66, %swap3A_67] : memref<64x128xf32, #tpu.memory_space<vmem>>, vector<4x128xf32>
    tpu.vector_store %arg3[%swap3A_66, %swap3A_67], %reshape3A_65 {strides = array<i32>} : memref<64x128xf32, #tpu.memory_space<vmem>>, vector<4x128xf32>,
    %slice3A_69 = vector.extract_strided_slice %div3A_36 {offsets = [1536, 0], sizes = [512, 1], strides = [1, 1]} : vector<4096x1xf32> to vector<512x1xf32>
    %reshape3A_70 = vector.shape_cast %slice3A_69 : vector<512x1xf32> to vector<4x128xf32>
    %swap3A_71 = arith.constant 44 : index
    %swap3A_72 = arith.constant 0 : index
    %swap3A_73 = vector.load %arg3[%swap3A_71, %swap3A_72] : memref<64x128xf32, #tpu.memory_space<vmem>>, vector<4x128xf32>
    tpu.vector_store %arg3[%swap3A_71, %swap3A_72], %reshape3A_70 {strides = array<i32>} : memref<64x128xf32, #tpu.memory_space<vmem>>, vector<4x128xf32>,
    %slice3A_74 = vector.extract_strided_slice %div3A {offsets = [2048, 0], sizes = [512, 1], strides = [1, 1]} : vector<4096x1xf32> to vector<512x1xf32>
    %reshape3A_75 = vector.shape_cast %slice3A_74 : vector<512x1xf32> to vector<4x128xf32>
    %swap3A_76 = arith.constant 16 : index
    %swap3A_77 = arith.constant 0 : index
    %swap3A_78 = vector.load %arg3[%swap3A_76, %swap3A_77] : memref<64x128xf32, #tpu.memory_space<vmem>>, vector<4x128xf32>
    tpu.vector_store %arg3[%swap3A_76, %swap3A_77], %reshape3A_75 {strides = array<i32>} : memref<64x128xf32, #tpu.memory_space<vmem>>, vector<4x128xf32>,
    %slice3A_79 = vector.extract_strided_slice %div3A_36 {offsets = [2048, 0], sizes = [512, 1], strides = [1, 1]} : vector<4096x1xf32> to vector<512x1xf32>
    %reshape3A_80 = vector.shape_cast %slice3A_79 : vector<512x1xf32> to vector<4x128xf32>
    %swap3A_81 = arith.constant 48 : index
    %swap3A_82 = arith.constant 0 : index
    %swap3A_83 = vector.load %arg3[%swap3A_81, %swap3A_82] : memref<64x128xf32, #tpu.memory_space<vmem>>, vector<4x128xf32>
    tpu.vector_store %arg3[%swap3A_81, %swap3A_82], %reshape3A_80 {strides = array<i32>} : memref<64x128xf32, #tpu.memory_space<vmem>>, vector<4x128xf32>,
    %slice3A_84 = vector.extract_strided_slice %div3A {offsets = [2560, 0], sizes = [512, 1], strides = [1, 1]} : vector<4096x1xf32> to vector<512x1xf32>
    %reshape3A_85 = vector.shape_cast %slice3A_84 : vector<512x1xf32> to vector<4x128xf32>
    %swap3A_86 = arith.constant 20 : index
    %swap3A_87 = arith.constant 0 : index
    %swap3A_88 = vector.load %arg3[%swap3A_86, %swap3A_87] : memref<64x128xf32, #tpu.memory_space<vmem>>, vector<4x128xf32>
    tpu.vector_store %arg3[%swap3A_86, %swap3A_87], %reshape3A_85 {strides = array<i32>} : memref<64x128xf32, #tpu.memory_space<vmem>>, vector<4x128xf32>,
    %slice3A_89 = vector.extract_strided_slice %div3A_36 {offsets = [2560, 0], sizes = [512, 1], strides = [1, 1]} : vector<4096x1xf32> to vector<512x1xf32>
    %reshape3A_90 = vector.shape_cast %slice3A_89 : vector<512x1xf32> to vector<4x128xf32>
    %swap3A_91 = arith.constant 52 : index
    %swap3A_92 = arith.constant 0 : index
    %swap3A_93 = vector.load %arg3[%swap3A_91, %swap3A_92] : memref<64x128xf32, #tpu.memory_space<vmem>>, vector<4x128xf32>
    tpu.vector_store %arg3[%swap3A_91, %swap3A_92], %reshape3A_90 {strides = array<i32>} : memref<64x128xf32, #tpu.memory_space<vmem>>, vector<4x128xf32>,
    %slice3A_94 = vector.extract_strided_slice %div3A {offsets = [3072, 0], sizes = [512, 1], strides = [1, 1]} : vector<4096x1xf32> to vector<512x1xf32>
    %reshape3A_95 = vector.shape_cast %slice3A_94 : vector<512x1xf32> to vector<4x128xf32>
    %swap3A_96 = arith.constant 24 : index
    %swap3A_97 = arith.constant 0 : index
    %swap3A_98 = vector.load %arg3[%swap3A_96, %swap3A_97] : memref<64x128xf32, #tpu.memory_space<vmem>>, vector<4x128xf32>
    tpu.vector_store %arg3[%swap3A_96, %swap3A_97], %reshape3A_95 {strides = array<i32>} : memref<64x128xf32, #tpu.memory_space<vmem>>, vector<4x128xf32>,
    %slice3A_99 = vector.extract_strided_slice %div3A_36 {offsets = [3072, 0], sizes = [512, 1], strides = [1, 1]} : vector<4096x1xf32> to vector<512x1xf32>
    %reshape3A_100 = vector.shape_cast %slice3A_99 : vector<512x1xf32> to vector<4x128xf32>
    %swap3A_101 = arith.constant 56 : index
    %swap3A_102 = arith.constant 0 : index
    %swap3A_103 = vector.load %arg3[%swap3A_101, %swap3A_102] : memref<64x128xf32, #tpu.memory_space<vmem>>, vector<4x128xf32>
    tpu.vector_store %arg3[%swap3A_101, %swap3A_102], %reshape3A_100 {strides = array<i32>} : memref<64x128xf32, #tpu.memory_space<vmem>>, vector<4x128xf32>,
    %slice3A_104 = vector.extract_strided_slice %div3A {offsets = [3584, 0], sizes = [512, 1], strides = [1, 1]} : vector<4096x1xf32> to vector<512x1xf32>
    %reshape3A_105 = vector.shape_cast %slice3A_104 : vector<512x1xf32> to vector<4x128xf32>
    %swap3A_106 = arith.constant 28 : index
    %swap3A_107 = arith.constant 0 : index
    %swap3A_108 = vector.load %arg3[%swap3A_106, %swap3A_107] : memref<64x128xf32, #tpu.memory_space<vmem>>, vector<4x128xf32>
    tpu.vector_store %arg3[%swap3A_106, %swap3A_107], %reshape3A_105 {strides = array<i32>} : memref<64x128xf32, #tpu.memory_space<vmem>>, vector<4x128xf32>,
    %slice3A_109 = vector.extract_strided_slice %div3A_36 {offsets = [3584, 0], sizes = [512, 1], strides = [1, 1]} : vector<4096x1xf32> to vector<512x1xf32>
    %reshape3A_110 = vector.shape_cast %slice3A_109 : vector<512x1xf32> to vector<4x128xf32>
    %swap3A_111 = arith.constant 60 : index
    %swap3A_112 = arith.constant 0 : index
    %swap3A_113 = vector.load %arg3[%swap3A_111, %swap3A_112] : memref<64x128xf32, #tpu.memory_space<vmem>>, vector<4x128xf32>
    tpu.vector_store %arg3[%swap3A_111, %swap3A_112], %reshape3A_110 {strides = array<i32>} : memref<64x128xf32, #tpu.memory_space<vmem>>, vector<4x128xf32>,
    %bitcast_convert_type3A = tpu.bitcast %get3A_1 : vector<4096x1024xf32> -> vector<4096x1024xi32>
    %slice3A_114 = vector.extract_strided_slice %bitcast_convert_type3A {offsets = [0, 0], sizes = [4096, 512], strides = [1, 1]} : vector<4096x1024xi32> to vector<4096x512xi32>
    %slice3A_115 = vector.extract_strided_slice %bitcast_convert_type3A {offsets = [0, 512], sizes = [4096, 512], strides = [1, 1]} : vector<4096x1024xi32> to vector<4096x512xi32>
    %add3A_116 = arith.constant 32767 : i32
    %add3A_117 = vector.broadcast %add3A_116 : i32 to vector<4096x512xi32>
    %add3A_118 = arith.addi %slice3A_114, %add3A_117 : vector<4096x512xi32>
    %shift_right_logical3A = arith.constant 16 : i32
    %shift_right_logical3A_119 = vector.broadcast %shift_right_logical3A : i32 to vector<4096x512xi32>
    %shift_right_logical3A_120 = arith.shrui %slice3A_114, %shift_right_logical3A_119 : vector<4096x512xi32>
    %and3A = arith.constant 1 : i32
    %and3A_121 = vector.broadcast %and3A : i32 to vector<4096x512xi32>
    %and3A_122 = arith.andi %shift_right_logical3A_120, %and3A_121 : vector<4096x512xi32>
    %add3A_123 = arith.addi %add3A_118, %and3A_122 : vector<4096x512xi32>
    %shift_right_logical3A_124 = arith.constant 16 : i32
    %shift_right_logical3A_125 = vector.broadcast %shift_right_logical3A_124 : i32 to vector<4096x512xi32>
    %shift_right_logical3A_126 = arith.shrui %add3A_123, %shift_right_logical3A_125 : vector<4096x512xi32>
    %add3A_127 = arith.constant 32767 : i32
    %add3A_128 = vector.broadcast %add3A_127 : i32 to vector<4096x512xi32>
    %add3A_129 = arith.addi %slice3A_115, %add3A_128 : vector<4096x512xi32>
    %shift_right_logical3A_130 = arith.constant 16 : i32
    %shift_right_logical3A_131 = vector.broadcast %shift_right_logical3A_130 : i32 to vector<4096x512xi32>
    %shift_right_logical3A_132 = arith.shrui %slice3A_115, %shift_right_logical3A_131 : vector<4096x512xi32>
    %and3A_133 = arith.constant 1 : i32
    %and3A_134 = vector.broadcast %and3A_133 : i32 to vector<4096x512xi32>
    %and3A_135 = arith.andi %shift_right_logical3A_132, %and3A_134 : vector<4096x512xi32>
    %add3A_136 = arith.addi %add3A_129, %and3A_135 : vector<4096x512xi32>
    %shift_right_logical3A_137 = arith.constant 16 : i32
    %shift_right_logical3A_138 = vector.broadcast %shift_right_logical3A_137 : i32 to vector<4096x512xi32>
    %shift_right_logical3A_139 = arith.shrui %add3A_136, %shift_right_logical3A_138 : vector<4096x512xi32>
    %shift_left3A = arith.constant 16 : i32
    %shift_left3A_140 = vector.broadcast %shift_left3A : i32 to vector<4096x512xi32>
    %shift_left3A_141 = arith.shli %shift_right_logical3A_139, %shift_left3A_140 : vector<4096x512xi32>
    %or3A = arith.ori %shift_right_logical3A_126, %shift_left3A_141 : vector<4096x512xi32>
    %bitcast_convert_type3A_142 = tpu.bitcast %or3A : vector<4096x512xi32> -> vector<4096x512xf32>
    %swap3A_143 = arith.constant 0 : index
    %swap3A_144 = arith.constant 0 : index
    %swap3A_145 = vector.load %arg5[%swap3A_143, %swap3A_144] : memref<4096x512xf32, #tpu.memory_space<vmem>>, vector<4096x512xf32>
    tpu.vector_store %arg5[%swap3A_143, %swap3A_144], %bitcast_convert_type3A_142 {strides = array<i32>} : memref<4096x512xf32, #tpu.memory_space<vmem>>, vector<4096x512xf32>,
    %convert_element_type3A = arith.extui %eq3A_16 : vector<4096x8xi1> to vector<4096x8xi32>
    %convert_element_type3A_146 = arith.sitofp %convert_element_type3A : vector<4096x8xi32> to vector<4096x8xf32>
    %convert_element_type3A_147 = arith.extui %eq3A_32 : vector<4096x8xi1> to vector<4096x8xi32>
    %convert_element_type3A_148 = arith.sitofp %convert_element_type3A_147 : vector<4096x8xi32> to vector<4096x8xf32>
    %iota3A_149 = tpu.iota {dimensions = array<i32: 0>} : vector<512x512xi32>
    %iota3A_150 = tpu.iota {dimensions = array<i32: 1>} : vector<512x512xi32>
    %lt3A = arith.cmpi slt, %iota3A_150, %iota3A_149 : vector<512x512xi32>
    %convert_element_type3A_151 = arith.extui %lt3A : vector<512x512xi1> to vector<512x512xi32>
    %convert_element_type3A_152 = arith.sitofp %convert_element_type3A_151 : vector<512x512xi32> to vector<512x512xf32>
    %broadcast_in_dim3A_153 = arith.constant 0.000000e+00 : f32
    %broadcast_in_dim3A_154 = vector.broadcast %broadcast_in_dim3A_153 : f32 to vector<1x8xf32>
    %slice3A_155 = vector.extract_strided_slice %convert_element_type3A_146 {offsets = [0, 0], sizes = [512, 8], strides = [1, 1]} : vector<4096x8xf32> to vector<512x8xf32>
    %dot_general3A_156 = arith.constant dense<0.000000e+00> : vector<512x8xf32>
    %dot_general3A_157 = tpu.matmul %convert_element_type3A_152, %slice3A_155, %dot_general3A_156 {dimension_numbers = #tpu.dot_dimension_numbers<[1], [0], [0], [1], [0, 0, 1, 1], [], []>, transpose_lhs_hint = false} : vector<512x512xf32>, vector<512x8xf32>, vector<512x8xf32> -> vector<512x8xf32>
    %add3A_158 = vector.broadcast %broadcast_in_dim3A_154 : vector<1x8xf32> to vector<512x8xf32>
    %add3A_159 = arith.addf %dot_general3A_157, %add3A_158 : vector<512x8xf32>
    %mul3A = arith.mulf %slice3A_155, %add3A_159 : vector<512x8xf32>
    %reduce_sum3A = arith.constant dense<0.000000e+00> : vector<512xf32>
    %reduce_sum3A_160 = vector.multi_reduction <add>, %mul3A, %reduce_sum3A [1] : vector<512x8xf32> to vector<512xf32>
    %broadcast_in_dim3A_161 = vector.shape_cast %reduce_sum3A_160 : vector<512xf32> to vector<512x1xf32>
    %reduce_sum3A_162 = arith.constant dense<0.000000e+00> : vector<8xf32>
    %reduce_sum3A_163 = vector.multi_reduction <add>, %slice3A_155, %reduce_sum3A_162 [0] : vector<512x8xf32> to vector<8xf32>
    %broadcast_in_dim3A_164 = vector.shape_cast %reduce_sum3A_163 : vector<8xf32> to vector<1x8xf32>
    %add3A_165 = arith.addf %broadcast_in_dim3A_154, %broadcast_in_dim3A_164 : vector<1x8xf32>
    %slice3A_166 = vector.extract_strided_slice %convert_element_type3A_146 {offsets = [512, 0], sizes = [512, 8], strides = [1, 1]} : vector<4096x8xf32> to vector<512x8xf32>
    %dot_general3A_167 = arith.constant dense<0.000000e+00> : vector<512x8xf32>
    %dot_general3A_168 = tpu.matmul %convert_element_type3A_152, %slice3A_166, %dot_general3A_167 {dimension_numbers = #tpu.dot_dimension_numbers<[1], [0], [0], [1], [0, 0, 1, 1], [], []>, transpose_lhs_hint = false} : vector<512x512xf32>, vector<512x8xf32>, vector<512x8xf32> -> vector<512x8xf32>
    %add3A_169 = vector.broadcast %add3A_165 : vector<1x8xf32> to vector<512x8xf32>
    %add3A_170 = arith.addf %dot_general3A_168, %add3A_169 : vector<512x8xf32>
    %mul3A_171 = arith.mulf %slice3A_166, %add3A_170 : vector<512x8xf32>
    %reduce_sum3A_172 = arith.constant dense<0.000000e+00> : vector<512xf32>
    %reduce_sum3A_173 = vector.multi_reduction <add>, %mul3A_171, %reduce_sum3A_172 [1] : vector<512x8xf32> to vector<512xf32>
    %broadcast_in_dim3A_174 = vector.shape_cast %reduce_sum3A_173 : vector<512xf32> to vector<512x1xf32>
    %reduce_sum3A_175 = arith.constant dense<0.000000e+00> : vector<8xf32>
    %reduce_sum3A_176 = vector.multi_reduction <add>, %slice3A_166, %reduce_sum3A_175 [0] : vector<512x8xf32> to vector<8xf32>
    %broadcast_in_dim3A_177 = vector.shape_cast %reduce_sum3A_176 : vector<8xf32> to vector<1x8xf32>
    %add3A_178 = arith.addf %add3A_165, %broadcast_in_dim3A_177 : vector<1x8xf32>
    %slice3A_179 = vector.extract_strided_slice %convert_element_type3A_146 {offsets = [1024, 0], sizes = [512, 8], strides = [1, 1]} : vector<4096x8xf32> to vector<512x8xf32>
    %dot_general3A_180 = arith.constant dense<0.000000e+00> : vector<512x8xf32>
    %dot_general3A_181 = tpu.matmul %convert_element_type3A_152, %slice3A_179, %dot_general3A_180 {dimension_numbers = #tpu.dot_dimension_numbers<[1], [0], [0], [1], [0, 0, 1, 1], [], []>, transpose_lhs_hint = false} : vector<512x512xf32>, vector<512x8xf32>, vector<512x8xf32> -> vector<512x8xf32>
    %add3A_182 = vector.broadcast %add3A_178 : vector<1x8xf32> to vector<512x8xf32>
    %add3A_183 = arith.addf %dot_general3A_181, %add3A_182 : vector<512x8xf32>
    %mul3A_184 = arith.mulf %slice3A_179, %add3A_183 : vector<512x8xf32>
    %reduce_sum3A_185 = arith.constant dense<0.000000e+00> : vector<512xf32>
    %reduce_sum3A_186 = vector.multi_reduction <add>, %mul3A_184, %reduce_sum3A_185 [1] : vector<512x8xf32> to vector<512xf32>
    %broadcast_in_dim3A_187 = vector.shape_cast %reduce_sum3A_186 : vector<512xf32> to vector<512x1xf32>
    %reduce_sum3A_188 = arith.constant dense<0.000000e+00> : vector<8xf32>
    %reduce_sum3A_189 = vector.multi_reduction <add>, %slice3A_179, %reduce_sum3A_188 [0] : vector<512x8xf32> to vector<8xf32>
    %broadcast_in_dim3A_190 = vector.shape_cast %reduce_sum3A_189 : vector<8xf32> to vector<1x8xf32>
    %add3A_191 = arith.addf %add3A_178, %broadcast_in_dim3A_190 : vector<1x8xf32>
    %slice3A_192 = vector.extract_strided_slice %convert_element_type3A_146 {offsets = [1536, 0], sizes = [512, 8], strides = [1, 1]} : vector<4096x8xf32> to vector<512x8xf32>
    %dot_general3A_193 = arith.constant dense<0.000000e+00> : vector<512x8xf32>
    %dot_general3A_194 = tpu.matmul %convert_element_type3A_152, %slice3A_192, %dot_general3A_193 {dimension_numbers = #tpu.dot_dimension_numbers<[1], [0], [0], [1], [0, 0, 1, 1], [], []>, transpose_lhs_hint = false} : vector<512x512xf32>, vector<512x8xf32>, vector<512x8xf32> -> vector<512x8xf32>
    %add3A_195 = vector.broadcast %add3A_191 : vector<1x8xf32> to vector<512x8xf32>
    %add3A_196 = arith.addf %dot_general3A_194, %add3A_195 : vector<512x8xf32>
    %mul3A_197 = arith.mulf %slice3A_192, %add3A_196 : vector<512x8xf32>
    %reduce_sum3A_198 = arith.constant dense<0.000000e+00> : vector<512xf32>
    %reduce_sum3A_199 = vector.multi_reduction <add>, %mul3A_197, %reduce_sum3A_198 [1] : vector<512x8xf32> to vector<512xf32>
    %broadcast_in_dim3A_200 = vector.shape_cast %reduce_sum3A_199 : vector<512xf32> to vector<512x1xf32>
    %reduce_sum3A_201 = arith.constant dense<0.000000e+00> : vector<8xf32>
    %reduce_sum3A_202 = vector.multi_reduction <add>, %slice3A_192, %reduce_sum3A_201 [0] : vector<512x8xf32> to vector<8xf32>
    %broadcast_in_dim3A_203 = vector.shape_cast %reduce_sum3A_202 : vector<8xf32> to vector<1x8xf32>
    %add3A_204 = arith.addf %add3A_191, %broadcast_in_dim3A_203 : vector<1x8xf32>
    %slice3A_205 = vector.extract_strided_slice %convert_element_type3A_146 {offsets = [2048, 0], sizes = [512, 8], strides = [1, 1]} : vector<4096x8xf32> to vector<512x8xf32>
    %dot_general3A_206 = arith.constant dense<0.000000e+00> : vector<512x8xf32>
    %dot_general3A_207 = tpu.matmul %convert_element_type3A_152, %slice3A_205, %dot_general3A_206 {dimension_numbers = #tpu.dot_dimension_numbers<[1], [0], [0], [1], [0, 0, 1, 1], [], []>, transpose_lhs_hint = false} : vector<512x512xf32>, vector<512x8xf32>, vector<512x8xf32> -> vector<512x8xf32>
    %add3A_208 = vector.broadcast %add3A_204 : vector<1x8xf32> to vector<512x8xf32>
    %add3A_209 = arith.addf %dot_general3A_207, %add3A_208 : vector<512x8xf32>
    %mul3A_210 = arith.mulf %slice3A_205, %add3A_209 : vector<512x8xf32>
    %reduce_sum3A_211 = arith.constant dense<0.000000e+00> : vector<512xf32>
    %reduce_sum3A_212 = vector.multi_reduction <add>, %mul3A_210, %reduce_sum3A_211 [1] : vector<512x8xf32> to vector<512xf32>
    %broadcast_in_dim3A_213 = vector.shape_cast %reduce_sum3A_212 : vector<512xf32> to vector<512x1xf32>
    %reduce_sum3A_214 = arith.constant dense<0.000000e+00> : vector<8xf32>
    %reduce_sum3A_215 = vector.multi_reduction <add>, %slice3A_205, %reduce_sum3A_214 [0] : vector<512x8xf32> to vector<8xf32>
    %broadcast_in_dim3A_216 = vector.shape_cast %reduce_sum3A_215 : vector<8xf32> to vector<1x8xf32>
    %add3A_217 = arith.addf %add3A_204, %broadcast_in_dim3A_216 : vector<1x8xf32>
    %slice3A_218 = vector.extract_strided_slice %convert_element_type3A_146 {offsets = [2560, 0], sizes = [512, 8], strides = [1, 1]} : vector<4096x8xf32> to vector<512x8xf32>
    %dot_general3A_219 = arith.constant dense<0.000000e+00> : vector<512x8xf32>
    %dot_general3A_220 = tpu.matmul %convert_element_type3A_152, %slice3A_218, %dot_general3A_219 {dimension_numbers = #tpu.dot_dimension_numbers<[1], [0], [0], [1], [0, 0, 1, 1], [], []>, transpose_lhs_hint = false} : vector<512x512xf32>, vector<512x8xf32>, vector<512x8xf32> -> vector<512x8xf32>
    %add3A_221 = vector.broadcast %add3A_217 : vector<1x8xf32> to vector<512x8xf32>
    %add3A_222 = arith.addf %dot_general3A_220, %add3A_221 : vector<512x8xf32>
    %mul3A_223 = arith.mulf %slice3A_218, %add3A_222 : vector<512x8xf32>
    %reduce_sum3A_224 = arith.constant dense<0.000000e+00> : vector<512xf32>
    %reduce_sum3A_225 = vector.multi_reduction <add>, %mul3A_223, %reduce_sum3A_224 [1] : vector<512x8xf32> to vector<512xf32>
    %broadcast_in_dim3A_226 = vector.shape_cast %reduce_sum3A_225 : vector<512xf32> to vector<512x1xf32>
    %reduce_sum3A_227 = arith.constant dense<0.000000e+00> : vector<8xf32>
    %reduce_sum3A_228 = vector.multi_reduction <add>, %slice3A_218, %reduce_sum3A_227 [0] : vector<512x8xf32> to vector<8xf32>
    %broadcast_in_dim3A_229 = vector.shape_cast %reduce_sum3A_228 : vector<8xf32> to vector<1x8xf32>
    %add3A_230 = arith.addf %add3A_217, %broadcast_in_dim3A_229 : vector<1x8xf32>
    %slice3A_231 = vector.extract_strided_slice %convert_element_type3A_146 {offsets = [3072, 0], sizes = [512, 8], strides = [1, 1]} : vector<4096x8xf32> to vector<512x8xf32>
    %dot_general3A_232 = arith.constant dense<0.000000e+00> : vector<512x8xf32>
    %dot_general3A_233 = tpu.matmul %convert_element_type3A_152, %slice3A_231, %dot_general3A_232 {dimension_numbers = #tpu.dot_dimension_numbers<[1], [0], [0], [1], [0, 0, 1, 1], [], []>, transpose_lhs_hint = false} : vector<512x512xf32>, vector<512x8xf32>, vector<512x8xf32> -> vector<512x8xf32>
    %add3A_234 = vector.broadcast %add3A_230 : vector<1x8xf32> to vector<512x8xf32>
    %add3A_235 = arith.addf %dot_general3A_233, %add3A_234 : vector<512x8xf32>
    %mul3A_236 = arith.mulf %slice3A_231, %add3A_235 : vector<512x8xf32>
    %reduce_sum3A_237 = arith.constant dense<0.000000e+00> : vector<512xf32>
    %reduce_sum3A_238 = vector.multi_reduction <add>, %mul3A_236, %reduce_sum3A_237 [1] : vector<512x8xf32> to vector<512xf32>
    %broadcast_in_dim3A_239 = vector.shape_cast %reduce_sum3A_238 : vector<512xf32> to vector<512x1xf32>
    %reduce_sum3A_240 = arith.constant dense<0.000000e+00> : vector<8xf32>
    %reduce_sum3A_241 = vector.multi_reduction <add>, %slice3A_231, %reduce_sum3A_240 [0] : vector<512x8xf32> to vector<8xf32>
    %broadcast_in_dim3A_242 = vector.shape_cast %reduce_sum3A_241 : vector<8xf32> to vector<1x8xf32>
    %add3A_243 = arith.addf %add3A_230, %broadcast_in_dim3A_242 : vector<1x8xf32>
    %slice3A_244 = vector.extract_strided_slice %convert_element_type3A_146 {offsets = [3584, 0], sizes = [512, 8], strides = [1, 1]} : vector<4096x8xf32> to vector<512x8xf32>
    %dot_general3A_245 = arith.constant dense<0.000000e+00> : vector<512x8xf32>
    %dot_general3A_246 = tpu.matmul %convert_element_type3A_152, %slice3A_244, %dot_general3A_245 {dimension_numbers = #tpu.dot_dimension_numbers<[1], [0], [0], [1], [0, 0, 1, 1], [], []>, transpose_lhs_hint = false} : vector<512x512xf32>, vector<512x8xf32>, vector<512x8xf32> -> vector<512x8xf32>
    %add3A_247 = vector.broadcast %add3A_243 : vector<1x8xf32> to vector<512x8xf32>
    %add3A_248 = arith.addf %dot_general3A_246, %add3A_247 : vector<512x8xf32>
    %mul3A_249 = arith.mulf %slice3A_244, %add3A_248 : vector<512x8xf32>
    %reduce_sum3A_250 = arith.constant dense<0.000000e+00> : vector<512xf32>
    %reduce_sum3A_251 = vector.multi_reduction <add>, %mul3A_249, %reduce_sum3A_250 [1] : vector<512x8xf32> to vector<512xf32>
    %broadcast_in_dim3A_252 = vector.shape_cast %reduce_sum3A_251 : vector<512xf32> to vector<512x1xf32>
    %reduce_sum3A_253 = arith.constant dense<0.000000e+00> : vector<8xf32>
    %reduce_sum3A_254 = vector.multi_reduction <add>, %slice3A_244, %reduce_sum3A_253 [0] : vector<512x8xf32> to vector<8xf32>
    %broadcast_in_dim3A_255 = vector.shape_cast %reduce_sum3A_254 : vector<8xf32> to vector<1x8xf32>
    %add3A_256 = arith.addf %add3A_243, %broadcast_in_dim3A_255 : vector<1x8xf32>
    %broadcast_in_dim3A_257 = arith.constant 0.000000e+00 : f32
    %broadcast_in_dim3A_258 = vector.broadcast %broadcast_in_dim3A_257 : f32 to vector<1x8xf32>
    %slice3A_259 = vector.extract_strided_slice %convert_element_type3A_148 {offsets = [0, 0], sizes = [512, 8], strides = [1, 1]} : vector<4096x8xf32> to vector<512x8xf32>
    %dot_general3A_260 = arith.constant dense<0.000000e+00> : vector<512x8xf32>
    %dot_general3A_261 = tpu.matmul %convert_element_type3A_152, %slice3A_259, %dot_general3A_260 {dimension_numbers = #tpu.dot_dimension_numbers<[1], [0], [0], [1], [0, 0, 1, 1], [], []>, transpose_lhs_hint = false} : vector<512x512xf32>, vector<512x8xf32>, vector<512x8xf32> -> vector<512x8xf32>
    %add3A_262 = vector.broadcast %broadcast_in_dim3A_258 : vector<1x8xf32> to vector<512x8xf32>
    %add3A_263 = arith.addf %dot_general3A_261, %add3A_262 : vector<512x8xf32>
    %mul3A_264 = arith.mulf %slice3A_259, %add3A_263 : vector<512x8xf32>
    %reduce_sum3A_265 = arith.constant dense<0.000000e+00> : vector<512xf32>
    %reduce_sum3A_266 = vector.multi_reduction <add>, %mul3A_264, %reduce_sum3A_265 [1] : vector<512x8xf32> to vector<512xf32>
    %broadcast_in_dim3A_267 = vector.shape_cast %reduce_sum3A_266 : vector<512xf32> to vector<512x1xf32>
    %reduce_sum3A_268 = arith.constant dense<0.000000e+00> : vector<8xf32>
    %reduce_sum3A_269 = vector.multi_reduction <add>, %slice3A_259, %reduce_sum3A_268 [0] : vector<512x8xf32> to vector<8xf32>
    %broadcast_in_dim3A_270 = vector.shape_cast %reduce_sum3A_269 : vector<8xf32> to vector<1x8xf32>
    %add3A_271 = arith.addf %broadcast_in_dim3A_258, %broadcast_in_dim3A_270 : vector<1x8xf32>
    %slice3A_272 = vector.extract_strided_slice %convert_element_type3A_148 {offsets = [512, 0], sizes = [512, 8], strides = [1, 1]} : vector<4096x8xf32> to vector<512x8xf32>
    %dot_general3A_273 = arith.constant dense<0.000000e+00> : vector<512x8xf32>
    %dot_general3A_274 = tpu.matmul %convert_element_type3A_152, %slice3A_272, %dot_general3A_273 {dimension_numbers = #tpu.dot_dimension_numbers<[1], [0], [0], [1], [0, 0, 1, 1], [], []>, transpose_lhs_hint = false} : vector<512x512xf32>, vector<512x8xf32>, vector<512x8xf32> -> vector<512x8xf32>
    %add3A_275 = vector.broadcast %add3A_271 : vector<1x8xf32> to vector<512x8xf32>
    %add3A_276 = arith.addf %dot_general3A_274, %add3A_275 : vector<512x8xf32>
    %mul3A_277 = arith.mulf %slice3A_272, %add3A_276 : vector<512x8xf32>
    %reduce_sum3A_278 = arith.constant dense<0.000000e+00> : vector<512xf32>
    %reduce_sum3A_279 = vector.multi_reduction <add>, %mul3A_277, %reduce_sum3A_278 [1] : vector<512x8xf32> to vector<512xf32>
    %broadcast_in_dim3A_280 = vector.shape_cast %reduce_sum3A_279 : vector<512xf32> to vector<512x1xf32>
    %reduce_sum3A_281 = arith.constant dense<0.000000e+00> : vector<8xf32>
    %reduce_sum3A_282 = vector.multi_reduction <add>, %slice3A_272, %reduce_sum3A_281 [0] : vector<512x8xf32> to vector<8xf32>
    %broadcast_in_dim3A_283 = vector.shape_cast %reduce_sum3A_282 : vector<8xf32> to vector<1x8xf32>
    %add3A_284 = arith.addf %add3A_271, %broadcast_in_dim3A_283 : vector<1x8xf32>
    %slice3A_285 = vector.extract_strided_slice %convert_element_type3A_148 {offsets = [1024, 0], sizes = [512, 8], strides = [1, 1]} : vector<4096x8xf32> to vector<512x8xf32>
    %dot_general3A_286 = arith.constant dense<0.000000e+00> : vector<512x8xf32>
    %dot_general3A_287 = tpu.matmul %convert_element_type3A_152, %slice3A_285, %dot_general3A_286 {dimension_numbers = #tpu.dot_dimension_numbers<[1], [0], [0], [1], [0, 0, 1, 1], [], []>, transpose_lhs_hint = false} : vector<512x512xf32>, vector<512x8xf32>, vector<512x8xf32> -> vector<512x8xf32>
    %add3A_288 = vector.broadcast %add3A_284 : vector<1x8xf32> to vector<512x8xf32>
    %add3A_289 = arith.addf %dot_general3A_287, %add3A_288 : vector<512x8xf32>
    %mul3A_290 = arith.mulf %slice3A_285, %add3A_289 : vector<512x8xf32>
    %reduce_sum3A_291 = arith.constant dense<0.000000e+00> : vector<512xf32>
    %reduce_sum3A_292 = vector.multi_reduction <add>, %mul3A_290, %reduce_sum3A_291 [1] : vector<512x8xf32> to vector<512xf32>
    %broadcast_in_dim3A_293 = vector.shape_cast %reduce_sum3A_292 : vector<512xf32> to vector<512x1xf32>
    %reduce_sum3A_294 = arith.constant dense<0.000000e+00> : vector<8xf32>
    %reduce_sum3A_295 = vector.multi_reduction <add>, %slice3A_285, %reduce_sum3A_294 [0] : vector<512x8xf32> to vector<8xf32>
    %broadcast_in_dim3A_296 = vector.shape_cast %reduce_sum3A_295 : vector<8xf32> to vector<1x8xf32>
    %add3A_297 = arith.addf %add3A_284, %broadcast_in_dim3A_296 : vector<1x8xf32>
    %slice3A_298 = vector.extract_strided_slice %convert_element_type3A_148 {offsets = [1536, 0], sizes = [512, 8], strides = [1, 1]} : vector<4096x8xf32> to vector<512x8xf32>
    %dot_general3A_299 = arith.constant dense<0.000000e+00> : vector<512x8xf32>
    %dot_general3A_300 = tpu.matmul %convert_element_type3A_152, %slice3A_298, %dot_general3A_299 {dimension_numbers = #tpu.dot_dimension_numbers<[1], [0], [0], [1], [0, 0, 1, 1], [], []>, transpose_lhs_hint = false} : vector<512x512xf32>, vector<512x8xf32>, vector<512x8xf32> -> vector<512x8xf32>
    %add3A_301 = vector.broadcast %add3A_297 : vector<1x8xf32> to vector<512x8xf32>
    %add3A_302 = arith.addf %dot_general3A_300, %add3A_301 : vector<512x8xf32>
    %mul3A_303 = arith.mulf %slice3A_298, %add3A_302 : vector<512x8xf32>
    %reduce_sum3A_304 = arith.constant dense<0.000000e+00> : vector<512xf32>
    %reduce_sum3A_305 = vector.multi_reduction <add>, %mul3A_303, %reduce_sum3A_304 [1] : vector<512x8xf32> to vector<512xf32>
    %broadcast_in_dim3A_306 = vector.shape_cast %reduce_sum3A_305 : vector<512xf32> to vector<512x1xf32>
    %reduce_sum3A_307 = arith.constant dense<0.000000e+00> : vector<8xf32>
    %reduce_sum3A_308 = vector.multi_reduction <add>, %slice3A_298, %reduce_sum3A_307 [0] : vector<512x8xf32> to vector<8xf32>
    %broadcast_in_dim3A_309 = vector.shape_cast %reduce_sum3A_308 : vector<8xf32> to vector<1x8xf32>
    %add3A_310 = arith.addf %add3A_297, %broadcast_in_dim3A_309 : vector<1x8xf32>
    %slice3A_311 = vector.extract_strided_slice %convert_element_type3A_148 {offsets = [2048, 0], sizes = [512, 8], strides = [1, 1]} : vector<4096x8xf32> to vector<512x8xf32>
    %dot_general3A_312 = arith.constant dense<0.000000e+00> : vector<512x8xf32>
    %dot_general3A_313 = tpu.matmul %convert_element_type3A_152, %slice3A_311, %dot_general3A_312 {dimension_numbers = #tpu.dot_dimension_numbers<[1], [0], [0], [1], [0, 0, 1, 1], [], []>, transpose_lhs_hint = false} : vector<512x512xf32>, vector<512x8xf32>, vector<512x8xf32> -> vector<512x8xf32>
    %add3A_314 = vector.broadcast %add3A_310 : vector<1x8xf32> to vector<512x8xf32>
    %add3A_315 = arith.addf %dot_general3A_313, %add3A_314 : vector<512x8xf32>
    %mul3A_316 = arith.mulf %slice3A_311, %add3A_315 : vector<512x8xf32>
    %reduce_sum3A_317 = arith.constant dense<0.000000e+00> : vector<512xf32>
    %reduce_sum3A_318 = vector.multi_reduction <add>, %mul3A_316, %reduce_sum3A_317 [1] : vector<512x8xf32> to vector<512xf32>
    %broadcast_in_dim3A_319 = vector.shape_cast %reduce_sum3A_318 : vector<512xf32> to vector<512x1xf32>
    %reduce_sum3A_320 = arith.constant dense<0.000000e+00> : vector<8xf32>
    %reduce_sum3A_321 = vector.multi_reduction <add>, %slice3A_311, %reduce_sum3A_320 [0] : vector<512x8xf32> to vector<8xf32>
    %broadcast_in_dim3A_322 = vector.shape_cast %reduce_sum3A_321 : vector<8xf32> to vector<1x8xf32>
    %add3A_323 = arith.addf %add3A_310, %broadcast_in_dim3A_322 : vector<1x8xf32>
    %slice3A_324 = vector.extract_strided_slice %convert_element_type3A_148 {offsets = [2560, 0], sizes = [512, 8], strides = [1, 1]} : vector<4096x8xf32> to vector<512x8xf32>
    %dot_general3A_325 = arith.constant dense<0.000000e+00> : vector<512x8xf32>
    %dot_general3A_326 = tpu.matmul %convert_element_type3A_152, %slice3A_324, %dot_general3A_325 {dimension_numbers = #tpu.dot_dimension_numbers<[1], [0], [0], [1], [0, 0, 1, 1], [], []>, transpose_lhs_hint = false} : vector<512x512xf32>, vector<512x8xf32>, vector<512x8xf32> -> vector<512x8xf32>
    %add3A_327 = vector.broadcast %add3A_323 : vector<1x8xf32> to vector<512x8xf32>
    %add3A_328 = arith.addf %dot_general3A_326, %add3A_327 : vector<512x8xf32>
    %mul3A_329 = arith.mulf %slice3A_324, %add3A_328 : vector<512x8xf32>
    %reduce_sum3A_330 = arith.constant dense<0.000000e+00> : vector<512xf32>
    %reduce_sum3A_331 = vector.multi_reduction <add>, %mul3A_329, %reduce_sum3A_330 [1] : vector<512x8xf32> to vector<512xf32>
    %broadcast_in_dim3A_332 = vector.shape_cast %reduce_sum3A_331 : vector<512xf32> to vector<512x1xf32>
    %reduce_sum3A_333 = arith.constant dense<0.000000e+00> : vector<8xf32>
    %reduce_sum3A_334 = vector.multi_reduction <add>, %slice3A_324, %reduce_sum3A_333 [0] : vector<512x8xf32> to vector<8xf32>
    %broadcast_in_dim3A_335 = vector.shape_cast %reduce_sum3A_334 : vector<8xf32> to vector<1x8xf32>
    %add3A_336 = arith.addf %add3A_323, %broadcast_in_dim3A_335 : vector<1x8xf32>
    %slice3A_337 = vector.extract_strided_slice %convert_element_type3A_148 {offsets = [3072, 0], sizes = [512, 8], strides = [1, 1]} : vector<4096x8xf32> to vector<512x8xf32>
    %dot_general3A_338 = arith.constant dense<0.000000e+00> : vector<512x8xf32>
    %dot_general3A_339 = tpu.matmul %convert_element_type3A_152, %slice3A_337, %dot_general3A_338 {dimension_numbers = #tpu.dot_dimension_numbers<[1], [0], [0], [1], [0, 0, 1, 1], [], []>, transpose_lhs_hint = false} : vector<512x512xf32>, vector<512x8xf32>, vector<512x8xf32> -> vector<512x8xf32>
    %add3A_340 = vector.broadcast %add3A_336 : vector<1x8xf32> to vector<512x8xf32>
    %add3A_341 = arith.addf %dot_general3A_339, %add3A_340 : vector<512x8xf32>
    %mul3A_342 = arith.mulf %slice3A_337, %add3A_341 : vector<512x8xf32>
    %reduce_sum3A_343 = arith.constant dense<0.000000e+00> : vector<512xf32>
    %reduce_sum3A_344 = vector.multi_reduction <add>, %mul3A_342, %reduce_sum3A_343 [1] : vector<512x8xf32> to vector<512xf32>
    %broadcast_in_dim3A_345 = vector.shape_cast %reduce_sum3A_344 : vector<512xf32> to vector<512x1xf32>
    %reduce_sum3A_346 = arith.constant dense<0.000000e+00> : vector<8xf32>
    %reduce_sum3A_347 = vector.multi_reduction <add>, %slice3A_337, %reduce_sum3A_346 [0] : vector<512x8xf32> to vector<8xf32>
    %broadcast_in_dim3A_348 = vector.shape_cast %reduce_sum3A_347 : vector<8xf32> to vector<1x8xf32>
    %add3A_349 = arith.addf %add3A_336, %broadcast_in_dim3A_348 : vector<1x8xf32>
    %slice3A_350 = vector.extract_strided_slice %convert_element_type3A_148 {offsets = [3584, 0], sizes = [512, 8], strides = [1, 1]} : vector<4096x8xf32> to vector<512x8xf32>
    %dot_general3A_351 = arith.constant dense<0.000000e+00> : vector<512x8xf32>
    %dot_general3A_352 = tpu.matmul %convert_element_type3A_152, %slice3A_350, %dot_general3A_351 {dimension_numbers = #tpu.dot_dimension_numbers<[1], [0], [0], [1], [0, 0, 1, 1], [], []>, transpose_lhs_hint = false} : vector<512x512xf32>, vector<512x8xf32>, vector<512x8xf32> -> vector<512x8xf32>
    %add3A_353 = vector.broadcast %add3A_349 : vector<1x8xf32> to vector<512x8xf32>
    %add3A_354 = arith.addf %dot_general3A_352, %add3A_353 : vector<512x8xf32>
    %mul3A_355 = arith.mulf %slice3A_350, %add3A_354 : vector<512x8xf32>
    %reduce_sum3A_356 = arith.constant dense<0.000000e+00> : vector<512xf32>
    %reduce_sum3A_357 = vector.multi_reduction <add>, %mul3A_355, %reduce_sum3A_356 [1] : vector<512x8xf32> to vector<512xf32>
    %broadcast_in_dim3A_358 = vector.shape_cast %reduce_sum3A_357 : vector<512xf32> to vector<512x1xf32>
    %reduce_sum3A_359 = arith.constant dense<0.000000e+00> : vector<8xf32>
    %reduce_sum3A_360 = vector.multi_reduction <add>, %slice3A_350, %reduce_sum3A_359 [0] : vector<512x8xf32> to vector<8xf32>
    %broadcast_in_dim3A_361 = vector.shape_cast %reduce_sum3A_360 : vector<8xf32> to vector<1x8xf32>
    %add3A_362 = arith.addf %add3A_349, %broadcast_in_dim3A_361 : vector<1x8xf32>
    %add3A_363 = arith.addf %add3A_256, %add3A_362 : vector<1x8xf32>
    %add3A_364 = arith.constant 5.110000e+02 : f32
    %add3A_365 = vector.broadcast %add3A_364 : f32 to vector<1x8xf32>
    %add3A_366 = arith.addf %add3A_363, %add3A_365 : vector<1x8xf32>
    %div3A_367 = arith.constant 5.120000e+02 : f32
    %div3A_368 = vector.broadcast %div3A_367 : f32 to vector<1x8xf32>
    %div3A_369 = arith.divf %add3A_366, %div3A_368 : vector<1x8xf32>
    %floor3A = math.floor %div3A_369 : vector<1x8xf32>
    %mul3A_370 = arith.constant 5.120000e+02 : f32
    %mul3A_371 = vector.broadcast %mul3A_370 : f32 to vector<1x8xf32>
    %mul3A_372 = arith.mulf %floor3A, %mul3A_371 : vector<1x8xf32>
    %iota3A_373 = tpu.iota {dimensions = array<i32: 0>} : vector<8x8xi32>
    %iota3A_374 = tpu.iota {dimensions = array<i32: 1>} : vector<8x8xi32>
    %lt3A_375 = arith.cmpi slt, %iota3A_373, %iota3A_374 : vector<8x8xi32>
    %convert_element_type3A_376 = arith.extui %lt3A_375 : vector<8x8xi1> to vector<8x8xi32>
    %convert_element_type3A_377 = arith.sitofp %convert_element_type3A_376 : vector<8x8xi32> to vector<8x8xf32>
    %dot_general3A_378 = arith.constant dense<0.000000e+00> : vector<1x8xf32>
    %dot_general3A_379 = tpu.matmul %mul3A_372, %convert_element_type3A_377, %dot_general3A_378 {dimension_numbers = #tpu.dot_dimension_numbers<[1], [0], [0], [1], [0, 0, 1, 1], [], []>, transpose_lhs_hint = false} : vector<1x8xf32>, vector<8x8xf32>, vector<1x8xf32> -> vector<1x8xf32>
    %add3A_380 = arith.addf %dot_general3A_379, %add3A_256 : vector<1x8xf32>
    %mul3A_381 = vector.broadcast %dot_general3A_379 : vector<1x8xf32> to vector<512x8xf32>
    %mul3A_382 = arith.mulf %slice3A_155, %mul3A_381 : vector<512x8xf32>
    %reduce_sum3A_383 = arith.constant dense<0.000000e+00> : vector<512xf32>
    %reduce_sum3A_384 = vector.multi_reduction <add>, %mul3A_382, %reduce_sum3A_383 [1] : vector<512x8xf32> to vector<512xf32>
    %broadcast_in_dim3A_385 = vector.shape_cast %reduce_sum3A_384 : vector<512xf32> to vector<512x1xf32>
    %add3A_386 = arith.addf %broadcast_in_dim3A_385, %broadcast_in_dim3A_161 : vector<512x1xf32>
    %convert_element_type3A_387 = arith.fptosi %add3A_386 : vector<512x1xf32> to vector<512x1xi32>
    %reshape3A_388 = vector.shape_cast %convert_element_type3A_387 : vector<512x1xi32> to vector<4x128xi32>
    %swap3A_389 = arith.constant 0 : index
    %swap3A_390 = arith.constant 0 : index
    %swap3A_391 = vector.load %arg2[%swap3A_389, %swap3A_390] : memref<64x128xi32, #tpu.memory_space<vmem>>, vector<4x128xi32>
    tpu.vector_store %arg2[%swap3A_389, %swap3A_390], %reshape3A_388 {strides = array<i32>} : memref<64x128xi32, #tpu.memory_space<vmem>>, vector<4x128xi32>,
    %mul3A_392 = vector.broadcast %add3A_380 : vector<1x8xf32> to vector<512x8xf32>
    %mul3A_393 = arith.mulf %slice3A_259, %mul3A_392 : vector<512x8xf32>
    %reduce_sum3A_394 = arith.constant dense<0.000000e+00> : vector<512xf32>
    %reduce_sum3A_395 = vector.multi_reduction <add>, %mul3A_393, %reduce_sum3A_394 [1] : vector<512x8xf32> to vector<512xf32>
    %broadcast_in_dim3A_396 = vector.shape_cast %reduce_sum3A_395 : vector<512xf32> to vector<512x1xf32>
    %add3A_397 = arith.addf %broadcast_in_dim3A_396, %broadcast_in_dim3A_267 : vector<512x1xf32>
    %convert_element_type3A_398 = arith.fptosi %add3A_397 : vector<512x1xf32> to vector<512x1xi32>
    %reshape3A_399 = vector.shape_cast %convert_element_type3A_398 : vector<512x1xi32> to vector<4x128xi32>
    %swap3A_400 = arith.constant 32 : index
    %swap3A_401 = arith.constant 0 : index
    %swap3A_402 = vector.load %arg2[%swap3A_400, %swap3A_401] : memref<64x128xi32, #tpu.memory_space<vmem>>, vector<4x128xi32>
    tpu.vector_store %arg2[%swap3A_400, %swap3A_401], %reshape3A_399 {strides = array<i32>} : memref<64x128xi32, #tpu.memory_space<vmem>>, vector<4x128xi32>,
    %mul3A_403 = vector.broadcast %dot_general3A_379 : vector<1x8xf32> to vector<512x8xf32>
    %mul3A_404 = arith.mulf %slice3A_166, %mul3A_403 : vector<512x8xf32>
    %reduce_sum3A_405 = arith.constant dense<0.000000e+00> : vector<512xf32>
    %reduce_sum3A_406 = vector.multi_reduction <add>, %mul3A_404, %reduce_sum3A_405 [1] : vector<512x8xf32> to vector<512xf32>
    %broadcast_in_dim3A_407 = vector.shape_cast %reduce_sum3A_406 : vector<512xf32> to vector<512x1xf32>
    %add3A_408 = arith.addf %broadcast_in_dim3A_407, %broadcast_in_dim3A_174 : vector<512x1xf32>
    %convert_element_type3A_409 = arith.fptosi %add3A_408 : vector<512x1xf32> to vector<512x1xi32>
    %reshape3A_410 = vector.shape_cast %convert_element_type3A_409 : vector<512x1xi32> to vector<4x128xi32>
    %swap3A_411 = arith.constant 4 : index
    %swap3A_412 = arith.constant 0 : index
    %swap3A_413 = vector.load %arg2[%swap3A_411, %swap3A_412] : memref<64x128xi32, #tpu.memory_space<vmem>>, vector<4x128xi32>
    tpu.vector_store %arg2[%swap3A_411, %swap3A_412], %reshape3A_410 {strides = array<i32>} : memref<64x128xi32, #tpu.memory_space<vmem>>, vector<4x128xi32>,
    %mul3A_414 = vector.broadcast %add3A_380 : vector<1x8xf32> to vector<512x8xf32>
    %mul3A_415 = arith.mulf %slice3A_272, %mul3A_414 : vector<512x8xf32>
    %reduce_sum3A_416 = arith.constant dense<0.000000e+00> : vector<512xf32>
    %reduce_sum3A_417 = vector.multi_reduction <add>, %mul3A_415, %reduce_sum3A_416 [1] : vector<512x8xf32> to vector<512xf32>
    %broadcast_in_dim3A_418 = vector.shape_cast %reduce_sum3A_417 : vector<512xf32> to vector<512x1xf32>
    %add3A_419 = arith.addf %broadcast_in_dim3A_418, %broadcast_in_dim3A_280 : vector<512x1xf32>
    %convert_element_type3A_420 = arith.fptosi %add3A_419 : vector<512x1xf32> to vector<512x1xi32>
    %reshape3A_421 = vector.shape_cast %convert_element_type3A_420 : vector<512x1xi32> to vector<4x128xi32>
    %swap3A_422 = arith.constant 36 : index
    %swap3A_423 = arith.constant 0 : index
    %swap3A_424 = vector.load %arg2[%swap3A_422, %swap3A_423] : memref<64x128xi32, #tpu.memory_space<vmem>>, vector<4x128xi32>
    tpu.vector_store %arg2[%swap3A_422, %swap3A_423], %reshape3A_421 {strides = array<i32>} : memref<64x128xi32, #tpu.memory_space<vmem>>, vector<4x128xi32>,
    %mul3A_425 = vector.broadcast %dot_general3A_379 : vector<1x8xf32> to vector<512x8xf32>
    %mul3A_426 = arith.mulf %slice3A_179, %mul3A_425 : vector<512x8xf32>
    %reduce_sum3A_427 = arith.constant dense<0.000000e+00> : vector<512xf32>
    %reduce_sum3A_428 = vector.multi_reduction <add>, %mul3A_426, %reduce_sum3A_427 [1] : vector<512x8xf32> to vector<512xf32>
    %broadcast_in_dim3A_429 = vector.shape_cast %reduce_sum3A_428 : vector<512xf32> to vector<512x1xf32>
    %add3A_430 = arith.addf %broadcast_in_dim3A_429, %broadcast_in_dim3A_187 : vector<512x1xf32>
    %convert_element_type3A_431 = arith.fptosi %add3A_430 : vector<512x1xf32> to vector<512x1xi32>
    %reshape3A_432 = vector.shape_cast %convert_element_type3A_431 : vector<512x1xi32> to vector<4x128xi32>
    %swap3A_433 = arith.constant 8 : index
    %swap3A_434 = arith.constant 0 : index
    %swap3A_435 = vector.load %arg2[%swap3A_433, %swap3A_434] : memref<64x128xi32, #tpu.memory_space<vmem>>, vector<4x128xi32>
    tpu.vector_store %arg2[%swap3A_433, %swap3A_434], %reshape3A_432 {strides = array<i32>} : memref<64x128xi32, #tpu.memory_space<vmem>>, vector<4x128xi32>,
    %mul3A_436 = vector.broadcast %add3A_380 : vector<1x8xf32> to vector<512x8xf32>
    %mul3A_437 = arith.mulf %slice3A_285, %mul3A_436 : vector<512x8xf32>
    %reduce_sum3A_438 = arith.constant dense<0.000000e+00> : vector<512xf32>
    %reduce_sum3A_439 = vector.multi_reduction <add>, %mul3A_437, %reduce_sum3A_438 [1] : vector<512x8xf32> to vector<512xf32>
    %broadcast_in_dim3A_440 = vector.shape_cast %reduce_sum3A_439 : vector<512xf32> to vector<512x1xf32>
    %add3A_441 = arith.addf %broadcast_in_dim3A_440, %broadcast_in_dim3A_293 : vector<512x1xf32>
    %convert_element_type3A_442 = arith.fptosi %add3A_441 : vector<512x1xf32> to vector<512x1xi32>
    %reshape3A_443 = vector.shape_cast %convert_element_type3A_442 : vector<512x1xi32> to vector<4x128xi32>
    %swap3A_444 = arith.constant 40 : index
    %swap3A_445 = arith.constant 0 : index
    %swap3A_446 = vector.load %arg2[%swap3A_444, %swap3A_445] : memref<64x128xi32, #tpu.memory_space<vmem>>, vector<4x128xi32>
    tpu.vector_store %arg2[%swap3A_444, %swap3A_445], %reshape3A_443 {strides = array<i32>} : memref<64x128xi32, #tpu.memory_space<vmem>>, vector<4x128xi32>,
    %mul3A_447 = vector.broadcast %dot_general3A_379 : vector<1x8xf32> to vector<512x8xf32>
    %mul3A_448 = arith.mulf %slice3A_192, %mul3A_447 : vector<512x8xf32>
    %reduce_sum3A_449 = arith.constant dense<0.000000e+00> : vector<512xf32>
    %reduce_sum3A_450 = vector.multi_reduction <add>, %mul3A_448, %reduce_sum3A_449 [1] : vector<512x8xf32> to vector<512xf32>
    %broadcast_in_dim3A_451 = vector.shape_cast %reduce_sum3A_450 : vector<512xf32> to vector<512x1xf32>
    %add3A_452 = arith.addf %broadcast_in_dim3A_451, %broadcast_in_dim3A_200 : vector<512x1xf32>
    %convert_element_type3A_453 = arith.fptosi %add3A_452 : vector<512x1xf32> to vector<512x1xi32>
    %reshape3A_454 = vector.shape_cast %convert_element_type3A_453 : vector<512x1xi32> to vector<4x128xi32>
    %swap3A_455 = arith.constant 12 : index
    %swap3A_456 = arith.constant 0 : index
    %swap3A_457 = vector.load %arg2[%swap3A_455, %swap3A_456] : memref<64x128xi32, #tpu.memory_space<vmem>>, vector<4x128xi32>
    tpu.vector_store %arg2[%swap3A_455, %swap3A_456], %reshape3A_454 {strides = array<i32>} : memref<64x128xi32, #tpu.memory_space<vmem>>, vector<4x128xi32>,
    %mul3A_458 = vector.broadcast %add3A_380 : vector<1x8xf32> to vector<512x8xf32>
    %mul3A_459 = arith.mulf %slice3A_298, %mul3A_458 : vector<512x8xf32>
    %reduce_sum3A_460 = arith.constant dense<0.000000e+00> : vector<512xf32>
    %reduce_sum3A_461 = vector.multi_reduction <add>, %mul3A_459, %reduce_sum3A_460 [1] : vector<512x8xf32> to vector<512xf32>
    %broadcast_in_dim3A_462 = vector.shape_cast %reduce_sum3A_461 : vector<512xf32> to vector<512x1xf32>
    %add3A_463 = arith.addf %broadcast_in_dim3A_462, %broadcast_in_dim3A_306 : vector<512x1xf32>
    %convert_element_type3A_464 = arith.fptosi %add3A_463 : vector<512x1xf32> to vector<512x1xi32>
    %reshape3A_465 = vector.shape_cast %convert_element_type3A_464 : vector<512x1xi32> to vector<4x128xi32>
    %swap3A_466 = arith.constant 44 : index
    %swap3A_467 = arith.constant 0 : index
    %swap3A_468 = vector.load %arg2[%swap3A_466, %swap3A_467] : memref<64x128xi32, #tpu.memory_space<vmem>>, vector<4x128xi32>
    tpu.vector_store %arg2[%swap3A_466, %swap3A_467], %reshape3A_465 {strides = array<i32>} : memref<64x128xi32, #tpu.memory_space<vmem>>, vector<4x128xi32>,
    %mul3A_469 = vector.broadcast %dot_general3A_379 : vector<1x8xf32> to vector<512x8xf32>
    %mul3A_470 = arith.mulf %slice3A_205, %mul3A_469 : vector<512x8xf32>
    %reduce_sum3A_471 = arith.constant dense<0.000000e+00> : vector<512xf32>
    %reduce_sum3A_472 = vector.multi_reduction <add>, %mul3A_470, %reduce_sum3A_471 [1] : vector<512x8xf32> to vector<512xf32>
    %broadcast_in_dim3A_473 = vector.shape_cast %reduce_sum3A_472 : vector<512xf32> to vector<512x1xf32>
    %add3A_474 = arith.addf %broadcast_in_dim3A_473, %broadcast_in_dim3A_213 : vector<512x1xf32>
    %convert_element_type3A_475 = arith.fptosi %add3A_474 : vector<512x1xf32> to vector<512x1xi32>
    %reshape3A_476 = vector.shape_cast %convert_element_type3A_475 : vector<512x1xi32> to vector<4x128xi32>
    %swap3A_477 = arith.constant 16 : index
    %swap3A_478 = arith.constant 0 : index
    %swap3A_479 = vector.load %arg2[%swap3A_477, %swap3A_478] : memref<64x128xi32, #tpu.memory_space<vmem>>, vector<4x128xi32>
    tpu.vector_store %arg2[%swap3A_477, %swap3A_478], %reshape3A_476 {strides = array<i32>} : memref<64x128xi32, #tpu.memory_space<vmem>>, vector<4x128xi32>,
    %mul3A_480 = vector.broadcast %add3A_380 : vector<1x8xf32> to vector<512x8xf32>
    %mul3A_481 = arith.mulf %slice3A_311, %mul3A_480 : vector<512x8xf32>
    %reduce_sum3A_482 = arith.constant dense<0.000000e+00> : vector<512xf32>
    %reduce_sum3A_483 = vector.multi_reduction <add>, %mul3A_481, %reduce_sum3A_482 [1] : vector<512x8xf32> to vector<512xf32>
    %broadcast_in_dim3A_484 = vector.shape_cast %reduce_sum3A_483 : vector<512xf32> to vector<512x1xf32>
    %add3A_485 = arith.addf %broadcast_in_dim3A_484, %broadcast_in_dim3A_319 : vector<512x1xf32>
    %convert_element_type3A_486 = arith.fptosi %add3A_485 : vector<512x1xf32> to vector<512x1xi32>
    %reshape3A_487 = vector.shape_cast %convert_element_type3A_486 : vector<512x1xi32> to vector<4x128xi32>
    %swap3A_488 = arith.constant 48 : index
    %swap3A_489 = arith.constant 0 : index
    %swap3A_490 = vector.load %arg2[%swap3A_488, %swap3A_489] : memref<64x128xi32, #tpu.memory_space<vmem>>, vector<4x128xi32>
    tpu.vector_store %arg2[%swap3A_488, %swap3A_489], %reshape3A_487 {strides = array<i32>} : memref<64x128xi32, #tpu.memory_space<vmem>>, vector<4x128xi32>,
    %mul3A_491 = vector.broadcast %dot_general3A_379 : vector<1x8xf32> to vector<512x8xf32>
    %mul3A_492 = arith.mulf %slice3A_218, %mul3A_491 : vector<512x8xf32>
    %reduce_sum3A_493 = arith.constant dense<0.000000e+00> : vector<512xf32>
    %reduce_sum3A_494 = vector.multi_reduction <add>, %mul3A_492, %reduce_sum3A_493 [1] : vector<512x8xf32> to vector<512xf32>
    %broadcast_in_dim3A_495 = vector.shape_cast %reduce_sum3A_494 : vector<512xf32> to vector<512x1xf32>
    %add3A_496 = arith.addf %broadcast_in_dim3A_495, %broadcast_in_dim3A_226 : vector<512x1xf32>
    %convert_element_type3A_497 = arith.fptosi %add3A_496 : vector<512x1xf32> to vector<512x1xi32>
    %reshape3A_498 = vector.shape_cast %convert_element_type3A_497 : vector<512x1xi32> to vector<4x128xi32>
    %swap3A_499 = arith.constant 20 : index
    %swap3A_500 = arith.constant 0 : index
    %swap3A_501 = vector.load %arg2[%swap3A_499, %swap3A_500] : memref<64x128xi32, #tpu.memory_space<vmem>>, vector<4x128xi32>
    tpu.vector_store %arg2[%swap3A_499, %swap3A_500], %reshape3A_498 {strides = array<i32>} : memref<64x128xi32, #tpu.memory_space<vmem>>, vector<4x128xi32>,
    %mul3A_502 = vector.broadcast %add3A_380 : vector<1x8xf32> to vector<512x8xf32>
    %mul3A_503 = arith.mulf %slice3A_324, %mul3A_502 : vector<512x8xf32>
    %reduce_sum3A_504 = arith.constant dense<0.000000e+00> : vector<512xf32>
    %reduce_sum3A_505 = vector.multi_reduction <add>, %mul3A_503, %reduce_sum3A_504 [1] : vector<512x8xf32> to vector<512xf32>
    %broadcast_in_dim3A_506 = vector.shape_cast %reduce_sum3A_505 : vector<512xf32> to vector<512x1xf32>
    %add3A_507 = arith.addf %broadcast_in_dim3A_506, %broadcast_in_dim3A_332 : vector<512x1xf32>
    %convert_element_type3A_508 = arith.fptosi %add3A_507 : vector<512x1xf32> to vector<512x1xi32>
    %reshape3A_509 = vector.shape_cast %convert_element_type3A_508 : vector<512x1xi32> to vector<4x128xi32>
    %swap3A_510 = arith.constant 52 : index
    %swap3A_511 = arith.constant 0 : index
    %swap3A_512 = vector.load %arg2[%swap3A_510, %swap3A_511] : memref<64x128xi32, #tpu.memory_space<vmem>>, vector<4x128xi32>
    tpu.vector_store %arg2[%swap3A_510, %swap3A_511], %reshape3A_509 {strides = array<i32>} : memref<64x128xi32, #tpu.memory_space<vmem>>, vector<4x128xi32>,
    %mul3A_513 = vector.broadcast %dot_general3A_379 : vector<1x8xf32> to vector<512x8xf32>
    %mul3A_514 = arith.mulf %slice3A_231, %mul3A_513 : vector<512x8xf32>
    %reduce_sum3A_515 = arith.constant dense<0.000000e+00> : vector<512xf32>
    %reduce_sum3A_516 = vector.multi_reduction <add>, %mul3A_514, %reduce_sum3A_515 [1] : vector<512x8xf32> to vector<512xf32>
    %broadcast_in_dim3A_517 = vector.shape_cast %reduce_sum3A_516 : vector<512xf32> to vector<512x1xf32>
    %add3A_518 = arith.addf %broadcast_in_dim3A_517, %broadcast_in_dim3A_239 : vector<512x1xf32>
    %convert_element_type3A_519 = arith.fptosi %add3A_518 : vector<512x1xf32> to vector<512x1xi32>
    %reshape3A_520 = vector.shape_cast %convert_element_type3A_519 : vector<512x1xi32> to vector<4x128xi32>
    %swap3A_521 = arith.constant 24 : index
    %swap3A_522 = arith.constant 0 : index
    %swap3A_523 = vector.load %arg2[%swap3A_521, %swap3A_522] : memref<64x128xi32, #tpu.memory_space<vmem>>, vector<4x128xi32>
    tpu.vector_store %arg2[%swap3A_521, %swap3A_522], %reshape3A_520 {strides = array<i32>} : memref<64x128xi32, #tpu.memory_space<vmem>>, vector<4x128xi32>,
    %mul3A_524 = vector.broadcast %add3A_380 : vector<1x8xf32> to vector<512x8xf32>
    %mul3A_525 = arith.mulf %slice3A_337, %mul3A_524 : vector<512x8xf32>
    %reduce_sum3A_526 = arith.constant dense<0.000000e+00> : vector<512xf32>
    %reduce_sum3A_527 = vector.multi_reduction <add>, %mul3A_525, %reduce_sum3A_526 [1] : vector<512x8xf32> to vector<512xf32>
    %broadcast_in_dim3A_528 = vector.shape_cast %reduce_sum3A_527 : vector<512xf32> to vector<512x1xf32>
    %add3A_529 = arith.addf %broadcast_in_dim3A_528, %broadcast_in_dim3A_345 : vector<512x1xf32>
    %convert_element_type3A_530 = arith.fptosi %add3A_529 : vector<512x1xf32> to vector<512x1xi32>
    %reshape3A_531 = vector.shape_cast %convert_element_type3A_530 : vector<512x1xi32> to vector<4x128xi32>
    %swap3A_532 = arith.constant 56 : index
    %swap3A_533 = arith.constant 0 : index
    %swap3A_534 = vector.load %arg2[%swap3A_532, %swap3A_533] : memref<64x128xi32, #tpu.memory_space<vmem>>, vector<4x128xi32>
    tpu.vector_store %arg2[%swap3A_532, %swap3A_533], %reshape3A_531 {strides = array<i32>} : memref<64x128xi32, #tpu.memory_space<vmem>>, vector<4x128xi32>,
    %mul3A_535 = vector.broadcast %dot_general3A_379 : vector<1x8xf32> to vector<512x8xf32>
    %mul3A_536 = arith.mulf %slice3A_244, %mul3A_535 : vector<512x8xf32>
    %reduce_sum3A_537 = arith.constant dense<0.000000e+00> : vector<512xf32>
    %reduce_sum3A_538 = vector.multi_reduction <add>, %mul3A_536, %reduce_sum3A_537 [1] : vector<512x8xf32> to vector<512xf32>
    %broadcast_in_dim3A_539 = vector.shape_cast %reduce_sum3A_538 : vector<512xf32> to vector<512x1xf32>
    %add3A_540 = arith.addf %broadcast_in_dim3A_539, %broadcast_in_dim3A_252 : vector<512x1xf32>
    %convert_element_type3A_541 = arith.fptosi %add3A_540 : vector<512x1xf32> to vector<512x1xi32>
    %reshape3A_542 = vector.shape_cast %convert_element_type3A_541 : vector<512x1xi32> to vector<4x128xi32>
    %swap3A_543 = arith.constant 28 : index
    %swap3A_544 = arith.constant 0 : index
    %swap3A_545 = vector.load %arg2[%swap3A_543, %swap3A_544] : memref<64x128xi32, #tpu.memory_space<vmem>>, vector<4x128xi32>
    tpu.vector_store %arg2[%swap3A_543, %swap3A_544], %reshape3A_542 {strides = array<i32>} : memref<64x128xi32, #tpu.memory_space<vmem>>, vector<4x128xi32>,
    %mul3A_546 = vector.broadcast %add3A_380 : vector<1x8xf32> to vector<512x8xf32>
    %mul3A_547 = arith.mulf %slice3A_350, %mul3A_546 : vector<512x8xf32>
    %reduce_sum3A_548 = arith.constant dense<0.000000e+00> : vector<512xf32>
    %reduce_sum3A_549 = vector.multi_reduction <add>, %mul3A_547, %reduce_sum3A_548 [1] : vector<512x8xf32> to vector<512xf32>
    %broadcast_in_dim3A_550 = vector.shape_cast %reduce_sum3A_549 : vector<512xf32> to vector<512x1xf32>
    %add3A_551 = arith.addf %broadcast_in_dim3A_550, %broadcast_in_dim3A_358 : vector<512x1xf32>
    %convert_element_type3A_552 = arith.fptosi %add3A_551 : vector<512x1xf32> to vector<512x1xi32>
    %reshape3A_553 = vector.shape_cast %convert_element_type3A_552 : vector<512x1xi32> to vector<4x128xi32>
    %swap3A_554 = arith.constant 60 : index
    %swap3A_555 = arith.constant 0 : index
    %swap3A_556 = vector.load %arg2[%swap3A_554, %swap3A_555] : memref<64x128xi32, #tpu.memory_space<vmem>>, vector<4x128xi32>
    tpu.vector_store %arg2[%swap3A_554, %swap3A_555], %reshape3A_553 {strides = array<i32>} : memref<64x128xi32, #tpu.memory_space<vmem>>, vector<4x128xi32>,
    %add3A_557 = arith.addf %dot_general3A_379, %mul3A_372 : vector<1x8xf32>
    %iota3A_558 = tpu.iota {dimensions = array<i32: 0>} : vector<24x1xi32>
    %mul3A_559 = arith.constant 512 : i32
    %mul3A_560 = vector.broadcast %mul3A_559 : i32 to vector<24x1xi32>
    %mul3A_561 = arith.muli %iota3A_558, %mul3A_560 : vector<24x1xi32>
    %convert_element_type3A_562 = arith.sitofp %mul3A_561 : vector<24x1xi32> to vector<24x1xf32>
    %ge3A_563 = vector.broadcast %convert_element_type3A_562 : vector<24x1xf32> to vector<24x8xf32>
    %ge3A_564 = vector.broadcast %add3A_557 : vector<1x8xf32> to vector<24x8xf32>
    %ge3A_565 = arith.cmpf oge, %ge3A_563, %ge3A_564 : vector<24x8xf32>
    %convert_element_type3A_566 = arith.extui %ge3A_565 : vector<24x8xi1> to vector<24x8xi32>
    %convert_element_type3A_567 = arith.sitofp %convert_element_type3A_566 : vector<24x8xi32> to vector<24x8xf32>
    %reduce_sum3A_568 = arith.constant dense<0.000000e+00> : vector<24xf32>
    %reduce_sum3A_569 = vector.multi_reduction <add>, %convert_element_type3A_567, %reduce_sum3A_568 [1] : vector<24x8xf32> to vector<24xf32>
    %broadcast_in_dim3A_570 = vector.shape_cast %reduce_sum3A_569 : vector<24xf32> to vector<24x1xf32>
    %min3A = arith.constant 7.000000e+00 : f32
    %min3A_571 = vector.broadcast %min3A : f32 to vector<24x1xf32>
    %min3A_572 = arith.minimumf %broadcast_in_dim3A_570, %min3A_571 : vector<24x1xf32>
    %convert_element_type3A_573 = arith.fptosi %min3A_572 : vector<24x1xf32> to vector<24x1xi32>
    %swap3A_574 = arith.constant 0 : index
    %swap3A_575 = arith.constant 0 : index
    %swap3A_576 = vector.load %arg4[%swap3A_574, %swap3A_575] : memref<24x1xi32, #tpu.memory_space<vmem>>, vector<24x1xi32>
    tpu.vector_store %arg4[%swap3A_574, %swap3A_575], %convert_element_type3A_573 {strides = array<i32>} : memref<24x1xi32, #tpu.memory_space<vmem>>, vector<24x1xi32>,
    return
  }
}

module attributes {stable_mosaic.version = 14 : i64} {
  func.func @_ffn_body(%arg0: i32, %arg1: memref<24xi32, #tpu.memory_space<smem>>, %arg2: memref<512x512xf32, #tpu.memory_space<vmem>>, %arg3: memref<1x512x1024xbf16, #tpu.memory_space<vmem>>, %arg4: memref<1x512x1024xbf16, #tpu.memory_space<vmem>>, %arg5: memref<1x1024x512xbf16, #tpu.memory_space<vmem>>, %arg6: memref<512xf32, #tpu.memory_space<vmem>>, %arg7: memref<512x1024xf32, #tpu.memory_space<vmem>>) attributes {dimension_semantics = [#tpu.dimension_semantics<arbitrary>], iteration_bounds = array<i64: 24>, scalar_prefetch = 1 : i64, scratch_operands = 0 : i64, tpu.core_type = #tpu.core_type<tc>, window_params = [{transform_indices = @transform_0, window_bounds = array<i64: 512, 512>}, {transform_indices = @transform_1, window_bounds = array<i64: 1, 512, 1024>}, {transform_indices = @transform_2, window_bounds = array<i64: 1, 512, 1024>}, {transform_indices = @transform_3, window_bounds = array<i64: 1, 1024, 512>}, {transform_indices = @transform_4, window_bounds = array<i64: 512>}, {transform_indices = @transform_5, window_bounds = array<i64: 512, 1024>}]} {
    %get3A = arith.constant 0 : index
    %get3A_0 = arith.constant 0 : index
    %get3A_1 = vector.load %arg2[%get3A, %get3A_0] : memref<512x512xf32, #tpu.memory_space<vmem>>, vector<512x512xf32>
    %bitcast_convert_type3A = tpu.bitcast %get3A_1 : vector<512x512xf32> -> vector<512x512xi32>
    %shift_left3A = arith.constant 16 : i32
    %shift_left3A_2 = vector.broadcast %shift_left3A : i32 to vector<512x512xi32>
    %shift_left3A_3 = arith.shli %bitcast_convert_type3A, %shift_left3A_2 : vector<512x512xi32>
    %bitcast_convert_type3A_4 = tpu.bitcast %shift_left3A_3 : vector<512x512xi32> -> vector<512x512xf32>
    %and3A = arith.constant -65536 : i32
    %and3A_5 = vector.broadcast %and3A : i32 to vector<512x512xi32>
    %and3A_6 = arith.andi %bitcast_convert_type3A, %and3A_5 : vector<512x512xi32>
    %bitcast_convert_type3A_7 = tpu.bitcast %and3A_6 : vector<512x512xi32> -> vector<512x512xf32>
    %convert_element_type3A = arith.truncf %bitcast_convert_type3A_4 : vector<512x512xf32> to vector<512x512xbf16>
    %convert_element_type3A_8 = arith.truncf %bitcast_convert_type3A_7 : vector<512x512xf32> to vector<512x512xbf16>
    %concatenate3A = tpu.concatenate %convert_element_type3A, %convert_element_type3A_8 in 1 : vector<512x512xbf16>, vector<512x512xbf16> -> vector<512x1024xbf16>
    %get3A_9 = arith.constant 0 : index
    %get3A_10 = arith.constant 0 : index
    %get3A_11 = arith.constant 0 : index
    %get3A_12 = vector.load %arg3[%get3A_9, %get3A_10, %get3A_11] : memref<1x512x1024xbf16, #tpu.memory_space<vmem>>, vector<1x512x1024xbf16>
    %get3A_13 = vector.shape_cast %get3A_12 : vector<1x512x1024xbf16> to vector<512x1024xbf16>
    %dot_general3A = arith.constant dense<0.000000e+00> : vector<512x512xf32>
    %dot_general3A_14 = tpu.matmul %concatenate3A, %get3A_13, %dot_general3A {dimension_numbers = #tpu.dot_dimension_numbers<[1], [1], [0], [0], [0, 0, 1, 0], [], []>, transpose_lhs_hint = false} : vector<512x1024xbf16>, vector<512x1024xbf16>, vector<512x512xf32> -> vector<512x512xf32>
    %get3A_15 = arith.constant 0 : index
    %get3A_16 = arith.constant 0 : index
    %get3A_17 = arith.constant 0 : index
    %get3A_18 = vector.load %arg4[%get3A_15, %get3A_16, %get3A_17] : memref<1x512x1024xbf16, #tpu.memory_space<vmem>>, vector<1x512x1024xbf16>
    %get3A_19 = vector.shape_cast %get3A_18 : vector<1x512x1024xbf16> to vector<512x1024xbf16>
    %dot_general3A_20 = arith.constant dense<0.000000e+00> : vector<512x512xf32>
    %dot_general3A_21 = tpu.matmul %concatenate3A, %get3A_19, %dot_general3A_20 {dimension_numbers = #tpu.dot_dimension_numbers<[1], [1], [0], [0], [0, 0, 1, 0], [], []>, transpose_lhs_hint = false} : vector<512x1024xbf16>, vector<512x1024xbf16>, vector<512x512xf32> -> vector<512x512xf32>
    %logistic3A = arith.negf %dot_general3A_14 : vector<512x512xf32>
    %logistic3A_22 = math.exp %logistic3A : vector<512x512xf32>
    %logistic3A_23 = arith.constant 1.000000e+00 : f32
    %logistic3A_24 = vector.broadcast %logistic3A_23 : f32 to vector<512x512xf32>
    %logistic3A_25 = arith.addf %logistic3A_24, %logistic3A_22 : vector<512x512xf32>
    %logistic3A_26 = arith.divf %logistic3A_24, %logistic3A_25 : vector<512x512xf32>
    %mul3A = arith.mulf %dot_general3A_14, %logistic3A_26 : vector<512x512xf32>
    %mul3A_27 = arith.mulf %mul3A, %dot_general3A_21 : vector<512x512xf32>
    %convert_element_type3A_28 = arith.truncf %mul3A_27 : vector<512x512xf32> to vector<512x512xbf16>
    %get3A_29 = arith.constant 0 : index
    %get3A_30 = arith.constant 0 : index
    %get3A_31 = arith.constant 0 : index
    %get3A_32 = vector.load %arg5[%get3A_29, %get3A_30, %get3A_31] : memref<1x1024x512xbf16, #tpu.memory_space<vmem>>, vector<1x1024x512xbf16>
    %get3A_33 = vector.shape_cast %get3A_32 : vector<1x1024x512xbf16> to vector<1024x512xbf16>
    %dot_general3A_34 = arith.constant dense<0.000000e+00> : vector<512x1024xf32>
    %dot_general3A_35 = tpu.matmul %convert_element_type3A_28, %get3A_33, %dot_general3A_34 {dimension_numbers = #tpu.dot_dimension_numbers<[1], [1], [0], [0], [0, 0, 1, 0], [], []>, transpose_lhs_hint = false} : vector<512x512xbf16>, vector<1024x512xbf16>, vector<512x1024xf32> -> vector<512x1024xf32>
    %get3A_36 = arith.constant 0 : index
    %get3A_37 = vector.load %arg6[%get3A_36] : memref<512xf32, #tpu.memory_space<vmem>>, vector<512xf32>
    %reshape3A = vector.shape_cast %get3A_37 : vector<512xf32> to vector<512x1xf32>
    %mul3A_38 = vector.broadcast %reshape3A : vector<512x1xf32> to vector<512x1024xf32>
    %mul3A_39 = arith.mulf %dot_general3A_35, %mul3A_38 : vector<512x1024xf32>
    %swap3A = arith.constant 0 : index
    %swap3A_40 = arith.constant 0 : index
    %swap3A_41 = vector.load %arg7[%swap3A, %swap3A_40] : memref<512x1024xf32, #tpu.memory_space<vmem>>, vector<512x1024xf32>
    tpu.vector_store %arg7[%swap3A, %swap3A_40], %mul3A_39 {strides = array<i32>} : memref<512x1024xf32, #tpu.memory_space<vmem>>, vector<512x1024xf32>,
    return
  }
  func.func @transform_0(%arg0: i32, %arg1: memref<24xi32, #tpu.memory_space<smem>>) -> (i32, i32) {
    %c0_i32 = arith.constant 0 : i32
    %c0_i32_0 = arith.constant 0 : i32
    return %arg0, %c0_i32 : i32, i32
  }
  func.func @transform_1(%arg0: i32, %arg1: memref<24xi32, #tpu.memory_space<smem>>) -> (i32, i32, i32) {
    %get3A = arith.index_cast %arg0 : i32 to index
    %get3A_0 = memref.load %arg1[%get3A] : memref<24xi32, #tpu.memory_space<smem>>
    %c0_i32 = arith.constant 0 : i32
    %c0_i32_1 = arith.constant 0 : i32
    %c0_i32_2 = arith.constant 0 : i32
    return %get3A_0, %c0_i32, %c0_i32_1 : i32, i32, i32
  }
  func.func @transform_2(%arg0: i32, %arg1: memref<24xi32, #tpu.memory_space<smem>>) -> (i32, i32, i32) {
    %get3A = arith.index_cast %arg0 : i32 to index
    %get3A_0 = memref.load %arg1[%get3A] : memref<24xi32, #tpu.memory_space<smem>>
    %c0_i32 = arith.constant 0 : i32
    %c0_i32_1 = arith.constant 0 : i32
    %c0_i32_2 = arith.constant 0 : i32
    return %get3A_0, %c0_i32, %c0_i32_1 : i32, i32, i32
  }
  func.func @transform_3(%arg0: i32, %arg1: memref<24xi32, #tpu.memory_space<smem>>) -> (i32, i32, i32) {
    %get3A = arith.index_cast %arg0 : i32 to index
    %get3A_0 = memref.load %arg1[%get3A] : memref<24xi32, #tpu.memory_space<smem>>
    %c0_i32 = arith.constant 0 : i32
    %c0_i32_1 = arith.constant 0 : i32
    %c0_i32_2 = arith.constant 0 : i32
    return %get3A_0, %c0_i32, %c0_i32_1 : i32, i32, i32
  }
  func.func @transform_4(%arg0: i32, %arg1: memref<24xi32, #tpu.memory_space<smem>>) -> i32 {
    %c0_i32 = arith.constant 0 : i32
    return %arg0 : i32
  }
  func.func @transform_5(%arg0: i32, %arg1: memref<24xi32, #tpu.memory_space<smem>>) -> (i32, i32) {
    %c0_i32 = arith.constant 0 : i32
    %c0_i32_0 = arith.constant 0 : i32
    return %arg0, %c0_i32 : i32, i32
  }
}

</mosaic_0001>

<sc_bundles>
// kernel: kernel.6.cloned.1.call-start
scs
__scs_entry_jumppad:
0x0: {  	(pc) =	sbr.rel $0x88, $3  }
0x1: {  	(tag) =	ssettag $0x0;
	lr =	simm.s32 $0x1  }
0x2: {  	[smem:$0x3F9C] =	sst lr;
	_ =	strace $0xD0000000  }
0x3: {  	_ = 	snop  }
0x4: {  	_ = 	snop  }
0x5: {  	_ = 	snop  }
0x6: {  	_ = 	snop  }
0x7: {  	_ = 	snop  }
__scs_overlays_trampoline_lowered:
0x8: {  	[smem:$0x3FAB] =	sst s0  }
0x9: {  	[smem:$0x3FAC] =	sst s1  }
0xa: {  	[smem:$0x3FAD] =	sst s2  }
0xb: {  	[smem:$0x3FAE] =	sst s3  }
0xc: {  	[smem:$0x3FAF] =	sst s4  }
0xd: {  	[smem:$0x3FB0] =	sst s5  }
0xe: {  	[smem:$0x3FB1] =	sst s6  }
0xf: {  	[smem:$0x3FB2] =	sst s7  }
0x10: {  	[smem:$0x3FB3] =	sst s8  }
0x11: {  	[smem:$0x3FB4] =	sst s9;
	s0 =	simm.s32 @!p0 $0x0  }
0x12: {  	s1 =	sld [smem:$0x3F9A];
	s0 =	simm.s32 @p0 $0x1  }
0x13: {  	[smem:$0x3FB5] =	sst s0;
	s0 =	simm.s32 @!p1 $0x0  }
0x14: {  	s2 =	sld [smem:$0x3F99];
	s0 =	simm.s32 @p1 $0x1  }
0x15: {  	[smem:$0x3FB6] =	sst s0;
	s0 =	simm.s32 @!p2 $0x0  }
0x16: {  	s3 =	sld [smem:$0x3FDB];
	s0 =	simm.s32 @p2 $0x1  }
0x17: {  	s4 =	simm.s32 $0x1BF5;
	[smem:$0x3FB8] =	sst s0  }
0x18: {  	s0 =	sld [smem:$0x3F9B];
	_ =	swait.ge [sflag:s4], $0x0  }
0x19: {  	s7 =	sld [smem:$0x3F9C]  }
0x1a: {  	s8 =	sadd.s32 $0xFFFFE003, lr  }
0x1b: {  	s9 =	sadd.s32 $0xFFFFFEF7, lr;
	s5 =	simm.s32 $0xFFFFFFFF;
	p2 =	slt.u32 s8, $0xFFFFF086  }
0x1c: {  	p1 =	slt.u32 s9, $0xF7A;
	s5 =	simm.s32 @!p2 $0x0  }
0x1d: {  	s5 =	simm.s32 @p1 $0x1;
	p0 =	seq.s32 s7, s2  }
0x1e: {  	s7 =	smul.u32 @!p0 $0xF7A, s2;
	p2 =	seq.s32 @!p0 s5, $0x0  }
0x1f: {  	s9 =	smul.u32 $0xF7A, s1;
	s8 =	simm.s32 @!p0 $0x1BF5;
	p2 =	por !p2, p0  }
0x20: {  	[sflag:s8] =	ssyncset.s32 @!p0 $0xFFFFF086;
	s6 =	sadd.s32 @!p0 s3, s7;
	s7 =	simm.s32 @!p0 $0x108  }
0x21: {  	s3 =	sadd.s32 s3, s9;
	s6 =	sadd.s32 @!p0 $0x88, s6;
	s7 =	simm.s32 @p2 $0x1082  }
0x22: {  	[simem:s7], [sflag:s8] =	dma.local @!p0 [hbm:s6], $0xF7A  }
0x23: {  	s9 =	sor.u32 $0xD0000000, s2;
	s6 =	simm.s32 $0x108;
	_ =	swait.ge @!p0 [sflag:s8], $0x0  }
0x24: {  	s3 =	sadd.s32 $0x88, s3;
	s6 =	simm.s32 @!p1 $0x1082;
	[sflag:s4] =	ssyncset.s32 $0xFFFFF086  }
0x25: {  	[simem:s6], [sflag:s4] =	dma.local [hbm:s3], $0xF7A  }
0x26: {  	[smem:$0x3F9C] =	sst s1;
	(tag) =	ssettag s2;
	_ =	strace s9  }
0x27: {  	s1 =	sld [smem:$0x3FAC]  }
0x28: {  	s2 =	sld [smem:$0x3FAD]  }
0x29: {  	s4 =	sld [smem:$0x3FAF]  }
0x2a: {  	p0 =	seq.s32 s5, $0x0;
	s5 =	sld [smem:$0x3FB0]  }
0x2b: {  	s6 =	sld [smem:$0x3FB1]  }
0x2c: {  	s7 =	sld [smem:$0x3FB2]  }
0x2d: {  	s3 =	simm.s32 $0x108;
	s8 =	sld [smem:$0x3FB3]  }
0x2e: {  	s3 =	simm.s32 @!p0 $0x1082;
	s9 =	sld [smem:$0x3FB4]  }
0x2f: {  	lr =	sadd.s32 s0, s3;
	s0 =	sld [smem:$0x3FAB]  }
0x30: {  	s3 =	sld [smem:$0x3FAE]  }
0x31: {  	[smem:$0x3FB7] =	sst s10  }
0x32: {  	s10 =	sld [smem:$0x3FB5];
	_ =	sdelay $0x3  }
0x33: {  	p0 =	seq.s32 s10, $0x1;
	s10 =	sld [smem:$0x3FB7];
	_ =	sdelay $0x3  }
0x34: {  	[smem:$0x3FB7] =	sst s10  }
0x35: {  	s10 =	sld [smem:$0x3FB6];
	_ =	sdelay $0x3  }
0x36: {  	p1 =	seq.s32 s10, $0x1;
	s10 =	sld [smem:$0x3FB7];
	_ =	sdelay $0x3  }
0x37: {  	[smem:$0x3FB7] =	sst s10  }
0x38: {  	s10 =	sld [smem:$0x3FB8]  }
0x39: {  	_ = 	snop;
	(pc) =	sbr.ind lr, $3  }
0x3a: {  	_ = 	snop  }
0x3b: {  	_ = 	snop  }
0x3c: {  	p2 =	seq.s32 s10, $0x1;
	s10 =	sld [smem:$0x3FB7]  }
0x3d: {  	_ =	shalt  }
0x3e: {  	_ =	shalt  }
0x3f: {  	_ =	shalt  }
0x40: {  	_ =	shalt  }
0x41: {  	_ =	shalt  }
0x42: {  	_ =	shalt  }
0x43: {  	_ =	shalt  }
0x44: {  	_ =	shalt  }
0x45: {  	_ =	shalt  }
0x46: {  	_ =	shalt  }
0x47: {  	_ =	shalt  }
0x48: {  	_ =	shalt  }
0x49: {  	_ =	shalt  }
0x4a: {  	_ =	shalt  }
0x4b: {  	_ =	shalt  }
0x4c: {  	_ =	shalt  }
0x4d: {  	_ =	shalt  }
0x4e: {  	_ =	shalt  }
0x4f: {  	_ =	shalt  }
0x50: {  	_ =	shalt  }
0x51: {  	_ =	shalt  }
0x52: {  	_ =	shalt  }
0x53: {  	_ =	shalt  }
0x54: {  	_ =	shalt  }
0x55: {  	_ =	shalt  }
0x56: {  	_ =	shalt  }
0x57: {  	_ =	shalt  }
0x58: {  	_ =	shalt  }
0x59: {  	_ =	shalt  }
0x5a: {  	_ =	shalt  }
0x5b: {  	_ =	shalt  }
0x5c: {  	_ =	shalt  }
0x5d: {  	_ =	shalt  }
0x5e: {  	_ =	shalt  }
0x5f: {  	_ =	shalt  }
0x60: {  	_ =	shalt  }
0x61: {  	_ =	shalt  }
0x62: {  	_ =	shalt  }
0x63: {  	_ =	shalt  }
0x64: {  	_ =	shalt  }
0x65: {  	_ =	shalt  }
0x66: {  	_ =	shalt  }
0x67: {  	_ =	shalt  }
0x68: {  	_ =	shalt  }
0x69: {  	_ =	shalt  }
0x6a: {  	_ =	shalt  }
0x6b: {  	_ =	shalt  }
0x6c: {  	_ =	shalt  }
0x6d: {  	_ =	shalt  }
0x6e: {  	_ =	shalt  }
0x6f: {  	_ =	shalt  }
0x70: {  	_ =	shalt  }
0x71: {  	_ =	shalt  }
0x72: {  	_ =	shalt  }
0x73: {  	_ =	shalt  }
0x74: {  	_ =	shalt  }
0x75: {  	_ =	shalt  }
0x76: {  	_ =	shalt  }
0x77: {  	_ =	shalt  }
0x78: {  	_ =	shalt  }
0x79: {  	_ =	shalt  }
0x7a: {  	_ =	shalt  }
0x7b: {  	_ =	shalt  }
0x7c: {  	_ =	shalt  }
0x7d: {  	_ =	shalt  }
0x7e: {  	_ =	shalt  }
0x7f: {  	_ =	shalt  }
0x80: {  	_ =	shalt  }
0x81: {  	_ =	shalt  }
0x82: {  	_ =	shalt  }
0x83: {  	_ =	shalt  }
0x84: {  	_ =	shalt  }
0x85: {  	_ =	shalt  }
0x86: {  	_ =	shalt  }
0x87: {  	_ =	shalt  }
.Lfunc_end0:
.L_simem_size_0:
called_computation_lowered:
.L_overlay_start_0:
0x88: {  	s2 =	sld [smem:$0x3FD9]  }
0x89: {  	s3 =	sld [smem:$0x3FFE];
	_ =	sdelay $0x1  }
0x8a: {  	s1 =	srdreg.scid  }
0x8b: {  	s0 =	sand.u32 $0x1, s1  }
0x8c: {  	s17 =	sshll.u32 s0, $0xA;
	s2 =	sadd.s32 s3, s2  }
0x8d: {  	s2 =	sadd.s32 s2, s17  }
0x8e: {  	[smem:$0x3FC3] =	sst s2  }
0x8f: {  	_ = 	snop  }
0x90: {  	s2 =	sld [smem:$0x3FD0];
	(tm) =	ssettm $0x1  }
0x91: {  	s18 =	sld [smem:$0x3FFB];
	_ =	sdelay $0x3  }
0x92: {  	_ =	strace s18  }
0x93: {  	s3 =	sld [smem:$0x3FFC];
	_ =	sdelay $0x3  }
0x94: {  	_ =	strace s3  }
0x95: {  	s3 =	sld [smem:$0x3FFD];
	_ =	sdelay $0x3  }
0x96: {  	_ =	strace s3  }
0x97: {  	_ =	strace $0x8FFFFFFF  }
0x98: {  	s19 =	sld [smem:$0x3FDB];
	_ =	sdelay $0x1  }
0x99: {  	s4 =	simm.s32 $_scs_section_size  }
0x9a: {  	s5 =	simm.s32 $_size__tile_overlayer_lowered;
	s6 =	simm.s32 $_tile_overlayer_lowered  }
0x9b: {  	s22 =	simm.s32 $0x1BFF;
	s21 =	sshll.u32 s6, $0x1;
	s3 =	sadd.s32 s4, s19  }
0x9c: {  	s7 =	simm.s32 $0x0;
	s20 =	sshll.u32 s5, $0x1;
	s5 =	sadd.s32 s21, s3  }
0x9d: {  	[timem:s7], [sflag:s22] =	dma.local [hbm:s5], s20  }
0x9e: {  	_ =	swait.ge [sflag:s22], s20  }
0x9f: {  	s4 =	ssub.s32 $0x0, s20;
	[sflag:s22] =	ssyncset.done $0x0  }
0xa0: {  	[sflag:s22] =	ssyncadd.s32 s4;
	_ =	sdelay $0x1  }
0xa1: {  	s23 =	simm.s32 $0x1B8B  }
0xa2: {  	_ =	swait.ge [sflag:s23], $0x1  }
0xa3: {  	[sflag:s23] =	ssyncset.done $0x0  }
0xa4: {  	s25 =	simm.s32 $0x1B8E;
	s24 =	sld [smem:$0x3FFE];
	[sflag:s23] =	ssyncadd.s32 $0xFFFFFFFF  }
0xa5: {  	s26 =	simm.s32 $execute0_lowered;
	[smem:$0x3FD2] =	sst s25  }
0xa6: {  	s5 =	sshll.u32 s26, $0x1;
	_ =	strace $0x80000046;
	[dreg:$0x1] =	wrdreg $0xFFFFFFFF  }
0xa7: {  	s28 =	simm.s32 $_size_execute0_lowered;
	s3 =	sadd.s32 s3, s5;
	[dreg:$0x0] =	wrdreg $0x0  }
0xa8: {  	s5 =	sshll.u32 s28, $0x1;
	[dreg:$0x2] =	wrdreg s3  }
0xa9: {  	[dreg:$0x3] =	wrdreg s5  }
0xaa: {  	[dreg:$0x4] =	wrdreg $0xC0  }
0xab: {  	_ =	task [dreg:s7], $0x5FFFF  }
0xac: {  	[dreg:$0x1] =	wrdreg $0xFFFFFFFF  }
0xad: {  	[dreg:$0x0] =	wrdreg $0x60  }
0xae: {  	[dreg:$0x2] =	wrdreg s24  }
0xaf: {  	[dreg:$0x3] =	wrdreg s2  }
0xb0: {  	[dreg:$0x4] =	wrdreg $0x9  }
0xb1: {  	_ =	task.clear_ibuf [dreg:s7], $0x5FFFF;
	_ =	strace $0x90000046  }
0xb2: {  	s29 =	simm.s32 $0x9;
	_ =	strace $0x80000048  }
0xb3: {  	_ =	swait.ge [sflag:s29], $0x1  }
0xb4: {  	[sflag:s29] =	ssyncadd.s32 $0xFFFFFFFF  }
0xb5: {  	_ =	strace $0x90000048  }
0xb6: {  	_ =	sfence  }
0xb7: {  	s30 =	sld [smem:$0x0];
	_ =	sdelay $0x2  }
0xb8: {  	s31 =	sshll.u32 s1, $0xD;
	s1 =	sshrl.u32 s1, $0x2  }
0xb9: {  	s3 =	sand.u32 $0x4000, s31;
	s1 =	sadd.s32 s1, s30  }
0xba: {  	s0 =	sor.u32 s3, s0;
	s1 =	sshll.u32 s1, $0x11  }
0xbb: {  	s0 =	sor.u32 s1, s0  }
0xbc: {  	s0 =	sadd.s32 $0x8F2B, s0  }
0xbd: {  	[sflag:s0] =	ssyncadd.remote.s32 $0x1  }
0xbe: {  	_ =	sfence.sel $0xFFFF  }
0xbf: {  	[dreg:$0x0] =	wrdreg $0xFFFFFFFF;
	(pc) =	sbr.abs _section_cstart, $3  }
0xc0: {  	[dreg:$0x1] =	wrdreg $0xFFFFFFFF  }
0xc1: {  	_ =	task.clear_ibuf [dreg:s7], $0x2FFFF;
	_ =	strace $0x9FFFFFFF  }
0xc2: {  	(tm) =	ssettm $0x7FFFFFFF  }
0xc3: {  	_ =	shalt  }
tec
execute0_lowered:
.L_overlay_start_1:
0x0: {  	(tag) =	ssettag $0x1  }
0x1: {  	s0 =	srdreg.scid  }
0x2: {  	s2 =	stileid.u32;
	s1 =	sand.u32 $0x1, s0  }
0x3: {  	s4 =	rddreg [dreg:$0x1];
	s2 =	sshll.u32 s2, $0x9;
	s3 =	sshll.u32 s1, $0x8  }
0x4: {  	s0 =	rddreg [dreg:$0x0];
	s3 =	sor.u32 s3, s2;
	s2 =	simm.s32 $0x0  }
0x5: {  	s7 =	simm.s32 $0x100;
	[smem:$0x7FF] =	sst s2  }
0x6: {  	s8 =	simm.s32 $0x200;
	_ =	strace $0x80000047;
	[dreg:$0x8] =	wrdreg s7  }
0x7: {  	s9 =	simm.s32 $0x400;
	[dreg:$0x9] =	wrdreg s8  }
0x8: {  	s10 =	simm.s32 $0x280;
	[dreg:$0xa] =	wrdreg s9  }
0x9: {  	s11 =	simm.s32 $0x480;
	[dreg:$0xb] =	wrdreg s10  }
0xa: {  	s12 =	simm.s32 $0x300;
	[dreg:$0xc] =	wrdreg s11  }
0xb: {  	s13 =	simm.s32 $0x500;
	[dreg:$0xd] =	wrdreg s12  }
0xc: {  	s14 =	simm.s32 $0x380;
	[dreg:$0xe] =	wrdreg s13  }
0xd: {  	s15 =	simm.s32 $0x580;
	[dreg:$0xf] =	wrdreg s14  }
0xe: {  	s16 =	simm.s32 $0x8E00;
	[dreg:$0x10] =	wrdreg s15  }
0xf: {  	s17 =	simm.s32 $0x9600;
	[dreg:$0x11] =	wrdreg s16  }
0x10: {  	s18 =	simm.s32 $0x9E00;
	[dreg:$0x12] =	wrdreg s17  }
0x11: {  	s19 =	simm.s32 $0xA600;
	[dreg:$0x13] =	wrdreg s18  }
0x12: {  	s20 =	simm.s32 $0xAE00;
	[dreg:$0x14] =	wrdreg s19  }
0x13: {  	s21 =	simm.s32 $0xB600;
	[dreg:$0x15] =	wrdreg s20  }
0x14: {  	s22 =	simm.s32 $0xBE00;
	[dreg:$0x16] =	wrdreg s21  }
0x15: {  	s23 =	simm.s32 $0xC600;
	[dreg:$0x17] =	wrdreg s22  }
0x16: {  	s24 =	simm.s32 $0xCE00;
	s1 =	ssub.s32 $0x2, s1;
	[dreg:$0x18] =	wrdreg s23  }
0x17: {  	s25 =	simm.s32 $0xD600;
	s26 =	sshrl.u32 s1, $0x1;
	[dreg:$0x19] =	wrdreg s24  }
0x18: {  	s1 =	ssub.s32 s1, s26;
	s26 =	simm.s32 $0x17E00;
	[dreg:$0x1a] =	wrdreg s25  }
0x19: {  	s7 =	simm.s32 $0xDE00;
	[smem:$0x7FD] =	sst s26  }
0x1a: {  	s8 =	simm.s32 $0xE600;
	[dreg:$0x1b] =	wrdreg s7  }
0x1b: {  	s9 =	simm.s32 $0xEE00;
	[dreg:$0x1c] =	wrdreg s8  }
0x1c: {  	s31 =	simm.s32 $0x4;
	s10 =	simm.s32 $0xF600;
	[dreg:$0x1d] =	wrdreg s9  }
0x1d: {  	s28 =	simm.s32 $0x6600;
	s11 =	simm.s32 $0xFE00;
	[dreg:$0x1e] =	wrdreg s10  }
0x1e: {  	s29 =	simm.s32 $0x6E00;
	s12 =	simm.s32 $0x10E00;
	[dreg:$0x1f] =	wrdreg s11  }
0x1f: {  	s30 =	simm.s32 $0x7600;
	s13 =	simm.s32 $0x11600;
	[smem:$0x7EF] =	sst s12  }
0x20: {  	s5 =	sshrl.u32 s3, $0x3;
	s14 =	simm.s32 $0x11E00;
	[smem:$0x7F0] =	sst s13  }
0x21: {  	s3 =	sshll.u32 s3, $0x6;
	s15 =	simm.s32 $0x12600;
	[smem:$0x7F1] =	sst s14  }
0x22: {  	s5 =	sadd.s32 s5, s0;
	s16 =	simm.s32 $0x12E00;
	[smem:$0x7F2] =	sst s15  }
0x23: {  	s3 =	sand.u32 $0x3C000, s3;
	s17 =	simm.s32 $0x13600;
	[smem:$0x7F3] =	sst s16  }
0x24: {  	s18 =	simm.s32 $0x13E00;
	s19 =	simm.s32 $0x14600;
	[smem:$0x7F4] =	sst s17  }
0x25: {  	s20 =	simm.s32 $0x14E00;
	s21 =	simm.s32 $0x15600;
	[smem:$0x7F5] =	sst s18  }
0x26: {  	s22 =	simm.s32 $0x15E00;
	s23 =	simm.s32 $0x16600;
	[smem:$0x7F6] =	sst s19  }
0x27: {  	s24 =	simm.s32 $0x16E00;
	s25 =	simm.s32 $0x17600;
	[smem:$0x7F7] =	sst s20  }
0x28: {  	s26 =	simm.s32 $0x5E00;
	s6 =	sadd.s32 $0x2400, s5;
	[smem:$0x7F8] =	sst s21  }
0x29: {  	s5 =	sadd.s32 $0x2800, s5;
	s4 =	sadd.s32 s4, s3;
	[smem:$0x7F9] =	sst s22  }
0x2a: {  	s7 =	smax.u32 s1, $0x1;
	s8 =	simm.s32 $0x8;
	[smem:$0x7FA] =	sst s23  }
0x2b: {  	s9 =	simm.s32 $0x40;
	s10 =	simm.s32 $0x600;
	[smem:$0x7FB] =	sst s24  }
0x2c: {  	s12 =	simm.s32 $0x1;
	[smem:$0x7FC] =	sst s25;
	s11 =	simm.s32 $0x7  }
0x2d: {  	s17 =	simm.s32 $0x1600;
	s18 =	simm.s32 $0x1E00;
	s19 =	simm.s32 $0x2600  }
0x2e: {  	s20 =	simm.s32 $0x2E00;
	s21 =	simm.s32 $0x3600;
	[dreg:$0x3] =	wrdreg s6  }
0x2f: {  	s22 =	simm.s32 $0x3E00;
	s23 =	simm.s32 $0x4600;
	[dreg:$0x4] =	wrdreg s5  }
0x30: {  	s24 =	simm.s32 $0x4E00;
	s3 =	sadd.s32 $0x1000, s4;
	[smem:$0x7EE] =	sst s4  }
0x31: {  	s25 =	simm.s32 $0x5600;
	s5 =	sadd.s32 $0x2000, s4;
	[dreg:$0x5] =	wrdreg s3  }
0x32: {  	v2 =	vlaneseq.u32;
	s1 =	simm.s32 $0x7E00;
	s6 =	sadd.s32 $0x3000, s4;
	[dreg:$0x6] =	wrdreg s5  }
0x33: {  	vm0 =	vmmov $0xffff;
	v1 =	vshrl.u32 v2, $0x3;
	s4 =	sadd.s32 $0x3200, s0;
	[dreg:$0x7] =	wrdreg s6;
	s5 =	sadd.s32 $0x2C00, s0  }
0x34: {  	v0 =	vand.u32 $0x7, v2;
	v2 =	vor.u32 $0x8, v2;
	v1 =	vmul.u32 $0x8, v1;
	s6 =	sadd.s32 $0x3300, s0;
	s0 =	simm.s32 $0x5;
	s3 =	simm.s32 $0x6  }
.LBB2_1:
0x35: {  	s13 =	rddreg [dreg:$0x3]  }
0x36: {  	[tilespmem:s2], [sflag:$0x8] =	stream.linear.gather [hbm4b:s13+s2], $0x100, $0x38;
	[tilespmem:$0x18600] =	vst v63  }
0x37: {  	_ =	swait.ge [sflag:s8], $0x100  }
0x38: {  	s15 =	rddreg [dreg:$0x4];
	[sflag:s8] =	ssyncset.done $0x0  }
0x39: {  	s14 =	rddreg [dreg:$0x8];
	[sflag:s8] =	ssyncadd.s32 $0xFFFFFF00  }
0x3a: {  	[tilespmem:s14], [sflag:$0x8] =	stream.linear.gather [hbm4b:s15+s2], $0x100, $0x38;
	[tilespmem:$0x18600] =	vst v63  }
0x3b: {  	_ =	swait.ge [sflag:s8], $0x100  }
0x3c: {  	[sflag:s8] =	ssyncset.done $0x0  }
0x3d: {  	[sflag:s8] =	ssyncadd.s32 $0xFFFFFF00  }
0x3e: {  	v3 =	vld [tilespmem:$0x0]  }
0x3f: {  	v4 =	vld [tilespmem:$0x100]  }
0x40: {  	v5 =	vld [tilespmem:$0x10]  }
0x41: {  	v6 =	vld [tilespmem:$0x110]  }
0x42: {  	v7 =	vld [tilespmem:$0x20]  }
0x43: {  	v27 =	vld [tilespmem:$0x30];
	[tilespmem:$0x200] =	vst v3  }
0x44: {  	v3 =	vld [tilespmem:$0x120];
	[tilespmem:$0x400] =	vst v4  }
0x45: {  	v28 =	vld [tilespmem:$0x130];
	[tilespmem:$0x210] =	vst v5  }
0x46: {  	v29 =	vld [tilespmem:$0x40];
	[tilespmem:$0x410] =	vst v6  }
0x47: {  	v30 =	vld [tilespmem:$0x140];
	[tilespmem:$0x220] =	vst v7  }
0x48: {  	v31 =	vld [tilespmem:$0x150];
	[tilespmem:$0x230] =	vst v27  }
0x49: {  	[tilespmem:$0x420] =	vst v3;
	v3 =	vld [tilespmem:$0x50]  }
0x4a: {  	v32 =	vld [tilespmem:$0x60];
	[tilespmem:$0x430] =	vst v28  }
0x4b: {  	v33 =	vld [tilespmem:$0x160];
	[tilespmem:$0x280] =	vst v29  }
0x4c: {  	v34 =	vld [tilespmem:$0x70];
	[tilespmem:$0x480] =	vst v30  }
0x4d: {  	v35 =	vld [tilespmem:$0x80];
	[tilespmem:$0x490] =	vst v31  }
0x4e: {  	[tilespmem:$0x290] =	vst v3;
	v3 =	vld [tilespmem:$0x170]  }
0x4f: {  	v36 =	vld [tilespmem:$0x180];
	[tilespmem:$0x2A0] =	vst v32  }
0x50: {  	v37 =	vld [tilespmem:$0x90];
	[tilespmem:$0x4A0] =	vst v33  }
0x51: {  	v38 =	vld [tilespmem:$0x190];
	[tilespmem:$0x2B0] =	vst v34  }
0x52: {  	v39 =	vld [tilespmem:$0x1A0];
	[tilespmem:$0x300] =	vst v35  }
0x53: {  	[tilespmem:$0x4B0] =	vst v3;
	v3 =	vld [tilespmem:$0xA0]  }
0x54: {  	v40 =	vld [tilespmem:$0xB0];
	[tilespmem:$0x500] =	vst v36  }
0x55: {  	v41 =	vld [tilespmem:$0x1B0];
	[tilespmem:$0x310] =	vst v37  }
0x56: {  	v42 =	vld [tilespmem:$0xC0];
	[tilespmem:$0x510] =	vst v38  }
0x57: {  	v43 =	vld [tilespmem:$0xD0];
	[tilespmem:$0x520] =	vst v39  }
0x58: {  	[tilespmem:$0x320] =	vst v3;
	v3 =	vld [tilespmem:$0x1C0]  }
0x59: {  	v44 =	vld [tilespmem:$0x1D0];
	[tilespmem:$0x330] =	vst v40  }
0x5a: {  	v45 =	vld [tilespmem:$0xE0];
	[tilespmem:$0x530] =	vst v41  }
0x5b: {  	v46 =	vld [tilespmem:$0x1E0];
	[tilespmem:$0x380] =	vst v42  }
0x5c: {  	v47 =	vld [tilespmem:$0x1F0];
	[tilespmem:$0x390] =	vst v43  }
0x5d: {  	[tilespmem:$0x580] =	vst v3;
	v3 =	vld [tilespmem:$0xF0]  }
0x5e: {  	[tilespmem:$0x590] =	vst v44  }
0x5f: {  	s13 =	rddreg [dreg:$0x9];
	[tilespmem:$0x3A0] =	vst v45  }
0x60: {  	s14 =	rddreg [dreg:$0xa];
	[tilespmem:$0x5A0] =	vst v46  }
0x61: {  	s15 =	rddreg [dreg:$0xb];
	[tilespmem:$0x5B0] =	vst v47  }
0x62: {  	s16 =	rddreg [dreg:$0xc];
	[tilespmem:$0x3B0] =	vst v3  }
0x63: {  	[hbm4b:s5+s9] =	stream.indirect.scatter [tilespmem:s14], [sflag:$0x7], $0x1, s13, s9, $0xb8;
	[tilespmem:$0x18600] =	vst v63  }
0x64: {  	s13 =	rddreg [dreg:$0xd]  }
0x65: {  	s14 =	rddreg [dreg:$0xe]  }
0x66: {  	[hbm4b:s5+s9] =	stream.indirect.scatter [tilespmem:s16], [sflag:$0x7], $0x1, s15, s9, $0xb8;
	[tilespmem:$0x18600] =	vst v63  }
0x67: {  	s15 =	rddreg [dreg:$0xf]  }
0x68: {  	[hbm4b:s5+s9] =	stream.indirect.scatter [tilespmem:s14], [sflag:$0x7], $0x1, s13, s9, $0xb8;
	[tilespmem:$0x18600] =	vst v63  }
0x69: {  	s16 =	rddreg [dreg:$0x10]  }
0x6a: {  	[hbm4b:s5+s9] =	stream.indirect.scatter [tilespmem:s16], [sflag:$0x7], $0x1, s15, s9, $0xb8;
	[tilespmem:$0x18600] =	vst v63  }
0x6b: {  	s15 =	sld [smem:$0x7EE];
	_ =	sdelay $0x2  }
0x6c: {  	[tilespmem:s10], [sflag:$0x1] =	stream.linear.gather [hbm4b:s15+s2], $0x8000, $0x38;
	[tilespmem:$0x18600] =	vst v63  }
0x6d: {  	s14 =	simm.s32 $0x8600;
	s16 =	rddreg [dreg:$0x5]  }
0x6e: {  	[tilespmem:s14], [sflag:$0x2] =	stream.linear.gather [hbm4b:s16+s2], $0x8000, $0x38;
	[tilespmem:$0x18600] =	vst v63  }
0x6f: {  	_ =	swait.ge [sflag:s12], $0x8000  }
0x70: {  	[sflag:s12] =	ssyncset.done $0x0  }
0x71: {  	s15 =	simm.s32 $0x10600;
	s16 =	rddreg [dreg:$0x6];
	[sflag:s12] =	ssyncadd.s32 $0xFFFF8000  }
0x72: {  	[tilespmem:s15], [sflag:$0x3] =	stream.linear.gather [hbm4b:s16+s2], $0x8000, $0x38;
	[tilespmem:$0x18600] =	vst v63  }
0x73: {  	v3 =	vld [tilespmem:$0x200];
	_ =	sdelay $0x4  }
0x74: {  	v48 =	vshll.u32 v3, $0x2  }
0x75: {  	v3 =	vand.u32 $0x7, v3;
	v4 =	vand.u32 $0xFFFFFFE0, v48  }
0x76: {  	v3 =	vor.u32 v3, v4  }
0x77: {  	v4 =	vperm.xlane v3, v0;
	_ =	sdelay $0x1  }
0x78: {  	v4 =	vadd.s32 v1, v4;
	_ =	sdelay $0x1  }
0x79: {  	v3 =	vperm.xlane v3, v2;
	_ =	sdelay $0x1  }
0x7a: {  	v3 =	vadd.s32 v1, v3  }
0x7b: {  	[hbm4b:s4+s2] =	stream.indirect_vreg.scatter [tilespmem:s10], [sflag:$0x4], $0x80, v4, vm0, $0xb8;
	[tilespmem:$0x18600] =	vst v63  }
0x7c: {  	s16 =	simm.s32 $0xE00  }
0x7d: {  	[hbm4b:s6+s2] =	stream.indirect_vreg.scatter [tilespmem:s16], [sflag:$0x4], $0x80, v4, vm0, $0xb8;
	[tilespmem:$0x18600] =	vst v63  }
0x7e: {  	_ = 	snop  }
0x7f: {  	[hbm4b:s4+s2] =	stream.indirect_vreg.scatter [tilespmem:s17], [sflag:$0x4], $0x80, v3, vm0, $0xb8;
	[tilespmem:$0x18600] =	vst v63  }
0x80: {  	_ = 	snop  }
0x81: {  	[hbm4b:s6+s2] =	stream.indirect_vreg.scatter [tilespmem:s18], [sflag:$0x4], $0x80, v3, vm0, $0xb8;
	[tilespmem:$0x18600] =	vst v63  }
0x82: {  	v3 =	vld [tilespmem:$0x210];
	_ =	sdelay $0x4  }
0x83: {  	v49 =	vshll.u32 v3, $0x2  }
0x84: {  	v3 =	vand.u32 $0x7, v3;
	v4 =	vand.u32 $0xFFFFFFE0, v49  }
0x85: {  	v3 =	vor.u32 v3, v4  }
0x86: {  	v4 =	vperm.xlane v3, v0;
	_ =	sdelay $0x1  }
0x87: {  	v4 =	vadd.s32 v1, v4;
	_ =	sdelay $0x1  }
0x88: {  	v3 =	vperm.xlane v3, v2;
	_ =	sdelay $0x1  }
0x89: {  	v3 =	vadd.s32 v1, v3  }
0x8a: {  	[hbm4b:s4+s2] =	stream.indirect_vreg.scatter [tilespmem:s19], [sflag:$0x4], $0x80, v4, vm0, $0xb8;
	[tilespmem:$0x18600] =	vst v63  }
0x8b: {  	_ = 	snop  }
0x8c: {  	[hbm4b:s6+s2] =	stream.indirect_vreg.scatter [tilespmem:s20], [sflag:$0x4], $0x80, v4, vm0, $0xb8;
	[tilespmem:$0x18600] =	vst v63  }
0x8d: {  	_ = 	snop  }
0x8e: {  	[hbm4b:s4+s2] =	stream.indirect_vreg.scatter [tilespmem:s21], [sflag:$0x4], $0x80, v3, vm0, $0xb8;
	[tilespmem:$0x18600] =	vst v63  }
0x8f: {  	_ = 	snop  }
0x90: {  	[hbm4b:s6+s2] =	stream.indirect_vreg.scatter [tilespmem:s22], [sflag:$0x4], $0x80, v3, vm0, $0xb8;
	[tilespmem:$0x18600] =	vst v63  }
0x91: {  	v3 =	vld [tilespmem:$0x220];
	_ =	sdelay $0x4  }
0x92: {  	v50 =	vshll.u32 v3, $0x2  }
0x93: {  	v3 =	vand.u32 $0x7, v3;
	v4 =	vand.u32 $0xFFFFFFE0, v50  }
0x94: {  	v3 =	vor.u32 v3, v4  }
0x95: {  	v4 =	vperm.xlane v3, v0;
	_ =	sdelay $0x1  }
0x96: {  	v4 =	vadd.s32 v1, v4;
	_ =	sdelay $0x1  }
0x97: {  	v3 =	vperm.xlane v3, v2;
	_ =	sdelay $0x1  }
0x98: {  	v3 =	vadd.s32 v1, v3  }
0x99: {  	[hbm4b:s4+s2] =	stream.indirect_vreg.scatter [tilespmem:s23], [sflag:$0x4], $0x80, v4, vm0, $0xb8;
	[tilespmem:$0x18600] =	vst v63  }
0x9a: {  	_ = 	snop  }
0x9b: {  	[hbm4b:s6+s2] =	stream.indirect_vreg.scatter [tilespmem:s24], [sflag:$0x4], $0x80, v4, vm0, $0xb8;
	[tilespmem:$0x18600] =	vst v63  }
0x9c: {  	_ = 	snop  }
0x9d: {  	[hbm4b:s4+s2] =	stream.indirect_vreg.scatter [tilespmem:s25], [sflag:$0x4], $0x80, v3, vm0, $0xb8;
	[tilespmem:$0x18600] =	vst v63  }
0x9e: {  	_ = 	snop  }
0x9f: {  	[hbm4b:s6+s2] =	stream.indirect_vreg.scatter [tilespmem:s26], [sflag:$0x4], $0x80, v3, vm0, $0xb8;
	[tilespmem:$0x18600] =	vst v63  }
0xa0: {  	v3 =	vld [tilespmem:$0x230];
	_ =	sdelay $0x4  }
0xa1: {  	v51 =	vshll.u32 v3, $0x2  }
0xa2: {  	v3 =	vand.u32 $0x7, v3;
	v4 =	vand.u32 $0xFFFFFFE0, v51  }
0xa3: {  	v3 =	vor.u32 v3, v4  }
0xa4: {  	v4 =	vperm.xlane v3, v0;
	_ =	sdelay $0x1  }
0xa5: {  	v4 =	vadd.s32 v1, v4;
	_ =	sdelay $0x1  }
0xa6: {  	v3 =	vperm.xlane v3, v2;
	_ =	sdelay $0x1  }
0xa7: {  	v3 =	vadd.s32 v1, v3  }
0xa8: {  	[hbm4b:s4+s2] =	stream.indirect_vreg.scatter [tilespmem:s28], [sflag:$0x4], $0x80, v4, vm0, $0xb8;
	[tilespmem:$0x18600] =	vst v63  }
0xa9: {  	_ = 	snop  }
0xaa: {  	[hbm4b:s6+s2] =	stream.indirect_vreg.scatter [tilespmem:s29], [sflag:$0x4], $0x80, v4, vm0, $0xb8;
	[tilespmem:$0x18600] =	vst v63  }
0xab: {  	_ = 	snop  }
0xac: {  	[hbm4b:s4+s2] =	stream.indirect_vreg.scatter [tilespmem:s30], [sflag:$0x4], $0x80, v3, vm0, $0xb8;
	[tilespmem:$0x18600] =	vst v63  }
0xad: {  	s13 =	simm.s32 $0x2  }
0xae: {  	[hbm4b:s6+s2] =	stream.indirect_vreg.scatter [tilespmem:s1], [sflag:$0x4], $0x80, v3, vm0, $0xb8;
	[tilespmem:$0x18600] =	vst v63  }
0xaf: {  	_ =	swait.ge [sflag:s13], $0x8000  }
0xb0: {  	[sflag:s13] =	ssyncset.done $0x0  }
0xb1: {  	[sflag:s13] =	ssyncadd.s32 $0xFFFF8000  }
0xb2: {  	_ =	swait.ge [sflag:s31], $0x8000  }
0xb3: {  	[sflag:s31] =	ssyncset.done $0x0  }
0xb4: {  	s13 =	rddreg [dreg:$0x7];
	[sflag:s31] =	ssyncadd.s32 $0xFFFF8000  }
0xb5: {  	[tilespmem:s10], [sflag:$0x1] =	stream.linear.gather [hbm4b:s13+s2], $0x8000, $0x38;
	[tilespmem:$0x18600] =	vst v63  }
0xb6: {  	v3 =	vld [tilespmem:$0x280];
	_ =	sdelay $0x4  }
0xb7: {  	v52 =	vshll.u32 v3, $0x2  }
0xb8: {  	v3 =	vand.u32 $0x7, v3;
	v4 =	vand.u32 $0xFFFFFFE0, v52  }
0xb9: {  	v3 =	vor.u32 v3, v4  }
0xba: {  	v4 =	vperm.xlane v3, v0;
	_ =	sdelay $0x1  }
0xbb: {  	v4 =	vadd.s32 v1, v4;
	_ =	sdelay $0x1  }
0xbc: {  	v3 =	vperm.xlane v3, v2;
	_ =	sdelay $0x1  }
0xbd: {  	v3 =	vadd.s32 v1, v3  }
0xbe: {  	[hbm4b:s4+s2] =	stream.indirect_vreg.scatter [tilespmem:s14], [sflag:$0x5], $0x80, v4, vm0, $0xb8;
	[tilespmem:$0x18600] =	vst v63  }
0xbf: {  	s13 =	rddreg [dreg:$0x11]  }
0xc0: {  	[hbm4b:s6+s2] =	stream.indirect_vreg.scatter [tilespmem:s13], [sflag:$0x5], $0x80, v4, vm0, $0xb8;
	[tilespmem:$0x18600] =	vst v63  }
0xc1: {  	s14 =	rddreg [dreg:$0x12]  }
0xc2: {  	[hbm4b:s4+s2] =	stream.indirect_vreg.scatter [tilespmem:s14], [sflag:$0x5], $0x80, v3, vm0, $0xb8;
	[tilespmem:$0x18600] =	vst v63  }
0xc3: {  	s13 =	rddreg [dreg:$0x13]  }
0xc4: {  	[hbm4b:s6+s2] =	stream.indirect_vreg.scatter [tilespmem:s13], [sflag:$0x5], $0x80, v3, vm0, $0xb8;
	[tilespmem:$0x18600] =	vst v63  }
0xc5: {  	v3 =	vld [tilespmem:$0x290];
	_ =	sdelay $0x4  }
0xc6: {  	v53 =	vshll.u32 v3, $0x2  }
0xc7: {  	v3 =	vand.u32 $0x7, v3;
	v4 =	vand.u32 $0xFFFFFFE0, v53  }
0xc8: {  	v3 =	vor.u32 v3, v4  }
0xc9: {  	v4 =	vperm.xlane v3, v0;
	_ =	sdelay $0x1  }
0xca: {  	v4 =	vadd.s32 v1, v4;
	_ =	sdelay $0x1  }
0xcb: {  	v3 =	vperm.xlane v3, v2;
	_ =	sdelay $0x1  }
0xcc: {  	s13 =	rddreg [dreg:$0x14];
	v3 =	vadd.s32 v1, v3  }
0xcd: {  	[hbm4b:s4+s2] =	stream.indirect_vreg.scatter [tilespmem:s13], [sflag:$0x5], $0x80, v4, vm0, $0xb8;
	[tilespmem:$0x18600] =	vst v63  }
0xce: {  	s14 =	rddreg [dreg:$0x15]  }
0xcf: {  	[hbm4b:s6+s2] =	stream.indirect_vreg.scatter [tilespmem:s14], [sflag:$0x5], $0x80, v4, vm0, $0xb8;
	[tilespmem:$0x18600] =	vst v63  }
0xd0: {  	s13 =	rddreg [dreg:$0x16]  }
0xd1: {  	[hbm4b:s4+s2] =	stream.indirect_vreg.scatter [tilespmem:s13], [sflag:$0x5], $0x80, v3, vm0, $0xb8;
	[tilespmem:$0x18600] =	vst v63  }
0xd2: {  	s14 =	rddreg [dreg:$0x17]  }
0xd3: {  	[hbm4b:s6+s2] =	stream.indirect_vreg.scatter [tilespmem:s14], [sflag:$0x5], $0x80, v3, vm0, $0xb8;
	[tilespmem:$0x18600] =	vst v63  }
0xd4: {  	v3 =	vld [tilespmem:$0x2A0];
	_ =	sdelay $0x4  }
0xd5: {  	v54 =	vshll.u32 v3, $0x2  }
0xd6: {  	v3 =	vand.u32 $0x7, v3;
	v4 =	vand.u32 $0xFFFFFFE0, v54  }
0xd7: {  	v3 =	vor.u32 v3, v4  }
0xd8: {  	v4 =	vperm.xlane v3, v0;
	_ =	sdelay $0x1  }
0xd9: {  	v4 =	vadd.s32 v1, v4;
	_ =	sdelay $0x1  }
0xda: {  	v3 =	vperm.xlane v3, v2;
	_ =	sdelay $0x1  }
0xdb: {  	s13 =	rddreg [dreg:$0x18];
	v3 =	vadd.s32 v1, v3  }
0xdc: {  	[hbm4b:s4+s2] =	stream.indirect_vreg.scatter [tilespmem:s13], [sflag:$0x5], $0x80, v4, vm0, $0xb8;
	[tilespmem:$0x18600] =	vst v63  }
0xdd: {  	s14 =	rddreg [dreg:$0x19]  }
0xde: {  	[hbm4b:s6+s2] =	stream.indirect_vreg.scatter [tilespmem:s14], [sflag:$0x5], $0x80, v4, vm0, $0xb8;
	[tilespmem:$0x18600] =	vst v63  }
0xdf: {  	s13 =	rddreg [dreg:$0x1a]  }
0xe0: {  	[hbm4b:s4+s2] =	stream.indirect_vreg.scatter [tilespmem:s13], [sflag:$0x5], $0x80, v3, vm0, $0xb8;
	[tilespmem:$0x18600] =	vst v63  }
0xe1: {  	s14 =	rddreg [dreg:$0x1b]  }
0xe2: {  	[hbm4b:s6+s2] =	stream.indirect_vreg.scatter [tilespmem:s14], [sflag:$0x5], $0x80, v3, vm0, $0xb8;
	[tilespmem:$0x18600] =	vst v63  }
0xe3: {  	v3 =	vld [tilespmem:$0x2B0];
	_ =	sdelay $0x4  }
0xe4: {  	v55 =	vshll.u32 v3, $0x2  }
0xe5: {  	v3 =	vand.u32 $0x7, v3;
	v4 =	vand.u32 $0xFFFFFFE0, v55  }
0xe6: {  	v3 =	vor.u32 v3, v4  }
0xe7: {  	v4 =	vperm.xlane v3, v0;
	_ =	sdelay $0x1  }
0xe8: {  	v4 =	vadd.s32 v1, v4;
	_ =	sdelay $0x1  }
0xe9: {  	v3 =	vperm.xlane v3, v2;
	_ =	sdelay $0x1  }
0xea: {  	s13 =	rddreg [dreg:$0x1c];
	v3 =	vadd.s32 v1, v3  }
0xeb: {  	[hbm4b:s4+s2] =	stream.indirect_vreg.scatter [tilespmem:s13], [sflag:$0x5], $0x80, v4, vm0, $0xb8;
	[tilespmem:$0x18600] =	vst v63  }
0xec: {  	s14 =	rddreg [dreg:$0x1d]  }
0xed: {  	[hbm4b:s6+s2] =	stream.indirect_vreg.scatter [tilespmem:s14], [sflag:$0x5], $0x80, v4, vm0, $0xb8;
	[tilespmem:$0x18600] =	vst v63  }
0xee: {  	s13 =	rddreg [dreg:$0x1e]  }
0xef: {  	[hbm4b:s4+s2] =	stream.indirect_vreg.scatter [tilespmem:s13], [sflag:$0x5], $0x80, v3, vm0, $0xb8;
	[tilespmem:$0x18600] =	vst v63  }
0xf0: {  	s14 =	rddreg [dreg:$0x1f]  }
0xf1: {  	[hbm4b:s6+s2] =	stream.indirect_vreg.scatter [tilespmem:s14], [sflag:$0x5], $0x80, v3, vm0, $0xb8;
	[tilespmem:$0x18600] =	vst v63  }
0xf2: {  	s14 =	simm.s32 $0x3  }
0xf3: {  	_ =	swait.ge [sflag:s14], $0x8000  }
0xf4: {  	[sflag:s14] =	ssyncset.done $0x0  }
0xf5: {  	[sflag:s14] =	ssyncadd.s32 $0xFFFF8000  }
0xf6: {  	v3 =	vld [tilespmem:$0x300];
	_ =	sdelay $0x4  }
0xf7: {  	v56 =	vshll.u32 v3, $0x2  }
0xf8: {  	v3 =	vand.u32 $0x7, v3;
	v4 =	vand.u32 $0xFFFFFFE0, v56  }
0xf9: {  	v3 =	vor.u32 v3, v4  }
0xfa: {  	v4 =	vperm.xlane v3, v0;
	_ =	sdelay $0x1  }
0xfb: {  	v4 =	vadd.s32 v1, v4;
	_ =	sdelay $0x1  }
0xfc: {  	v3 =	vperm.xlane v3, v2;
	_ =	sdelay $0x1  }
0xfd: {  	s13 =	sld [smem:$0x7EF];
	v3 =	vadd.s32 v1, v3  }
0xfe: {  	[hbm4b:s4+s2] =	stream.indirect_vreg.scatter [tilespmem:s15], [sflag:$0x6], $0x80, v4, vm0, $0xb8;
	[tilespmem:$0x18600] =	vst v63  }
0xff: {  	s14 =	sld [smem:$0x7F0]  }
0x100: {  	[hbm4b:s6+s2] =	stream.indirect_vreg.scatter [tilespmem:s13], [sflag:$0x6], $0x80, v4, vm0, $0xb8;
	[tilespmem:$0x18600] =	vst v63  }
0x101: {  	s15 =	sld [smem:$0x7F1]  }
0x102: {  	[hbm4b:s4+s2] =	stream.indirect_vreg.scatter [tilespmem:s14], [sflag:$0x6], $0x80, v3, vm0, $0xb8;
	[tilespmem:$0x18600] =	vst v63  }
0x103: {  	_ = 	snop  }
0x104: {  	[hbm4b:s6+s2] =	stream.indirect_vreg.scatter [tilespmem:s15], [sflag:$0x6], $0x80, v3, vm0, $0xb8;
	[tilespmem:$0x18600] =	vst v63  }
0x105: {  	v3 =	vld [tilespmem:$0x310];
	_ =	sdelay $0x4  }
0x106: {  	v57 =	vshll.u32 v3, $0x2  }
0x107: {  	v3 =	vand.u32 $0x7, v3;
	v4 =	vand.u32 $0xFFFFFFE0, v57  }
0x108: {  	v3 =	vor.u32 v3, v4  }
0x109: {  	v4 =	vperm.xlane v3, v0;
	_ =	sdelay $0x1  }
0x10a: {  	v4 =	vadd.s32 v1, v4;
	_ =	sdelay $0x1  }
0x10b: {  	s14 =	sld [smem:$0x7F2];
	v3 =	vperm.xlane v3, v2;
	_ =	sdelay $0x1  }
0x10c: {  	s15 =	sld [smem:$0x7F3];
	v3 =	vadd.s32 v1, v3  }
0x10d: {  	[hbm4b:s4+s2] =	stream.indirect_vreg.scatter [tilespmem:s14], [sflag:$0x6], $0x80, v4, vm0, $0xb8;
	[tilespmem:$0x18600] =	vst v63  }
0x10e: {  	s13 =	sld [smem:$0x7F4]  }
0x10f: {  	[hbm4b:s6+s2] =	stream.indirect_vreg.scatter [tilespmem:s15], [sflag:$0x6], $0x80, v4, vm0, $0xb8;
	[tilespmem:$0x18600] =	vst v63  }
0x110: {  	s15 =	sld [smem:$0x7F5]  }
0x111: {  	[hbm4b:s4+s2] =	stream.indirect_vreg.scatter [tilespmem:s13], [sflag:$0x6], $0x80, v3, vm0, $0xb8;
	[tilespmem:$0x18600] =	vst v63  }
0x112: {  	_ = 	snop  }
0x113: {  	[hbm4b:s6+s2] =	stream.indirect_vreg.scatter [tilespmem:s15], [sflag:$0x6], $0x80, v3, vm0, $0xb8;
	[tilespmem:$0x18600] =	vst v63  }
0x114: {  	v3 =	vld [tilespmem:$0x320];
	_ =	sdelay $0x4  }
0x115: {  	v58 =	vshll.u32 v3, $0x2  }
0x116: {  	v3 =	vand.u32 $0x7, v3;
	v4 =	vand.u32 $0xFFFFFFE0, v58  }
0x117: {  	v3 =	vor.u32 v3, v4  }
0x118: {  	v4 =	vperm.xlane v3, v0;
	_ =	sdelay $0x1  }
0x119: {  	v4 =	vadd.s32 v1, v4;
	_ =	sdelay $0x1  }
0x11a: {  	s14 =	sld [smem:$0x7F6];
	v3 =	vperm.xlane v3, v2;
	_ =	sdelay $0x1  }
0x11b: {  	s15 =	sld [smem:$0x7F7];
	v3 =	vadd.s32 v1, v3  }
0x11c: {  	[hbm4b:s4+s2] =	stream.indirect_vreg.scatter [tilespmem:s14], [sflag:$0x6], $0x80, v4, vm0, $0xb8;
	[tilespmem:$0x18600] =	vst v63  }
0x11d: {  	s13 =	sld [smem:$0x7F8]  }
0x11e: {  	[hbm4b:s6+s2] =	stream.indirect_vreg.scatter [tilespmem:s15], [sflag:$0x6], $0x80, v4, vm0, $0xb8;
	[tilespmem:$0x18600] =	vst v63  }
0x11f: {  	s15 =	sld [smem:$0x7F9]  }
0x120: {  	[hbm4b:s4+s2] =	stream.indirect_vreg.scatter [tilespmem:s13], [sflag:$0x6], $0x80, v3, vm0, $0xb8;
	[tilespmem:$0x18600] =	vst v63  }
0x121: {  	_ = 	snop  }
0x122: {  	[hbm4b:s6+s2] =	stream.indirect_vreg.scatter [tilespmem:s15], [sflag:$0x6], $0x80, v3, vm0, $0xb8;
	[tilespmem:$0x18600] =	vst v63  }
0x123: {  	v3 =	vld [tilespmem:$0x330];
	_ =	sdelay $0x4  }
0x124: {  	v59 =	vshll.u32 v3, $0x2  }
0x125: {  	v3 =	vand.u32 $0x7, v3;
	v4 =	vand.u32 $0xFFFFFFE0, v59  }
0x126: {  	v3 =	vor.u32 v3, v4  }
0x127: {  	v4 =	vperm.xlane v3, v0;
	_ =	sdelay $0x1  }
0x128: {  	v4 =	vadd.s32 v1, v4;
	_ =	sdelay $0x1  }
0x129: {  	s14 =	sld [smem:$0x7FA];
	v3 =	vperm.xlane v3, v2;
	_ =	sdelay $0x1  }
0x12a: {  	s15 =	sld [smem:$0x7FB];
	v3 =	vadd.s32 v1, v3  }
0x12b: {  	[hbm4b:s4+s2] =	stream.indirect_vreg.scatter [tilespmem:s14], [sflag:$0x6], $0x80, v4, vm0, $0xb8;
	[tilespmem:$0x18600] =	vst v63  }
0x12c: {  	s13 =	sld [smem:$0x7FC]  }
0x12d: {  	[hbm4b:s6+s2] =	stream.indirect_vreg.scatter [tilespmem:s15], [sflag:$0x6], $0x80, v4, vm0, $0xb8;
	[tilespmem:$0x18600] =	vst v63  }
0x12e: {  	s15 =	sld [smem:$0x7FD]  }
0x12f: {  	[hbm4b:s4+s2] =	stream.indirect_vreg.scatter [tilespmem:s13], [sflag:$0x6], $0x80, v3, vm0, $0xb8;
	[tilespmem:$0x18600] =	vst v63  }
0x130: {  	_ = 	snop  }
0x131: {  	[hbm4b:s6+s2] =	stream.indirect_vreg.scatter [tilespmem:s15], [sflag:$0x6], $0x80, v3, vm0, $0xb8;
	[tilespmem:$0x18600] =	vst v63  }
0x132: {  	_ =	swait.ge [sflag:s12], $0x8000  }
0x133: {  	[sflag:s12] =	ssyncset.done $0x0  }
0x134: {  	[sflag:s12] =	ssyncadd.s32 $0xFFFF8000  }
0x135: {  	v3 =	vld [tilespmem:$0x380];
	_ =	sdelay $0x4  }
0x136: {  	v60 =	vshll.u32 v3, $0x2  }
0x137: {  	v3 =	vand.u32 $0x7, v3;
	v4 =	vand.u32 $0xFFFFFFE0, v60  }
0x138: {  	v3 =	vor.u32 v3, v4  }
0x139: {  	v4 =	vperm.xlane v3, v0;
	_ =	sdelay $0x1  }
0x13a: {  	v4 =	vadd.s32 v1, v4;
	_ =	sdelay $0x1  }
0x13b: {  	v3 =	vperm.xlane v3, v2;
	_ =	sdelay $0x1  }
0x13c: {  	v3 =	vadd.s32 v1, v3  }
0x13d: {  	[hbm4b:s4+s2] =	stream.indirect_vreg.scatter [tilespmem:s10], [sflag:$0x4], $0x80, v4, vm0, $0xb8;
	[tilespmem:$0x18600] =	vst v63  }
0x13e: {  	_ = 	snop  }
0x13f: {  	[hbm4b:s6+s2] =	stream.indirect_vreg.scatter [tilespmem:s16], [sflag:$0x4], $0x80, v4, vm0, $0xb8;
	[tilespmem:$0x18600] =	vst v63  }
0x140: {  	_ = 	snop  }
0x141: {  	[hbm4b:s4+s2] =	stream.indirect_vreg.scatter [tilespmem:s17], [sflag:$0x4], $0x80, v3, vm0, $0xb8;
	[tilespmem:$0x18600] =	vst v63  }
0x142: {  	_ = 	snop  }
0x143: {  	[hbm4b:s6+s2] =	stream.indirect_vreg.scatter [tilespmem:s18], [sflag:$0x4], $0x80, v3, vm0, $0xb8;
	[tilespmem:$0x18600] =	vst v63  }
0x144: {  	v3 =	vld [tilespmem:$0x390];
	_ =	sdelay $0x4  }
0x145: {  	v61 =	vshll.u32 v3, $0x2  }
0x146: {  	v3 =	vand.u32 $0x7, v3;
	v4 =	vand.u32 $0xFFFFFFE0, v61  }
0x147: {  	v3 =	vor.u32 v3, v4  }
0x148: {  	v4 =	vperm.xlane v3, v0;
	_ =	sdelay $0x1  }
0x149: {  	v4 =	vadd.s32 v1, v4;
	_ =	sdelay $0x1  }
0x14a: {  	v3 =	vperm.xlane v3, v2;
	_ =	sdelay $0x1  }
0x14b: {  	v3 =	vadd.s32 v1, v3  }
0x14c: {  	[hbm4b:s4+s2] =	stream.indirect_vreg.scatter [tilespmem:s19], [sflag:$0x4], $0x80, v4, vm0, $0xb8;
	[tilespmem:$0x18600] =	vst v63  }
0x14d: {  	_ = 	snop  }
0x14e: {  	[hbm4b:s6+s2] =	stream.indirect_vreg.scatter [tilespmem:s20], [sflag:$0x4], $0x80, v4, vm0, $0xb8;
	[tilespmem:$0x18600] =	vst v63  }
0x14f: {  	_ = 	snop  }
0x150: {  	[hbm4b:s4+s2] =	stream.indirect_vreg.scatter [tilespmem:s21], [sflag:$0x4], $0x80, v3, vm0, $0xb8;
	[tilespmem:$0x18600] =	vst v63  }
0x151: {  	_ = 	snop  }
0x152: {  	[hbm4b:s6+s2] =	stream.indirect_vreg.scatter [tilespmem:s22], [sflag:$0x4], $0x80, v3, vm0, $0xb8;
	[tilespmem:$0x18600] =	vst v63  }
0x153: {  	v3 =	vld [tilespmem:$0x3A0];
	_ =	sdelay $0x4  }
0x154: {  	v62 =	vshll.u32 v3, $0x2  }
0x155: {  	v3 =	vand.u32 $0x7, v3;
	v4 =	vand.u32 $0xFFFFFFE0, v62  }
0x156: {  	v3 =	vor.u32 v3, v4  }
0x157: {  	v4 =	vperm.xlane v3, v0;
	_ =	sdelay $0x1  }
0x158: {  	v4 =	vadd.s32 v1, v4;
	_ =	sdelay $0x1  }
0x159: {  	v3 =	vperm.xlane v3, v2;
	_ =	sdelay $0x1  }
0x15a: {  	v3 =	vadd.s32 v1, v3  }
0x15b: {  	[hbm4b:s4+s2] =	stream.indirect_vreg.scatter [tilespmem:s23], [sflag:$0x4], $0x80, v4, vm0, $0xb8;
	[tilespmem:$0x18600] =	vst v63  }
0x15c: {  	_ = 	snop  }
0x15d: {  	[hbm4b:s6+s2] =	stream.indirect_vreg.scatter [tilespmem:s24], [sflag:$0x4], $0x80, v4, vm0, $0xb8;
	[tilespmem:$0x18600] =	vst v63  }
0x15e: {  	_ = 	snop  }
0x15f: {  	[hbm4b:s4+s2] =	stream.indirect_vreg.scatter [tilespmem:s25], [sflag:$0x4], $0x80, v3, vm0, $0xb8;
	[tilespmem:$0x18600] =	vst v63  }
0x160: {  	_ = 	snop  }
0x161: {  	[hbm4b:s6+s2] =	stream.indirect_vreg.scatter [tilespmem:s26], [sflag:$0x4], $0x80, v3, vm0, $0xb8;
	[tilespmem:$0x18600] =	vst v63  }
0x162: {  	v3 =	vld [tilespmem:$0x3B0];
	_ =	sdelay $0x4  }
0x163: {  	v63 =	vshll.u32 v3, $0x2  }
0x164: {  	v3 =	vand.u32 $0x7, v3;
	v4 =	vand.u32 $0xFFFFFFE0, v63  }
0x165: {  	v3 =	vor.u32 v3, v4  }
0x166: {  	v4 =	vperm.xlane v3, v0;
	_ =	sdelay $0x1  }
0x167: {  	v4 =	vadd.s32 v1, v4;
	_ =	sdelay $0x1  }
0x168: {  	v3 =	vperm.xlane v3, v2;
	_ =	sdelay $0x1  }
0x169: {  	v3 =	vadd.s32 v1, v3  }
0x16a: {  	[hbm4b:s4+s2] =	stream.indirect_vreg.scatter [tilespmem:s28], [sflag:$0x4], $0x80, v4, vm0, $0xb8;
	[tilespmem:$0x18600] =	vst v63  }
0x16b: {  	_ = 	snop  }
0x16c: {  	[hbm4b:s6+s2] =	stream.indirect_vreg.scatter [tilespmem:s29], [sflag:$0x4], $0x80, v4, vm0, $0xb8;
	[tilespmem:$0x18600] =	vst v63  }
0x16d: {  	_ = 	snop  }
0x16e: {  	[hbm4b:s4+s2] =	stream.indirect_vreg.scatter [tilespmem:s30], [sflag:$0x4], $0x80, v3, vm0, $0xb8;
	[tilespmem:$0x18600] =	vst v63  }
0x16f: {  	_ = 	snop  }
0x170: {  	[hbm4b:s6+s2] =	stream.indirect_vreg.scatter [tilespmem:s1], [sflag:$0x4], $0x80, v3, vm0, $0xb8;
	[tilespmem:$0x18600] =	vst v63  }
0x171: {  	_ =	swait.ge [sflag:s31], $0x8000  }
0x172: {  	[sflag:s31] =	ssyncset.done $0x0  }
0x173: {  	[sflag:s31] =	ssyncadd.s32 $0xFFFF8000  }
0x174: {  	_ =	swait.ge [sflag:s0], $0x8000  }
0x175: {  	[sflag:s0] =	ssyncset.done $0x0  }
0x176: {  	[sflag:s0] =	ssyncadd.s32 $0xFFFF8000  }
0x177: {  	_ =	swait.ge [sflag:s3], $0x8000  }
0x178: {  	[sflag:s3] =	ssyncset.done $0x0  }
0x179: {  	[sflag:s3] =	ssyncadd.s32 $0xFFFF8000  }
0x17a: {  	_ =	swait.ge [sflag:s11], $0x40  }
0x17b: {  	[sflag:s11] =	ssyncset.done $0x0  }
0x17c: {  	[sflag:s11] =	ssyncadd.s32 $0xFFFFFFC0  }
0x17d: {  	_ =	swait.ge [sflag:s11], $0x40  }
0x17e: {  	[sflag:s11] =	ssyncset.done $0x0  }
0x17f: {  	[sflag:s11] =	ssyncadd.s32 $0xFFFFFFC0  }
0x180: {  	p0 =	sne.s32 s7, $0x1;
	_ =	swait.ge [sflag:s11], $0x40  }
.Ltmp0:
0x181: {  	[sflag:s11] =	ssyncset.done $0x0;
	(pc) =	sbr.rel @p0 .LBB2_1-.Ltmp0, $4  }
0x182: {  	[sflag:s11] =	ssyncadd.s32 $0xFFFFFFC0  }
0x183: {  	_ =	swait.ge [sflag:s11], $0x40  }
0x184: {  	[sflag:s11] =	ssyncset.done $0x0  }
0x185: {  	s7 =	sadd.s32 $0xFFFFFFFF, s7;
	[sflag:s11] =	ssyncadd.s32 $0xFFFFFFC0  }
0x186: {  	_ =	sfence.sel $0x180000  }
0x187: {  	[bflag:$0x0] =	sbarrier.arrive $0xFFFF  }
0x188: {  	_ =	strace $0x90000047  }
0x189: {  	s0 =	stileid.u32;
	[bflag:$0x2] =	sbarrier.arrive $0xFFFF  }
0x18a: {  	p0 =	sne.s32 s0, $0x0;
	s0 =	rddreg [dreg:$0x2]  }
0x18b: {  	s0 =	sadd.s32 @!p0 $0x100000, s0  }
0x18c: {  	[sflag:s0] =	ssyncadd.tile.s32 @!p0 $0x1;
	_ =	shalt  }
.Lfunc_end2:
_tile_overlayer_lowered:
.L_overlay_start_2:
0x18d: {  	(tag) =	ssettag $0x2  }
0x18e: {  	s0 =	rddreg [dreg:$0x0];
	s2 =	stileid.u32  }
0x18f: {  	s1 =	rddreg [dreg:$0x1];
	p0 =	sne.s32 s2, $0x0  }
0x190: {  	s3 =	rddreg [dreg:$0x2];
	[bflag:$0x3] =	sbarrier.arrive $0xFFFF;
	s2 =	simm.s32 @!p0 $0x1C08  }
0x191: {  	[timem:s3], [sflag:s2] =	dma.local @!p0 [hbm:s0], s1  }
0x192: {  	s0 =	simm.s32 @!p0 $0x8  }
0x193: {  	_ =	swait.ge @!p0 [sflag:s0], s1  }
0x194: {  	s1 =	ssub.s32 @!p0 $0x0, s1;
	[sflag:s0] =	ssyncset.done @!p0 $0x0  }
0x195: {  	[sflag:s0] =	ssyncadd.s32 @!p0 s1  }
0x196: {  	[bflag:$0x3] =	sbarrier.arrive $0xFFFF  }
0x197: {  	_ =	shalt  }

// kernel: kernel.9.cloned.1.call-start
scs
__scs_entry_jumppad:
0x0: {  	(pc) =	sbr.rel $0x88, $3  }
0x1: {  	(tag) =	ssettag $0x0;
	lr =	simm.s32 $0x1  }
0x2: {  	[smem:$0x3F9C] =	sst lr;
	_ =	strace $0xD0000000  }
0x3: {  	_ = 	snop  }
0x4: {  	_ = 	snop  }
0x5: {  	_ = 	snop  }
0x6: {  	_ = 	snop  }
0x7: {  	_ = 	snop  }
__scs_overlays_trampoline_lowered:
0x8: {  	[smem:$0x3FAB] =	sst s0  }
0x9: {  	[smem:$0x3FAC] =	sst s1  }
0xa: {  	[smem:$0x3FAD] =	sst s2  }
0xb: {  	[smem:$0x3FAE] =	sst s3  }
0xc: {  	[smem:$0x3FAF] =	sst s4  }
0xd: {  	[smem:$0x3FB0] =	sst s5  }
0xe: {  	[smem:$0x3FB1] =	sst s6  }
0xf: {  	[smem:$0x3FB2] =	sst s7  }
0x10: {  	[smem:$0x3FB3] =	sst s8  }
0x11: {  	[smem:$0x3FB4] =	sst s9;
	s0 =	simm.s32 @!p0 $0x0  }
0x12: {  	s1 =	sld [smem:$0x3F9A];
	s0 =	simm.s32 @p0 $0x1  }
0x13: {  	[smem:$0x3FB5] =	sst s0;
	s0 =	simm.s32 @!p1 $0x0  }
0x14: {  	s2 =	sld [smem:$0x3F99];
	s0 =	simm.s32 @p1 $0x1  }
0x15: {  	[smem:$0x3FB6] =	sst s0;
	s0 =	simm.s32 @!p2 $0x0  }
0x16: {  	s3 =	sld [smem:$0x3FDB];
	s0 =	simm.s32 @p2 $0x1  }
0x17: {  	s4 =	simm.s32 $0x1BF5;
	[smem:$0x3FB8] =	sst s0  }
0x18: {  	s0 =	sld [smem:$0x3F9B];
	_ =	swait.ge [sflag:s4], $0x0  }
0x19: {  	s7 =	sld [smem:$0x3F9C]  }
0x1a: {  	s8 =	sadd.s32 $0xFFFFE003, lr  }
0x1b: {  	s9 =	sadd.s32 $0xFFFFFEF7, lr;
	s5 =	simm.s32 $0xFFFFFFFF;
	p2 =	slt.u32 s8, $0xFFFFF086  }
0x1c: {  	p1 =	slt.u32 s9, $0xF7A;
	s5 =	simm.s32 @!p2 $0x0  }
0x1d: {  	s5 =	simm.s32 @p1 $0x1;
	p0 =	seq.s32 s7, s2  }
0x1e: {  	s7 =	smul.u32 @!p0 $0xF7A, s2;
	p2 =	seq.s32 @!p0 s5, $0x0  }
0x1f: {  	s9 =	smul.u32 $0xF7A, s1;
	s8 =	simm.s32 @!p0 $0x1BF5;
	p2 =	por !p2, p0  }
0x20: {  	[sflag:s8] =	ssyncset.s32 @!p0 $0xFFFFF086;
	s6 =	sadd.s32 @!p0 s3, s7;
	s7 =	simm.s32 @!p0 $0x108  }
0x21: {  	s3 =	sadd.s32 s3, s9;
	s6 =	sadd.s32 @!p0 $0x88, s6;
	s7 =	simm.s32 @p2 $0x1082  }
0x22: {  	[simem:s7], [sflag:s8] =	dma.local @!p0 [hbm:s6], $0xF7A  }
0x23: {  	s9 =	sor.u32 $0xD0000000, s2;
	s6 =	simm.s32 $0x108;
	_ =	swait.ge @!p0 [sflag:s8], $0x0  }
0x24: {  	s3 =	sadd.s32 $0x88, s3;
	s6 =	simm.s32 @!p1 $0x1082;
	[sflag:s4] =	ssyncset.s32 $0xFFFFF086  }
0x25: {  	[simem:s6], [sflag:s4] =	dma.local [hbm:s3], $0xF7A  }
0x26: {  	[smem:$0x3F9C] =	sst s1;
	(tag) =	ssettag s2;
	_ =	strace s9  }
0x27: {  	s1 =	sld [smem:$0x3FAC]  }
0x28: {  	s2 =	sld [smem:$0x3FAD]  }
0x29: {  	s4 =	sld [smem:$0x3FAF]  }
0x2a: {  	p0 =	seq.s32 s5, $0x0;
	s5 =	sld [smem:$0x3FB0]  }
0x2b: {  	s6 =	sld [smem:$0x3FB1]  }
0x2c: {  	s7 =	sld [smem:$0x3FB2]  }
0x2d: {  	s3 =	simm.s32 $0x108;
	s8 =	sld [smem:$0x3FB3]  }
0x2e: {  	s3 =	simm.s32 @!p0 $0x1082;
	s9 =	sld [smem:$0x3FB4]  }
0x2f: {  	lr =	sadd.s32 s0, s3;
	s0 =	sld [smem:$0x3FAB]  }
0x30: {  	s3 =	sld [smem:$0x3FAE]  }
0x31: {  	[smem:$0x3FB7] =	sst s10  }
0x32: {  	s10 =	sld [smem:$0x3FB5];
	_ =	sdelay $0x3  }
0x33: {  	p0 =	seq.s32 s10, $0x1;
	s10 =	sld [smem:$0x3FB7];
	_ =	sdelay $0x3  }
0x34: {  	[smem:$0x3FB7] =	sst s10  }
0x35: {  	s10 =	sld [smem:$0x3FB6];
	_ =	sdelay $0x3  }
0x36: {  	p1 =	seq.s32 s10, $0x1;
	s10 =	sld [smem:$0x3FB7];
	_ =	sdelay $0x3  }
0x37: {  	[smem:$0x3FB7] =	sst s10  }
0x38: {  	s10 =	sld [smem:$0x3FB8]  }
0x39: {  	_ = 	snop;
	(pc) =	sbr.ind lr, $3  }
0x3a: {  	_ = 	snop  }
0x3b: {  	_ = 	snop  }
0x3c: {  	p2 =	seq.s32 s10, $0x1;
	s10 =	sld [smem:$0x3FB7]  }
0x3d: {  	_ =	shalt  }
0x3e: {  	_ =	shalt  }
0x3f: {  	_ =	shalt  }
0x40: {  	_ =	shalt  }
0x41: {  	_ =	shalt  }
0x42: {  	_ =	shalt  }
0x43: {  	_ =	shalt  }
0x44: {  	_ =	shalt  }
0x45: {  	_ =	shalt  }
0x46: {  	_ =	shalt  }
0x47: {  	_ =	shalt  }
0x48: {  	_ =	shalt  }
0x49: {  	_ =	shalt  }
0x4a: {  	_ =	shalt  }
0x4b: {  	_ =	shalt  }
0x4c: {  	_ =	shalt  }
0x4d: {  	_ =	shalt  }
0x4e: {  	_ =	shalt  }
0x4f: {  	_ =	shalt  }
0x50: {  	_ =	shalt  }
0x51: {  	_ =	shalt  }
0x52: {  	_ =	shalt  }
0x53: {  	_ =	shalt  }
0x54: {  	_ =	shalt  }
0x55: {  	_ =	shalt  }
0x56: {  	_ =	shalt  }
0x57: {  	_ =	shalt  }
0x58: {  	_ =	shalt  }
0x59: {  	_ =	shalt  }
0x5a: {  	_ =	shalt  }
0x5b: {  	_ =	shalt  }
0x5c: {  	_ =	shalt  }
0x5d: {  	_ =	shalt  }
0x5e: {  	_ =	shalt  }
0x5f: {  	_ =	shalt  }
0x60: {  	_ =	shalt  }
0x61: {  	_ =	shalt  }
0x62: {  	_ =	shalt  }
0x63: {  	_ =	shalt  }
0x64: {  	_ =	shalt  }
0x65: {  	_ =	shalt  }
0x66: {  	_ =	shalt  }
0x67: {  	_ =	shalt  }
0x68: {  	_ =	shalt  }
0x69: {  	_ =	shalt  }
0x6a: {  	_ =	shalt  }
0x6b: {  	_ =	shalt  }
0x6c: {  	_ =	shalt  }
0x6d: {  	_ =	shalt  }
0x6e: {  	_ =	shalt  }
0x6f: {  	_ =	shalt  }
0x70: {  	_ =	shalt  }
0x71: {  	_ =	shalt  }
0x72: {  	_ =	shalt  }
0x73: {  	_ =	shalt  }
0x74: {  	_ =	shalt  }
0x75: {  	_ =	shalt  }
0x76: {  	_ =	shalt  }
0x77: {  	_ =	shalt  }
0x78: {  	_ =	shalt  }
0x79: {  	_ =	shalt  }
0x7a: {  	_ =	shalt  }
0x7b: {  	_ =	shalt  }
0x7c: {  	_ =	shalt  }
0x7d: {  	_ =	shalt  }
0x7e: {  	_ =	shalt  }
0x7f: {  	_ =	shalt  }
0x80: {  	_ =	shalt  }
0x81: {  	_ =	shalt  }
0x82: {  	_ =	shalt  }
0x83: {  	_ =	shalt  }
0x84: {  	_ =	shalt  }
0x85: {  	_ =	shalt  }
0x86: {  	_ =	shalt  }
0x87: {  	_ =	shalt  }
.Lfunc_end0:
.L_simem_size_0:
called_computation.1_lowered:
.L_overlay_start_0:
0x88: {  	s2 =	sld [smem:$0x3FD9]  }
0x89: {  	s3 =	sld [smem:$0x3FFE];
	_ =	sdelay $0x1  }
0x8a: {  	s1 =	srdreg.scid  }
0x8b: {  	s0 =	sand.u32 $0x1, s1  }
0x8c: {  	s17 =	sshll.u32 s0, $0xA;
	s2 =	sadd.s32 s3, s2  }
0x8d: {  	s2 =	sadd.s32 s2, s17  }
0x8e: {  	[smem:$0x3FC3] =	sst s2  }
0x8f: {  	_ = 	snop  }
0x90: {  	s2 =	sld [smem:$0x3FD0];
	(tm) =	ssettm $0x1  }
0x91: {  	s18 =	sld [smem:$0x3FFB];
	_ =	sdelay $0x3  }
0x92: {  	_ =	strace s18  }
0x93: {  	s3 =	sld [smem:$0x3FFC];
	_ =	sdelay $0x3  }
0x94: {  	_ =	strace s3  }
0x95: {  	s3 =	sld [smem:$0x3FFD];
	_ =	sdelay $0x3  }
0x96: {  	_ =	strace s3  }
0x97: {  	_ =	strace $0x8FFFFFFF  }
0x98: {  	s19 =	sld [smem:$0x3FDB];
	_ =	sdelay $0x1  }
0x99: {  	s4 =	simm.s32 $_scs_section_size  }
0x9a: {  	s5 =	simm.s32 $_size__tile_overlayer_lowered;
	s6 =	simm.s32 $_tile_overlayer_lowered  }
0x9b: {  	s22 =	simm.s32 $0x1BFF;
	s21 =	sshll.u32 s6, $0x1;
	s3 =	sadd.s32 s4, s19  }
0x9c: {  	s7 =	simm.s32 $0x0;
	s20 =	sshll.u32 s5, $0x1;
	s5 =	sadd.s32 s21, s3  }
0x9d: {  	[timem:s7], [sflag:s22] =	dma.local [hbm:s5], s20  }
0x9e: {  	_ =	swait.ge [sflag:s22], s20  }
0x9f: {  	s4 =	ssub.s32 $0x0, s20;
	[sflag:s22] =	ssyncset.done $0x0  }
0xa0: {  	[sflag:s22] =	ssyncadd.s32 s4;
	_ =	sdelay $0x1  }
0xa1: {  	s23 =	simm.s32 $0x1B8B  }
0xa2: {  	_ =	swait.ge [sflag:s23], $0x1  }
0xa3: {  	[sflag:s23] =	ssyncset.done $0x0  }
0xa4: {  	s25 =	simm.s32 $0x1B8E;
	s24 =	sld [smem:$0x3FFE];
	[sflag:s23] =	ssyncadd.s32 $0xFFFFFFFF  }
0xa5: {  	s26 =	simm.s32 $execute0_lowered;
	[smem:$0x3FD2] =	sst s25  }
0xa6: {  	s5 =	sshll.u32 s26, $0x1;
	_ =	strace $0x80000049;
	[dreg:$0x1] =	wrdreg $0xFFFFFFFF  }
0xa7: {  	s28 =	simm.s32 $_size_execute0_lowered;
	s3 =	sadd.s32 s3, s5;
	[dreg:$0x0] =	wrdreg $0x0  }
0xa8: {  	s5 =	sshll.u32 s28, $0x1;
	[dreg:$0x2] =	wrdreg s3  }
0xa9: {  	[dreg:$0x3] =	wrdreg s5  }
0xaa: {  	[dreg:$0x4] =	wrdreg $0xC0  }
0xab: {  	_ =	task [dreg:s7], $0x5FFFF  }
0xac: {  	[dreg:$0x1] =	wrdreg $0xFFFFFFFF  }
0xad: {  	[dreg:$0x0] =	wrdreg $0x60  }
0xae: {  	[dreg:$0x2] =	wrdreg s24  }
0xaf: {  	[dreg:$0x3] =	wrdreg s2  }
0xb0: {  	[dreg:$0x4] =	wrdreg $0x9  }
0xb1: {  	_ =	task.clear_ibuf [dreg:s7], $0x5FFFF;
	_ =	strace $0x90000049  }
0xb2: {  	s29 =	simm.s32 $0x9;
	_ =	strace $0x8000004B  }
0xb3: {  	_ =	swait.ge [sflag:s29], $0x1  }
0xb4: {  	[sflag:s29] =	ssyncadd.s32 $0xFFFFFFFF  }
0xb5: {  	_ =	strace $0x9000004B  }
0xb6: {  	_ =	sfence  }
0xb7: {  	s30 =	sld [smem:$0x0];
	_ =	sdelay $0x2  }
0xb8: {  	s31 =	sshll.u32 s1, $0xD;
	s1 =	sshrl.u32 s1, $0x2  }
0xb9: {  	s3 =	sand.u32 $0x4000, s31;
	s1 =	sadd.s32 s1, s30  }
0xba: {  	s0 =	sor.u32 s3, s0;
	s1 =	sshll.u32 s1, $0x11  }
0xbb: {  	s0 =	sor.u32 s1, s0  }
0xbc: {  	s0 =	sadd.s32 $0x8F2B, s0  }
0xbd: {  	[sflag:s0] =	ssyncadd.remote.s32 $0x1  }
0xbe: {  	_ =	sfence.sel $0xFFFF  }
0xbf: {  	[dreg:$0x0] =	wrdreg $0xFFFFFFFF;
	(pc) =	sbr.abs _section_cstart, $3  }
0xc0: {  	[dreg:$0x1] =	wrdreg $0xFFFFFFFF  }
0xc1: {  	_ =	task.clear_ibuf [dreg:s7], $0x2FFFF;
	_ =	strace $0x9FFFFFFF  }
0xc2: {  	(tm) =	ssettm $0x7FFFFFFF  }
0xc3: {  	_ =	shalt  }
tec
execute0_lowered:
.L_overlay_start_1:
0x0: {  	(tag) =	ssettag $0x1  }
0x1: {  	s0 =	rddreg [dreg:$0x0]  }
0x2: {  	s1 =	rddreg [dreg:$0x1];
	s3 =	srdreg.scid  }
0x3: {  	s4 =	stileid.u32;
	s2 =	simm.s32 $0x0;
	s10 =	simm.s32 $0x1  }
0x4: {  	s11 =	simm.s32 $0x2;
	s12 =	simm.s32 $0x8100;
	s28 =	simm.s32 $0xE900  }
0x5: {  	s29 =	simm.s32 $0xF100;
	s3 =	sand.u32 $0x1, s3;
	s4 =	sshll.u32 s4, $0x1  }
0x6: {  	s30 =	simm.s32 $0xF900;
	s31 =	simm.s32 $0x3;
	s4 =	sor.u32 s3, s4  }
0x7: {  	[smem:$0x7FF] =	sst s2;
	s5 =	sshll.u32 s4, $0x4;
	s4 =	sshll.u32 s4, $0xE  }
0x8: {  	s9 =	sadd.s32 $0x103500, s0;
	s7 =	sadd.s32 s5, s0;
	s1 =	sadd.s32 s1, s4  }
0x9: {  	_ =	strace $0x8000004A;
	s17 =	sadd.s32 $0x2400, s7;
	[dreg:$0x4] =	wrdreg s1  }
0xa: {  	s6 =	ssub.s32 $0x2, s3;
	s18 =	sadd.s32 $0x2600, s7;
	[dreg:$0x3] =	wrdreg s17  }
0xb: {  	s3 =	sadd.s32 $0x103200, s0;
	s19 =	sadd.s32 $0x800, s1;
	[dreg:$0x5] =	wrdreg s18  }
0xc: {  	s16 =	sshrl.u32 s6, $0x1;
	s20 =	sadd.s32 $0x1000, s1;
	[dreg:$0x6] =	wrdreg s19  }
0xd: {  	s8 =	ssub.s32 s6, s16;
	s21 =	sadd.s32 $0x1800, s1;
	[dreg:$0x7] =	wrdreg s20  }
0xe: {  	s5 =	sadd.s32 $0x103300, s0;
	s22 =	sadd.s32 $0x2000, s1;
	[dreg:$0x8] =	wrdreg s21  }
0xf: {  	s6 =	sadd.s32 $0x103400, s0;
	s23 =	sadd.s32 $0x2800, s1;
	[dreg:$0x9] =	wrdreg s22  }
0x10: {  	s0 =	simm.s32 $0x4;
	s24 =	sadd.s32 $0x3000, s1;
	[dreg:$0xa] =	wrdreg s23  }
0x11: {  	s4 =	simm.s32 $0x0;
	s25 =	sadd.s32 $0x3800, s1;
	[dreg:$0xb] =	wrdreg s24  }
0x12: {  	s26 =	smax.u32 s8, $0x1;
	s1 =	simm.s32 $0x5;
	[dreg:$0xc] =	wrdreg s25  }
0x13: {  	v2 =	vlaneseq.u32;
	[dreg:$0xd] =	wrdreg s26;
	s18 =	simm.s32 $0x7;
	s20 =	simm.s32 $0x100  }
0x14: {  	vm0 =	vmmov $0xffff;
	v1 =	vshrl.u32 v2, $0x3;
	s22 =	simm.s32 $0xC100;
	s23 =	simm.s32 $0xC900;
	s24 =	simm.s32 $0xD100  }
0x15: {  	v0 =	vand.u32 $0x7, v2;
	v2 =	vor.u32 $0x8, v2;
	v1 =	vmul.u32 $0x8, v1;
	s25 =	simm.s32 $0xD900;
	s26 =	simm.s32 $0xE100;
	s19 =	simm.s32 $0x6  }
.LBB2_1:
0x16: {  	s7 =	rddreg [dreg:$0x3]  }
0x17: {  	[tilespmem:s2], [sflag:$0x7] =	stream.linear.gather [hbm4b:s7+s2], $0x80, $0x38;
	[tilespmem:$0x10100] =	vst v63  }
0x18: {  	_ =	swait.ge [sflag:s18], $0x80  }
0x19: {  	[sflag:s18] =	ssyncset.done $0x0  }
0x1a: {  	s8 =	simm.s32 $0x80;
	s16 =	rddreg [dreg:$0x5];
	[sflag:s18] =	ssyncadd.s32 $0xFFFFFF80  }
0x1b: {  	[tilespmem:s8], [sflag:$0x7] =	stream.linear.gather [hbm4b:s16+s2], $0x80, $0x38;
	[tilespmem:$0x10100] =	vst v63  }
0x1c: {  	_ =	swait.ge [sflag:s18], $0x80  }
0x1d: {  	[sflag:s18] =	ssyncset.done $0x0  }
0x1e: {  	[sflag:s18] =	ssyncadd.s32 $0xFFFFFF80  }
0x1f: {  	v3 =	vld [tilespmem:$0x0];
	_ =	sdelay $0x4  }
0x20: {  	v4 =	vshll.u32 v3, $0x3  }
0x21: {  	v3 =	vand.u32 $0x7, v3;
	v4 =	vand.u32 $0xFFFFFFC0, v4  }
0x22: {  	v3 =	vor.u32 v3, v4  }
0x23: {  	v4 =	vperm.xlane v3, v0;
	_ =	sdelay $0x1  }
0x24: {  	v4 =	vadd.s32 v1, v4;
	_ =	sdelay $0x4  }
0x25: {  	[tilespmem:s20], [sflag:$0x1] =	stream.indirect_vreg.gather [hbm4b:s3+s2], $0x80, v4, vm0, $0xb8;
	[tilespmem:$0x10100] =	vst v63  }
0x26: {  	s17 =	simm.s32 $0x900;
	v3 =	vperm.xlane v3, v2  }
0x27: {  	[tilespmem:s17], [sflag:$0x1] =	stream.indirect_vreg.gather [hbm4b:s5+s2], $0x80, v4, vm0, $0xb8;
	[tilespmem:$0x10100] =	vst v63  }
0x28: {  	s21 =	simm.s32 $0x1100;
	v3 =	vadd.s32 v1, v3  }
0x29: {  	[tilespmem:s21], [sflag:$0x1] =	stream.indirect_vreg.gather [hbm4b:s6+s2], $0x80, v4, vm0, $0xb8;
	[tilespmem:$0x10100] =	vst v63  }
0x2a: {  	s8 =	simm.s32 $0x1900  }
0x2b: {  	[tilespmem:s8], [sflag:$0x1] =	stream.indirect_vreg.gather [hbm4b:s9+s2], $0x80, v4, vm0, $0xb8;
	[tilespmem:$0x10100] =	vst v63  }
0x2c: {  	s13 =	simm.s32 $0x2100  }
0x2d: {  	[tilespmem:s13], [sflag:$0x1] =	stream.indirect_vreg.gather [hbm4b:s3+s2], $0x80, v3, vm0, $0xb8;
	[tilespmem:$0x10100] =	vst v63  }
0x2e: {  	s14 =	simm.s32 $0x2900  }
0x2f: {  	[tilespmem:s14], [sflag:$0x1] =	stream.indirect_vreg.gather [hbm4b:s5+s2], $0x80, v3, vm0, $0xb8;
	[tilespmem:$0x10100] =	vst v63  }
0x30: {  	s15 =	simm.s32 $0x3100  }
0x31: {  	[tilespmem:s15], [sflag:$0x1] =	stream.indirect_vreg.gather [hbm4b:s6+s2], $0x80, v3, vm0, $0xb8;
	[tilespmem:$0x10100] =	vst v63  }
0x32: {  	s16 =	simm.s32 $0x3900  }
0x33: {  	[tilespmem:s16], [sflag:$0x1] =	stream.indirect_vreg.gather [hbm4b:s9+s2], $0x80, v3, vm0, $0xb8;
	[tilespmem:$0x10100] =	vst v63  }
0x34: {  	v3 =	vld [tilespmem:$0x80];
	_ =	sdelay $0x4  }
0x35: {  	v4 =	vshll.u32 v3, $0x3  }
0x36: {  	v3 =	vand.u32 $0x7, v3;
	v4 =	vand.u32 $0xFFFFFFC0, v4  }
0x37: {  	v3 =	vor.u32 v3, v4  }
0x38: {  	v4 =	vperm.xlane v3, v0;
	_ =	sdelay $0x1  }
0x39: {  	v4 =	vadd.s32 v1, v4;
	_ =	sdelay $0x3  }
0x3a: {  	s17 =	simm.s32 $0x4100  }
0x3b: {  	[tilespmem:s17], [sflag:$0x2] =	stream.indirect_vreg.gather [hbm4b:s3+s2], $0x80, v4, vm0, $0xb8;
	[tilespmem:$0x10100] =	vst v63  }
0x3c: {  	s21 =	simm.s32 $0x4900;
	v3 =	vperm.xlane v3, v2  }
0x3d: {  	[tilespmem:s21], [sflag:$0x2] =	stream.indirect_vreg.gather [hbm4b:s5+s2], $0x80, v4, vm0, $0xb8;
	[tilespmem:$0x10100] =	vst v63  }
0x3e: {  	s8 =	simm.s32 $0x5100;
	v3 =	vadd.s32 v1, v3  }
0x3f: {  	[tilespmem:s8], [sflag:$0x2] =	stream.indirect_vreg.gather [hbm4b:s6+s2], $0x80, v4, vm0, $0xb8;
	[tilespmem:$0x10100] =	vst v63  }
0x40: {  	s13 =	simm.s32 $0x5900  }
0x41: {  	[tilespmem:s13], [sflag:$0x2] =	stream.indirect_vreg.gather [hbm4b:s9+s2], $0x80, v4, vm0, $0xb8;
	[tilespmem:$0x10100] =	vst v63  }
0x42: {  	s14 =	simm.s32 $0x6100  }
0x43: {  	[tilespmem:s14], [sflag:$0x2] =	stream.indirect_vreg.gather [hbm4b:s3+s2], $0x80, v3, vm0, $0xb8;
	[tilespmem:$0x10100] =	vst v63  }
0x44: {  	s15 =	simm.s32 $0x6900  }
0x45: {  	[tilespmem:s15], [sflag:$0x2] =	stream.indirect_vreg.gather [hbm4b:s5+s2], $0x80, v3, vm0, $0xb8;
	[tilespmem:$0x10100] =	vst v63  }
0x46: {  	s16 =	simm.s32 $0x7100  }
0x47: {  	[tilespmem:s16], [sflag:$0x2] =	stream.indirect_vreg.gather [hbm4b:s6+s2], $0x80, v3, vm0, $0xb8;
	[tilespmem:$0x10100] =	vst v63  }
0x48: {  	s17 =	simm.s32 $0x7900  }
0x49: {  	[tilespmem:s17], [sflag:$0x2] =	stream.indirect_vreg.gather [hbm4b:s9+s2], $0x80, v3, vm0, $0xb8;
	[tilespmem:$0x10100] =	vst v63  }
0x4a: {  	_ =	swait.ge [sflag:s10], $0x4000  }
0x4b: {  	[sflag:s10] =	ssyncset.done $0x0  }
0x4c: {  	[sflag:s10] =	ssyncadd.s32 $0xFFFFC000  }
0x4d: {  	_ =	swait.ge [sflag:s11], $0x4000  }
0x4e: {  	[sflag:s11] =	ssyncset.done $0x0  }
0x4f: {  	[sflag:s11] =	ssyncadd.s32 $0xFFFFC000  }
0x50: {  	v3 =	vld [tilespmem:$0x10];
	_ =	sdelay $0x4  }
0x51: {  	v4 =	vshll.u32 v3, $0x3  }
0x52: {  	v3 =	vand.u32 $0x7, v3;
	v4 =	vand.u32 $0xFFFFFFC0, v4  }
0x53: {  	v3 =	vor.u32 v3, v4  }
0x54: {  	v4 =	vperm.xlane v3, v0;
	_ =	sdelay $0x1  }
0x55: {  	v4 =	vadd.s32 v1, v4;
	_ =	sdelay $0x4  }
0x56: {  	[tilespmem:s12], [sflag:$0x3] =	stream.indirect_vreg.gather [hbm4b:s3+s2], $0x80, v4, vm0, $0xb8;
	[tilespmem:$0x10100] =	vst v63  }
0x57: {  	s21 =	simm.s32 $0x8900;
	v3 =	vperm.xlane v3, v2  }
0x58: {  	[tilespmem:s21], [sflag:$0x3] =	stream.indirect_vreg.gather [hbm4b:s5+s2], $0x80, v4, vm0, $0xb8;
	[tilespmem:$0x10100] =	vst v63  }
0x59: {  	s8 =	simm.s32 $0x9100;
	v3 =	vadd.s32 v1, v3  }
0x5a: {  	[tilespmem:s8], [sflag:$0x3] =	stream.indirect_vreg.gather [hbm4b:s6+s2], $0x80, v4, vm0, $0xb8;
	[tilespmem:$0x10100] =	vst v63  }
0x5b: {  	s13 =	simm.s32 $0x9900  }
0x5c: {  	[tilespmem:s13], [sflag:$0x3] =	stream.indirect_vreg.gather [hbm4b:s9+s2], $0x80, v4, vm0, $0xb8;
	[tilespmem:$0x10100] =	vst v63  }
0x5d: {  	s14 =	simm.s32 $0xA100  }
0x5e: {  	[tilespmem:s14], [sflag:$0x3] =	stream.indirect_vreg.gather [hbm4b:s3+s2], $0x80, v3, vm0, $0xb8;
	[tilespmem:$0x10100] =	vst v63  }
0x5f: {  	s15 =	simm.s32 $0xA900  }
0x60: {  	[tilespmem:s15], [sflag:$0x3] =	stream.indirect_vreg.gather [hbm4b:s5+s2], $0x80, v3, vm0, $0xb8;
	[tilespmem:$0x10100] =	vst v63  }
0x61: {  	s16 =	simm.s32 $0xB100  }
0x62: {  	[tilespmem:s16], [sflag:$0x3] =	stream.indirect_vreg.gather [hbm4b:s6+s2], $0x80, v3, vm0, $0xb8;
	[tilespmem:$0x10100] =	vst v63  }
0x63: {  	s17 =	simm.s32 $0xB900  }
0x64: {  	[tilespmem:s17], [sflag:$0x3] =	stream.indirect_vreg.gather [hbm4b:s9+s2], $0x80, v3, vm0, $0xb8;
	[tilespmem:$0x10100] =	vst v63  }
0x65: {  	v3 =	vld [tilespmem:$0x90];
	_ =	sdelay $0x4  }
0x66: {  	v4 =	vshll.u32 v3, $0x3  }
0x67: {  	v3 =	vand.u32 $0x7, v3;
	v4 =	vand.u32 $0xFFFFFFC0, v4  }
0x68: {  	v3 =	vor.u32 v3, v4  }
0x69: {  	v4 =	vperm.xlane v3, v0;
	_ =	sdelay $0x1  }
0x6a: {  	v4 =	vadd.s32 v1, v4;
	_ =	sdelay $0x4  }
0x6b: {  	[tilespmem:s22], [sflag:$0x4] =	stream.indirect_vreg.gather [hbm4b:s3+s2], $0x80, v4, vm0, $0xb8;
	[tilespmem:$0x10100] =	vst v63  }
0x6c: {  	v3 =	vperm.xlane v3, v2  }
0x6d: {  	[tilespmem:s23], [sflag:$0x4] =	stream.indirect_vreg.gather [hbm4b:s5+s2], $0x80, v4, vm0, $0xb8;
	[tilespmem:$0x10100] =	vst v63  }
0x6e: {  	v3 =	vadd.s32 v1, v3  }
0x6f: {  	[tilespmem:s24], [sflag:$0x4] =	stream.indirect_vreg.gather [hbm4b:s6+s2], $0x80, v4, vm0, $0xb8;
	[tilespmem:$0x10100] =	vst v63  }
0x70: {  	_ = 	snop  }
0x71: {  	[tilespmem:s25], [sflag:$0x4] =	stream.indirect_vreg.gather [hbm4b:s9+s2], $0x80, v4, vm0, $0xb8;
	[tilespmem:$0x10100] =	vst v63  }
0x72: {  	_ = 	snop  }
0x73: {  	[tilespmem:s26], [sflag:$0x4] =	stream.indirect_vreg.gather [hbm4b:s3+s2], $0x80, v3, vm0, $0xb8;
	[tilespmem:$0x10100] =	vst v63  }
0x74: {  	_ = 	snop  }
0x75: {  	[tilespmem:s28], [sflag:$0x4] =	stream.indirect_vreg.gather [hbm4b:s5+s2], $0x80, v3, vm0, $0xb8;
	[tilespmem:$0x10100] =	vst v63  }
0x76: {  	s21 =	sand.u32 $0x70, s2;
	s13 =	sand.u32 $0x1C00, s2  }
0x77: {  	[tilespmem:s29], [sflag:$0x4] =	stream.indirect_vreg.gather [hbm4b:s6+s2], $0x80, v3, vm0, $0xb8;
	[tilespmem:$0x10100] =	vst v63  }
0x78: {  	s8 =	sor.u32 s21, s13  }
0x79: {  	[tilespmem:s30], [sflag:$0x4] =	stream.indirect_vreg.gather [hbm4b:s9+s2], $0x80, v3, vm0, $0xb8;
	[tilespmem:$0x10100] =	vst v63  }
0x7a: {  	v3 =	vld [tilespmem:s8+$0x280]  }
0x7b: {  	v4 =	vld [tilespmem:s8+$0x100]  }
0x7c: {  	v5 =	vld [tilespmem:s8+$0x400]  }
0x7d: {  	v6 =	vld [tilespmem:s8+$0x300]  }
0x7e: {  	v7 =	vld [tilespmem:s8+$0x200]  }
0x7f: {  	v8 =	vld [tilespmem:s8+$0x380]  }
0x80: {  	v9 =	vld [tilespmem:s8+$0x180]  }
0x81: {  	v10 =	vld [tilespmem:s8+$0x4180]  }
0x82: {  	s13 =	sor.u32 s2, s2;
	s14 =	simm.s32 $0x10;
	s15 =	simm.s32 $0x0;
	v11 =	vld [tilespmem:s8+$0x4380]  }
.LBB2_2:
0x83: {  	p0 =	sne.s32 s14, $0x3F0  }
0x84: {  	v12 =	vld [tilespmem:s8+$0x4280];
	s15 =	sadd.s32 $0x80, s15;
	s17 =	smov.u32 s14;
	s14 =	sadd.s32 $0x10, s14  }
0x85: {  	s16 =	sor.u32 s17, s15;
	v13 =	vld [tilespmem:s8+$0x4200]  }
0x86: {  	v14 =	vld [tilespmem:s8+$0x4300]  }
0x87: {  	v15 =	vld [tilespmem:s8+$0x4400]  }
0x88: {  	v9 =	vadd.f32 v10, v9;
	v16 =	vld [tilespmem:s8+$0x4100];
	v8 =	vadd.f32 v11, v8  }
0x89: {  	v3 =	vadd.f32 v12, v3  }
0x8a: {  	v7 =	vadd.f32 v13, v7;
	[tilespmem:s8+$0x380] =	vst v8  }
0x8b: {  	[tilespmem:s8+$0x280] =	vst v3;
	v3 =	vadd.f32 v14, v6  }
0x8c: {  	[tilespmem:s8+$0x180] =	vst v9;
	v5 =	vadd.f32 v15, v5  }
0x8d: {  	v4 =	vadd.f32 v16, v4;
	[tilespmem:s8+$0x200] =	vst v7  }
0x8e: {  	[tilespmem:s8+$0x400] =	vst v5  }
0x8f: {  	[tilespmem:s8+$0x300] =	vst v3  }
0x90: {  	s7 =	sor.u32 $0x380, s13;
	[tilespmem:s8+$0x100] =	vst v4  }
0x91: {  	v3 =	vld [tilespmem:s7+$0x100]  }
0x92: {  	v4 =	vld [tilespmem:s7+$0x4100];
	_ =	sdelay $0x4  }
0x93: {  	v3 =	vadd.f32 v4, v3;
	_ =	sdelay $0x1  }
0x94: {  	s17 =	sand.u32 $0x70, s17;
	s21 =	sand.u32 $0x1C00, s15;
	[tilespmem:s7+$0x100] =	vst v3  }
0x95: {  	s7 =	sor.u32 s17, s21;
	v3 =	vld [tilespmem:s8+$0x2100]  }
0x96: {  	v4 =	vld [tilespmem:s8+$0x6100]  }
0x97: {  	v5 =	vld [tilespmem:s8+$0x2180]  }
0x98: {  	v6 =	vld [tilespmem:s8+$0x6180]  }
0x99: {  	v7 =	vld [tilespmem:s8+$0x6400]  }
0x9a: {  	v8 =	vld [tilespmem:s8+$0x2400]  }
0x9b: {  	v3 =	vadd.f32 v4, v3;
	v4 =	vld [tilespmem:s8+$0x6380]  }
0x9c: {  	v9 =	vld [tilespmem:s8+$0x6280]  }
0x9d: {  	[tilespmem:s8+$0x2100] =	vst v3;
	v3 =	vadd.f32 v6, v5;
	v5 =	vld [tilespmem:s8+$0x6300]  }
0x9e: {  	v6 =	vld [tilespmem:s8+$0x2380]  }
0x9f: {  	[tilespmem:s8+$0x2180] =	vst v3;
	v10 =	vld [tilespmem:s8+$0x2300];
	v3 =	vadd.f32 v7, v8  }
0xa0: {  	v7 =	vld [tilespmem:s8+$0x2280]  }
0xa1: {  	v8 =	vld [tilespmem:s8+$0x6200];
	[tilespmem:s8+$0x2400] =	vst v3  }
0xa2: {  	v11 =	vld [tilespmem:s8+$0x2200]  }
0xa3: {  	v3 =	vld [tilespmem:s7+$0x280];
	v4 =	vadd.f32 v4, v6  }
0xa4: {  	v5 =	vadd.f32 v5, v10  }
0xa5: {  	v6 =	vadd.f32 v9, v7;
	[tilespmem:s8+$0x2380] =	vst v4  }
0xa6: {  	[tilespmem:s8+$0x2300] =	vst v5  }
0xa7: {  	v4 =	vadd.f32 v8, v11  }
0xa8: {  	[tilespmem:s8+$0x2280] =	vst v6  }
0xa9: {  	s17 =	sor.u32 $0x2380, s13;
	s13 =	smov.u32 s16;
	[tilespmem:s8+$0x2200] =	vst v4;
	s8 =	smov.u32 s7  }
0xaa: {  	v8 =	vld [tilespmem:s17+$0x100]  }
0xab: {  	v9 =	vld [tilespmem:s17+$0x4100];
	_ =	sdelay $0x1  }
0xac: {  	v4 =	vld [tilespmem:s8+$0x100]  }
0xad: {  	v5 =	vld [tilespmem:s8+$0x400]  }
0xae: {  	v6 =	vld [tilespmem:s8+$0x300]  }
.Ltmp0:
0xaf: {  	v7 =	vld [tilespmem:s8+$0x200];
	v10 =	vadd.f32 v9, v8;
	(pc) =	sbr.rel @p0 .LBB2_2-.Ltmp0, $4  }
0xb0: {  	v8 =	vld [tilespmem:s8+$0x380]  }
0xb1: {  	v9 =	vld [tilespmem:s8+$0x180];
	[tilespmem:s17+$0x100] =	vst v10  }
0xb2: {  	v10 =	vld [tilespmem:s8+$0x4180]  }
0xb3: {  	v11 =	vld [tilespmem:s8+$0x4380]  }
0xb4: {  	v12 =	vld [tilespmem:s8+$0x4280]  }
0xb5: {  	v13 =	vld [tilespmem:s8+$0x4200]  }
0xb6: {  	v14 =	vld [tilespmem:s8+$0x4400]  }
0xb7: {  	v15 =	vld [tilespmem:s8+$0x4300];
	v9 =	vadd.f32 v10, v9  }
0xb8: {  	v8 =	vadd.f32 v11, v8;
	v11 =	vld [tilespmem:s8+$0x4100]  }
0xb9: {  	v3 =	vadd.f32 v12, v3;
	[tilespmem:s8+$0x180] =	vst v9  }
0xba: {  	v7 =	vadd.f32 v13, v7;
	[tilespmem:s8+$0x380] =	vst v8  }
0xbb: {  	[tilespmem:s8+$0x280] =	vst v3;
	v3 =	vadd.f32 v14, v5  }
0xbc: {  	v5 =	vadd.f32 v15, v6;
	[tilespmem:s8+$0x200] =	vst v7  }
0xbd: {  	v4 =	vadd.f32 v11, v4;
	[tilespmem:s8+$0x400] =	vst v3  }
0xbe: {  	[tilespmem:s8+$0x300] =	vst v5  }
0xbf: {  	s7 =	sor.u32 $0x380, s13;
	[tilespmem:s8+$0x100] =	vst v4  }
0xc0: {  	v3 =	vld [tilespmem:s7+$0x100]  }
0xc1: {  	v4 =	vld [tilespmem:s7+$0x4100];
	_ =	sdelay $0x4  }
0xc2: {  	v3 =	vadd.f32 v4, v3;
	_ =	sdelay $0x1  }
0xc3: {  	[tilespmem:s7+$0x100] =	vst v3  }
0xc4: {  	v3 =	vld [tilespmem:s8+$0x2100]  }
0xc5: {  	v4 =	vld [tilespmem:s8+$0x6100]  }
0xc6: {  	v5 =	vld [tilespmem:s8+$0x2180]  }
0xc7: {  	v6 =	vld [tilespmem:s8+$0x6180]  }
0xc8: {  	v7 =	vld [tilespmem:s8+$0x6400]  }
0xc9: {  	v8 =	vld [tilespmem:s8+$0x6280]  }
0xca: {  	v9 =	vld [tilespmem:s8+$0x2400]  }
0xcb: {  	v10 =	vld [tilespmem:s8+$0x2300]  }
0xcc: {  	v11 =	vld [tilespmem:s8+$0x6200]  }
0xcd: {  	v3 =	vadd.f32 v4, v3;
	v4 =	vld [tilespmem:s8+$0x6380]  }
0xce: {  	v5 =	vadd.f32 v6, v5;
	v6 =	vld [tilespmem:s8+$0x2380]  }
0xcf: {  	[tilespmem:s8+$0x2100] =	vst v3;
	v3 =	vld [tilespmem:s8+$0x6300]  }
0xd0: {  	[tilespmem:s8+$0x2180] =	vst v5;
	v5 =	vld [tilespmem:s8+$0x2280]  }
0xd1: {  	v63 =	vld [tilespmem:s8+$0x2200]  }
0xd2: {  	v7 =	vadd.f32 v7, v9  }
0xd3: {  	v4 =	vadd.f32 v4, v6  }
0xd4: {  	[tilespmem:s8+$0x2400] =	vst v7;
	v3 =	vadd.f32 v3, v10  }
0xd5: {  	v5 =	vadd.f32 v8, v5;
	[tilespmem:s8+$0x2380] =	vst v4  }
0xd6: {  	[tilespmem:s8+$0x2300] =	vst v3;
	v3 =	vadd.f32 v11, v63  }
0xd7: {  	[tilespmem:s8+$0x2280] =	vst v5  }
0xd8: {  	s21 =	sor.u32 $0x2380, s13;
	[tilespmem:s8+$0x2200] =	vst v3  }
0xd9: {  	v3 =	vld [tilespmem:s21+$0x100]  }
0xda: {  	v4 =	vld [tilespmem:s21+$0x4100];
	_ =	sdelay $0x4  }
0xdb: {  	v3 =	vadd.f32 v4, v3;
	_ =	sdelay $0x1  }
0xdc: {  	s13 =	simm.s32 $0x0;
	s8 =	rddreg [dreg:$0x4];
	[tilespmem:s21+$0x100] =	vst v3  }
0xdd: {  	[hbm4b:s8+s13] =	stream.linear.scatter [tilespmem:s20], [sflag:$0x5], $0x4000, $0x38;
	[tilespmem:$0x10100] =	vst v63  }
0xde: {  	_ =	swait.ge [sflag:s31], $0x4000  }
0xdf: {  	[sflag:s31] =	ssyncset.done $0x0  }
0xe0: {  	[sflag:s31] =	ssyncadd.s32 $0xFFFFC000  }
0xe1: {  	_ =	swait.ge [sflag:s0], $0x4000  }
0xe2: {  	[sflag:s0] =	ssyncset.done $0x0  }
0xe3: {  	[sflag:s0] =	ssyncadd.s32 $0xFFFFC000  }
0xe4: {  	_ =	swait.ge [sflag:s1], $0x4000  }
0xe5: {  	[sflag:s1] =	ssyncset.done $0x0  }
0xe6: {  	[sflag:s1] =	ssyncadd.s32 $0xFFFFC000  }
0xe7: {  	v3 =	vld [tilespmem:$0x20];
	_ =	sdelay $0x4  }
0xe8: {  	v4 =	vshll.u32 v3, $0x3  }
0xe9: {  	v3 =	vand.u32 $0x7, v3;
	v4 =	vand.u32 $0xFFFFFFC0, v4  }
0xea: {  	v3 =	vor.u32 v3, v4  }
0xeb: {  	v4 =	vperm.xlane v3, v0;
	_ =	sdelay $0x1  }
0xec: {  	v4 =	vadd.s32 v1, v4;
	_ =	sdelay $0x4  }
0xed: {  	[tilespmem:s20], [sflag:$0x1] =	stream.indirect_vreg.gather [hbm4b:s3+s13], $0x80, v4, vm0, $0xb8;
	[tilespmem:$0x10100] =	vst v63  }
0xee: {  	s14 =	simm.s32 $0x900;
	v3 =	vperm.xlane v3, v2  }
0xef: {  	[tilespmem:s14], [sflag:$0x1] =	stream.indirect_vreg.gather [hbm4b:s5+s13], $0x80, v4, vm0, $0xb8;
	[tilespmem:$0x10100] =	vst v63  }
0xf0: {  	s15 =	simm.s32 $0x1100;
	v3 =	vadd.s32 v1, v3  }
0xf1: {  	[tilespmem:s15], [sflag:$0x1] =	stream.indirect_vreg.gather [hbm4b:s6+s13], $0x80, v4, vm0, $0xb8;
	[tilespmem:$0x10100] =	vst v63  }
0xf2: {  	s16 =	simm.s32 $0x1900  }
0xf3: {  	[tilespmem:s16], [sflag:$0x1] =	stream.indirect_vreg.gather [hbm4b:s9+s13], $0x80, v4, vm0, $0xb8;
	[tilespmem:$0x10100] =	vst v63  }
0xf4: {  	s17 =	simm.s32 $0x2100  }
0xf5: {  	[tilespmem:s17], [sflag:$0x1] =	stream.indirect_vreg.gather [hbm4b:s3+s13], $0x80, v3, vm0, $0xb8;
	[tilespmem:$0x10100] =	vst v63  }
0xf6: {  	s21 =	simm.s32 $0x2900  }
0xf7: {  	[tilespmem:s21], [sflag:$0x1] =	stream.indirect_vreg.gather [hbm4b:s5+s13], $0x80, v3, vm0, $0xb8;
	[tilespmem:$0x10100] =	vst v63  }
0xf8: {  	s8 =	simm.s32 $0x3100  }
0xf9: {  	[tilespmem:s8], [sflag:$0x1] =	stream.indirect_vreg.gather [hbm4b:s6+s13], $0x80, v3, vm0, $0xb8;
	[tilespmem:$0x10100] =	vst v63  }
0xfa: {  	s14 =	simm.s32 $0x3900  }
0xfb: {  	[tilespmem:s14], [sflag:$0x1] =	stream.indirect_vreg.gather [hbm4b:s9+s13], $0x80, v3, vm0, $0xb8;
	[tilespmem:$0x10100] =	vst v63  }
0xfc: {  	v3 =	vld [tilespmem:$0xA0];
	_ =	sdelay $0x4  }
0xfd: {  	v4 =	vshll.u32 v3, $0x3  }
0xfe: {  	v3 =	vand.u32 $0x7, v3;
	v4 =	vand.u32 $0xFFFFFFC0, v4  }
0xff: {  	v3 =	vor.u32 v3, v4  }
0x100: {  	v4 =	vperm.xlane v3, v0;
	_ =	sdelay $0x1  }
0x101: {  	v4 =	vadd.s32 v1, v4;
	_ =	sdelay $0x3  }
0x102: {  	s15 =	simm.s32 $0x4100  }
0x103: {  	[tilespmem:s15], [sflag:$0x2] =	stream.indirect_vreg.gather [hbm4b:s3+s13], $0x80, v4, vm0, $0xb8;
	[tilespmem:$0x10100] =	vst v63  }
0x104: {  	s16 =	simm.s32 $0x4900;
	v3 =	vperm.xlane v3, v2  }
0x105: {  	[tilespmem:s16], [sflag:$0x2] =	stream.indirect_vreg.gather [hbm4b:s5+s13], $0x80, v4, vm0, $0xb8;
	[tilespmem:$0x10100] =	vst v63  }
0x106: {  	s17 =	simm.s32 $0x5100;
	v3 =	vadd.s32 v1, v3  }
0x107: {  	[tilespmem:s17], [sflag:$0x2] =	stream.indirect_vreg.gather [hbm4b:s6+s13], $0x80, v4, vm0, $0xb8;
	[tilespmem:$0x10100] =	vst v63  }
0x108: {  	s21 =	simm.s32 $0x5900  }
0x109: {  	[tilespmem:s21], [sflag:$0x2] =	stream.indirect_vreg.gather [hbm4b:s9+s13], $0x80, v4, vm0, $0xb8;
	[tilespmem:$0x10100] =	vst v63  }
0x10a: {  	s8 =	simm.s32 $0x6100  }
0x10b: {  	[tilespmem:s8], [sflag:$0x2] =	stream.indirect_vreg.gather [hbm4b:s3+s13], $0x80, v3, vm0, $0xb8;
	[tilespmem:$0x10100] =	vst v63  }
0x10c: {  	s14 =	simm.s32 $0x6900  }
0x10d: {  	[tilespmem:s14], [sflag:$0x2] =	stream.indirect_vreg.gather [hbm4b:s5+s13], $0x80, v3, vm0, $0xb8;
	[tilespmem:$0x10100] =	vst v63  }
0x10e: {  	s15 =	simm.s32 $0x7100;
	s17 =	sand.u32 $0x70, s13;
	s21 =	sand.u32 $0x1C00, s13  }
0x10f: {  	[tilespmem:s15], [sflag:$0x2] =	stream.indirect_vreg.gather [hbm4b:s6+s13], $0x80, v3, vm0, $0xb8;
	[tilespmem:$0x10100] =	vst v63  }
0x110: {  	s16 =	simm.s32 $0x7900;
	s8 =	sor.u32 s17, s21  }
0x111: {  	[tilespmem:s16], [sflag:$0x2] =	stream.indirect_vreg.gather [hbm4b:s9+s13], $0x80, v3, vm0, $0xb8;
	[tilespmem:$0x10100] =	vst v63  }
0x112: {  	v3 =	vld [tilespmem:s8+$0x8280]  }
0x113: {  	v4 =	vld [tilespmem:s8+$0x8100]  }
0x114: {  	v5 =	vld [tilespmem:s8+$0x8400]  }
0x115: {  	v6 =	vld [tilespmem:s8+$0x8300]  }
0x116: {  	v7 =	vld [tilespmem:s8+$0x8200]  }
0x117: {  	v8 =	vld [tilespmem:s8+$0x8380]  }
0x118: {  	v9 =	vld [tilespmem:s8+$0x8180]  }
0x119: {  	v10 =	vld [tilespmem:s8+$0xC180]  }
0x11a: {  	s14 =	sor.u32 s13, s13;
	s15 =	simm.s32 $0x10;
	v11 =	vld [tilespmem:s8+$0xC380]  }
.LBB2_4:
0x11b: {  	p0 =	sne.s32 s15, $0x3F0  }
0x11c: {  	v12 =	vld [tilespmem:s8+$0xC280];
	s13 =	sadd.s32 $0x80, s13;
	s7 =	smov.u32 s15;
	s15 =	sadd.s32 $0x10, s15  }
0x11d: {  	s16 =	sor.u32 s7, s13;
	v13 =	vld [tilespmem:s8+$0xC200]  }
0x11e: {  	v14 =	vld [tilespmem:s8+$0xC300]  }
0x11f: {  	v15 =	vld [tilespmem:s8+$0xC400]  }
0x120: {  	v9 =	vadd.f32 v10, v9;
	v16 =	vld [tilespmem:s8+$0xC100];
	v8 =	vadd.f32 v11, v8  }
0x121: {  	v3 =	vadd.f32 v12, v3  }
0x122: {  	v7 =	vadd.f32 v13, v7;
	[tilespmem:s8+$0x8380] =	vst v8  }
0x123: {  	[tilespmem:s8+$0x8280] =	vst v3;
	v3 =	vadd.f32 v14, v6  }
0x124: {  	[tilespmem:s8+$0x8180] =	vst v9;
	v5 =	vadd.f32 v15, v5  }
0x125: {  	v4 =	vadd.f32 v16, v4;
	[tilespmem:s8+$0x8200] =	vst v7  }
0x126: {  	[tilespmem:s8+$0x8400] =	vst v5  }
0x127: {  	[tilespmem:s8+$0x8300] =	vst v3  }
0x128: {  	s17 =	sor.u32 $0x380, s14;
	[tilespmem:s8+$0x8100] =	vst v4  }
0x129: {  	v3 =	vld [tilespmem:s17+$0x8100]  }
0x12a: {  	v4 =	vld [tilespmem:s17+$0xC100];
	_ =	sdelay $0x4  }
0x12b: {  	v3 =	vadd.f32 v4, v3;
	_ =	sdelay $0x1  }
0x12c: {  	s7 =	sand.u32 $0x70, s7;
	s21 =	sand.u32 $0x1C00, s13;
	[tilespmem:s17+$0x8100] =	vst v3  }
0x12d: {  	s7 =	sor.u32 s7, s21;
	v3 =	vld [tilespmem:s8+$0xA100]  }
0x12e: {  	v4 =	vld [tilespmem:s8+$0xE100]  }
0x12f: {  	v5 =	vld [tilespmem:s8+$0xA180]  }
0x130: {  	v6 =	vld [tilespmem:s8+$0xE180]  }
0x131: {  	v7 =	vld [tilespmem:s8+$0xE400]  }
0x132: {  	v8 =	vld [tilespmem:s8+$0xA400]  }
0x133: {  	v3 =	vadd.f32 v4, v3;
	v4 =	vld [tilespmem:s8+$0xE380]  }
0x134: {  	v9 =	vld [tilespmem:s8+$0xE280]  }
0x135: {  	[tilespmem:s8+$0xA100] =	vst v3;
	v3 =	vadd.f32 v6, v5;
	v5 =	vld [tilespmem:s8+$0xE300]  }
0x136: {  	v6 =	vld [tilespmem:s8+$0xA380]  }
0x137: {  	[tilespmem:s8+$0xA180] =	vst v3;
	v10 =	vld [tilespmem:s8+$0xA300];
	v3 =	vadd.f32 v7, v8  }
0x138: {  	v7 =	vld [tilespmem:s8+$0xA280]  }
0x139: {  	v8 =	vld [tilespmem:s8+$0xE200];
	[tilespmem:s8+$0xA400] =	vst v3  }
0x13a: {  	v11 =	vld [tilespmem:s8+$0xA200]  }
0x13b: {  	v3 =	vld [tilespmem:s7+$0x8280];
	v4 =	vadd.f32 v4, v6  }
0x13c: {  	v5 =	vadd.f32 v5, v10  }
0x13d: {  	v6 =	vadd.f32 v9, v7;
	[tilespmem:s8+$0xA380] =	vst v4  }
0x13e: {  	[tilespmem:s8+$0xA300] =	vst v5  }
0x13f: {  	v4 =	vadd.f32 v8, v11  }
0x140: {  	[tilespmem:s8+$0xA280] =	vst v6  }
0x141: {  	s17 =	sor.u32 $0x2380, s14;
	s14 =	smov.u32 s16;
	[tilespmem:s8+$0xA200] =	vst v4;
	s8 =	smov.u32 s7  }
0x142: {  	v8 =	vld [tilespmem:s17+$0x8100]  }
0x143: {  	v9 =	vld [tilespmem:s17+$0xC100];
	_ =	sdelay $0x1  }
0x144: {  	v4 =	vld [tilespmem:s8+$0x8100]  }
0x145: {  	v5 =	vld [tilespmem:s8+$0x8400]  }
0x146: {  	v6 =	vld [tilespmem:s8+$0x8300]  }
.Ltmp1:
0x147: {  	v7 =	vld [tilespmem:s8+$0x8200];
	v10 =	vadd.f32 v9, v8;
	(pc) =	sbr.rel @p0 .LBB2_4-.Ltmp1, $4  }
0x148: {  	v8 =	vld [tilespmem:s8+$0x8380]  }
0x149: {  	v9 =	vld [tilespmem:s8+$0x8180];
	[tilespmem:s17+$0x8100] =	vst v10  }
0x14a: {  	v10 =	vld [tilespmem:s8+$0xC180]  }
0x14b: {  	v11 =	vld [tilespmem:s8+$0xC380]  }
0x14c: {  	v12 =	vld [tilespmem:s8+$0xC280]  }
0x14d: {  	v13 =	vld [tilespmem:s8+$0xC200]  }
0x14e: {  	v14 =	vld [tilespmem:s8+$0xC400]  }
0x14f: {  	v15 =	vld [tilespmem:s8+$0xC300];
	v9 =	vadd.f32 v10, v9  }
0x150: {  	v8 =	vadd.f32 v11, v8;
	v11 =	vld [tilespmem:s8+$0xC100]  }
0x151: {  	v3 =	vadd.f32 v12, v3;
	[tilespmem:s8+$0x8180] =	vst v9  }
0x152: {  	v7 =	vadd.f32 v13, v7;
	[tilespmem:s8+$0x8380] =	vst v8  }
0x153: {  	[tilespmem:s8+$0x8280] =	vst v3;
	v3 =	vadd.f32 v14, v5  }
0x154: {  	v5 =	vadd.f32 v15, v6;
	[tilespmem:s8+$0x8200] =	vst v7  }
0x155: {  	v4 =	vadd.f32 v11, v4;
	[tilespmem:s8+$0x8400] =	vst v3  }
0x156: {  	[tilespmem:s8+$0x8300] =	vst v5  }
0x157: {  	s7 =	sor.u32 $0x380, s14;
	[tilespmem:s8+$0x8100] =	vst v4  }
0x158: {  	v3 =	vld [tilespmem:s7+$0x8100]  }
0x159: {  	v4 =	vld [tilespmem:s7+$0xC100];
	_ =	sdelay $0x4  }
0x15a: {  	v3 =	vadd.f32 v4, v3;
	_ =	sdelay $0x1  }
0x15b: {  	[tilespmem:s7+$0x8100] =	vst v3  }
0x15c: {  	v3 =	vld [tilespmem:s8+$0xA100]  }
0x15d: {  	v4 =	vld [tilespmem:s8+$0xE100]  }
0x15e: {  	v5 =	vld [tilespmem:s8+$0xA180]  }
0x15f: {  	v6 =	vld [tilespmem:s8+$0xE180]  }
0x160: {  	v7 =	vld [tilespmem:s8+$0xE400]  }
0x161: {  	v8 =	vld [tilespmem:s8+$0xE280]  }
0x162: {  	v9 =	vld [tilespmem:s8+$0xA400]  }
0x163: {  	v10 =	vld [tilespmem:s8+$0xA300]  }
0x164: {  	v11 =	vld [tilespmem:s8+$0xE200]  }
0x165: {  	v3 =	vadd.f32 v4, v3;
	v4 =	vld [tilespmem:s8+$0xE380]  }
0x166: {  	v5 =	vadd.f32 v6, v5;
	v6 =	vld [tilespmem:s8+$0xA380]  }
0x167: {  	[tilespmem:s8+$0xA100] =	vst v3;
	v3 =	vld [tilespmem:s8+$0xE300]  }
0x168: {  	[tilespmem:s8+$0xA180] =	vst v5;
	v5 =	vld [tilespmem:s8+$0xA280]  }
0x169: {  	v63 =	vld [tilespmem:s8+$0xA200]  }
0x16a: {  	v7 =	vadd.f32 v7, v9  }
0x16b: {  	v4 =	vadd.f32 v4, v6  }
0x16c: {  	[tilespmem:s8+$0xA400] =	vst v7;
	v3 =	vadd.f32 v3, v10  }
0x16d: {  	v5 =	vadd.f32 v8, v5;
	[tilespmem:s8+$0xA380] =	vst v4  }
0x16e: {  	[tilespmem:s8+$0xA300] =	vst v3;
	v3 =	vadd.f32 v11, v63  }
0x16f: {  	[tilespmem:s8+$0xA280] =	vst v5  }
0x170: {  	s14 =	sor.u32 $0x2380, s14;
	[tilespmem:s8+$0xA200] =	vst v3  }
0x171: {  	v3 =	vld [tilespmem:s14+$0x8100]  }
0x172: {  	v4 =	vld [tilespmem:s14+$0xC100];
	_ =	sdelay $0x4  }
0x173: {  	v3 =	vadd.f32 v4, v3;
	_ =	sdelay $0x1  }
0x174: {  	s13 =	simm.s32 $0x0;
	s15 =	rddreg [dreg:$0x6];
	[tilespmem:s14+$0x8100] =	vst v3  }
0x175: {  	[hbm4b:s15+s13] =	stream.linear.scatter [tilespmem:s12], [sflag:$0x6], $0x4000, $0x38;
	[tilespmem:$0x10100] =	vst v63  }
0x176: {  	_ =	swait.ge [sflag:s10], $0x4000  }
0x177: {  	[sflag:s10] =	ssyncset.done $0x0  }
0x178: {  	[sflag:s10] =	ssyncadd.s32 $0xFFFFC000  }
0x179: {  	_ =	swait.ge [sflag:s11], $0x4000  }
0x17a: {  	[sflag:s11] =	ssyncset.done $0x0  }
0x17b: {  	[sflag:s11] =	ssyncadd.s32 $0xFFFFC000  }
0x17c: {  	_ =	swait.ge [sflag:s19], $0x4000  }
0x17d: {  	[sflag:s19] =	ssyncset.done $0x0  }
0x17e: {  	[sflag:s19] =	ssyncadd.s32 $0xFFFFC000  }
0x17f: {  	v3 =	vld [tilespmem:$0x30];
	_ =	sdelay $0x4  }
0x180: {  	v4 =	vshll.u32 v3, $0x3  }
0x181: {  	v3 =	vand.u32 $0x7, v3;
	v4 =	vand.u32 $0xFFFFFFC0, v4  }
0x182: {  	v3 =	vor.u32 v3, v4  }
0x183: {  	v4 =	vperm.xlane v3, v0;
	_ =	sdelay $0x1  }
0x184: {  	v4 =	vadd.s32 v1, v4;
	_ =	sdelay $0x4  }
0x185: {  	[tilespmem:s12], [sflag:$0x3] =	stream.indirect_vreg.gather [hbm4b:s3+s13], $0x80, v4, vm0, $0xb8;
	[tilespmem:$0x10100] =	vst v63  }
0x186: {  	s16 =	simm.s32 $0x8900;
	v3 =	vperm.xlane v3, v2  }
0x187: {  	[tilespmem:s16], [sflag:$0x3] =	stream.indirect_vreg.gather [hbm4b:s5+s13], $0x80, v4, vm0, $0xb8;
	[tilespmem:$0x10100] =	vst v63  }
0x188: {  	s17 =	simm.s32 $0x9100;
	v3 =	vadd.s32 v1, v3  }
0x189: {  	[tilespmem:s17], [sflag:$0x3] =	stream.indirect_vreg.gather [hbm4b:s6+s13], $0x80, v4, vm0, $0xb8;
	[tilespmem:$0x10100] =	vst v63  }
0x18a: {  	s21 =	simm.s32 $0x9900  }
0x18b: {  	[tilespmem:s21], [sflag:$0x3] =	stream.indirect_vreg.gather [hbm4b:s9+s13], $0x80, v4, vm0, $0xb8;
	[tilespmem:$0x10100] =	vst v63  }
0x18c: {  	s8 =	simm.s32 $0xA100  }
0x18d: {  	[tilespmem:s8], [sflag:$0x3] =	stream.indirect_vreg.gather [hbm4b:s3+s13], $0x80, v3, vm0, $0xb8;
	[tilespmem:$0x10100] =	vst v63  }
0x18e: {  	s14 =	simm.s32 $0xA900  }
0x18f: {  	[tilespmem:s14], [sflag:$0x3] =	stream.indirect_vreg.gather [hbm4b:s5+s13], $0x80, v3, vm0, $0xb8;
	[tilespmem:$0x10100] =	vst v63  }
0x190: {  	s15 =	simm.s32 $0xB100  }
0x191: {  	[tilespmem:s15], [sflag:$0x3] =	stream.indirect_vreg.gather [hbm4b:s6+s13], $0x80, v3, vm0, $0xb8;
	[tilespmem:$0x10100] =	vst v63  }
0x192: {  	s16 =	simm.s32 $0xB900  }
0x193: {  	[tilespmem:s16], [sflag:$0x3] =	stream.indirect_vreg.gather [hbm4b:s9+s13], $0x80, v3, vm0, $0xb8;
	[tilespmem:$0x10100] =	vst v63  }
0x194: {  	v3 =	vld [tilespmem:$0xB0];
	_ =	sdelay $0x4  }
0x195: {  	v4 =	vshll.u32 v3, $0x3  }
0x196: {  	v3 =	vand.u32 $0x7, v3;
	v4 =	vand.u32 $0xFFFFFFC0, v4  }
0x197: {  	v3 =	vor.u32 v3, v4  }
0x198: {  	v4 =	vperm.xlane v3, v0;
	_ =	sdelay $0x1  }
0x199: {  	v4 =	vadd.s32 v1, v4;
	_ =	sdelay $0x4  }
0x19a: {  	[tilespmem:s22], [sflag:$0x4] =	stream.indirect_vreg.gather [hbm4b:s3+s13], $0x80, v4, vm0, $0xb8;
	[tilespmem:$0x10100] =	vst v63  }
0x19b: {  	v3 =	vperm.xlane v3, v2  }
0x19c: {  	[tilespmem:s23], [sflag:$0x4] =	stream.indirect_vreg.gather [hbm4b:s5+s13], $0x80, v4, vm0, $0xb8;
	[tilespmem:$0x10100] =	vst v63  }
0x19d: {  	v3 =	vadd.s32 v1, v3  }
0x19e: {  	[tilespmem:s24], [sflag:$0x4] =	stream.indirect_vreg.gather [hbm4b:s6+s13], $0x80, v4, vm0, $0xb8;
	[tilespmem:$0x10100] =	vst v63  }
0x19f: {  	_ = 	snop  }
0x1a0: {  	[tilespmem:s25], [sflag:$0x4] =	stream.indirect_vreg.gather [hbm4b:s9+s13], $0x80, v4, vm0, $0xb8;
	[tilespmem:$0x10100] =	vst v63  }
0x1a1: {  	_ = 	snop  }
0x1a2: {  	[tilespmem:s26], [sflag:$0x4] =	stream.indirect_vreg.gather [hbm4b:s3+s13], $0x80, v3, vm0, $0xb8;
	[tilespmem:$0x10100] =	vst v63  }
0x1a3: {  	_ = 	snop  }
0x1a4: {  	[tilespmem:s28], [sflag:$0x4] =	stream.indirect_vreg.gather [hbm4b:s5+s13], $0x80, v3, vm0, $0xb8;
	[tilespmem:$0x10100] =	vst v63  }
0x1a5: {  	s17 =	sand.u32 $0x70, s13;
	s21 =	sand.u32 $0x1C00, s13  }
0x1a6: {  	[tilespmem:s29], [sflag:$0x4] =	stream.indirect_vreg.gather [hbm4b:s6+s13], $0x80, v3, vm0, $0xb8;
	[tilespmem:$0x10100] =	vst v63  }
0x1a7: {  	s8 =	sor.u32 s17, s21  }
0x1a8: {  	[tilespmem:s30], [sflag:$0x4] =	stream.indirect_vreg.gather [hbm4b:s9+s13], $0x80, v3, vm0, $0xb8;
	[tilespmem:$0x10100] =	vst v63  }
0x1a9: {  	v3 =	vld [tilespmem:s8+$0x280]  }
0x1aa: {  	v4 =	vld [tilespmem:s8+$0x100]  }
0x1ab: {  	v5 =	vld [tilespmem:s8+$0x400]  }
0x1ac: {  	v6 =	vld [tilespmem:s8+$0x300]  }
0x1ad: {  	v7 =	vld [tilespmem:s8+$0x200]  }
0x1ae: {  	v8 =	vld [tilespmem:s8+$0x380]  }
0x1af: {  	v9 =	vld [tilespmem:s8+$0x180]  }
0x1b0: {  	v10 =	vld [tilespmem:s8+$0x4180]  }
0x1b1: {  	s14 =	sor.u32 s13, s13;
	s15 =	simm.s32 $0x10;
	v11 =	vld [tilespmem:s8+$0x4380]  }
.LBB2_6:
0x1b2: {  	p0 =	sne.s32 s15, $0x3F0  }
0x1b3: {  	v12 =	vld [tilespmem:s8+$0x4280];
	s13 =	sadd.s32 $0x80, s13;
	s7 =	smov.u32 s15;
	s15 =	sadd.s32 $0x10, s15  }
0x1b4: {  	s16 =	sor.u32 s7, s13;
	v13 =	vld [tilespmem:s8+$0x4200]  }
0x1b5: {  	v14 =	vld [tilespmem:s8+$0x4300]  }
0x1b6: {  	v15 =	vld [tilespmem:s8+$0x4400]  }
0x1b7: {  	v9 =	vadd.f32 v10, v9;
	v16 =	vld [tilespmem:s8+$0x4100];
	v8 =	vadd.f32 v11, v8  }
0x1b8: {  	v3 =	vadd.f32 v12, v3  }
0x1b9: {  	v7 =	vadd.f32 v13, v7;
	[tilespmem:s8+$0x380] =	vst v8  }
0x1ba: {  	[tilespmem:s8+$0x280] =	vst v3;
	v3 =	vadd.f32 v14, v6  }
0x1bb: {  	[tilespmem:s8+$0x180] =	vst v9;
	v5 =	vadd.f32 v15, v5  }
0x1bc: {  	v4 =	vadd.f32 v16, v4;
	[tilespmem:s8+$0x200] =	vst v7  }
0x1bd: {  	[tilespmem:s8+$0x400] =	vst v5  }
0x1be: {  	[tilespmem:s8+$0x300] =	vst v3  }
0x1bf: {  	s17 =	sor.u32 $0x380, s14;
	[tilespmem:s8+$0x100] =	vst v4  }
0x1c0: {  	v3 =	vld [tilespmem:s17+$0x100]  }
0x1c1: {  	v4 =	vld [tilespmem:s17+$0x4100];
	_ =	sdelay $0x4  }
0x1c2: {  	v3 =	vadd.f32 v4, v3;
	_ =	sdelay $0x1  }
0x1c3: {  	s7 =	sand.u32 $0x70, s7;
	s21 =	sand.u32 $0x1C00, s13;
	[tilespmem:s17+$0x100] =	vst v3  }
0x1c4: {  	s7 =	sor.u32 s7, s21;
	v3 =	vld [tilespmem:s8+$0x2100]  }
0x1c5: {  	v4 =	vld [tilespmem:s8+$0x6100]  }
0x1c6: {  	v5 =	vld [tilespmem:s8+$0x2180]  }
0x1c7: {  	v6 =	vld [tilespmem:s8+$0x6180]  }
0x1c8: {  	v7 =	vld [tilespmem:s8+$0x6400]  }
0x1c9: {  	v8 =	vld [tilespmem:s8+$0x2400]  }
0x1ca: {  	v3 =	vadd.f32 v4, v3;
	v4 =	vld [tilespmem:s8+$0x6380]  }
0x1cb: {  	v9 =	vld [tilespmem:s8+$0x6280]  }
0x1cc: {  	[tilespmem:s8+$0x2100] =	vst v3;
	v3 =	vadd.f32 v6, v5;
	v5 =	vld [tilespmem:s8+$0x6300]  }
0x1cd: {  	v6 =	vld [tilespmem:s8+$0x2380]  }
0x1ce: {  	[tilespmem:s8+$0x2180] =	vst v3;
	v10 =	vld [tilespmem:s8+$0x2300];
	v3 =	vadd.f32 v7, v8  }
0x1cf: {  	v7 =	vld [tilespmem:s8+$0x2280]  }
0x1d0: {  	v8 =	vld [tilespmem:s8+$0x6200];
	[tilespmem:s8+$0x2400] =	vst v3  }
0x1d1: {  	v11 =	vld [tilespmem:s8+$0x2200]  }
0x1d2: {  	v3 =	vld [tilespmem:s7+$0x280];
	v4 =	vadd.f32 v4, v6  }
0x1d3: {  	v5 =	vadd.f32 v5, v10  }
0x1d4: {  	v6 =	vadd.f32 v9, v7;
	[tilespmem:s8+$0x2380] =	vst v4  }
0x1d5: {  	[tilespmem:s8+$0x2300] =	vst v5  }
0x1d6: {  	v4 =	vadd.f32 v8, v11  }
0x1d7: {  	[tilespmem:s8+$0x2280] =	vst v6  }
0x1d8: {  	s17 =	sor.u32 $0x2380, s14;
	s14 =	smov.u32 s16;
	[tilespmem:s8+$0x2200] =	vst v4;
	s8 =	smov.u32 s7  }
0x1d9: {  	v8 =	vld [tilespmem:s17+$0x100]  }
0x1da: {  	v9 =	vld [tilespmem:s17+$0x4100];
	_ =	sdelay $0x1  }
0x1db: {  	v4 =	vld [tilespmem:s8+$0x100]  }
0x1dc: {  	v5 =	vld [tilespmem:s8+$0x400]  }
0x1dd: {  	v6 =	vld [tilespmem:s8+$0x300]  }
.Ltmp2:
0x1de: {  	v7 =	vld [tilespmem:s8+$0x200];
	v10 =	vadd.f32 v9, v8;
	(pc) =	sbr.rel @p0 .LBB2_6-.Ltmp2, $4  }
0x1df: {  	v8 =	vld [tilespmem:s8+$0x380]  }
0x1e0: {  	v9 =	vld [tilespmem:s8+$0x180];
	[tilespmem:s17+$0x100] =	vst v10  }
0x1e1: {  	v10 =	vld [tilespmem:s8+$0x4180]  }
0x1e2: {  	v11 =	vld [tilespmem:s8+$0x4380]  }
0x1e3: {  	v12 =	vld [tilespmem:s8+$0x4280]  }
0x1e4: {  	v13 =	vld [tilespmem:s8+$0x4200]  }
0x1e5: {  	v14 =	vld [tilespmem:s8+$0x4400]  }
0x1e6: {  	v15 =	vld [tilespmem:s8+$0x4300];
	v9 =	vadd.f32 v10, v9  }
0x1e7: {  	v8 =	vadd.f32 v11, v8;
	v11 =	vld [tilespmem:s8+$0x4100]  }
0x1e8: {  	v3 =	vadd.f32 v12, v3;
	[tilespmem:s8+$0x180] =	vst v9  }
0x1e9: {  	v7 =	vadd.f32 v13, v7;
	[tilespmem:s8+$0x380] =	vst v8  }
0x1ea: {  	[tilespmem:s8+$0x280] =	vst v3;
	v3 =	vadd.f32 v14, v5  }
0x1eb: {  	v5 =	vadd.f32 v15, v6;
	[tilespmem:s8+$0x200] =	vst v7  }
0x1ec: {  	v4 =	vadd.f32 v11, v4;
	[tilespmem:s8+$0x400] =	vst v3  }
0x1ed: {  	[tilespmem:s8+$0x300] =	vst v5  }
0x1ee: {  	s7 =	sor.u32 $0x380, s14;
	[tilespmem:s8+$0x100] =	vst v4  }
0x1ef: {  	v3 =	vld [tilespmem:s7+$0x100]  }
0x1f0: {  	v4 =	vld [tilespmem:s7+$0x4100];
	_ =	sdelay $0x4  }
0x1f1: {  	v3 =	vadd.f32 v4, v3;
	_ =	sdelay $0x1  }
0x1f2: {  	[tilespmem:s7+$0x100] =	vst v3  }
0x1f3: {  	v3 =	vld [tilespmem:s8+$0x2100]  }
0x1f4: {  	v4 =	vld [tilespmem:s8+$0x6100]  }
0x1f5: {  	v5 =	vld [tilespmem:s8+$0x2180]  }
0x1f6: {  	v6 =	vld [tilespmem:s8+$0x6180]  }
0x1f7: {  	v7 =	vld [tilespmem:s8+$0x6400]  }
0x1f8: {  	v8 =	vld [tilespmem:s8+$0x6280]  }
0x1f9: {  	v9 =	vld [tilespmem:s8+$0x2400]  }
0x1fa: {  	v10 =	vld [tilespmem:s8+$0x2300]  }
0x1fb: {  	v11 =	vld [tilespmem:s8+$0x6200]  }
0x1fc: {  	v3 =	vadd.f32 v4, v3;
	v4 =	vld [tilespmem:s8+$0x6380]  }
0x1fd: {  	v5 =	vadd.f32 v6, v5;
	v6 =	vld [tilespmem:s8+$0x2380]  }
0x1fe: {  	[tilespmem:s8+$0x2100] =	vst v3;
	v3 =	vld [tilespmem:s8+$0x6300]  }
0x1ff: {  	[tilespmem:s8+$0x2180] =	vst v5;
	v5 =	vld [tilespmem:s8+$0x2280]  }
0x200: {  	v63 =	vld [tilespmem:s8+$0x2200]  }
0x201: {  	v7 =	vadd.f32 v7, v9  }
0x202: {  	v4 =	vadd.f32 v4, v6  }
0x203: {  	[tilespmem:s8+$0x2400] =	vst v7;
	v3 =	vadd.f32 v3, v10  }
0x204: {  	v5 =	vadd.f32 v8, v5;
	[tilespmem:s8+$0x2380] =	vst v4  }
0x205: {  	[tilespmem:s8+$0x2300] =	vst v3;
	v3 =	vadd.f32 v11, v63  }
0x206: {  	[tilespmem:s8+$0x2280] =	vst v5  }
0x207: {  	s21 =	sor.u32 $0x2380, s14;
	[tilespmem:s8+$0x2200] =	vst v3  }
0x208: {  	v3 =	vld [tilespmem:s21+$0x100]  }
0x209: {  	v4 =	vld [tilespmem:s21+$0x4100];
	_ =	sdelay $0x4  }
0x20a: {  	v3 =	vadd.f32 v4, v3;
	_ =	sdelay $0x1  }
0x20b: {  	s13 =	simm.s32 $0x0;
	s8 =	rddreg [dreg:$0x7];
	[tilespmem:s21+$0x100] =	vst v3  }
0x20c: {  	[hbm4b:s8+s13] =	stream.linear.scatter [tilespmem:s20], [sflag:$0x5], $0x4000, $0x38;
	[tilespmem:$0x10100] =	vst v63  }
0x20d: {  	_ =	swait.ge [sflag:s31], $0x4000  }
0x20e: {  	[sflag:s31] =	ssyncset.done $0x0  }
0x20f: {  	[sflag:s31] =	ssyncadd.s32 $0xFFFFC000  }
0x210: {  	_ =	swait.ge [sflag:s0], $0x4000  }
0x211: {  	[sflag:s0] =	ssyncset.done $0x0  }
0x212: {  	[sflag:s0] =	ssyncadd.s32 $0xFFFFC000  }
0x213: {  	_ =	swait.ge [sflag:s1], $0x4000  }
0x214: {  	[sflag:s1] =	ssyncset.done $0x0  }
0x215: {  	[sflag:s1] =	ssyncadd.s32 $0xFFFFC000  }
0x216: {  	v3 =	vld [tilespmem:$0x40];
	_ =	sdelay $0x4  }
0x217: {  	v4 =	vshll.u32 v3, $0x3  }
0x218: {  	v3 =	vand.u32 $0x7, v3;
	v4 =	vand.u32 $0xFFFFFFC0, v4  }
0x219: {  	v3 =	vor.u32 v3, v4  }
0x21a: {  	v4 =	vperm.xlane v3, v0;
	_ =	sdelay $0x1  }
0x21b: {  	v4 =	vadd.s32 v1, v4;
	_ =	sdelay $0x4  }
0x21c: {  	[tilespmem:s20], [sflag:$0x1] =	stream.indirect_vreg.gather [hbm4b:s3+s13], $0x80, v4, vm0, $0xb8;
	[tilespmem:$0x10100] =	vst v63  }
0x21d: {  	s14 =	simm.s32 $0x900;
	v3 =	vperm.xlane v3, v2  }
0x21e: {  	[tilespmem:s14], [sflag:$0x1] =	stream.indirect_vreg.gather [hbm4b:s5+s13], $0x80, v4, vm0, $0xb8;
	[tilespmem:$0x10100] =	vst v63  }
0x21f: {  	s15 =	simm.s32 $0x1100;
	v3 =	vadd.s32 v1, v3  }
0x220: {  	[tilespmem:s15], [sflag:$0x1] =	stream.indirect_vreg.gather [hbm4b:s6+s13], $0x80, v4, vm0, $0xb8;
	[tilespmem:$0x10100] =	vst v63  }
0x221: {  	s16 =	simm.s32 $0x1900  }
0x222: {  	[tilespmem:s16], [sflag:$0x1] =	stream.indirect_vreg.gather [hbm4b:s9+s13], $0x80, v4, vm0, $0xb8;
	[tilespmem:$0x10100] =	vst v63  }
0x223: {  	s17 =	simm.s32 $0x2100  }
0x224: {  	[tilespmem:s17], [sflag:$0x1] =	stream.indirect_vreg.gather [hbm4b:s3+s13], $0x80, v3, vm0, $0xb8;
	[tilespmem:$0x10100] =	vst v63  }
0x225: {  	s21 =	simm.s32 $0x2900  }
0x226: {  	[tilespmem:s21], [sflag:$0x1] =	stream.indirect_vreg.gather [hbm4b:s5+s13], $0x80, v3, vm0, $0xb8;
	[tilespmem:$0x10100] =	vst v63  }
0x227: {  	s8 =	simm.s32 $0x3100  }
0x228: {  	[tilespmem:s8], [sflag:$0x1] =	stream.indirect_vreg.gather [hbm4b:s6+s13], $0x80, v3, vm0, $0xb8;
	[tilespmem:$0x10100] =	vst v63  }
0x229: {  	s14 =	simm.s32 $0x3900  }
0x22a: {  	[tilespmem:s14], [sflag:$0x1] =	stream.indirect_vreg.gather [hbm4b:s9+s13], $0x80, v3, vm0, $0xb8;
	[tilespmem:$0x10100] =	vst v63  }
0x22b: {  	v3 =	vld [tilespmem:$0xC0];
	_ =	sdelay $0x4  }
0x22c: {  	v4 =	vshll.u32 v3, $0x3  }
0x22d: {  	v3 =	vand.u32 $0x7, v3;
	v4 =	vand.u32 $0xFFFFFFC0, v4  }
0x22e: {  	v3 =	vor.u32 v3, v4  }
0x22f: {  	v4 =	vperm.xlane v3, v0;
	_ =	sdelay $0x1  }
0x230: {  	v4 =	vadd.s32 v1, v4;
	_ =	sdelay $0x3  }
0x231: {  	s15 =	simm.s32 $0x4100  }
0x232: {  	[tilespmem:s15], [sflag:$0x2] =	stream.indirect_vreg.gather [hbm4b:s3+s13], $0x80, v4, vm0, $0xb8;
	[tilespmem:$0x10100] =	vst v63  }
0x233: {  	s16 =	simm.s32 $0x4900;
	v3 =	vperm.xlane v3, v2  }
0x234: {  	[tilespmem:s16], [sflag:$0x2] =	stream.indirect_vreg.gather [hbm4b:s5+s13], $0x80, v4, vm0, $0xb8;
	[tilespmem:$0x10100] =	vst v63  }
0x235: {  	s17 =	simm.s32 $0x5100;
	v3 =	vadd.s32 v1, v3  }
0x236: {  	[tilespmem:s17], [sflag:$0x2] =	stream.indirect_vreg.gather [hbm4b:s6+s13], $0x80, v4, vm0, $0xb8;
	[tilespmem:$0x10100] =	vst v63  }
0x237: {  	s21 =	simm.s32 $0x5900  }
0x238: {  	[tilespmem:s21], [sflag:$0x2] =	stream.indirect_vreg.gather [hbm4b:s9+s13], $0x80, v4, vm0, $0xb8;
	[tilespmem:$0x10100] =	vst v63  }
0x239: {  	s8 =	simm.s32 $0x6100  }
0x23a: {  	[tilespmem:s8], [sflag:$0x2] =	stream.indirect_vreg.gather [hbm4b:s3+s13], $0x80, v3, vm0, $0xb8;
	[tilespmem:$0x10100] =	vst v63  }
0x23b: {  	s14 =	simm.s32 $0x6900  }
0x23c: {  	[tilespmem:s14], [sflag:$0x2] =	stream.indirect_vreg.gather [hbm4b:s5+s13], $0x80, v3, vm0, $0xb8;
	[tilespmem:$0x10100] =	vst v63  }
0x23d: {  	s15 =	simm.s32 $0x7100;
	s17 =	sand.u32 $0x70, s13;
	s21 =	sand.u32 $0x1C00, s13  }
0x23e: {  	[tilespmem:s15], [sflag:$0x2] =	stream.indirect_vreg.gather [hbm4b:s6+s13], $0x80, v3, vm0, $0xb8;
	[tilespmem:$0x10100] =	vst v63  }
0x23f: {  	s16 =	simm.s32 $0x7900;
	s8 =	sor.u32 s17, s21  }
0x240: {  	[tilespmem:s16], [sflag:$0x2] =	stream.indirect_vreg.gather [hbm4b:s9+s13], $0x80, v3, vm0, $0xb8;
	[tilespmem:$0x10100] =	vst v63  }
0x241: {  	v3 =	vld [tilespmem:s8+$0x8280]  }
0x242: {  	v4 =	vld [tilespmem:s8+$0x8100]  }
0x243: {  	v5 =	vld [tilespmem:s8+$0x8400]  }
0x244: {  	v6 =	vld [tilespmem:s8+$0x8300]  }
0x245: {  	v7 =	vld [tilespmem:s8+$0x8200]  }
0x246: {  	v8 =	vld [tilespmem:s8+$0x8380]  }
0x247: {  	v9 =	vld [tilespmem:s8+$0x8180]  }
0x248: {  	v10 =	vld [tilespmem:s8+$0xC180]  }
0x249: {  	s14 =	sor.u32 s13, s13;
	s15 =	simm.s32 $0x10;
	v11 =	vld [tilespmem:s8+$0xC380]  }
.LBB2_8:
0x24a: {  	p0 =	sne.s32 s15, $0x3F0  }
0x24b: {  	v12 =	vld [tilespmem:s8+$0xC280];
	s13 =	sadd.s32 $0x80, s13;
	s7 =	smov.u32 s15;
	s15 =	sadd.s32 $0x10, s15  }
0x24c: {  	s16 =	sor.u32 s7, s13;
	v13 =	vld [tilespmem:s8+$0xC200]  }
0x24d: {  	v14 =	vld [tilespmem:s8+$0xC300]  }
0x24e: {  	v15 =	vld [tilespmem:s8+$0xC400]  }
0x24f: {  	v9 =	vadd.f32 v10, v9;
	v16 =	vld [tilespmem:s8+$0xC100];
	v8 =	vadd.f32 v11, v8  }
0x250: {  	v3 =	vadd.f32 v12, v3  }
0x251: {  	v7 =	vadd.f32 v13, v7;
	[tilespmem:s8+$0x8380] =	vst v8  }
0x252: {  	[tilespmem:s8+$0x8280] =	vst v3;
	v3 =	vadd.f32 v14, v6  }
0x253: {  	[tilespmem:s8+$0x8180] =	vst v9;
	v5 =	vadd.f32 v15, v5  }
0x254: {  	v4 =	vadd.f32 v16, v4;
	[tilespmem:s8+$0x8200] =	vst v7  }
0x255: {  	[tilespmem:s8+$0x8400] =	vst v5  }
0x256: {  	[tilespmem:s8+$0x8300] =	vst v3  }
0x257: {  	s17 =	sor.u32 $0x380, s14;
	[tilespmem:s8+$0x8100] =	vst v4  }
0x258: {  	v3 =	vld [tilespmem:s17+$0x8100]  }
0x259: {  	v4 =	vld [tilespmem:s17+$0xC100];
	_ =	sdelay $0x4  }
0x25a: {  	v3 =	vadd.f32 v4, v3;
	_ =	sdelay $0x1  }
0x25b: {  	s7 =	sand.u32 $0x70, s7;
	s21 =	sand.u32 $0x1C00, s13;
	[tilespmem:s17+$0x8100] =	vst v3  }
0x25c: {  	s7 =	sor.u32 s7, s21;
	v3 =	vld [tilespmem:s8+$0xA100]  }
0x25d: {  	v4 =	vld [tilespmem:s8+$0xE100]  }
0x25e: {  	v5 =	vld [tilespmem:s8+$0xA180]  }
0x25f: {  	v6 =	vld [tilespmem:s8+$0xE180]  }
0x260: {  	v7 =	vld [tilespmem:s8+$0xE400]  }
0x261: {  	v8 =	vld [tilespmem:s8+$0xA400]  }
0x262: {  	v3 =	vadd.f32 v4, v3;
	v4 =	vld [tilespmem:s8+$0xE380]  }
0x263: {  	v9 =	vld [tilespmem:s8+$0xE280]  }
0x264: {  	[tilespmem:s8+$0xA100] =	vst v3;
	v3 =	vadd.f32 v6, v5;
	v5 =	vld [tilespmem:s8+$0xE300]  }
0x265: {  	v6 =	vld [tilespmem:s8+$0xA380]  }
0x266: {  	[tilespmem:s8+$0xA180] =	vst v3;
	v10 =	vld [tilespmem:s8+$0xA300];
	v3 =	vadd.f32 v7, v8  }
0x267: {  	v7 =	vld [tilespmem:s8+$0xA280]  }
0x268: {  	v8 =	vld [tilespmem:s8+$0xE200];
	[tilespmem:s8+$0xA400] =	vst v3  }
0x269: {  	v11 =	vld [tilespmem:s8+$0xA200]  }
0x26a: {  	v3 =	vld [tilespmem:s7+$0x8280];
	v4 =	vadd.f32 v4, v6  }
0x26b: {  	v5 =	vadd.f32 v5, v10  }
0x26c: {  	v6 =	vadd.f32 v9, v7;
	[tilespmem:s8+$0xA380] =	vst v4  }
0x26d: {  	[tilespmem:s8+$0xA300] =	vst v5  }
0x26e: {  	v4 =	vadd.f32 v8, v11  }
0x26f: {  	[tilespmem:s8+$0xA280] =	vst v6  }
0x270: {  	s17 =	sor.u32 $0x2380, s14;
	s14 =	smov.u32 s16;
	[tilespmem:s8+$0xA200] =	vst v4;
	s8 =	smov.u32 s7  }
0x271: {  	v8 =	vld [tilespmem:s17+$0x8100]  }
0x272: {  	v9 =	vld [tilespmem:s17+$0xC100];
	_ =	sdelay $0x1  }
0x273: {  	v4 =	vld [tilespmem:s8+$0x8100]  }
0x274: {  	v5 =	vld [tilespmem:s8+$0x8400]  }
0x275: {  	v6 =	vld [tilespmem:s8+$0x8300]  }
.Ltmp3:
0x276: {  	v7 =	vld [tilespmem:s8+$0x8200];
	v10 =	vadd.f32 v9, v8;
	(pc) =	sbr.rel @p0 .LBB2_8-.Ltmp3, $4  }
0x277: {  	v8 =	vld [tilespmem:s8+$0x8380]  }
0x278: {  	v9 =	vld [tilespmem:s8+$0x8180];
	[tilespmem:s17+$0x8100] =	vst v10  }
0x279: {  	v10 =	vld [tilespmem:s8+$0xC180]  }
0x27a: {  	v11 =	vld [tilespmem:s8+$0xC380]  }
0x27b: {  	v12 =	vld [tilespmem:s8+$0xC280]  }
0x27c: {  	v13 =	vld [tilespmem:s8+$0xC200]  }
0x27d: {  	v14 =	vld [tilespmem:s8+$0xC400]  }
0x27e: {  	v15 =	vld [tilespmem:s8+$0xC300];
	v9 =	vadd.f32 v10, v9  }
0x27f: {  	v8 =	vadd.f32 v11, v8;
	v11 =	vld [tilespmem:s8+$0xC100]  }
0x280: {  	v3 =	vadd.f32 v12, v3;
	[tilespmem:s8+$0x8180] =	vst v9  }
0x281: {  	v7 =	vadd.f32 v13, v7;
	[tilespmem:s8+$0x8380] =	vst v8  }
0x282: {  	[tilespmem:s8+$0x8280] =	vst v3;
	v3 =	vadd.f32 v14, v5  }
0x283: {  	v5 =	vadd.f32 v15, v6;
	[tilespmem:s8+$0x8200] =	vst v7  }
0x284: {  	v4 =	vadd.f32 v11, v4;
	[tilespmem:s8+$0x8400] =	vst v3  }
0x285: {  	[tilespmem:s8+$0x8300] =	vst v5  }
0x286: {  	s7 =	sor.u32 $0x380, s14;
	[tilespmem:s8+$0x8100] =	vst v4  }
0x287: {  	v3 =	vld [tilespmem:s7+$0x8100]  }
0x288: {  	v4 =	vld [tilespmem:s7+$0xC100];
	_ =	sdelay $0x4  }
0x289: {  	v3 =	vadd.f32 v4, v3;
	_ =	sdelay $0x1  }
0x28a: {  	[tilespmem:s7+$0x8100] =	vst v3  }
0x28b: {  	v3 =	vld [tilespmem:s8+$0xA100]  }
0x28c: {  	v4 =	vld [tilespmem:s8+$0xE100]  }
0x28d: {  	v5 =	vld [tilespmem:s8+$0xA180]  }
0x28e: {  	v6 =	vld [tilespmem:s8+$0xE180]  }
0x28f: {  	v7 =	vld [tilespmem:s8+$0xE400]  }
0x290: {  	v8 =	vld [tilespmem:s8+$0xE280]  }
0x291: {  	v9 =	vld [tilespmem:s8+$0xA400]  }
0x292: {  	v10 =	vld [tilespmem:s8+$0xA300]  }
0x293: {  	v11 =	vld [tilespmem:s8+$0xE200]  }
0x294: {  	v3 =	vadd.f32 v4, v3;
	v4 =	vld [tilespmem:s8+$0xE380]  }
0x295: {  	v5 =	vadd.f32 v6, v5;
	v6 =	vld [tilespmem:s8+$0xA380]  }
0x296: {  	[tilespmem:s8+$0xA100] =	vst v3;
	v3 =	vld [tilespmem:s8+$0xE300]  }
0x297: {  	[tilespmem:s8+$0xA180] =	vst v5;
	v5 =	vld [tilespmem:s8+$0xA280]  }
0x298: {  	v63 =	vld [tilespmem:s8+$0xA200]  }
0x299: {  	v7 =	vadd.f32 v7, v9  }
0x29a: {  	v4 =	vadd.f32 v4, v6  }
0x29b: {  	[tilespmem:s8+$0xA400] =	vst v7;
	v3 =	vadd.f32 v3, v10  }
0x29c: {  	v5 =	vadd.f32 v8, v5;
	[tilespmem:s8+$0xA380] =	vst v4  }
0x29d: {  	[tilespmem:s8+$0xA300] =	vst v3;
	v3 =	vadd.f32 v11, v63  }
0x29e: {  	[tilespmem:s8+$0xA280] =	vst v5  }
0x29f: {  	s14 =	sor.u32 $0x2380, s14;
	[tilespmem:s8+$0xA200] =	vst v3  }
0x2a0: {  	v3 =	vld [tilespmem:s14+$0x8100]  }
0x2a1: {  	v4 =	vld [tilespmem:s14+$0xC100];
	_ =	sdelay $0x4  }
0x2a2: {  	v3 =	vadd.f32 v4, v3;
	_ =	sdelay $0x1  }
0x2a3: {  	s13 =	simm.s32 $0x0;
	s15 =	rddreg [dreg:$0x8];
	[tilespmem:s14+$0x8100] =	vst v3  }
0x2a4: {  	[hbm4b:s15+s13] =	stream.linear.scatter [tilespmem:s12], [sflag:$0x6], $0x4000, $0x38;
	[tilespmem:$0x10100] =	vst v63  }
0x2a5: {  	_ =	swait.ge [sflag:s10], $0x4000  }
0x2a6: {  	[sflag:s10] =	ssyncset.done $0x0  }
0x2a7: {  	[sflag:s10] =	ssyncadd.s32 $0xFFFFC000  }
0x2a8: {  	_ =	swait.ge [sflag:s11], $0x4000  }
0x2a9: {  	[sflag:s11] =	ssyncset.done $0x0  }
0x2aa: {  	[sflag:s11] =	ssyncadd.s32 $0xFFFFC000  }
0x2ab: {  	_ =	swait.ge [sflag:s19], $0x4000  }
0x2ac: {  	[sflag:s19] =	ssyncset.done $0x0  }
0x2ad: {  	[sflag:s19] =	ssyncadd.s32 $0xFFFFC000  }
0x2ae: {  	v3 =	vld [tilespmem:$0x50];
	_ =	sdelay $0x4  }
0x2af: {  	v4 =	vshll.u32 v3, $0x3  }
0x2b0: {  	v3 =	vand.u32 $0x7, v3;
	v4 =	vand.u32 $0xFFFFFFC0, v4  }
0x2b1: {  	v3 =	vor.u32 v3, v4  }
0x2b2: {  	v4 =	vperm.xlane v3, v0;
	_ =	sdelay $0x1  }
0x2b3: {  	v4 =	vadd.s32 v1, v4;
	_ =	sdelay $0x4  }
0x2b4: {  	[tilespmem:s12], [sflag:$0x3] =	stream.indirect_vreg.gather [hbm4b:s3+s13], $0x80, v4, vm0, $0xb8;
	[tilespmem:$0x10100] =	vst v63  }
0x2b5: {  	s16 =	simm.s32 $0x8900;
	v3 =	vperm.xlane v3, v2  }
0x2b6: {  	[tilespmem:s16], [sflag:$0x3] =	stream.indirect_vreg.gather [hbm4b:s5+s13], $0x80, v4, vm0, $0xb8;
	[tilespmem:$0x10100] =	vst v63  }
0x2b7: {  	s17 =	simm.s32 $0x9100;
	v3 =	vadd.s32 v1, v3  }
0x2b8: {  	[tilespmem:s17], [sflag:$0x3] =	stream.indirect_vreg.gather [hbm4b:s6+s13], $0x80, v4, vm0, $0xb8;
	[tilespmem:$0x10100] =	vst v63  }
0x2b9: {  	s21 =	simm.s32 $0x9900  }
0x2ba: {  	[tilespmem:s21], [sflag:$0x3] =	stream.indirect_vreg.gather [hbm4b:s9+s13], $0x80, v4, vm0, $0xb8;
	[tilespmem:$0x10100] =	vst v63  }
0x2bb: {  	s8 =	simm.s32 $0xA100  }
0x2bc: {  	[tilespmem:s8], [sflag:$0x3] =	stream.indirect_vreg.gather [hbm4b:s3+s13], $0x80, v3, vm0, $0xb8;
	[tilespmem:$0x10100] =	vst v63  }
0x2bd: {  	s14 =	simm.s32 $0xA900  }
0x2be: {  	[tilespmem:s14], [sflag:$0x3] =	stream.indirect_vreg.gather [hbm4b:s5+s13], $0x80, v3, vm0, $0xb8;
	[tilespmem:$0x10100] =	vst v63  }
0x2bf: {  	s15 =	simm.s32 $0xB100  }
0x2c0: {  	[tilespmem:s15], [sflag:$0x3] =	stream.indirect_vreg.gather [hbm4b:s6+s13], $0x80, v3, vm0, $0xb8;
	[tilespmem:$0x10100] =	vst v63  }
0x2c1: {  	s16 =	simm.s32 $0xB900  }
0x2c2: {  	[tilespmem:s16], [sflag:$0x3] =	stream.indirect_vreg.gather [hbm4b:s9+s13], $0x80, v3, vm0, $0xb8;
	[tilespmem:$0x10100] =	vst v63  }
0x2c3: {  	v3 =	vld [tilespmem:$0xD0];
	_ =	sdelay $0x4  }
0x2c4: {  	v4 =	vshll.u32 v3, $0x3  }
0x2c5: {  	v3 =	vand.u32 $0x7, v3;
	v4 =	vand.u32 $0xFFFFFFC0, v4  }
0x2c6: {  	v3 =	vor.u32 v3, v4  }
0x2c7: {  	v4 =	vperm.xlane v3, v0;
	_ =	sdelay $0x1  }
0x2c8: {  	v4 =	vadd.s32 v1, v4;
	_ =	sdelay $0x4  }
0x2c9: {  	[tilespmem:s22], [sflag:$0x4] =	stream.indirect_vreg.gather [hbm4b:s3+s13], $0x80, v4, vm0, $0xb8;
	[tilespmem:$0x10100] =	vst v63  }
0x2ca: {  	v3 =	vperm.xlane v3, v2  }
0x2cb: {  	[tilespmem:s23], [sflag:$0x4] =	stream.indirect_vreg.gather [hbm4b:s5+s13], $0x80, v4, vm0, $0xb8;
	[tilespmem:$0x10100] =	vst v63  }
0x2cc: {  	v3 =	vadd.s32 v1, v3  }
0x2cd: {  	[tilespmem:s24], [sflag:$0x4] =	stream.indirect_vreg.gather [hbm4b:s6+s13], $0x80, v4, vm0, $0xb8;
	[tilespmem:$0x10100] =	vst v63  }
0x2ce: {  	_ = 	snop  }
0x2cf: {  	[tilespmem:s25], [sflag:$0x4] =	stream.indirect_vreg.gather [hbm4b:s9+s13], $0x80, v4, vm0, $0xb8;
	[tilespmem:$0x10100] =	vst v63  }
0x2d0: {  	_ = 	snop  }
0x2d1: {  	[tilespmem:s26], [sflag:$0x4] =	stream.indirect_vreg.gather [hbm4b:s3+s13], $0x80, v3, vm0, $0xb8;
	[tilespmem:$0x10100] =	vst v63  }
0x2d2: {  	_ = 	snop  }
0x2d3: {  	[tilespmem:s28], [sflag:$0x4] =	stream.indirect_vreg.gather [hbm4b:s5+s13], $0x80, v3, vm0, $0xb8;
	[tilespmem:$0x10100] =	vst v63  }
0x2d4: {  	s17 =	sand.u32 $0x70, s13;
	s21 =	sand.u32 $0x1C00, s13  }
0x2d5: {  	[tilespmem:s29], [sflag:$0x4] =	stream.indirect_vreg.gather [hbm4b:s6+s13], $0x80, v3, vm0, $0xb8;
	[tilespmem:$0x10100] =	vst v63  }
0x2d6: {  	s8 =	sor.u32 s17, s21  }
0x2d7: {  	[tilespmem:s30], [sflag:$0x4] =	stream.indirect_vreg.gather [hbm4b:s9+s13], $0x80, v3, vm0, $0xb8;
	[tilespmem:$0x10100] =	vst v63  }
0x2d8: {  	v3 =	vld [tilespmem:s8+$0x280]  }
0x2d9: {  	v4 =	vld [tilespmem:s8+$0x100]  }
0x2da: {  	v5 =	vld [tilespmem:s8+$0x400]  }
0x2db: {  	v6 =	vld [tilespmem:s8+$0x300]  }
0x2dc: {  	v7 =	vld [tilespmem:s8+$0x200]  }
0x2dd: {  	v8 =	vld [tilespmem:s8+$0x380]  }
0x2de: {  	v9 =	vld [tilespmem:s8+$0x180]  }
0x2df: {  	v10 =	vld [tilespmem:s8+$0x4180]  }
0x2e0: {  	s14 =	sor.u32 s13, s13;
	s15 =	simm.s32 $0x10;
	v11 =	vld [tilespmem:s8+$0x4380]  }
.LBB2_10:
0x2e1: {  	p0 =	sne.s32 s15, $0x3F0  }
0x2e2: {  	v12 =	vld [tilespmem:s8+$0x4280];
	s13 =	sadd.s32 $0x80, s13;
	s7 =	smov.u32 s15;
	s15 =	sadd.s32 $0x10, s15  }
0x2e3: {  	s16 =	sor.u32 s7, s13;
	v13 =	vld [tilespmem:s8+$0x4200]  }
0x2e4: {  	v14 =	vld [tilespmem:s8+$0x4300]  }
0x2e5: {  	v15 =	vld [tilespmem:s8+$0x4400]  }
0x2e6: {  	v9 =	vadd.f32 v10, v9;
	v16 =	vld [tilespmem:s8+$0x4100];
	v8 =	vadd.f32 v11, v8  }
0x2e7: {  	v3 =	vadd.f32 v12, v3  }
0x2e8: {  	v7 =	vadd.f32 v13, v7;
	[tilespmem:s8+$0x380] =	vst v8  }
0x2e9: {  	[tilespmem:s8+$0x280] =	vst v3;
	v3 =	vadd.f32 v14, v6  }
0x2ea: {  	[tilespmem:s8+$0x180] =	vst v9;
	v5 =	vadd.f32 v15, v5  }
0x2eb: {  	v4 =	vadd.f32 v16, v4;
	[tilespmem:s8+$0x200] =	vst v7  }
0x2ec: {  	[tilespmem:s8+$0x400] =	vst v5  }
0x2ed: {  	[tilespmem:s8+$0x300] =	vst v3  }
0x2ee: {  	s17 =	sor.u32 $0x380, s14;
	[tilespmem:s8+$0x100] =	vst v4  }
0x2ef: {  	v3 =	vld [tilespmem:s17+$0x100]  }
0x2f0: {  	v4 =	vld [tilespmem:s17+$0x4100];
	_ =	sdelay $0x4  }
0x2f1: {  	v3 =	vadd.f32 v4, v3;
	_ =	sdelay $0x1  }
0x2f2: {  	s7 =	sand.u32 $0x70, s7;
	s21 =	sand.u32 $0x1C00, s13;
	[tilespmem:s17+$0x100] =	vst v3  }
0x2f3: {  	s7 =	sor.u32 s7, s21;
	v3 =	vld [tilespmem:s8+$0x2100]  }
0x2f4: {  	v4 =	vld [tilespmem:s8+$0x6100]  }
0x2f5: {  	v5 =	vld [tilespmem:s8+$0x2180]  }
0x2f6: {  	v6 =	vld [tilespmem:s8+$0x6180]  }
0x2f7: {  	v7 =	vld [tilespmem:s8+$0x6400]  }
0x2f8: {  	v8 =	vld [tilespmem:s8+$0x2400]  }
0x2f9: {  	v3 =	vadd.f32 v4, v3;
	v4 =	vld [tilespmem:s8+$0x6380]  }
0x2fa: {  	v9 =	vld [tilespmem:s8+$0x6280]  }
0x2fb: {  	[tilespmem:s8+$0x2100] =	vst v3;
	v3 =	vadd.f32 v6, v5;
	v5 =	vld [tilespmem:s8+$0x6300]  }
0x2fc: {  	v6 =	vld [tilespmem:s8+$0x2380]  }
0x2fd: {  	[tilespmem:s8+$0x2180] =	vst v3;
	v10 =	vld [tilespmem:s8+$0x2300];
	v3 =	vadd.f32 v7, v8  }
0x2fe: {  	v7 =	vld [tilespmem:s8+$0x2280]  }
0x2ff: {  	v8 =	vld [tilespmem:s8+$0x6200];
	[tilespmem:s8+$0x2400] =	vst v3  }
0x300: {  	v11 =	vld [tilespmem:s8+$0x2200]  }
0x301: {  	v3 =	vld [tilespmem:s7+$0x280];
	v4 =	vadd.f32 v4, v6  }
0x302: {  	v5 =	vadd.f32 v5, v10  }
0x303: {  	v6 =	vadd.f32 v9, v7;
	[tilespmem:s8+$0x2380] =	vst v4  }
0x304: {  	[tilespmem:s8+$0x2300] =	vst v5  }
0x305: {  	v4 =	vadd.f32 v8, v11  }
0x306: {  	[tilespmem:s8+$0x2280] =	vst v6  }
0x307: {  	s17 =	sor.u32 $0x2380, s14;
	s14 =	smov.u32 s16;
	[tilespmem:s8+$0x2200] =	vst v4;
	s8 =	smov.u32 s7  }
0x308: {  	v8 =	vld [tilespmem:s17+$0x100]  }
0x309: {  	v9 =	vld [tilespmem:s17+$0x4100];
	_ =	sdelay $0x1  }
0x30a: {  	v4 =	vld [tilespmem:s8+$0x100]  }
0x30b: {  	v5 =	vld [tilespmem:s8+$0x400]  }
0x30c: {  	v6 =	vld [tilespmem:s8+$0x300]  }
.Ltmp4:
0x30d: {  	v7 =	vld [tilespmem:s8+$0x200];
	v10 =	vadd.f32 v9, v8;
	(pc) =	sbr.rel @p0 .LBB2_10-.Ltmp4, $4  }
0x30e: {  	v8 =	vld [tilespmem:s8+$0x380]  }
0x30f: {  	v9 =	vld [tilespmem:s8+$0x180];
	[tilespmem:s17+$0x100] =	vst v10  }
0x310: {  	v10 =	vld [tilespmem:s8+$0x4180]  }
0x311: {  	v11 =	vld [tilespmem:s8+$0x4380]  }
0x312: {  	v12 =	vld [tilespmem:s8+$0x4280]  }
0x313: {  	v13 =	vld [tilespmem:s8+$0x4200]  }
0x314: {  	v14 =	vld [tilespmem:s8+$0x4400]  }
0x315: {  	v15 =	vld [tilespmem:s8+$0x4300];
	v9 =	vadd.f32 v10, v9  }
0x316: {  	v8 =	vadd.f32 v11, v8;
	v11 =	vld [tilespmem:s8+$0x4100]  }
0x317: {  	v3 =	vadd.f32 v12, v3;
	[tilespmem:s8+$0x180] =	vst v9  }
0x318: {  	v7 =	vadd.f32 v13, v7;
	[tilespmem:s8+$0x380] =	vst v8  }
0x319: {  	[tilespmem:s8+$0x280] =	vst v3;
	v3 =	vadd.f32 v14, v5  }
0x31a: {  	v5 =	vadd.f32 v15, v6;
	[tilespmem:s8+$0x200] =	vst v7  }
0x31b: {  	v4 =	vadd.f32 v11, v4;
	[tilespmem:s8+$0x400] =	vst v3  }
0x31c: {  	[tilespmem:s8+$0x300] =	vst v5  }
0x31d: {  	s7 =	sor.u32 $0x380, s14;
	[tilespmem:s8+$0x100] =	vst v4  }
0x31e: {  	v3 =	vld [tilespmem:s7+$0x100]  }
0x31f: {  	v4 =	vld [tilespmem:s7+$0x4100];
	_ =	sdelay $0x4  }
0x320: {  	v3 =	vadd.f32 v4, v3;
	_ =	sdelay $0x1  }
0x321: {  	[tilespmem:s7+$0x100] =	vst v3  }
0x322: {  	v3 =	vld [tilespmem:s8+$0x2100]  }
0x323: {  	v4 =	vld [tilespmem:s8+$0x6100]  }
0x324: {  	v5 =	vld [tilespmem:s8+$0x2180]  }
0x325: {  	v6 =	vld [tilespmem:s8+$0x6180]  }
0x326: {  	v7 =	vld [tilespmem:s8+$0x6400]  }
0x327: {  	v8 =	vld [tilespmem:s8+$0x6280]  }
0x328: {  	v9 =	vld [tilespmem:s8+$0x2400]  }
0x329: {  	v10 =	vld [tilespmem:s8+$0x2300]  }
0x32a: {  	v11 =	vld [tilespmem:s8+$0x6200]  }
0x32b: {  	v3 =	vadd.f32 v4, v3;
	v4 =	vld [tilespmem:s8+$0x6380]  }
0x32c: {  	v5 =	vadd.f32 v6, v5;
	v6 =	vld [tilespmem:s8+$0x2380]  }
0x32d: {  	[tilespmem:s8+$0x2100] =	vst v3;
	v3 =	vld [tilespmem:s8+$0x6300]  }
0x32e: {  	[tilespmem:s8+$0x2180] =	vst v5;
	v5 =	vld [tilespmem:s8+$0x2280]  }
0x32f: {  	v63 =	vld [tilespmem:s8+$0x2200]  }
0x330: {  	v7 =	vadd.f32 v7, v9  }
0x331: {  	v4 =	vadd.f32 v4, v6  }
0x332: {  	[tilespmem:s8+$0x2400] =	vst v7;
	v3 =	vadd.f32 v3, v10  }
0x333: {  	v5 =	vadd.f32 v8, v5;
	[tilespmem:s8+$0x2380] =	vst v4  }
0x334: {  	[tilespmem:s8+$0x2300] =	vst v3;
	v3 =	vadd.f32 v11, v63  }
0x335: {  	[tilespmem:s8+$0x2280] =	vst v5  }
0x336: {  	s21 =	sor.u32 $0x2380, s14;
	[tilespmem:s8+$0x2200] =	vst v3  }
0x337: {  	v3 =	vld [tilespmem:s21+$0x100]  }
0x338: {  	v4 =	vld [tilespmem:s21+$0x4100];
	_ =	sdelay $0x4  }
0x339: {  	v3 =	vadd.f32 v4, v3;
	_ =	sdelay $0x1  }
0x33a: {  	s13 =	simm.s32 $0x0;
	s8 =	rddreg [dreg:$0x9];
	[tilespmem:s21+$0x100] =	vst v3  }
0x33b: {  	[hbm4b:s8+s13] =	stream.linear.scatter [tilespmem:s20], [sflag:$0x5], $0x4000, $0x38;
	[tilespmem:$0x10100] =	vst v63  }
0x33c: {  	_ =	swait.ge [sflag:s31], $0x4000  }
0x33d: {  	[sflag:s31] =	ssyncset.done $0x0  }
0x33e: {  	[sflag:s31] =	ssyncadd.s32 $0xFFFFC000  }
0x33f: {  	_ =	swait.ge [sflag:s0], $0x4000  }
0x340: {  	[sflag:s0] =	ssyncset.done $0x0  }
0x341: {  	[sflag:s0] =	ssyncadd.s32 $0xFFFFC000  }
0x342: {  	_ =	swait.ge [sflag:s1], $0x4000  }
0x343: {  	[sflag:s1] =	ssyncset.done $0x0  }
0x344: {  	[sflag:s1] =	ssyncadd.s32 $0xFFFFC000  }
0x345: {  	v3 =	vld [tilespmem:$0x60];
	_ =	sdelay $0x4  }
0x346: {  	v4 =	vshll.u32 v3, $0x3  }
0x347: {  	v3 =	vand.u32 $0x7, v3;
	v4 =	vand.u32 $0xFFFFFFC0, v4  }
0x348: {  	v3 =	vor.u32 v3, v4  }
0x349: {  	v4 =	vperm.xlane v3, v0;
	_ =	sdelay $0x1  }
0x34a: {  	v4 =	vadd.s32 v1, v4;
	_ =	sdelay $0x4  }
0x34b: {  	[tilespmem:s20], [sflag:$0x1] =	stream.indirect_vreg.gather [hbm4b:s3+s13], $0x80, v4, vm0, $0xb8;
	[tilespmem:$0x10100] =	vst v63  }
0x34c: {  	s14 =	simm.s32 $0x900;
	v3 =	vperm.xlane v3, v2  }
0x34d: {  	[tilespmem:s14], [sflag:$0x1] =	stream.indirect_vreg.gather [hbm4b:s5+s13], $0x80, v4, vm0, $0xb8;
	[tilespmem:$0x10100] =	vst v63  }
0x34e: {  	s15 =	simm.s32 $0x1100;
	v3 =	vadd.s32 v1, v3  }
0x34f: {  	[tilespmem:s15], [sflag:$0x1] =	stream.indirect_vreg.gather [hbm4b:s6+s13], $0x80, v4, vm0, $0xb8;
	[tilespmem:$0x10100] =	vst v63  }
0x350: {  	s16 =	simm.s32 $0x1900  }
0x351: {  	[tilespmem:s16], [sflag:$0x1] =	stream.indirect_vreg.gather [hbm4b:s9+s13], $0x80, v4, vm0, $0xb8;
	[tilespmem:$0x10100] =	vst v63  }
0x352: {  	s17 =	simm.s32 $0x2100  }
0x353: {  	[tilespmem:s17], [sflag:$0x1] =	stream.indirect_vreg.gather [hbm4b:s3+s13], $0x80, v3, vm0, $0xb8;
	[tilespmem:$0x10100] =	vst v63  }
0x354: {  	s21 =	simm.s32 $0x2900  }
0x355: {  	[tilespmem:s21], [sflag:$0x1] =	stream.indirect_vreg.gather [hbm4b:s5+s13], $0x80, v3, vm0, $0xb8;
	[tilespmem:$0x10100] =	vst v63  }
0x356: {  	s8 =	simm.s32 $0x3100  }
0x357: {  	[tilespmem:s8], [sflag:$0x1] =	stream.indirect_vreg.gather [hbm4b:s6+s13], $0x80, v3, vm0, $0xb8;
	[tilespmem:$0x10100] =	vst v63  }
0x358: {  	s14 =	simm.s32 $0x3900  }
0x359: {  	[tilespmem:s14], [sflag:$0x1] =	stream.indirect_vreg.gather [hbm4b:s9+s13], $0x80, v3, vm0, $0xb8;
	[tilespmem:$0x10100] =	vst v63  }
0x35a: {  	v3 =	vld [tilespmem:$0xE0];
	_ =	sdelay $0x4  }
0x35b: {  	v4 =	vshll.u32 v3, $0x3  }
0x35c: {  	v3 =	vand.u32 $0x7, v3;
	v4 =	vand.u32 $0xFFFFFFC0, v4  }
0x35d: {  	v3 =	vor.u32 v3, v4  }
0x35e: {  	v4 =	vperm.xlane v3, v0;
	_ =	sdelay $0x1  }
0x35f: {  	v4 =	vadd.s32 v1, v4;
	_ =	sdelay $0x3  }
0x360: {  	s15 =	simm.s32 $0x4100  }
0x361: {  	[tilespmem:s15], [sflag:$0x2] =	stream.indirect_vreg.gather [hbm4b:s3+s13], $0x80, v4, vm0, $0xb8;
	[tilespmem:$0x10100] =	vst v63  }
0x362: {  	s16 =	simm.s32 $0x4900;
	v3 =	vperm.xlane v3, v2  }
0x363: {  	[tilespmem:s16], [sflag:$0x2] =	stream.indirect_vreg.gather [hbm4b:s5+s13], $0x80, v4, vm0, $0xb8;
	[tilespmem:$0x10100] =	vst v63  }
0x364: {  	s17 =	simm.s32 $0x5100;
	v3 =	vadd.s32 v1, v3  }
0x365: {  	[tilespmem:s17], [sflag:$0x2] =	stream.indirect_vreg.gather [hbm4b:s6+s13], $0x80, v4, vm0, $0xb8;
	[tilespmem:$0x10100] =	vst v63  }
0x366: {  	s21 =	simm.s32 $0x5900  }
0x367: {  	[tilespmem:s21], [sflag:$0x2] =	stream.indirect_vreg.gather [hbm4b:s9+s13], $0x80, v4, vm0, $0xb8;
	[tilespmem:$0x10100] =	vst v63  }
0x368: {  	s8 =	simm.s32 $0x6100  }
0x369: {  	[tilespmem:s8], [sflag:$0x2] =	stream.indirect_vreg.gather [hbm4b:s3+s13], $0x80, v3, vm0, $0xb8;
	[tilespmem:$0x10100] =	vst v63  }
0x36a: {  	s14 =	simm.s32 $0x6900  }
0x36b: {  	[tilespmem:s14], [sflag:$0x2] =	stream.indirect_vreg.gather [hbm4b:s5+s13], $0x80, v3, vm0, $0xb8;
	[tilespmem:$0x10100] =	vst v63  }
0x36c: {  	s15 =	simm.s32 $0x7100;
	s17 =	sand.u32 $0x70, s13;
	s21 =	sand.u32 $0x1C00, s13  }
0x36d: {  	[tilespmem:s15], [sflag:$0x2] =	stream.indirect_vreg.gather [hbm4b:s6+s13], $0x80, v3, vm0, $0xb8;
	[tilespmem:$0x10100] =	vst v63  }
0x36e: {  	s16 =	simm.s32 $0x7900;
	s8 =	sor.u32 s17, s21  }
0x36f: {  	[tilespmem:s16], [sflag:$0x2] =	stream.indirect_vreg.gather [hbm4b:s9+s13], $0x80, v3, vm0, $0xb8;
	[tilespmem:$0x10100] =	vst v63  }
0x370: {  	v3 =	vld [tilespmem:s8+$0x8280]  }
0x371: {  	v4 =	vld [tilespmem:s8+$0x8100]  }
0x372: {  	v5 =	vld [tilespmem:s8+$0x8400]  }
0x373: {  	v6 =	vld [tilespmem:s8+$0x8300]  }
0x374: {  	v7 =	vld [tilespmem:s8+$0x8200]  }
0x375: {  	v8 =	vld [tilespmem:s8+$0x8380]  }
0x376: {  	v9 =	vld [tilespmem:s8+$0x8180]  }
0x377: {  	v10 =	vld [tilespmem:s8+$0xC180]  }
0x378: {  	s14 =	sor.u32 s13, s13;
	s15 =	simm.s32 $0x10;
	v11 =	vld [tilespmem:s8+$0xC380]  }
.LBB2_12:
0x379: {  	p0 =	sne.s32 s15, $0x3F0  }
0x37a: {  	v12 =	vld [tilespmem:s8+$0xC280];
	s13 =	sadd.s32 $0x80, s13;
	s7 =	smov.u32 s15;
	s15 =	sadd.s32 $0x10, s15  }
0x37b: {  	s16 =	sor.u32 s7, s13;
	v13 =	vld [tilespmem:s8+$0xC200]  }
0x37c: {  	v14 =	vld [tilespmem:s8+$0xC300]  }
0x37d: {  	v15 =	vld [tilespmem:s8+$0xC400]  }
0x37e: {  	v9 =	vadd.f32 v10, v9;
	v16 =	vld [tilespmem:s8+$0xC100];
	v8 =	vadd.f32 v11, v8  }
0x37f: {  	v3 =	vadd.f32 v12, v3  }
0x380: {  	v7 =	vadd.f32 v13, v7;
	[tilespmem:s8+$0x8380] =	vst v8  }
0x381: {  	[tilespmem:s8+$0x8280] =	vst v3;
	v3 =	vadd.f32 v14, v6  }
0x382: {  	[tilespmem:s8+$0x8180] =	vst v9;
	v5 =	vadd.f32 v15, v5  }
0x383: {  	v4 =	vadd.f32 v16, v4;
	[tilespmem:s8+$0x8200] =	vst v7  }
0x384: {  	[tilespmem:s8+$0x8400] =	vst v5  }
0x385: {  	[tilespmem:s8+$0x8300] =	vst v3  }
0x386: {  	s17 =	sor.u32 $0x380, s14;
	[tilespmem:s8+$0x8100] =	vst v4  }
0x387: {  	v3 =	vld [tilespmem:s17+$0x8100]  }
0x388: {  	v4 =	vld [tilespmem:s17+$0xC100];
	_ =	sdelay $0x4  }
0x389: {  	v3 =	vadd.f32 v4, v3;
	_ =	sdelay $0x1  }
0x38a: {  	s7 =	sand.u32 $0x70, s7;
	s21 =	sand.u32 $0x1C00, s13;
	[tilespmem:s17+$0x8100] =	vst v3  }
0x38b: {  	s7 =	sor.u32 s7, s21;
	v3 =	vld [tilespmem:s8+$0xA100]  }
0x38c: {  	v4 =	vld [tilespmem:s8+$0xE100]  }
0x38d: {  	v5 =	vld [tilespmem:s8+$0xA180]  }
0x38e: {  	v6 =	vld [tilespmem:s8+$0xE180]  }
0x38f: {  	v7 =	vld [tilespmem:s8+$0xE400]  }
0x390: {  	v8 =	vld [tilespmem:s8+$0xA400]  }
0x391: {  	v3 =	vadd.f32 v4, v3;
	v4 =	vld [tilespmem:s8+$0xE380]  }
0x392: {  	v9 =	vld [tilespmem:s8+$0xE280]  }
0x393: {  	[tilespmem:s8+$0xA100] =	vst v3;
	v3 =	vadd.f32 v6, v5;
	v5 =	vld [tilespmem:s8+$0xE300]  }
0x394: {  	v6 =	vld [tilespmem:s8+$0xA380]  }
0x395: {  	[tilespmem:s8+$0xA180] =	vst v3;
	v10 =	vld [tilespmem:s8+$0xA300];
	v3 =	vadd.f32 v7, v8  }
0x396: {  	v7 =	vld [tilespmem:s8+$0xA280]  }
0x397: {  	v8 =	vld [tilespmem:s8+$0xE200];
	[tilespmem:s8+$0xA400] =	vst v3  }
0x398: {  	v11 =	vld [tilespmem:s8+$0xA200]  }
0x399: {  	v3 =	vld [tilespmem:s7+$0x8280];
	v4 =	vadd.f32 v4, v6  }
0x39a: {  	v5 =	vadd.f32 v5, v10  }
0x39b: {  	v6 =	vadd.f32 v9, v7;
	[tilespmem:s8+$0xA380] =	vst v4  }
0x39c: {  	[tilespmem:s8+$0xA300] =	vst v5  }
0x39d: {  	v4 =	vadd.f32 v8, v11  }
0x39e: {  	[tilespmem:s8+$0xA280] =	vst v6  }
0x39f: {  	s17 =	sor.u32 $0x2380, s14;
	s14 =	smov.u32 s16;
	[tilespmem:s8+$0xA200] =	vst v4;
	s8 =	smov.u32 s7  }
0x3a0: {  	v8 =	vld [tilespmem:s17+$0x8100]  }
0x3a1: {  	v9 =	vld [tilespmem:s17+$0xC100];
	_ =	sdelay $0x1  }
0x3a2: {  	v4 =	vld [tilespmem:s8+$0x8100]  }
0x3a3: {  	v5 =	vld [tilespmem:s8+$0x8400]  }
0x3a4: {  	v6 =	vld [tilespmem:s8+$0x8300]  }
.Ltmp5:
0x3a5: {  	v7 =	vld [tilespmem:s8+$0x8200];
	v10 =	vadd.f32 v9, v8;
	(pc) =	sbr.rel @p0 .LBB2_12-.Ltmp5, $4  }
0x3a6: {  	v8 =	vld [tilespmem:s8+$0x8380]  }
0x3a7: {  	v9 =	vld [tilespmem:s8+$0x8180];
	[tilespmem:s17+$0x8100] =	vst v10  }
0x3a8: {  	v10 =	vld [tilespmem:s8+$0xC180]  }
0x3a9: {  	v11 =	vld [tilespmem:s8+$0xC380]  }
0x3aa: {  	v12 =	vld [tilespmem:s8+$0xC280]  }
0x3ab: {  	v13 =	vld [tilespmem:s8+$0xC200]  }
0x3ac: {  	v14 =	vld [tilespmem:s8+$0xC400]  }
0x3ad: {  	v15 =	vld [tilespmem:s8+$0xC300];
	v9 =	vadd.f32 v10, v9  }
0x3ae: {  	v8 =	vadd.f32 v11, v8;
	v11 =	vld [tilespmem:s8+$0xC100]  }
0x3af: {  	v3 =	vadd.f32 v12, v3;
	[tilespmem:s8+$0x8180] =	vst v9  }
0x3b0: {  	v7 =	vadd.f32 v13, v7;
	[tilespmem:s8+$0x8380] =	vst v8  }
0x3b1: {  	[tilespmem:s8+$0x8280] =	vst v3;
	v3 =	vadd.f32 v14, v5  }
0x3b2: {  	v5 =	vadd.f32 v15, v6;
	[tilespmem:s8+$0x8200] =	vst v7  }
0x3b3: {  	v4 =	vadd.f32 v11, v4;
	[tilespmem:s8+$0x8400] =	vst v3  }
0x3b4: {  	[tilespmem:s8+$0x8300] =	vst v5  }
0x3b5: {  	s7 =	sor.u32 $0x380, s14;
	[tilespmem:s8+$0x8100] =	vst v4  }
0x3b6: {  	v3 =	vld [tilespmem:s7+$0x8100]  }
0x3b7: {  	v4 =	vld [tilespmem:s7+$0xC100];
	_ =	sdelay $0x4  }
0x3b8: {  	v3 =	vadd.f32 v4, v3;
	_ =	sdelay $0x1  }
0x3b9: {  	[tilespmem:s7+$0x8100] =	vst v3  }
0x3ba: {  	v3 =	vld [tilespmem:s8+$0xA100]  }
0x3bb: {  	v4 =	vld [tilespmem:s8+$0xE100]  }
0x3bc: {  	v5 =	vld [tilespmem:s8+$0xA180]  }
0x3bd: {  	v6 =	vld [tilespmem:s8+$0xE180]  }
0x3be: {  	v7 =	vld [tilespmem:s8+$0xE400]  }
0x3bf: {  	v8 =	vld [tilespmem:s8+$0xE280]  }
0x3c0: {  	v9 =	vld [tilespmem:s8+$0xA400]  }
0x3c1: {  	v10 =	vld [tilespmem:s8+$0xA300]  }
0x3c2: {  	v11 =	vld [tilespmem:s8+$0xE200]  }
0x3c3: {  	v3 =	vadd.f32 v4, v3;
	v4 =	vld [tilespmem:s8+$0xE380]  }
0x3c4: {  	v5 =	vadd.f32 v6, v5;
	v6 =	vld [tilespmem:s8+$0xA380]  }
0x3c5: {  	[tilespmem:s8+$0xA100] =	vst v3;
	v3 =	vld [tilespmem:s8+$0xE300]  }
0x3c6: {  	[tilespmem:s8+$0xA180] =	vst v5;
	v5 =	vld [tilespmem:s8+$0xA280]  }
0x3c7: {  	v63 =	vld [tilespmem:s8+$0xA200]  }
0x3c8: {  	v7 =	vadd.f32 v7, v9  }
0x3c9: {  	v4 =	vadd.f32 v4, v6  }
0x3ca: {  	[tilespmem:s8+$0xA400] =	vst v7;
	v3 =	vadd.f32 v3, v10  }
0x3cb: {  	v5 =	vadd.f32 v8, v5;
	[tilespmem:s8+$0xA380] =	vst v4  }
0x3cc: {  	[tilespmem:s8+$0xA300] =	vst v3;
	v3 =	vadd.f32 v11, v63  }
0x3cd: {  	[tilespmem:s8+$0xA280] =	vst v5  }
0x3ce: {  	s14 =	sor.u32 $0x2380, s14;
	[tilespmem:s8+$0xA200] =	vst v3  }
0x3cf: {  	v3 =	vld [tilespmem:s14+$0x8100]  }
0x3d0: {  	v4 =	vld [tilespmem:s14+$0xC100];
	_ =	sdelay $0x4  }
0x3d1: {  	v3 =	vadd.f32 v4, v3;
	_ =	sdelay $0x1  }
0x3d2: {  	s13 =	simm.s32 $0x0;
	s15 =	rddreg [dreg:$0xa];
	[tilespmem:s14+$0x8100] =	vst v3  }
0x3d3: {  	[hbm4b:s15+s13] =	stream.linear.scatter [tilespmem:s12], [sflag:$0x6], $0x4000, $0x38;
	[tilespmem:$0x10100] =	vst v63  }
0x3d4: {  	_ =	swait.ge [sflag:s10], $0x4000  }
0x3d5: {  	[sflag:s10] =	ssyncset.done $0x0  }
0x3d6: {  	[sflag:s10] =	ssyncadd.s32 $0xFFFFC000  }
0x3d7: {  	_ =	swait.ge [sflag:s11], $0x4000  }
0x3d8: {  	[sflag:s11] =	ssyncset.done $0x0  }
0x3d9: {  	[sflag:s11] =	ssyncadd.s32 $0xFFFFC000  }
0x3da: {  	_ =	swait.ge [sflag:s19], $0x4000  }
0x3db: {  	[sflag:s19] =	ssyncset.done $0x0  }
0x3dc: {  	[sflag:s19] =	ssyncadd.s32 $0xFFFFC000  }
0x3dd: {  	v3 =	vld [tilespmem:$0x70];
	_ =	sdelay $0x4  }
0x3de: {  	v4 =	vshll.u32 v3, $0x3  }
0x3df: {  	v3 =	vand.u32 $0x7, v3;
	v4 =	vand.u32 $0xFFFFFFC0, v4  }
0x3e0: {  	v3 =	vor.u32 v3, v4  }
0x3e1: {  	v4 =	vperm.xlane v3, v0;
	_ =	sdelay $0x1  }
0x3e2: {  	v4 =	vadd.s32 v1, v4;
	_ =	sdelay $0x4  }
0x3e3: {  	[tilespmem:s12], [sflag:$0x3] =	stream.indirect_vreg.gather [hbm4b:s3+s13], $0x80, v4, vm0, $0xb8;
	[tilespmem:$0x10100] =	vst v63  }
0x3e4: {  	s16 =	simm.s32 $0x8900;
	v3 =	vperm.xlane v3, v2  }
0x3e5: {  	[tilespmem:s16], [sflag:$0x3] =	stream.indirect_vreg.gather [hbm4b:s5+s13], $0x80, v4, vm0, $0xb8;
	[tilespmem:$0x10100] =	vst v63  }
0x3e6: {  	s17 =	simm.s32 $0x9100;
	v3 =	vadd.s32 v1, v3  }
0x3e7: {  	[tilespmem:s17], [sflag:$0x3] =	stream.indirect_vreg.gather [hbm4b:s6+s13], $0x80, v4, vm0, $0xb8;
	[tilespmem:$0x10100] =	vst v63  }
0x3e8: {  	s21 =	simm.s32 $0x9900  }
0x3e9: {  	[tilespmem:s21], [sflag:$0x3] =	stream.indirect_vreg.gather [hbm4b:s9+s13], $0x80, v4, vm0, $0xb8;
	[tilespmem:$0x10100] =	vst v63  }
0x3ea: {  	s8 =	simm.s32 $0xA100  }
0x3eb: {  	[tilespmem:s8], [sflag:$0x3] =	stream.indirect_vreg.gather [hbm4b:s3+s13], $0x80, v3, vm0, $0xb8;
	[tilespmem:$0x10100] =	vst v63  }
0x3ec: {  	s14 =	simm.s32 $0xA900  }
0x3ed: {  	[tilespmem:s14], [sflag:$0x3] =	stream.indirect_vreg.gather [hbm4b:s5+s13], $0x80, v3, vm0, $0xb8;
	[tilespmem:$0x10100] =	vst v63  }
0x3ee: {  	s15 =	simm.s32 $0xB100  }
0x3ef: {  	[tilespmem:s15], [sflag:$0x3] =	stream.indirect_vreg.gather [hbm4b:s6+s13], $0x80, v3, vm0, $0xb8;
	[tilespmem:$0x10100] =	vst v63  }
0x3f0: {  	s16 =	simm.s32 $0xB900  }
0x3f1: {  	[tilespmem:s16], [sflag:$0x3] =	stream.indirect_vreg.gather [hbm4b:s9+s13], $0x80, v3, vm0, $0xb8;
	[tilespmem:$0x10100] =	vst v63  }
0x3f2: {  	v3 =	vld [tilespmem:$0xF0];
	_ =	sdelay $0x4  }
0x3f3: {  	v4 =	vshll.u32 v3, $0x3  }
0x3f4: {  	v3 =	vand.u32 $0x7, v3;
	v4 =	vand.u32 $0xFFFFFFC0, v4  }
0x3f5: {  	v3 =	vor.u32 v3, v4  }
0x3f6: {  	v4 =	vperm.xlane v3, v0;
	_ =	sdelay $0x1  }
0x3f7: {  	v4 =	vadd.s32 v1, v4;
	_ =	sdelay $0x4  }
0x3f8: {  	[tilespmem:s22], [sflag:$0x4] =	stream.indirect_vreg.gather [hbm4b:s3+s13], $0x80, v4, vm0, $0xb8;
	[tilespmem:$0x10100] =	vst v63  }
0x3f9: {  	v3 =	vperm.xlane v3, v2  }
0x3fa: {  	[tilespmem:s23], [sflag:$0x4] =	stream.indirect_vreg.gather [hbm4b:s5+s13], $0x80, v4, vm0, $0xb8;
	[tilespmem:$0x10100] =	vst v63  }
0x3fb: {  	v3 =	vadd.s32 v1, v3  }
0x3fc: {  	[tilespmem:s24], [sflag:$0x4] =	stream.indirect_vreg.gather [hbm4b:s6+s13], $0x80, v4, vm0, $0xb8;
	[tilespmem:$0x10100] =	vst v63  }
0x3fd: {  	_ = 	snop  }
0x3fe: {  	[tilespmem:s25], [sflag:$0x4] =	stream.indirect_vreg.gather [hbm4b:s9+s13], $0x80, v4, vm0, $0xb8;
	[tilespmem:$0x10100] =	vst v63  }
0x3ff: {  	_ = 	snop  }
0x400: {  	[tilespmem:s26], [sflag:$0x4] =	stream.indirect_vreg.gather [hbm4b:s3+s13], $0x80, v3, vm0, $0xb8;
	[tilespmem:$0x10100] =	vst v63  }
0x401: {  	_ = 	snop  }
0x402: {  	[tilespmem:s28], [sflag:$0x4] =	stream.indirect_vreg.gather [hbm4b:s5+s13], $0x80, v3, vm0, $0xb8;
	[tilespmem:$0x10100] =	vst v63  }
0x403: {  	s17 =	sand.u32 $0x70, s13;
	s21 =	sand.u32 $0x1C00, s13  }
0x404: {  	[tilespmem:s29], [sflag:$0x4] =	stream.indirect_vreg.gather [hbm4b:s6+s13], $0x80, v3, vm0, $0xb8;
	[tilespmem:$0x10100] =	vst v63  }
0x405: {  	s8 =	sor.u32 s17, s21  }
0x406: {  	[tilespmem:s30], [sflag:$0x4] =	stream.indirect_vreg.gather [hbm4b:s9+s13], $0x80, v3, vm0, $0xb8;
	[tilespmem:$0x10100] =	vst v63  }
0x407: {  	v3 =	vld [tilespmem:s8+$0x280]  }
0x408: {  	v4 =	vld [tilespmem:s8+$0x100]  }
0x409: {  	v5 =	vld [tilespmem:s8+$0x400]  }
0x40a: {  	v6 =	vld [tilespmem:s8+$0x300]  }
0x40b: {  	v7 =	vld [tilespmem:s8+$0x200]  }
0x40c: {  	v8 =	vld [tilespmem:s8+$0x380]  }
0x40d: {  	v9 =	vld [tilespmem:s8+$0x180]  }
0x40e: {  	v10 =	vld [tilespmem:s8+$0x4180]  }
0x40f: {  	s14 =	sor.u32 s13, s13;
	s15 =	simm.s32 $0x10;
	v11 =	vld [tilespmem:s8+$0x4380]  }
.LBB2_14:
0x410: {  	p0 =	sne.s32 s15, $0x3F0  }
0x411: {  	v12 =	vld [tilespmem:s8+$0x4280];
	s13 =	sadd.s32 $0x80, s13;
	s7 =	smov.u32 s15;
	s15 =	sadd.s32 $0x10, s15  }
0x412: {  	s16 =	sor.u32 s7, s13;
	v13 =	vld [tilespmem:s8+$0x4200]  }
0x413: {  	v14 =	vld [tilespmem:s8+$0x4300]  }
0x414: {  	v15 =	vld [tilespmem:s8+$0x4400]  }
0x415: {  	v9 =	vadd.f32 v10, v9;
	v16 =	vld [tilespmem:s8+$0x4100];
	v8 =	vadd.f32 v11, v8  }
0x416: {  	v3 =	vadd.f32 v12, v3  }
0x417: {  	v7 =	vadd.f32 v13, v7;
	[tilespmem:s8+$0x380] =	vst v8  }
0x418: {  	[tilespmem:s8+$0x280] =	vst v3;
	v3 =	vadd.f32 v14, v6  }
0x419: {  	[tilespmem:s8+$0x180] =	vst v9;
	v5 =	vadd.f32 v15, v5  }
0x41a: {  	v4 =	vadd.f32 v16, v4;
	[tilespmem:s8+$0x200] =	vst v7  }
0x41b: {  	[tilespmem:s8+$0x400] =	vst v5  }
0x41c: {  	[tilespmem:s8+$0x300] =	vst v3  }
0x41d: {  	s17 =	sor.u32 $0x380, s14;
	[tilespmem:s8+$0x100] =	vst v4  }
0x41e: {  	v3 =	vld [tilespmem:s17+$0x100]  }
0x41f: {  	v4 =	vld [tilespmem:s17+$0x4100];
	_ =	sdelay $0x4  }
0x420: {  	v3 =	vadd.f32 v4, v3;
	_ =	sdelay $0x1  }
0x421: {  	s7 =	sand.u32 $0x70, s7;
	s21 =	sand.u32 $0x1C00, s13;
	[tilespmem:s17+$0x100] =	vst v3  }
0x422: {  	s7 =	sor.u32 s7, s21;
	v3 =	vld [tilespmem:s8+$0x2100]  }
0x423: {  	v4 =	vld [tilespmem:s8+$0x6100]  }
0x424: {  	v5 =	vld [tilespmem:s8+$0x2180]  }
0x425: {  	v6 =	vld [tilespmem:s8+$0x6180]  }
0x426: {  	v7 =	vld [tilespmem:s8+$0x6400]  }
0x427: {  	v8 =	vld [tilespmem:s8+$0x2400]  }
0x428: {  	v3 =	vadd.f32 v4, v3;
	v4 =	vld [tilespmem:s8+$0x6380]  }
0x429: {  	v9 =	vld [tilespmem:s8+$0x6280]  }
0x42a: {  	[tilespmem:s8+$0x2100] =	vst v3;
	v3 =	vadd.f32 v6, v5;
	v5 =	vld [tilespmem:s8+$0x6300]  }
0x42b: {  	v6 =	vld [tilespmem:s8+$0x2380]  }
0x42c: {  	[tilespmem:s8+$0x2180] =	vst v3;
	v10 =	vld [tilespmem:s8+$0x2300];
	v3 =	vadd.f32 v7, v8  }
0x42d: {  	v7 =	vld [tilespmem:s8+$0x2280]  }
0x42e: {  	v8 =	vld [tilespmem:s8+$0x6200];
	[tilespmem:s8+$0x2400] =	vst v3  }
0x42f: {  	v11 =	vld [tilespmem:s8+$0x2200]  }
0x430: {  	v3 =	vld [tilespmem:s7+$0x280];
	v4 =	vadd.f32 v4, v6  }
0x431: {  	v5 =	vadd.f32 v5, v10  }
0x432: {  	v6 =	vadd.f32 v9, v7;
	[tilespmem:s8+$0x2380] =	vst v4  }
0x433: {  	[tilespmem:s8+$0x2300] =	vst v5  }
0x434: {  	v4 =	vadd.f32 v8, v11  }
0x435: {  	[tilespmem:s8+$0x2280] =	vst v6  }
0x436: {  	s17 =	sor.u32 $0x2380, s14;
	s14 =	smov.u32 s16;
	[tilespmem:s8+$0x2200] =	vst v4;
	s8 =	smov.u32 s7  }
0x437: {  	v8 =	vld [tilespmem:s17+$0x100]  }
0x438: {  	v9 =	vld [tilespmem:s17+$0x4100];
	_ =	sdelay $0x1  }
0x439: {  	v4 =	vld [tilespmem:s8+$0x100]  }
0x43a: {  	v5 =	vld [tilespmem:s8+$0x400]  }
0x43b: {  	v6 =	vld [tilespmem:s8+$0x300]  }
.Ltmp6:
0x43c: {  	v7 =	vld [tilespmem:s8+$0x200];
	v10 =	vadd.f32 v9, v8;
	(pc) =	sbr.rel @p0 .LBB2_14-.Ltmp6, $4  }
0x43d: {  	v8 =	vld [tilespmem:s8+$0x380]  }
0x43e: {  	v9 =	vld [tilespmem:s8+$0x180];
	[tilespmem:s17+$0x100] =	vst v10  }
0x43f: {  	v10 =	vld [tilespmem:s8+$0x4180]  }
0x440: {  	v11 =	vld [tilespmem:s8+$0x4380]  }
0x441: {  	v12 =	vld [tilespmem:s8+$0x4280]  }
0x442: {  	v13 =	vld [tilespmem:s8+$0x4200]  }
0x443: {  	v14 =	vld [tilespmem:s8+$0x4400]  }
0x444: {  	v15 =	vld [tilespmem:s8+$0x4300];
	v9 =	vadd.f32 v10, v9  }
0x445: {  	v8 =	vadd.f32 v11, v8;
	v11 =	vld [tilespmem:s8+$0x4100]  }
0x446: {  	v3 =	vadd.f32 v12, v3;
	[tilespmem:s8+$0x180] =	vst v9  }
0x447: {  	v7 =	vadd.f32 v13, v7;
	[tilespmem:s8+$0x380] =	vst v8  }
0x448: {  	[tilespmem:s8+$0x280] =	vst v3;
	v3 =	vadd.f32 v14, v5  }
0x449: {  	v5 =	vadd.f32 v15, v6;
	[tilespmem:s8+$0x200] =	vst v7  }
0x44a: {  	v4 =	vadd.f32 v11, v4;
	[tilespmem:s8+$0x400] =	vst v3  }
0x44b: {  	[tilespmem:s8+$0x300] =	vst v5  }
0x44c: {  	s7 =	sor.u32 $0x380, s14;
	[tilespmem:s8+$0x100] =	vst v4  }
0x44d: {  	v3 =	vld [tilespmem:s7+$0x100]  }
0x44e: {  	v4 =	vld [tilespmem:s7+$0x4100];
	_ =	sdelay $0x4  }
0x44f: {  	v3 =	vadd.f32 v4, v3;
	_ =	sdelay $0x1  }
0x450: {  	[tilespmem:s7+$0x100] =	vst v3  }
0x451: {  	v3 =	vld [tilespmem:s8+$0x2100]  }
0x452: {  	v4 =	vld [tilespmem:s8+$0x6100]  }
0x453: {  	v5 =	vld [tilespmem:s8+$0x2180]  }
0x454: {  	v6 =	vld [tilespmem:s8+$0x6180]  }
0x455: {  	v7 =	vld [tilespmem:s8+$0x6400]  }
0x456: {  	v8 =	vld [tilespmem:s8+$0x6280]  }
0x457: {  	v9 =	vld [tilespmem:s8+$0x2400]  }
0x458: {  	v10 =	vld [tilespmem:s8+$0x2300]  }
0x459: {  	v11 =	vld [tilespmem:s8+$0x6200]  }
0x45a: {  	v3 =	vadd.f32 v4, v3;
	v4 =	vld [tilespmem:s8+$0x6380]  }
0x45b: {  	v5 =	vadd.f32 v6, v5;
	v6 =	vld [tilespmem:s8+$0x2380]  }
0x45c: {  	[tilespmem:s8+$0x2100] =	vst v3;
	v3 =	vld [tilespmem:s8+$0x6300]  }
0x45d: {  	[tilespmem:s8+$0x2180] =	vst v5;
	v5 =	vld [tilespmem:s8+$0x2280]  }
0x45e: {  	v63 =	vld [tilespmem:s8+$0x2200]  }
0x45f: {  	v7 =	vadd.f32 v7, v9  }
0x460: {  	v4 =	vadd.f32 v4, v6  }
0x461: {  	[tilespmem:s8+$0x2400] =	vst v7;
	v3 =	vadd.f32 v3, v10  }
0x462: {  	v5 =	vadd.f32 v8, v5;
	[tilespmem:s8+$0x2380] =	vst v4  }
0x463: {  	[tilespmem:s8+$0x2300] =	vst v3;
	v3 =	vadd.f32 v11, v63  }
0x464: {  	[tilespmem:s8+$0x2280] =	vst v5  }
0x465: {  	s15 =	sor.u32 $0x2380, s14;
	[tilespmem:s8+$0x2200] =	vst v3  }
0x466: {  	v3 =	vld [tilespmem:s15+$0x100]  }
0x467: {  	v4 =	vld [tilespmem:s15+$0x4100];
	_ =	sdelay $0x4  }
0x468: {  	v3 =	vadd.f32 v4, v3;
	_ =	sdelay $0x1  }
0x469: {  	s14 =	simm.s32 $0x0;
	s16 =	rddreg [dreg:$0xb];
	[tilespmem:s15+$0x100] =	vst v3  }
0x46a: {  	[hbm4b:s16+s14] =	stream.linear.scatter [tilespmem:s20], [sflag:$0x5], $0x4000, $0x38;
	[tilespmem:$0x10100] =	vst v63  }
0x46b: {  	_ =	swait.ge [sflag:s31], $0x4000  }
0x46c: {  	[sflag:s31] =	ssyncset.done $0x0  }
0x46d: {  	[sflag:s31] =	ssyncadd.s32 $0xFFFFC000  }
0x46e: {  	_ =	swait.ge [sflag:s0], $0x4000  }
0x46f: {  	s17 =	sand.u32 $0x70, s14;
	s21 =	sand.u32 $0x1C00, s14;
	[sflag:s0] =	ssyncset.done $0x0  }
0x470: {  	s8 =	sor.u32 s17, s21;
	[sflag:s0] =	ssyncadd.s32 $0xFFFFC000  }
0x471: {  	v3 =	vld [tilespmem:s8+$0x8280]  }
0x472: {  	v4 =	vld [tilespmem:s8+$0x8100]  }
0x473: {  	v5 =	vld [tilespmem:s8+$0x8400]  }
0x474: {  	v6 =	vld [tilespmem:s8+$0x8300]  }
0x475: {  	v7 =	vld [tilespmem:s8+$0x8200]  }
0x476: {  	v8 =	vld [tilespmem:s8+$0x8380]  }
0x477: {  	v9 =	vld [tilespmem:s8+$0x8180]  }
0x478: {  	v10 =	vld [tilespmem:s8+$0xC180]  }
0x479: {  	s13 =	sor.u32 s14, s14;
	s15 =	simm.s32 $0x10;
	v11 =	vld [tilespmem:s8+$0xC380]  }
.LBB2_16:
0x47a: {  	p0 =	sne.s32 s15, $0x3F0  }
0x47b: {  	v12 =	vld [tilespmem:s8+$0xC280];
	s14 =	sadd.s32 $0x80, s14;
	s7 =	smov.u32 s15;
	s15 =	sadd.s32 $0x10, s15  }
0x47c: {  	s16 =	sor.u32 s7, s14;
	v13 =	vld [tilespmem:s8+$0xC200]  }
0x47d: {  	v14 =	vld [tilespmem:s8+$0xC300]  }
0x47e: {  	v15 =	vld [tilespmem:s8+$0xC400]  }
0x47f: {  	v9 =	vadd.f32 v10, v9;
	v16 =	vld [tilespmem:s8+$0xC100];
	v8 =	vadd.f32 v11, v8  }
0x480: {  	v3 =	vadd.f32 v12, v3  }
0x481: {  	v7 =	vadd.f32 v13, v7;
	[tilespmem:s8+$0x8380] =	vst v8  }
0x482: {  	[tilespmem:s8+$0x8280] =	vst v3;
	v3 =	vadd.f32 v14, v6  }
0x483: {  	[tilespmem:s8+$0x8180] =	vst v9;
	v5 =	vadd.f32 v15, v5  }
0x484: {  	v4 =	vadd.f32 v16, v4;
	[tilespmem:s8+$0x8200] =	vst v7  }
0x485: {  	[tilespmem:s8+$0x8400] =	vst v5  }
0x486: {  	[tilespmem:s8+$0x8300] =	vst v3  }
0x487: {  	s17 =	sor.u32 $0x380, s13;
	[tilespmem:s8+$0x8100] =	vst v4  }
0x488: {  	v3 =	vld [tilespmem:s17+$0x8100]  }
0x489: {  	v4 =	vld [tilespmem:s17+$0xC100];
	_ =	sdelay $0x4  }
0x48a: {  	v3 =	vadd.f32 v4, v3;
	_ =	sdelay $0x1  }
0x48b: {  	s7 =	sand.u32 $0x70, s7;
	s21 =	sand.u32 $0x1C00, s14;
	[tilespmem:s17+$0x8100] =	vst v3  }
0x48c: {  	s7 =	sor.u32 s7, s21;
	v3 =	vld [tilespmem:s8+$0xA100]  }
0x48d: {  	v4 =	vld [tilespmem:s8+$0xE100]  }
0x48e: {  	v5 =	vld [tilespmem:s8+$0xA180]  }
0x48f: {  	v6 =	vld [tilespmem:s8+$0xE180]  }
0x490: {  	v7 =	vld [tilespmem:s8+$0xE400]  }
0x491: {  	v8 =	vld [tilespmem:s8+$0xA400]  }
0x492: {  	v3 =	vadd.f32 v4, v3;
	v4 =	vld [tilespmem:s8+$0xE380]  }
0x493: {  	v9 =	vld [tilespmem:s8+$0xE280]  }
0x494: {  	[tilespmem:s8+$0xA100] =	vst v3;
	v3 =	vadd.f32 v6, v5;
	v5 =	vld [tilespmem:s8+$0xE300]  }
0x495: {  	v6 =	vld [tilespmem:s8+$0xA380]  }
0x496: {  	[tilespmem:s8+$0xA180] =	vst v3;
	v10 =	vld [tilespmem:s8+$0xA300];
	v3 =	vadd.f32 v7, v8  }
0x497: {  	v7 =	vld [tilespmem:s8+$0xA280]  }
0x498: {  	v8 =	vld [tilespmem:s8+$0xE200];
	[tilespmem:s8+$0xA400] =	vst v3  }
0x499: {  	v11 =	vld [tilespmem:s8+$0xA200]  }
0x49a: {  	v3 =	vld [tilespmem:s7+$0x8280];
	v4 =	vadd.f32 v4, v6  }
0x49b: {  	v5 =	vadd.f32 v5, v10  }
0x49c: {  	v6 =	vadd.f32 v9, v7;
	[tilespmem:s8+$0xA380] =	vst v4  }
0x49d: {  	[tilespmem:s8+$0xA300] =	vst v5  }
0x49e: {  	v4 =	vadd.f32 v8, v11  }
0x49f: {  	[tilespmem:s8+$0xA280] =	vst v6  }
0x4a0: {  	s17 =	sor.u32 $0x2380, s13;
	s13 =	smov.u32 s16;
	[tilespmem:s8+$0xA200] =	vst v4;
	s8 =	smov.u32 s7  }
0x4a1: {  	v8 =	vld [tilespmem:s17+$0x8100]  }
0x4a2: {  	v9 =	vld [tilespmem:s17+$0xC100];
	_ =	sdelay $0x1  }
0x4a3: {  	v4 =	vld [tilespmem:s8+$0x8100]  }
0x4a4: {  	v5 =	vld [tilespmem:s8+$0x8400]  }
0x4a5: {  	v6 =	vld [tilespmem:s8+$0x8300]  }
.Ltmp7:
0x4a6: {  	v7 =	vld [tilespmem:s8+$0x8200];
	v10 =	vadd.f32 v9, v8;
	(pc) =	sbr.rel @p0 .LBB2_16-.Ltmp7, $4  }
0x4a7: {  	v8 =	vld [tilespmem:s8+$0x8380]  }
0x4a8: {  	v9 =	vld [tilespmem:s8+$0x8180];
	[tilespmem:s17+$0x8100] =	vst v10  }
0x4a9: {  	v10 =	vld [tilespmem:s8+$0xC180]  }
0x4aa: {  	v11 =	vld [tilespmem:s8+$0xC380]  }
0x4ab: {  	v12 =	vld [tilespmem:s8+$0xC280]  }
0x4ac: {  	v13 =	vld [tilespmem:s8+$0xC200]  }
0x4ad: {  	v15 =	vld [tilespmem:s8+$0xC300]  }
0x4ae: {  	v50 =	vld [tilespmem:s8+$0xC100];
	v9 =	vadd.f32 v10, v9  }
0x4af: {  	v14 =	vld [tilespmem:s8+$0xC400];
	v8 =	vadd.f32 v11, v8  }
0x4b0: {  	v3 =	vadd.f32 v12, v3;
	[tilespmem:s8+$0x8180] =	vst v9  }
0x4b1: {  	v7 =	vadd.f32 v13, v7;
	[tilespmem:s8+$0x8380] =	vst v8  }
0x4b2: {  	v51 =	vadd.f32 v15, v6;
	[tilespmem:s8+$0x8280] =	vst v3  }
0x4b3: {  	v4 =	vadd.f32 v50, v4;
	[tilespmem:s8+$0x8200] =	vst v7  }
0x4b4: {  	v3 =	vadd.f32 v14, v5;
	[tilespmem:s8+$0x8300] =	vst v51  }
0x4b5: {  	[tilespmem:s8+$0x8100] =	vst v4  }
0x4b6: {  	s7 =	sor.u32 $0x380, s13;
	[tilespmem:s8+$0x8400] =	vst v3  }
0x4b7: {  	v3 =	vld [tilespmem:s7+$0x8100]  }
0x4b8: {  	v4 =	vld [tilespmem:s7+$0xC100];
	_ =	sdelay $0x4  }
0x4b9: {  	v3 =	vadd.f32 v4, v3;
	_ =	sdelay $0x1  }
0x4ba: {  	[tilespmem:s7+$0x8100] =	vst v3  }
0x4bb: {  	v3 =	vld [tilespmem:s8+$0xA100]  }
0x4bc: {  	v52 =	vld [tilespmem:s8+$0xE100]  }
0x4bd: {  	v53 =	vld [tilespmem:s8+$0xA180]  }
0x4be: {  	v54 =	vld [tilespmem:s8+$0xE180]  }
0x4bf: {  	v55 =	vld [tilespmem:s8+$0xE400]  }
0x4c0: {  	v56 =	vld [tilespmem:s8+$0xE380]  }
0x4c1: {  	v57 =	vld [tilespmem:s8+$0xE280]  }
0x4c2: {  	v58 =	vld [tilespmem:s8+$0xA400]  }
0x4c3: {  	v59 =	vld [tilespmem:s8+$0xA380]  }
0x4c4: {  	v60 =	vld [tilespmem:s8+$0xA300];
	v3 =	vadd.f32 v52, v3  }
0x4c5: {  	v61 =	vld [tilespmem:s8+$0xA280]  }
0x4c6: {  	[tilespmem:s8+$0xA100] =	vst v3;
	v3 =	vld [tilespmem:s8+$0xE300]  }
0x4c7: {  	v62 =	vld [tilespmem:s8+$0xE200]  }
0x4c8: {  	v63 =	vld [tilespmem:s8+$0xA200];
	v5 =	vadd.f32 v54, v53  }
0x4c9: {  	v7 =	vadd.f32 v55, v58  }
0x4ca: {  	v4 =	vadd.f32 v56, v59;
	[tilespmem:s8+$0xA180] =	vst v5  }
0x4cb: {  	[tilespmem:s8+$0xA400] =	vst v7;
	v3 =	vadd.f32 v3, v60  }
0x4cc: {  	v5 =	vadd.f32 v57, v61;
	[tilespmem:s8+$0xA380] =	vst v4  }
0x4cd: {  	[tilespmem:s8+$0xA300] =	vst v3;
	v3 =	vadd.f32 v62, v63  }
0x4ce: {  	[tilespmem:s8+$0xA280] =	vst v5  }
0x4cf: {  	s16 =	sor.u32 $0x2380, s13;
	[tilespmem:s8+$0xA200] =	vst v3  }
0x4d0: {  	v3 =	vld [tilespmem:s16+$0x8100]  }
0x4d1: {  	v4 =	vld [tilespmem:s16+$0xC100];
	_ =	sdelay $0x4  }
0x4d2: {  	v3 =	vadd.f32 v4, v3;
	_ =	sdelay $0x1  }
0x4d3: {  	s17 =	rddreg [dreg:$0xc];
	[tilespmem:s16+$0x8100] =	vst v3  }
0x4d4: {  	[hbm4b:s17+s2] =	stream.linear.scatter [tilespmem:s12], [sflag:$0x6], $0x4000, $0x38;
	[tilespmem:$0x10100] =	vst v63  }
0x4d5: {  	_ =	swait.ge [sflag:s1], $0x4000  }
0x4d6: {  	[sflag:s1] =	ssyncset.done $0x0  }
0x4d7: {  	[sflag:s1] =	ssyncadd.s32 $0xFFFFC000  }
0x4d8: {  	_ =	swait.ge [sflag:s19], $0x4000  }
0x4d9: {  	s4 =	sadd.s32 $0x1, s4;
	s21 =	rddreg [dreg:$0xd]  }
0x4da: {  	p0 =	sne.s32 s4, s21  }
.Ltmp8:
0x4db: {  	_ = 	snop;
	(pc) =	sbr.rel @p0 .LBB2_1-.Ltmp8, $3  }
0x4dc: {  	_ =	sdelay $0x1  }
0x4dd: {  	[sflag:s19] =	ssyncset.done $0x0  }
0x4de: {  	[sflag:s19] =	ssyncadd.s32 $0xFFFFC000  }
0x4df: {  	_ =	sfence.sel $0x180000  }
0x4e0: {  	[bflag:$0x0] =	sbarrier.arrive $0xFFFF  }
0x4e1: {  	_ =	strace $0x9000004A  }
0x4e2: {  	s0 =	stileid.u32;
	[bflag:$0x2] =	sbarrier.arrive $0xFFFF  }
0x4e3: {  	p0 =	sne.s32 s0, $0x0;
	s0 =	rddreg [dreg:$0x2]  }
0x4e4: {  	s0 =	sadd.s32 @!p0 $0x100000, s0  }
0x4e5: {  	[sflag:s0] =	ssyncadd.tile.s32 @!p0 $0x1;
	_ =	shalt  }
.Lfunc_end2:
_tile_overlayer_lowered:
.L_overlay_start_2:
0x4e6: {  	(tag) =	ssettag $0x2  }
0x4e7: {  	s0 =	rddreg [dreg:$0x0];
	s2 =	stileid.u32  }
0x4e8: {  	s1 =	rddreg [dreg:$0x1];
	p0 =	sne.s32 s2, $0x0  }
0x4e9: {  	s3 =	rddreg [dreg:$0x2];
	[bflag:$0x3] =	sbarrier.arrive $0xFFFF;
	s2 =	simm.s32 @!p0 $0x1C07  }
0x4ea: {  	[timem:s3], [sflag:s2] =	dma.local @!p0 [hbm:s0], s1  }
0x4eb: {  	s0 =	simm.s32 @!p0 $0x7  }
0x4ec: {  	_ =	swait.ge @!p0 [sflag:s0], s1  }
0x4ed: {  	s1 =	ssub.s32 @!p0 $0x0, s1;
	[sflag:s0] =	ssyncset.done @!p0 $0x0  }
0x4ee: {  	[sflag:s0] =	ssyncadd.s32 @!p0 s1  }
0x4ef: {  	[bflag:$0x3] =	sbarrier.arrive $0xFFFF  }
0x4f0: {  	_ =	shalt  }

</sc_bundles>
